<compile_context>
chip_gen: v7x
topology: tpu7x:2x2x1
jax: 0.10.2.dev20260603
libtpu: 0.0.44.dev20260713+nightly
codegen_flags: <defaults>
</compile_context>

<pallas_src>
import jax
import jax.numpy as jnp
from jax import lax
from jax.experimental import pallas as pl
from jax.experimental.pallas import tpu as pltpu
from jax.experimental.pallas import tpu_sc as plsc

_N = 10000
_D = 128
_E = 320000
_NC = 2
_NS = 16
_W = 125
_WPW = _E // (_NC * _NS * _W)
_MB = 8
_NMB = _WPW // _MB
_NP = 10240
_RPS = _NP // _NS
_ZCH = 80
_CW = 128


def _zero_rows(buf, nrows, ncols):
    zero16 = jnp.zeros((16,), jnp.float32)

    @pl.loop(0, nrows)
    def _(r):
        @pl.loop(0, ncols, step=16)
        def _(j):
            buf[r, pl.ds(j, 16)] = zero16


def _sc_aggregate(feats, src2d, dst2d):
    mesh = plsc.VectorSubcoreMesh(core_axis_name="c", subcore_axis_name="s",
                                  num_cores=_NC, num_subcores=_NS)
    out_type = jax.ShapeDtypeStruct((_NC, _NP, _D), jnp.float32)
    scratch = [
        pltpu.VMEM_SHARED((_NP, _D), jnp.float32),
        pltpu.VMEM((2, _MB, _W), jnp.int32),
        pltpu.VMEM((2, _MB, _W), jnp.int32),
        pltpu.VMEM((_W, _D), jnp.float32),
        pltpu.VMEM((_W, _D), jnp.float32),
        pltpu.SemaphoreType.DMA,
        pltpu.SemaphoreType.DMA,
        pltpu.SemaphoreType.DMA,
        pltpu.SemaphoreType.DMA,
    ]

    def body(feats_hbm, src_hbm, dst_hbm, acc_out, acc_sh,
             sbuf, dbuf, rows0, rows1, sem_g0, sem_g1, sem_i0, sem_i1):
        c = lax.axis_index("c")
        s = lax.axis_index("s")
        base = (c * _NS + s) * _WPW

        _zero_rows(rows0, _W, _D)

        @pl.loop(0, _RPS // _ZCH)
        def _(k):
            pltpu.sync_copy(rows0.at[pl.ds(0, _ZCH)],
                            acc_sh.at[pl.ds(s * _RPS + k * _ZCH, _ZCH)])

        plsc.subcore_barrier()

        rows = (rows0, rows1)
        gsem = (sem_g0, sem_g1)

        def load_idx(mb, slot, sem):
            pltpu.async_copy(src_hbm.at[pl.ds(base + mb * _MB, _MB)],
                             sbuf.at[slot], sem)
            pltpu.async_copy(dst_hbm.at[pl.ds(base + mb * _MB, _MB)],
                             dbuf.at[slot], sem)

        def wait_idx(slot, sem):
            pltpu.make_async_copy(src_hbm.at[pl.ds(0, _MB)],
                                  sbuf.at[slot], sem).wait()
            pltpu.make_async_copy(dst_hbm.at[pl.ds(0, _MB)],
                                  dbuf.at[slot], sem).wait()

        def gather(slot, j, r):
            return pltpu.async_copy(feats_hbm.at[sbuf.at[slot, j]],
                                    rows[r], gsem[r])

        def wait_gather(r):
            pltpu.make_async_copy(feats_hbm.at[sbuf.at[0, 0]],
                                  rows[r], gsem[r]).wait()

        def scatter(slot, j, r):
            pltpu.sync_copy(rows[r], acc_sh.at[dbuf.at[slot, j]], add=True)

        load_idx(0, 0, sem_i0)
        wait_idx(0, sem_i0)
        gather(0, 0, 0)
        load_idx(1, 1, sem_i1)

        @pl.loop(0, _NMB, step=2)
        def _(mb):
            for j in range(_MB):
                r = j % 2
                if j < _MB - 1:
                    gather(0, j + 1, 1 - r)
                else:
                    wait_idx(1, sem_i1)
                    gather(1, 0, 1 - r)
                wait_gather(r)
                scatter(0, j, r)

            @pl.when(mb + 2 < _NMB)
            def _():
                load_idx(mb + 2, 0, sem_i0)

            for j in range(_MB):
                r = j % 2
                if j < _MB - 1:
                    gather(1, j + 1, 1 - r)
                else:
                    @pl.when(mb + 2 < _NMB)
                    def _():
                        wait_idx(0, sem_i0)
                        gather(0, 0, 1 - r)
                wait_gather(r)
                scatter(1, j, r)

            @pl.when(mb + 3 < _NMB)
            def _():
                load_idx(mb + 3, 1, sem_i1)

        plsc.subcore_barrier()

        pltpu.sync_copy(acc_sh.at[pl.ds(s * _RPS, _RPS)],
                        acc_out.at[c, pl.ds(s * _RPS, _RPS)])

    f = pl.kernel(body, out_type=out_type, mesh=mesh, scratch_types=scratch)
    return f(feats, src2d, dst2d)


def _sc_counts(dst2d, ones_hbm, zeros_hbm):
    mesh = plsc.VectorSubcoreMesh(core_axis_name="c", subcore_axis_name="s",
                                  num_cores=_NC, num_subcores=_NS)
    out_type = jax.ShapeDtypeStruct((_NC, _NP, _CW), jnp.float32)
    scratch = [
        pltpu.VMEM_SHARED((_NP, _CW), jnp.float32),
        pltpu.VMEM((2, _MB, _W), jnp.int32),
        pltpu.VMEM((_W, _CW), jnp.float32),
        pltpu.SemaphoreType.DMA,
        pltpu.SemaphoreType.DMA,
    ]

    def body(dst_hbm, ones_hbm_ref, zeros_hbm_ref, cnt_out, cnt_sh, dbuf,
             ones_v, sem_i0, sem_i1):
        c = lax.axis_index("c")
        s = lax.axis_index("s")
        base = (c * _NS + s) * _WPW

        pltpu.sync_copy(ones_hbm_ref, ones_v)
        pltpu.sync_copy(zeros_hbm_ref, cnt_sh.at[pl.ds(s * _RPS, _RPS)])

        plsc.subcore_barrier()

        def load_idx(mb, slot, sem):
            pltpu.async_copy(dst_hbm.at[pl.ds(base + mb * _MB, _MB)],
                             dbuf.at[slot], sem)

        def wait_idx(slot, sem):
            pltpu.make_async_copy(dst_hbm.at[pl.ds(0, _MB)],
                                  dbuf.at[slot], sem).wait()

        load_idx(0, 0, sem_i0)
        wait_idx(0, sem_i0)
        load_idx(1, 1, sem_i1)

        @pl.loop(0, _NMB, step=2)
        def _(mb):
            for j in range(_MB):
                pltpu.sync_copy(ones_v, cnt_sh.at[dbuf.at[0, j]], add=True)

            @pl.when(mb + 2 < _NMB)
            def _():
                load_idx(mb + 2, 0, sem_i0)

            wait_idx(1, sem_i1)
            for j in range(_MB):
                pltpu.sync_copy(ones_v, cnt_sh.at[dbuf.at[1, j]], add=True)

            @pl.when(mb + 3 < _NMB)
            def _():
                load_idx(mb + 3, 1, sem_i1)

            @pl.when(mb + 2 < _NMB)
            def _():
                wait_idx(0, sem_i0)

        plsc.subcore_barrier()

        pltpu.sync_copy(cnt_sh.at[pl.ds(s * _RPS, _RPS)],
                        cnt_out.at[c, pl.ds(s * _RPS, _RPS)])

    f = pl.kernel(body, out_type=out_type, mesh=mesh, scratch_types=scratch)
    return f(dst2d, ones_hbm, zeros_hbm)


def _tc_layer(acc, cnt, feats, w_l, w_r, b, do_relu):
    def body(acc_ref, cnt_ref, x_ref, wl_ref, wr_ref, b_ref, o_ref):
        total = acc_ref[0][: _N] + acc_ref[1][: _N]
        cnt = cnt_ref[0][: _N, 0:1] + cnt_ref[1][: _N, 0:1]
        mean = total / jnp.maximum(cnt, 1.0)
        y = (jnp.dot(mean, wl_ref[...], preferred_element_type=jnp.float32)
             + b_ref[...]
             + jnp.dot(x_ref[...], wr_ref[...],
                       preferred_element_type=jnp.float32))
        if do_relu:
            y = jnp.maximum(y, 0.0)
        o_ref[...] = y

    return pl.pallas_call(
        body,
        out_shape=jax.ShapeDtypeStruct((_N, _D), jnp.float32),
    )(acc, cnt, feats, w_l, w_r, b)


def kernel(x, edge_index, W1_l, W1_r, b1, W2_l, W2_r, b2):
    ei = edge_index.astype(jnp.int32)
    src2d = ei[0].reshape(_E // _W, _W)
    dst2d = ei[1].reshape(_E // _W, _W)
    cnt = _sc_counts(dst2d, jnp.ones((_W, _CW), jnp.float32),
                     jnp.zeros((_RPS, _CW), jnp.float32))
    acc1 = _sc_aggregate(x, src2d, dst2d)
    h = _tc_layer(acc1, cnt, x, W1_l, W1_r, b1.reshape(1, _D), True)
    acc2 = _sc_aggregate(h, src2d, dst2d)
    out = _tc_layer(acc2, cnt, h, W2_l, W2_r, b2.reshape(1, _D), False)
    return out

# --- scband reference (transcript-rebuilt; emitter-appended) ---
"""Pipeline reference for scband-graph-sage-net-72060961292398 (READ-ONLY COPY).

The authoritative reference and input builder live on the scoring server;
editing this copy changes nothing except your own understanding.
"""

import jax, jax.numpy as jnp
import numpy as np

N_NODES = 10000
N_EDGES = 320000
D_IN = 128
D_HID = 128
D_OUT = 128


def setup_inputs(seed: int = 0) -> dict:
    key = jax.random.key(seed)
    k = jax.random.split(key, 9)
    x = jax.random.normal(k[0], (N_NODES, D_IN), dtype=jnp.float32)
    edge_index = jax.random.randint(k[1], (2, N_EDGES), 0, N_NODES, dtype=jnp.int64)
    # SAGEConv layer 1: lin_l (on aggregated neighbors, has bias), lin_r (on root, no bias)
    s1 = 1.0 / np.sqrt(D_IN)
    W1_l = jax.random.uniform(k[2], (D_IN, D_HID), minval=-s1, maxval=s1, dtype=jnp.float32)
    W1_r = jax.random.uniform(k[3], (D_IN, D_HID), minval=-s1, maxval=s1, dtype=jnp.float32)
    b1 = jax.random.uniform(k[4], (D_HID,), minval=-s1, maxval=s1, dtype=jnp.float32)
    s2 = 1.0 / np.sqrt(D_HID)
    W2_l = jax.random.uniform(k[5], (D_HID, D_OUT), minval=-s2, maxval=s2, dtype=jnp.float32)
    W2_r = jax.random.uniform(k[6], (D_HID, D_OUT), minval=-s2, maxval=s2, dtype=jnp.float32)
    b2 = jax.random.uniform(k[7], (D_OUT,), minval=-s2, maxval=s2, dtype=jnp.float32)
    return {"x": x, "edge_index": edge_index, "W1_l": W1_l, "W1_r": W1_r, "b1": b1,
            "W2_l": W2_l, "W2_r": W2_r, "b2": b2}


def _sage_conv(x, edge_index, W_l, W_r, b):
    # PyG SAGEConv default: mean-aggregate neighbor features, then
    # out = lin_l(agg) + lin_r(x_root); bias lives in lin_l.
    src = edge_index[0]
    dst = edge_index[1]
    msg = jnp.take(x, src, axis=0)                       # gather  [E, d]
    summed = jax.ops.segment_sum(msg, dst, num_segments=x.shape[0])   # scatter-add
    cnt = jax.ops.segment_sum(jnp.ones((msg.shape[0],), dtype=x.dtype), dst,
                              num_segments=x.shape[0])
    mean = summed / jnp.clip(cnt, 1.0)[:, None]
    return mean @ W_l + b + x @ W_r


def reference(x, edge_index, W1_l, W1_r, b1, W2_l, W2_r, b2):
    h = _sage_conv(x, edge_index, W1_l, W1_r, b1)
    h = jax.nn.relu(h)
    # F.dropout with training=self.training; module evaluated in eval mode -> identity
    out = _sage_conv(h, edge_index, W2_l, W2_r, b2)
    return out

if __name__ == "__main__":
    import jax
    _d = setup_inputs()
    print(jax.jit(kernel)(*tuple(_d.values())))

</pallas_src>

<mosaic_0001>
#map = affine_map<(d0, d1) -> (0, 0)>
#map1 = affine_map<(d0, d1) -> (0, 0, 0)>
module attributes {stable_mosaic.version = 14 : i64} {
  func.func @body(%arg0: i32, %arg1: i32, %arg2: memref<10000x128xf32, #tpu.memory_space<hbm>>, %arg3: memref<2560x125xi32, #tpu.memory_space<hbm>>, %arg4: memref<2560x125xi32, #tpu.memory_space<hbm>>, %arg5: memref<2x10240x128xf32, #tpu.memory_space<hbm>>, %arg6: memref<10240x128xf32, #tpu.memory_space<vmem_shared>>, %arg7: memref<2x8x125xi32, #tpu.memory_space<vmem>>, %arg8: memref<2x8x125xi32, #tpu.memory_space<vmem>>, %arg9: memref<125x128xf32, #tpu.memory_space<vmem>>, %arg10: memref<125x128xf32, #tpu.memory_space<vmem>>, %arg11: memref<!tpu.dma_semaphore, #tpu.memory_space<semaphore_mem>>, %arg12: memref<!tpu.dma_semaphore, #tpu.memory_space<semaphore_mem>>, %arg13: memref<!tpu.dma_semaphore, #tpu.memory_space<semaphore_mem>>, %arg14: memref<!tpu.dma_semaphore, #tpu.memory_space<semaphore_mem>>) attributes {dimension_semantics = [#tpu.dimension_semantics<core_parallel>, #tpu.dimension_semantics<subcore_parallel>], iteration_bounds = array<i64: 2, 16>, scalar_prefetch = 0 : i64, scratch_operands = 9 : i64, tpu.core_type = #tpu.core_type<sc_vector_subcore>, window_params = [{transform_indices = #map}, {transform_indices = #map}, {transform_indices = #map}, {transform_indices = #map1}]} {
    %mul3A = arith.constant 16 : i32
    %mul3A_0 = arith.muli %arg0, %mul3A : i32
    %add3A = arith.addi %mul3A_0, %arg1 : i32
    %mul3A_1 = arith.constant 80 : i32
    %mul3A_2 = arith.muli %add3A, %mul3A_1 : i32
    %broadcast_in_dim3A = arith.constant 0.000000e+00 : f32
    %broadcast_in_dim3A_3 = vector.broadcast %broadcast_in_dim3A : f32 to vector<16xf32>
    %scan3A = arith.constant 0 : i32
    %scan3A_4 = arith.constant 125 : i32
    %scan3A_5 = arith.addi %scan3A, %scan3A_4 : i32
    %scan3A_6 = arith.constant 1 : i32
    scf.for %scan3A_119 = %scan3A to %scan3A_5 step %scan3A_6  : i32 {
      %mul3A_120 = arith.constant 1 : i32
      %mul3A_121 = arith.muli %scan3A_119, %mul3A_120 : i32
      %add3A_122 = arith.constant 0 : i32
      %add3A_123 = arith.addi %add3A_122, %mul3A_121 : i32
      %scan3A_124 = arith.constant 0 : i32
      %scan3A_125 = arith.constant 8 : i32
      %scan3A_126 = arith.addi %scan3A_124, %scan3A_125 : i32
      %scan3A_127 = arith.constant 1 : i32
      scf.for %scan3A_129 = %scan3A_124 to %scan3A_126 step %scan3A_127  : i32 {
        %mul3A_130 = arith.constant 16 : i32
        %mul3A_131 = arith.muli %scan3A_129, %mul3A_130 : i32
        %add3A_132 = arith.constant 0 : i32
        %add3A_133 = arith.addi %add3A_132, %mul3A_131 : i32
        %swap3A = arith.index_cast %add3A_123 : i32 to index
        %swap3A_134 = arith.index_cast %add3A_133 : i32 to index
        %swap3A_135 = tpu.vector_load %arg9[%swap3A, %swap3A_134] {strides = array<i32>} : memref<125x128xf32, #tpu.memory_space<vmem>>, vector<1x16xf32>,
        %swap3A_136 = vector.shape_cast %swap3A_135 : vector<1x16xf32> to vector<16xf32>
        %swap3A_137 = vector.shape_cast %broadcast_in_dim3A_3 : vector<16xf32> to vector<1x16xf32>
        tpu.vector_store %arg9[%swap3A, %swap3A_134], %swap3A_137 {strides = array<i32>} : memref<125x128xf32, #tpu.memory_space<vmem>>, vector<1x16xf32>,
      }
      %scan3A_128 = arith.constant 8 : i32
    }
    %scan3A_7 = arith.constant 125 : i32
    %scan3A_8 = arith.constant 0 : i32
    %scan3A_9 = arith.constant 8 : i32
    %scan3A_10 = arith.addi %scan3A_8, %scan3A_9 : i32
    %scan3A_11 = arith.constant 1 : i32
    scf.for %scan3A_119 = %scan3A_8 to %scan3A_10 step %scan3A_11  : i32 {
      %mul3A_120 = arith.constant 1 : i32
      %mul3A_121 = arith.muli %scan3A_119, %mul3A_120 : i32
      %add3A_122 = arith.constant 0 : i32
      %add3A_123 = arith.addi %add3A_122, %mul3A_121 : i32
      %mul3A_124 = arith.constant 640 : i32
      %mul3A_125 = arith.muli %arg1, %mul3A_124 : i32
      %mul3A_126 = arith.constant 80 : i32
      %mul3A_127 = arith.muli %add3A_123, %mul3A_126 : i32
      %add3A_128 = arith.addi %mul3A_125, %mul3A_127 : i32
      "tpu.region"() ({
        %run_scoped3A = tpu.sem_alloc : memref<!tpu.dma_semaphore, #tpu.memory_space<semaphore_mem>>
        %dma_start3A_129 = arith.constant 0 : i32
        %dma_start3A_130 = arith.constant 0 : i32
        %dma_start3A_131 = tpu.memref_slice %arg9[%dma_start3A_129, %dma_start3A_130] : memref<125x128xf32, #tpu.memory_space<vmem>> -> memref<80x128xf32, #tpu.memory_space<vmem>>
        %dma_start3A_132 = arith.constant 0 : i32
        %dma_start3A_133 = tpu.memref_slice %arg6[%add3A_128, %dma_start3A_132] : memref<10240x128xf32, #tpu.memory_space<vmem_shared>> -> memref<80x128xf32, #tpu.memory_space<vmem_shared>>
        %dma_start3A_134 = arith.constant 0 : i32
        %dma_start3A_135 = tpu.memref_slice %arg6[%add3A_128, %dma_start3A_134] : memref<10240x128xf32, #tpu.memory_space<vmem_shared>> -> memref<80x128xf32, #tpu.memory_space<vmem_shared>>
        %dma_start3A_136 = arith.constant 0 : i32
        %dma_start3A_137 = arith.constant 0 : i32
        %dma_start3A_138 = tpu.memref_slice %arg9[%dma_start3A_136, %dma_start3A_137] : memref<125x128xf32, #tpu.memory_space<vmem>> -> memref<80x128xf32, #tpu.memory_space<vmem>>
        tpu.enqueue_dma source(%dma_start3A_138 : memref<80x128xf32, #tpu.memory_space<vmem>>) target(%dma_start3A_135 : memref<80x128xf32, #tpu.memory_space<vmem_shared>>) target_semaphore(%run_scoped3A : memref<!tpu.dma_semaphore, #tpu.memory_space<semaphore_mem>>)
        %dma_wait3A_139 = arith.constant 0 : i32
        %dma_wait3A_140 = arith.constant 0 : i32
        %dma_wait3A_141 = tpu.memref_slice %arg9[%dma_wait3A_139, %dma_wait3A_140] : memref<125x128xf32, #tpu.memory_space<vmem>> -> memref<80x128xf32, #tpu.memory_space<vmem>>
        %dma_wait3A_142 = arith.constant 0 : i32
        %dma_wait3A_143 = tpu.memref_slice %arg6[%add3A_128, %dma_wait3A_142] : memref<10240x128xf32, #tpu.memory_space<vmem_shared>> -> memref<80x128xf32, #tpu.memory_space<vmem_shared>>
        %dma_wait3A_144 = arith.constant 0 : i32
        %dma_wait3A_145 = tpu.memref_slice %arg6[%add3A_128, %dma_wait3A_144] : memref<10240x128xf32, #tpu.memory_space<vmem_shared>> -> memref<80x128xf32, #tpu.memory_space<vmem_shared>>
        %dma_wait3A_146 = arith.constant 0 : i32
        %dma_wait3A_147 = arith.constant 0 : i32
        %dma_wait3A_148 = tpu.memref_slice %arg9[%dma_wait3A_146, %dma_wait3A_147] : memref<125x128xf32, #tpu.memory_space<vmem>> -> memref<80x128xf32, #tpu.memory_space<vmem>>
        tpu.wait_dma2 semaphore(%run_scoped3A : memref<!tpu.dma_semaphore, #tpu.memory_space<semaphore_mem>>) src(%dma_wait3A_148 : memref<80x128xf32, #tpu.memory_space<vmem>>) dst(%dma_wait3A_145 : memref<80x128xf32, #tpu.memory_space<vmem_shared>>)
        tpu.yield
      }) : () -> ()
    }
    %scan3A_12 = arith.constant 8 : i32
    %barrier3A = arith.constant 0 : index
    tpu.barrier barrier_id(%barrier3A)
    %add3A_13 = arith.constant 0 : i32
    %add3A_14 = arith.addi %mul3A_2, %add3A_13 : i32
    %dma_start3A = arith.constant 0 : i32
    %dma_start3A_15 = arith.constant 0 : i32
    %dma_start3A_16 = arith.constant 0 : i32
    %dma_start3A_17 = tpu.memref_slice %arg7[%dma_start3A, %dma_start3A_15, %dma_start3A_16] : memref<2x8x125xi32, #tpu.memory_space<vmem>> -> memref<1x8x125xi32, #tpu.memory_space<vmem>>
    %dma_start3A_18 = tpu.memref_squeeze %dma_start3A_17 : memref<1x8x125xi32, #tpu.memory_space<vmem>> -> memref<8x125xi32, #tpu.memory_space<vmem>>
    %dma_start3A_19 = arith.constant 0 : i32
    %dma_start3A_20 = tpu.memref_slice %arg3[%add3A_14, %dma_start3A_19] : memref<2560x125xi32, #tpu.memory_space<hbm>> -> memref<8x125xi32, #tpu.memory_space<hbm>>
    %dma_start3A_21 = arith.constant 0 : i32
    %dma_start3A_22 = arith.constant 0 : i32
    %dma_start3A_23 = tpu.memref_slice %arg7[%dma_start3A, %dma_start3A_21, %dma_start3A_22] : memref<2x8x125xi32, #tpu.memory_space<vmem>> -> memref<1x8x125xi32, #tpu.memory_space<vmem>>
    %dma_start3A_24 = tpu.memref_squeeze %dma_start3A_23 : memref<1x8x125xi32, #tpu.memory_space<vmem>> -> memref<8x125xi32, #tpu.memory_space<vmem>>
    %dma_start3A_25 = arith.constant 0 : i32
    %dma_start3A_26 = tpu.memref_slice %arg3[%add3A_14, %dma_start3A_25] : memref<2560x125xi32, #tpu.memory_space<hbm>> -> memref<8x125xi32, #tpu.memory_space<hbm>>
    tpu.enqueue_dma source(%dma_start3A_26 : memref<8x125xi32, #tpu.memory_space<hbm>>) target(%dma_start3A_24 : memref<8x125xi32, #tpu.memory_space<vmem>>) target_semaphore(%arg13 : memref<!tpu.dma_semaphore, #tpu.memory_space<semaphore_mem>>)
    %add3A_27 = arith.constant 0 : i32
    %add3A_28 = arith.addi %mul3A_2, %add3A_27 : i32
    %dma_start3A_29 = arith.constant 0 : i32
    %dma_start3A_30 = arith.constant 0 : i32
    %dma_start3A_31 = arith.constant 0 : i32
    %dma_start3A_32 = tpu.memref_slice %arg8[%dma_start3A_29, %dma_start3A_30, %dma_start3A_31] : memref<2x8x125xi32, #tpu.memory_space<vmem>> -> memref<1x8x125xi32, #tpu.memory_space<vmem>>
    %dma_start3A_33 = tpu.memref_squeeze %dma_start3A_32 : memref<1x8x125xi32, #tpu.memory_space<vmem>> -> memref<8x125xi32, #tpu.memory_space<vmem>>
    %dma_start3A_34 = arith.constant 0 : i32
    %dma_start3A_35 = tpu.memref_slice %arg4[%add3A_28, %dma_start3A_34] : memref<2560x125xi32, #tpu.memory_space<hbm>> -> memref<8x125xi32, #tpu.memory_space<hbm>>
    %dma_start3A_36 = arith.constant 0 : i32
    %dma_start3A_37 = arith.constant 0 : i32
    %dma_start3A_38 = tpu.memref_slice %arg8[%dma_start3A_29, %dma_start3A_36, %dma_start3A_37] : memref<2x8x125xi32, #tpu.memory_space<vmem>> -> memref<1x8x125xi32, #tpu.memory_space<vmem>>
    %dma_start3A_39 = tpu.memref_squeeze %dma_start3A_38 : memref<1x8x125xi32, #tpu.memory_space<vmem>> -> memref<8x125xi32, #tpu.memory_space<vmem>>
    %dma_start3A_40 = arith.constant 0 : i32
    %dma_start3A_41 = tpu.memref_slice %arg4[%add3A_28, %dma_start3A_40] : memref<2560x125xi32, #tpu.memory_space<hbm>> -> memref<8x125xi32, #tpu.memory_space<hbm>>
    tpu.enqueue_dma source(%dma_start3A_41 : memref<8x125xi32, #tpu.memory_space<hbm>>) target(%dma_start3A_39 : memref<8x125xi32, #tpu.memory_space<vmem>>) target_semaphore(%arg13 : memref<!tpu.dma_semaphore, #tpu.memory_space<semaphore_mem>>)
    %dma_wait3A = arith.constant 0 : i32
    %dma_wait3A_42 = arith.constant 0 : i32
    %dma_wait3A_43 = arith.constant 0 : i32
    %dma_wait3A_44 = tpu.memref_slice %arg7[%dma_wait3A, %dma_wait3A_42, %dma_wait3A_43] : memref<2x8x125xi32, #tpu.memory_space<vmem>> -> memref<1x8x125xi32, #tpu.memory_space<vmem>>
    %dma_wait3A_45 = tpu.memref_squeeze %dma_wait3A_44 : memref<1x8x125xi32, #tpu.memory_space<vmem>> -> memref<8x125xi32, #tpu.memory_space<vmem>>
    %dma_wait3A_46 = arith.constant 0 : i32
    %dma_wait3A_47 = arith.constant 0 : i32
    %dma_wait3A_48 = tpu.memref_slice %arg3[%dma_wait3A_46, %dma_wait3A_47] : memref<2560x125xi32, #tpu.memory_space<hbm>> -> memref<8x125xi32, #tpu.memory_space<hbm>>
    %dma_wait3A_49 = arith.constant 0 : i32
    %dma_wait3A_50 = arith.constant 0 : i32
    %dma_wait3A_51 = tpu.memref_slice %arg7[%dma_wait3A, %dma_wait3A_49, %dma_wait3A_50] : memref<2x8x125xi32, #tpu.memory_space<vmem>> -> memref<1x8x125xi32, #tpu.memory_space<vmem>>
    %dma_wait3A_52 = tpu.memref_squeeze %dma_wait3A_51 : memref<1x8x125xi32, #tpu.memory_space<vmem>> -> memref<8x125xi32, #tpu.memory_space<vmem>>
    %dma_wait3A_53 = arith.constant 0 : i32
    %dma_wait3A_54 = arith.constant 0 : i32
    %dma_wait3A_55 = tpu.memref_slice %arg3[%dma_wait3A_53, %dma_wait3A_54] : memref<2560x125xi32, #tpu.memory_space<hbm>> -> memref<8x125xi32, #tpu.memory_space<hbm>>
    tpu.wait_dma2 semaphore(%arg13 : memref<!tpu.dma_semaphore, #tpu.memory_space<semaphore_mem>>) src(%dma_wait3A_55 : memref<8x125xi32, #tpu.memory_space<hbm>>) dst(%dma_wait3A_52 : memref<8x125xi32, #tpu.memory_space<vmem>>)
    %dma_wait3A_56 = arith.constant 0 : i32
    %dma_wait3A_57 = arith.constant 0 : i32
    %dma_wait3A_58 = arith.constant 0 : i32
    %dma_wait3A_59 = tpu.memref_slice %arg8[%dma_wait3A_56, %dma_wait3A_57, %dma_wait3A_58] : memref<2x8x125xi32, #tpu.memory_space<vmem>> -> memref<1x8x125xi32, #tpu.memory_space<vmem>>
    %dma_wait3A_60 = tpu.memref_squeeze %dma_wait3A_59 : memref<1x8x125xi32, #tpu.memory_space<vmem>> -> memref<8x125xi32, #tpu.memory_space<vmem>>
    %dma_wait3A_61 = arith.constant 0 : i32
    %dma_wait3A_62 = arith.constant 0 : i32
    %dma_wait3A_63 = tpu.memref_slice %arg4[%dma_wait3A_61, %dma_wait3A_62] : memref<2560x125xi32, #tpu.memory_space<hbm>> -> memref<8x125xi32, #tpu.memory_space<hbm>>
    %dma_wait3A_64 = arith.constant 0 : i32
    %dma_wait3A_65 = arith.constant 0 : i32
    %dma_wait3A_66 = tpu.memref_slice %arg8[%dma_wait3A_56, %dma_wait3A_64, %dma_wait3A_65] : memref<2x8x125xi32, #tpu.memory_space<vmem>> -> memref<1x8x125xi32, #tpu.memory_space<vmem>>
    %dma_wait3A_67 = tpu.memref_squeeze %dma_wait3A_66 : memref<1x8x125xi32, #tpu.memory_space<vmem>> -> memref<8x125xi32, #tpu.memory_space<vmem>>
    %dma_wait3A_68 = arith.constant 0 : i32
    %dma_wait3A_69 = arith.constant 0 : i32
    %dma_wait3A_70 = tpu.memref_slice %arg4[%dma_wait3A_68, %dma_wait3A_69] : memref<2560x125xi32, #tpu.memory_space<hbm>> -> memref<8x125xi32, #tpu.memory_space<hbm>>
    tpu.wait_dma2 semaphore(%arg13 : memref<!tpu.dma_semaphore, #tpu.memory_space<semaphore_mem>>) src(%dma_wait3A_70 : memref<8x125xi32, #tpu.memory_space<hbm>>) dst(%dma_wait3A_67 : memref<8x125xi32, #tpu.memory_space<vmem>>)
    %dma_start3A_71 = arith.constant 0 : i32
    %dma_start3A_72 = arith.constant 0 : i32
    %dma_start3A_73 = arith.constant 0 : i32
    %dma_start3A_74 = tpu.memref_slice %arg7[%dma_start3A_71, %dma_start3A_72, %dma_start3A_73] : memref<2x8x125xi32, #tpu.memory_space<vmem>> -> memref<1x1x125xi32, #tpu.memory_space<vmem>>
    %dma_start3A_75 = tpu.memref_squeeze %dma_start3A_74 : memref<1x1x125xi32, #tpu.memory_space<vmem>> -> memref<125xi32, #tpu.memory_space<vmem>>
    %dma_start3A_76 = arith.constant 0 : i32
    %dma_start3A_77 = arith.constant 0 : i32
    %dma_start3A_78 = tpu.memref_slice %arg2[%dma_start3A_76, %dma_start3A_77] : memref<10000x128xf32, #tpu.memory_space<hbm>> -> memref<10000x128xf32, #tpu.memory_space<hbm>>
    tpu.enqueue_indirect_dma source(%dma_start3A_78 : memref<10000x128xf32, #tpu.memory_space<hbm>>) target(%arg9 : memref<125x128xf32, #tpu.memory_space<vmem>>) offsets(%dma_start3A_75 : memref<125xi32, #tpu.memory_space<vmem>>) semaphore(%arg11 : memref<!tpu.dma_semaphore, #tpu.memory_space<semaphore_mem>>)
    %add3A_79 = arith.constant 8 : i32
    %add3A_80 = arith.addi %mul3A_2, %add3A_79 : i32
    %dma_start3A_81 = arith.constant 1 : i32
    %dma_start3A_82 = arith.constant 0 : i32
    %dma_start3A_83 = arith.constant 0 : i32
    %dma_start3A_84 = tpu.memref_slice %arg7[%dma_start3A_81, %dma_start3A_82, %dma_start3A_83] : memref<2x8x125xi32, #tpu.memory_space<vmem>> -> memref<1x8x125xi32, #tpu.memory_space<vmem>>
    %dma_start3A_85 = tpu.memref_squeeze %dma_start3A_84 : memref<1x8x125xi32, #tpu.memory_space<vmem>> -> memref<8x125xi32, #tpu.memory_space<vmem>>
    %dma_start3A_86 = arith.constant 0 : i32
    %dma_start3A_87 = tpu.memref_slice %arg3[%add3A_80, %dma_start3A_86] : memref<2560x125xi32, #tpu.memory_space<hbm>> -> memref<8x125xi32, #tpu.memory_space<hbm>>
    %dma_start3A_88 = arith.constant 0 : i32
    %dma_start3A_89 = arith.constant 0 : i32
    %dma_start3A_90 = tpu.memref_slice %arg7[%dma_start3A_81, %dma_start3A_88, %dma_start3A_89] : memref<2x8x125xi32, #tpu.memory_space<vmem>> -> memref<1x8x125xi32, #tpu.memory_space<vmem>>
    %dma_start3A_91 = tpu.memref_squeeze %dma_start3A_90 : memref<1x8x125xi32, #tpu.memory_space<vmem>> -> memref<8x125xi32, #tpu.memory_space<vmem>>
    %dma_start3A_92 = arith.constant 0 : i32
    %dma_start3A_93 = tpu.memref_slice %arg3[%add3A_80, %dma_start3A_92] : memref<2560x125xi32, #tpu.memory_space<hbm>> -> memref<8x125xi32, #tpu.memory_space<hbm>>
    tpu.enqueue_dma source(%dma_start3A_93 : memref<8x125xi32, #tpu.memory_space<hbm>>) target(%dma_start3A_91 : memref<8x125xi32, #tpu.memory_space<vmem>>) target_semaphore(%arg14 : memref<!tpu.dma_semaphore, #tpu.memory_space<semaphore_mem>>)
    %add3A_94 = arith.constant 8 : i32
    %add3A_95 = arith.addi %mul3A_2, %add3A_94 : i32
    %dma_start3A_96 = arith.constant 1 : i32
    %dma_start3A_97 = arith.constant 0 : i32
    %dma_start3A_98 = arith.constant 0 : i32
    %dma_start3A_99 = tpu.memref_slice %arg8[%dma_start3A_96, %dma_start3A_97, %dma_start3A_98] : memref<2x8x125xi32, #tpu.memory_space<vmem>> -> memref<1x8x125xi32, #tpu.memory_space<vmem>>
    %dma_start3A_100 = tpu.memref_squeeze %dma_start3A_99 : memref<1x8x125xi32, #tpu.memory_space<vmem>> -> memref<8x125xi32, #tpu.memory_space<vmem>>
    %dma_start3A_101 = arith.constant 0 : i32
    %dma_start3A_102 = tpu.memref_slice %arg4[%add3A_95, %dma_start3A_101] : memref<2560x125xi32, #tpu.memory_space<hbm>> -> memref<8x125xi32, #tpu.memory_space<hbm>>
    %dma_start3A_103 = arith.constant 0 : i32
    %dma_start3A_104 = arith.constant 0 : i32
    %dma_start3A_105 = tpu.memref_slice %arg8[%dma_start3A_96, %dma_start3A_103, %dma_start3A_104] : memref<2x8x125xi32, #tpu.memory_space<vmem>> -> memref<1x8x125xi32, #tpu.memory_space<vmem>>
    %dma_start3A_106 = tpu.memref_squeeze %dma_start3A_105 : memref<1x8x125xi32, #tpu.memory_space<vmem>> -> memref<8x125xi32, #tpu.memory_space<vmem>>
    %dma_start3A_107 = arith.constant 0 : i32
    %dma_start3A_108 = tpu.memref_slice %arg4[%add3A_95, %dma_start3A_107] : memref<2560x125xi32, #tpu.memory_space<hbm>> -> memref<8x125xi32, #tpu.memory_space<hbm>>
    tpu.enqueue_dma source(%dma_start3A_108 : memref<8x125xi32, #tpu.memory_space<hbm>>) target(%dma_start3A_106 : memref<8x125xi32, #tpu.memory_space<vmem>>) target_semaphore(%arg14 : memref<!tpu.dma_semaphore, #tpu.memory_space<semaphore_mem>>)
    %scan3A_109 = arith.constant 0 : i32
    %scan3A_110 = arith.constant 5 : i32
    %scan3A_111 = arith.addi %scan3A_109, %scan3A_110 : i32
    %scan3A_112 = arith.constant 1 : i32
    scf.for %scan3A_119 = %scan3A_109 to %scan3A_111 step %scan3A_112  : i32 {
      %mul3A_120 = arith.constant 2 : i32
      %mul3A_121 = arith.muli %scan3A_119, %mul3A_120 : i32
      %add3A_122 = arith.constant 0 : i32
      %add3A_123 = arith.addi %add3A_122, %mul3A_121 : i32
      %dma_start3A_124 = arith.constant 0 : i32
      %dma_start3A_125 = arith.constant 1 : i32
      %dma_start3A_126 = arith.constant 0 : i32
      %dma_start3A_127 = tpu.memref_slice %arg7[%dma_start3A_124, %dma_start3A_125, %dma_start3A_126] : memref<2x8x125xi32, #tpu.memory_space<vmem>> -> memref<1x1x125xi32, #tpu.memory_space<vmem>>
      %dma_start3A_128 = tpu.memref_squeeze %dma_start3A_127 : memref<1x1x125xi32, #tpu.memory_space<vmem>> -> memref<125xi32, #tpu.memory_space<vmem>>
      %dma_start3A_129 = arith.constant 0 : i32
      %dma_start3A_130 = arith.constant 0 : i32
      %dma_start3A_131 = tpu.memref_slice %arg2[%dma_start3A_129, %dma_start3A_130] : memref<10000x128xf32, #tpu.memory_space<hbm>> -> memref<10000x128xf32, #tpu.memory_space<hbm>>
      tpu.enqueue_indirect_dma source(%dma_start3A_131 : memref<10000x128xf32, #tpu.memory_space<hbm>>) target(%arg10 : memref<125x128xf32, #tpu.memory_space<vmem>>) offsets(%dma_start3A_128 : memref<125xi32, #tpu.memory_space<vmem>>) semaphore(%arg12 : memref<!tpu.dma_semaphore, #tpu.memory_space<semaphore_mem>>)
      %dma_wait3A_132 = arith.constant 0 : i32
      %dma_wait3A_133 = arith.constant 0 : i32
      %dma_wait3A_134 = arith.constant 0 : i32
      %dma_wait3A_135 = tpu.memref_slice %arg7[%dma_wait3A_132, %dma_wait3A_133, %dma_wait3A_134] : memref<2x8x125xi32, #tpu.memory_space<vmem>> -> memref<1x1x125xi32, #tpu.memory_space<vmem>>
      %dma_wait3A_136 = tpu.memref_squeeze %dma_wait3A_135 : memref<1x1x125xi32, #tpu.memory_space<vmem>> -> memref<125xi32, #tpu.memory_space<vmem>>
      %dma_wait3A_137 = arith.constant 0 : i32
      %dma_wait3A_138 = arith.constant 0 : i32
      %dma_wait3A_139 = tpu.memref_slice %arg2[%dma_wait3A_137, %dma_wait3A_138] : memref<10000x128xf32, #tpu.memory_space<hbm>> -> memref<10000x128xf32, #tpu.memory_space<hbm>>
      tpu.wait_indirect_dma semaphore(%arg11 : memref<!tpu.dma_semaphore, #tpu.memory_space<semaphore_mem>>) src(%dma_wait3A_139 : memref<10000x128xf32, #tpu.memory_space<hbm>>) dst(%arg9 : memref<125x128xf32, #tpu.memory_space<vmem>>)
      %run_scoped3A = arith.constant 0 : i32
      %run_scoped3A_140 = arith.constant 0 : i32
      "tpu.region"() ({
        %run_scoped3A_451 = tpu.sem_alloc : memref<!tpu.dma_semaphore, #tpu.memory_space<semaphore_mem>>
        %dma_start3A_452 = arith.constant 0 : i32
        %dma_start3A_453 = tpu.memref_slice %arg8[%run_scoped3A, %run_scoped3A_140, %dma_start3A_452] : memref<2x8x125xi32, #tpu.memory_space<vmem>> -> memref<1x1x125xi32, #tpu.memory_space<vmem>>
        %dma_start3A_454 = tpu.memref_squeeze %dma_start3A_453 : memref<1x1x125xi32, #tpu.memory_space<vmem>> -> memref<125xi32, #tpu.memory_space<vmem>>
        %dma_start3A_455 = arith.constant 0 : i32
        %dma_start3A_456 = arith.constant 0 : i32
        %dma_start3A_457 = tpu.memref_slice %arg6[%dma_start3A_455, %dma_start3A_456] : memref<10240x128xf32, #tpu.memory_space<vmem_shared>> -> memref<10240x128xf32, #tpu.memory_space<vmem_shared>>
        tpu.enqueue_indirect_dma source(%arg9 : memref<125x128xf32, #tpu.memory_space<vmem>>) target(%dma_start3A_457 : memref<10240x128xf32, #tpu.memory_space<vmem_shared>>) offsets(%dma_start3A_454 : memref<125xi32, #tpu.memory_space<vmem>>) semaphore(%run_scoped3A_451 : memref<!tpu.dma_semaphore, #tpu.memory_space<semaphore_mem>>) {add = true}
        %dma_wait3A_458 = arith.constant 0 : i32
        %dma_wait3A_459 = tpu.memref_slice %arg8[%run_scoped3A, %run_scoped3A_140, %dma_wait3A_458] : memref<2x8x125xi32, #tpu.memory_space<vmem>> -> memref<1x1x125xi32, #tpu.memory_space<vmem>>
        %dma_wait3A_460 = tpu.memref_squeeze %dma_wait3A_459 : memref<1x1x125xi32, #tpu.memory_space<vmem>> -> memref<125xi32, #tpu.memory_space<vmem>>
        %dma_wait3A_461 = arith.constant 0 : i32
        %dma_wait3A_462 = arith.constant 0 : i32
        %dma_wait3A_463 = tpu.memref_slice %arg6[%dma_wait3A_461, %dma_wait3A_462] : memref<10240x128xf32, #tpu.memory_space<vmem_shared>> -> memref<10240x128xf32, #tpu.memory_space<vmem_shared>>
        tpu.wait_indirect_dma semaphore(%run_scoped3A_451 : memref<!tpu.dma_semaphore, #tpu.memory_space<semaphore_mem>>) src(%arg9 : memref<125x128xf32, #tpu.memory_space<vmem>>) dst(%dma_wait3A_463 : memref<10240x128xf32, #tpu.memory_space<vmem_shared>>)
        tpu.yield
      }) : () -> ()
      %dma_start3A_141 = arith.constant 0 : i32
      %dma_start3A_142 = arith.constant 2 : i32
      %dma_start3A_143 = arith.constant 0 : i32
      %dma_start3A_144 = tpu.memref_slice %arg7[%dma_start3A_141, %dma_start3A_142, %dma_start3A_143] : memref<2x8x125xi32, #tpu.memory_space<vmem>> -> memref<1x1x125xi32, #tpu.memory_space<vmem>>
      %dma_start3A_145 = tpu.memref_squeeze %dma_start3A_144 : memref<1x1x125xi32, #tpu.memory_space<vmem>> -> memref<125xi32, #tpu.memory_space<vmem>>
      %dma_start3A_146 = arith.constant 0 : i32
      %dma_start3A_147 = arith.constant 0 : i32
      %dma_start3A_148 = tpu.memref_slice %arg2[%dma_start3A_146, %dma_start3A_147] : memref<10000x128xf32, #tpu.memory_space<hbm>> -> memref<10000x128xf32, #tpu.memory_space<hbm>>
      tpu.enqueue_indirect_dma source(%dma_start3A_148 : memref<10000x128xf32, #tpu.memory_space<hbm>>) target(%arg9 : memref<125x128xf32, #tpu.memory_space<vmem>>) offsets(%dma_start3A_145 : memref<125xi32, #tpu.memory_space<vmem>>) semaphore(%arg11 : memref<!tpu.dma_semaphore, #tpu.memory_space<semaphore_mem>>)
      %dma_wait3A_149 = arith.constant 0 : i32
      %dma_wait3A_150 = arith.constant 0 : i32
      %dma_wait3A_151 = arith.constant 0 : i32
      %dma_wait3A_152 = tpu.memref_slice %arg7[%dma_wait3A_149, %dma_wait3A_150, %dma_wait3A_151] : memref<2x8x125xi32, #tpu.memory_space<vmem>> -> memref<1x1x125xi32, #tpu.memory_space<vmem>>
      %dma_wait3A_153 = tpu.memref_squeeze %dma_wait3A_152 : memref<1x1x125xi32, #tpu.memory_space<vmem>> -> memref<125xi32, #tpu.memory_space<vmem>>
      %dma_wait3A_154 = arith.constant 0 : i32
      %dma_wait3A_155 = arith.constant 0 : i32
      %dma_wait3A_156 = tpu.memref_slice %arg2[%dma_wait3A_154, %dma_wait3A_155] : memref<10000x128xf32, #tpu.memory_space<hbm>> -> memref<10000x128xf32, #tpu.memory_space<hbm>>
      tpu.wait_indirect_dma semaphore(%arg12 : memref<!tpu.dma_semaphore, #tpu.memory_space<semaphore_mem>>) src(%dma_wait3A_156 : memref<10000x128xf32, #tpu.memory_space<hbm>>) dst(%arg10 : memref<125x128xf32, #tpu.memory_space<vmem>>)
      %run_scoped3A_157 = arith.constant 0 : i32
      %run_scoped3A_158 = arith.constant 1 : i32
      "tpu.region"() ({
        %run_scoped3A_451 = tpu.sem_alloc : memref<!tpu.dma_semaphore, #tpu.memory_space<semaphore_mem>>
        %dma_start3A_452 = arith.constant 0 : i32
        %dma_start3A_453 = tpu.memref_slice %arg8[%run_scoped3A_157, %run_scoped3A_158, %dma_start3A_452] : memref<2x8x125xi32, #tpu.memory_space<vmem>> -> memref<1x1x125xi32, #tpu.memory_space<vmem>>
        %dma_start3A_454 = tpu.memref_squeeze %dma_start3A_453 : memref<1x1x125xi32, #tpu.memory_space<vmem>> -> memref<125xi32, #tpu.memory_space<vmem>>
        %dma_start3A_455 = arith.constant 0 : i32
        %dma_start3A_456 = arith.constant 0 : i32
        %dma_start3A_457 = tpu.memref_slice %arg6[%dma_start3A_455, %dma_start3A_456] : memref<10240x128xf32, #tpu.memory_space<vmem_shared>> -> memref<10240x128xf32, #tpu.memory_space<vmem_shared>>
        tpu.enqueue_indirect_dma source(%arg10 : memref<125x128xf32, #tpu.memory_space<vmem>>) target(%dma_start3A_457 : memref<10240x128xf32, #tpu.memory_space<vmem_shared>>) offsets(%dma_start3A_454 : memref<125xi32, #tpu.memory_space<vmem>>) semaphore(%run_scoped3A_451 : memref<!tpu.dma_semaphore, #tpu.memory_space<semaphore_mem>>) {add = true}
        %dma_wait3A_458 = arith.constant 0 : i32
        %dma_wait3A_459 = tpu.memref_slice %arg8[%run_scoped3A_157, %run_scoped3A_158, %dma_wait3A_458] : memref<2x8x125xi32, #tpu.memory_space<vmem>> -> memref<1x1x125xi32, #tpu.memory_space<vmem>>
        %dma_wait3A_460 = tpu.memref_squeeze %dma_wait3A_459 : memref<1x1x125xi32, #tpu.memory_space<vmem>> -> memref<125xi32, #tpu.memory_space<vmem>>
        %dma_wait3A_461 = arith.constant 0 : i32
        %dma_wait3A_462 = arith.constant 0 : i32
        %dma_wait3A_463 = tpu.memref_slice %arg6[%dma_wait3A_461, %dma_wait3A_462] : memref<10240x128xf32, #tpu.memory_space<vmem_shared>> -> memref<10240x128xf32, #tpu.memory_space<vmem_shared>>
        tpu.wait_indirect_dma semaphore(%run_scoped3A_451 : memref<!tpu.dma_semaphore, #tpu.memory_space<semaphore_mem>>) src(%arg10 : memref<125x128xf32, #tpu.memory_space<vmem>>) dst(%dma_wait3A_463 : memref<10240x128xf32, #tpu.memory_space<vmem_shared>>)
        tpu.yield
      }) : () -> ()
      %dma_start3A_159 = arith.constant 0 : i32
      %dma_start3A_160 = arith.constant 3 : i32
      %dma_start3A_161 = arith.constant 0 : i32
      %dma_start3A_162 = tpu.memref_slice %arg7[%dma_start3A_159, %dma_start3A_160, %dma_start3A_161] : memref<2x8x125xi32, #tpu.memory_space<vmem>> -> memref<1x1x125xi32, #tpu.memory_space<vmem>>
      %dma_start3A_163 = tpu.memref_squeeze %dma_start3A_162 : memref<1x1x125xi32, #tpu.memory_space<vmem>> -> memref<125xi32, #tpu.memory_space<vmem>>
      %dma_start3A_164 = arith.constant 0 : i32
      %dma_start3A_165 = arith.constant 0 : i32
      %dma_start3A_166 = tpu.memref_slice %arg2[%dma_start3A_164, %dma_start3A_165] : memref<10000x128xf32, #tpu.memory_space<hbm>> -> memref<10000x128xf32, #tpu.memory_space<hbm>>
      tpu.enqueue_indirect_dma source(%dma_start3A_166 : memref<10000x128xf32, #tpu.memory_space<hbm>>) target(%arg10 : memref<125x128xf32, #tpu.memory_space<vmem>>) offsets(%dma_start3A_163 : memref<125xi32, #tpu.memory_space<vmem>>) semaphore(%arg12 : memref<!tpu.dma_semaphore, #tpu.memory_space<semaphore_mem>>)
      %dma_wait3A_167 = arith.constant 0 : i32
      %dma_wait3A_168 = arith.constant 0 : i32
      %dma_wait3A_169 = arith.constant 0 : i32
      %dma_wait3A_170 = tpu.memref_slice %arg7[%dma_wait3A_167, %dma_wait3A_168, %dma_wait3A_169] : memref<2x8x125xi32, #tpu.memory_space<vmem>> -> memref<1x1x125xi32, #tpu.memory_space<vmem>>
      %dma_wait3A_171 = tpu.memref_squeeze %dma_wait3A_170 : memref<1x1x125xi32, #tpu.memory_space<vmem>> -> memref<125xi32, #tpu.memory_space<vmem>>
      %dma_wait3A_172 = arith.constant 0 : i32
      %dma_wait3A_173 = arith.constant 0 : i32
      %dma_wait3A_174 = tpu.memref_slice %arg2[%dma_wait3A_172, %dma_wait3A_173] : memref<10000x128xf32, #tpu.memory_space<hbm>> -> memref<10000x128xf32, #tpu.memory_space<hbm>>
      tpu.wait_indirect_dma semaphore(%arg11 : memref<!tpu.dma_semaphore, #tpu.memory_space<semaphore_mem>>) src(%dma_wait3A_174 : memref<10000x128xf32, #tpu.memory_space<hbm>>) dst(%arg9 : memref<125x128xf32, #tpu.memory_space<vmem>>)
      %run_scoped3A_175 = arith.constant 0 : i32
      %run_scoped3A_176 = arith.constant 2 : i32
      "tpu.region"() ({
        %run_scoped3A_451 = tpu.sem_alloc : memref<!tpu.dma_semaphore, #tpu.memory_space<semaphore_mem>>
        %dma_start3A_452 = arith.constant 0 : i32
        %dma_start3A_453 = tpu.memref_slice %arg8[%run_scoped3A_175, %run_scoped3A_176, %dma_start3A_452] : memref<2x8x125xi32, #tpu.memory_space<vmem>> -> memref<1x1x125xi32, #tpu.memory_space<vmem>>
        %dma_start3A_454 = tpu.memref_squeeze %dma_start3A_453 : memref<1x1x125xi32, #tpu.memory_space<vmem>> -> memref<125xi32, #tpu.memory_space<vmem>>
        %dma_start3A_455 = arith.constant 0 : i32
        %dma_start3A_456 = arith.constant 0 : i32
        %dma_start3A_457 = tpu.memref_slice %arg6[%dma_start3A_455, %dma_start3A_456] : memref<10240x128xf32, #tpu.memory_space<vmem_shared>> -> memref<10240x128xf32, #tpu.memory_space<vmem_shared>>
        tpu.enqueue_indirect_dma source(%arg9 : memref<125x128xf32, #tpu.memory_space<vmem>>) target(%dma_start3A_457 : memref<10240x128xf32, #tpu.memory_space<vmem_shared>>) offsets(%dma_start3A_454 : memref<125xi32, #tpu.memory_space<vmem>>) semaphore(%run_scoped3A_451 : memref<!tpu.dma_semaphore, #tpu.memory_space<semaphore_mem>>) {add = true}
        %dma_wait3A_458 = arith.constant 0 : i32
        %dma_wait3A_459 = tpu.memref_slice %arg8[%run_scoped3A_175, %run_scoped3A_176, %dma_wait3A_458] : memref<2x8x125xi32, #tpu.memory_space<vmem>> -> memref<1x1x125xi32, #tpu.memory_space<vmem>>
        %dma_wait3A_460 = tpu.memref_squeeze %dma_wait3A_459 : memref<1x1x125xi32, #tpu.memory_space<vmem>> -> memref<125xi32, #tpu.memory_space<vmem>>
        %dma_wait3A_461 = arith.constant 0 : i32
        %dma_wait3A_462 = arith.constant 0 : i32
        %dma_wait3A_463 = tpu.memref_slice %arg6[%dma_wait3A_461, %dma_wait3A_462] : memref<10240x128xf32, #tpu.memory_space<vmem_shared>> -> memref<10240x128xf32, #tpu.memory_space<vmem_shared>>
        tpu.wait_indirect_dma semaphore(%run_scoped3A_451 : memref<!tpu.dma_semaphore, #tpu.memory_space<semaphore_mem>>) src(%arg9 : memref<125x128xf32, #tpu.memory_space<vmem>>) dst(%dma_wait3A_463 : memref<10240x128xf32, #tpu.memory_space<vmem_shared>>)
        tpu.yield
      }) : () -> ()
      %dma_start3A_177 = arith.constant 0 : i32
      %dma_start3A_178 = arith.constant 4 : i32
      %dma_start3A_179 = arith.constant 0 : i32
      %dma_start3A_180 = tpu.memref_slice %arg7[%dma_start3A_177, %dma_start3A_178, %dma_start3A_179] : memref<2x8x125xi32, #tpu.memory_space<vmem>> -> memref<1x1x125xi32, #tpu.memory_space<vmem>>
      %dma_start3A_181 = tpu.memref_squeeze %dma_start3A_180 : memref<1x1x125xi32, #tpu.memory_space<vmem>> -> memref<125xi32, #tpu.memory_space<vmem>>
      %dma_start3A_182 = arith.constant 0 : i32
      %dma_start3A_183 = arith.constant 0 : i32
      %dma_start3A_184 = tpu.memref_slice %arg2[%dma_start3A_182, %dma_start3A_183] : memref<10000x128xf32, #tpu.memory_space<hbm>> -> memref<10000x128xf32, #tpu.memory_space<hbm>>
      tpu.enqueue_indirect_dma source(%dma_start3A_184 : memref<10000x128xf32, #tpu.memory_space<hbm>>) target(%arg9 : memref<125x128xf32, #tpu.memory_space<vmem>>) offsets(%dma_start3A_181 : memref<125xi32, #tpu.memory_space<vmem>>) semaphore(%arg11 : memref<!tpu.dma_semaphore, #tpu.memory_space<semaphore_mem>>)
      %dma_wait3A_185 = arith.constant 0 : i32
      %dma_wait3A_186 = arith.constant 0 : i32
      %dma_wait3A_187 = arith.constant 0 : i32
      %dma_wait3A_188 = tpu.memref_slice %arg7[%dma_wait3A_185, %dma_wait3A_186, %dma_wait3A_187] : memref<2x8x125xi32, #tpu.memory_space<vmem>> -> memref<1x1x125xi32, #tpu.memory_space<vmem>>
      %dma_wait3A_189 = tpu.memref_squeeze %dma_wait3A_188 : memref<1x1x125xi32, #tpu.memory_space<vmem>> -> memref<125xi32, #tpu.memory_space<vmem>>
      %dma_wait3A_190 = arith.constant 0 : i32
      %dma_wait3A_191 = arith.constant 0 : i32
      %dma_wait3A_192 = tpu.memref_slice %arg2[%dma_wait3A_190, %dma_wait3A_191] : memref<10000x128xf32, #tpu.memory_space<hbm>> -> memref<10000x128xf32, #tpu.memory_space<hbm>>
      tpu.wait_indirect_dma semaphore(%arg12 : memref<!tpu.dma_semaphore, #tpu.memory_space<semaphore_mem>>) src(%dma_wait3A_192 : memref<10000x128xf32, #tpu.memory_space<hbm>>) dst(%arg10 : memref<125x128xf32, #tpu.memory_space<vmem>>)
      %run_scoped3A_193 = arith.constant 0 : i32
      %run_scoped3A_194 = arith.constant 3 : i32
      "tpu.region"() ({
        %run_scoped3A_451 = tpu.sem_alloc : memref<!tpu.dma_semaphore, #tpu.memory_space<semaphore_mem>>
        %dma_start3A_452 = arith.constant 0 : i32
        %dma_start3A_453 = tpu.memref_slice %arg8[%run_scoped3A_193, %run_scoped3A_194, %dma_start3A_452] : memref<2x8x125xi32, #tpu.memory_space<vmem>> -> memref<1x1x125xi32, #tpu.memory_space<vmem>>
        %dma_start3A_454 = tpu.memref_squeeze %dma_start3A_453 : memref<1x1x125xi32, #tpu.memory_space<vmem>> -> memref<125xi32, #tpu.memory_space<vmem>>
        %dma_start3A_455 = arith.constant 0 : i32
        %dma_start3A_456 = arith.constant 0 : i32
        %dma_start3A_457 = tpu.memref_slice %arg6[%dma_start3A_455, %dma_start3A_456] : memref<10240x128xf32, #tpu.memory_space<vmem_shared>> -> memref<10240x128xf32, #tpu.memory_space<vmem_shared>>
        tpu.enqueue_indirect_dma source(%arg10 : memref<125x128xf32, #tpu.memory_space<vmem>>) target(%dma_start3A_457 : memref<10240x128xf32, #tpu.memory_space<vmem_shared>>) offsets(%dma_start3A_454 : memref<125xi32, #tpu.memory_space<vmem>>) semaphore(%run_scoped3A_451 : memref<!tpu.dma_semaphore, #tpu.memory_space<semaphore_mem>>) {add = true}
        %dma_wait3A_458 = arith.constant 0 : i32
        %dma_wait3A_459 = tpu.memref_slice %arg8[%run_scoped3A_193, %run_scoped3A_194, %dma_wait3A_458] : memref<2x8x125xi32, #tpu.memory_space<vmem>> -> memref<1x1x125xi32, #tpu.memory_space<vmem>>
        %dma_wait3A_460 = tpu.memref_squeeze %dma_wait3A_459 : memref<1x1x125xi32, #tpu.memory_space<vmem>> -> memref<125xi32, #tpu.memory_space<vmem>>
        %dma_wait3A_461 = arith.constant 0 : i32
        %dma_wait3A_462 = arith.constant 0 : i32
        %dma_wait3A_463 = tpu.memref_slice %arg6[%dma_wait3A_461, %dma_wait3A_462] : memref<10240x128xf32, #tpu.memory_space<vmem_shared>> -> memref<10240x128xf32, #tpu.memory_space<vmem_shared>>
        tpu.wait_indirect_dma semaphore(%run_scoped3A_451 : memref<!tpu.dma_semaphore, #tpu.memory_space<semaphore_mem>>) src(%arg10 : memref<125x128xf32, #tpu.memory_space<vmem>>) dst(%dma_wait3A_463 : memref<10240x128xf32, #tpu.memory_space<vmem_shared>>)
        tpu.yield
      }) : () -> ()
      %dma_start3A_195 = arith.constant 0 : i32
      %dma_start3A_196 = arith.constant 5 : i32
      %dma_start3A_197 = arith.constant 0 : i32
      %dma_start3A_198 = tpu.memref_slice %arg7[%dma_start3A_195, %dma_start3A_196, %dma_start3A_197] : memref<2x8x125xi32, #tpu.memory_space<vmem>> -> memref<1x1x125xi32, #tpu.memory_space<vmem>>
      %dma_start3A_199 = tpu.memref_squeeze %dma_start3A_198 : memref<1x1x125xi32, #tpu.memory_space<vmem>> -> memref<125xi32, #tpu.memory_space<vmem>>
      %dma_start3A_200 = arith.constant 0 : i32
      %dma_start3A_201 = arith.constant 0 : i32
      %dma_start3A_202 = tpu.memref_slice %arg2[%dma_start3A_200, %dma_start3A_201] : memref<10000x128xf32, #tpu.memory_space<hbm>> -> memref<10000x128xf32, #tpu.memory_space<hbm>>
      tpu.enqueue_indirect_dma source(%dma_start3A_202 : memref<10000x128xf32, #tpu.memory_space<hbm>>) target(%arg10 : memref<125x128xf32, #tpu.memory_space<vmem>>) offsets(%dma_start3A_199 : memref<125xi32, #tpu.memory_space<vmem>>) semaphore(%arg12 : memref<!tpu.dma_semaphore, #tpu.memory_space<semaphore_mem>>)
      %dma_wait3A_203 = arith.constant 0 : i32
      %dma_wait3A_204 = arith.constant 0 : i32
      %dma_wait3A_205 = arith.constant 0 : i32
      %dma_wait3A_206 = tpu.memref_slice %arg7[%dma_wait3A_203, %dma_wait3A_204, %dma_wait3A_205] : memref<2x8x125xi32, #tpu.memory_space<vmem>> -> memref<1x1x125xi32, #tpu.memory_space<vmem>>
      %dma_wait3A_207 = tpu.memref_squeeze %dma_wait3A_206 : memref<1x1x125xi32, #tpu.memory_space<vmem>> -> memref<125xi32, #tpu.memory_space<vmem>>
      %dma_wait3A_208 = arith.constant 0 : i32
      %dma_wait3A_209 = arith.constant 0 : i32
      %dma_wait3A_210 = tpu.memref_slice %arg2[%dma_wait3A_208, %dma_wait3A_209] : memref<10000x128xf32, #tpu.memory_space<hbm>> -> memref<10000x128xf32, #tpu.memory_space<hbm>>
      tpu.wait_indirect_dma semaphore(%arg11 : memref<!tpu.dma_semaphore, #tpu.memory_space<semaphore_mem>>) src(%dma_wait3A_210 : memref<10000x128xf32, #tpu.memory_space<hbm>>) dst(%arg9 : memref<125x128xf32, #tpu.memory_space<vmem>>)
      %run_scoped3A_211 = arith.constant 0 : i32
      %run_scoped3A_212 = arith.constant 4 : i32
      "tpu.region"() ({
        %run_scoped3A_451 = tpu.sem_alloc : memref<!tpu.dma_semaphore, #tpu.memory_space<semaphore_mem>>
        %dma_start3A_452 = arith.constant 0 : i32
        %dma_start3A_453 = tpu.memref_slice %arg8[%run_scoped3A_211, %run_scoped3A_212, %dma_start3A_452] : memref<2x8x125xi32, #tpu.memory_space<vmem>> -> memref<1x1x125xi32, #tpu.memory_space<vmem>>
        %dma_start3A_454 = tpu.memref_squeeze %dma_start3A_453 : memref<1x1x125xi32, #tpu.memory_space<vmem>> -> memref<125xi32, #tpu.memory_space<vmem>>
        %dma_start3A_455 = arith.constant 0 : i32
        %dma_start3A_456 = arith.constant 0 : i32
        %dma_start3A_457 = tpu.memref_slice %arg6[%dma_start3A_455, %dma_start3A_456] : memref<10240x128xf32, #tpu.memory_space<vmem_shared>> -> memref<10240x128xf32, #tpu.memory_space<vmem_shared>>
        tpu.enqueue_indirect_dma source(%arg9 : memref<125x128xf32, #tpu.memory_space<vmem>>) target(%dma_start3A_457 : memref<10240x128xf32, #tpu.memory_space<vmem_shared>>) offsets(%dma_start3A_454 : memref<125xi32, #tpu.memory_space<vmem>>) semaphore(%run_scoped3A_451 : memref<!tpu.dma_semaphore, #tpu.memory_space<semaphore_mem>>) {add = true}
        %dma_wait3A_458 = arith.constant 0 : i32
        %dma_wait3A_459 = tpu.memref_slice %arg8[%run_scoped3A_211, %run_scoped3A_212, %dma_wait3A_458] : memref<2x8x125xi32, #tpu.memory_space<vmem>> -> memref<1x1x125xi32, #tpu.memory_space<vmem>>
        %dma_wait3A_460 = tpu.memref_squeeze %dma_wait3A_459 : memref<1x1x125xi32, #tpu.memory_space<vmem>> -> memref<125xi32, #tpu.memory_space<vmem>>
        %dma_wait3A_461 = arith.constant 0 : i32
        %dma_wait3A_462 = arith.constant 0 : i32
        %dma_wait3A_463 = tpu.memref_slice %arg6[%dma_wait3A_461, %dma_wait3A_462] : memref<10240x128xf32, #tpu.memory_space<vmem_shared>> -> memref<10240x128xf32, #tpu.memory_space<vmem_shared>>
        tpu.wait_indirect_dma semaphore(%run_scoped3A_451 : memref<!tpu.dma_semaphore, #tpu.memory_space<semaphore_mem>>) src(%arg9 : memref<125x128xf32, #tpu.memory_space<vmem>>) dst(%dma_wait3A_463 : memref<10240x128xf32, #tpu.memory_space<vmem_shared>>)
        tpu.yield
      }) : () -> ()
      %dma_start3A_213 = arith.constant 0 : i32
      %dma_start3A_214 = arith.constant 6 : i32
      %dma_start3A_215 = arith.constant 0 : i32
      %dma_start3A_216 = tpu.memref_slice %arg7[%dma_start3A_213, %dma_start3A_214, %dma_start3A_215] : memref<2x8x125xi32, #tpu.memory_space<vmem>> -> memref<1x1x125xi32, #tpu.memory_space<vmem>>
      %dma_start3A_217 = tpu.memref_squeeze %dma_start3A_216 : memref<1x1x125xi32, #tpu.memory_space<vmem>> -> memref<125xi32, #tpu.memory_space<vmem>>
      %dma_start3A_218 = arith.constant 0 : i32
      %dma_start3A_219 = arith.constant 0 : i32
      %dma_start3A_220 = tpu.memref_slice %arg2[%dma_start3A_218, %dma_start3A_219] : memref<10000x128xf32, #tpu.memory_space<hbm>> -> memref<10000x128xf32, #tpu.memory_space<hbm>>
      tpu.enqueue_indirect_dma source(%dma_start3A_220 : memref<10000x128xf32, #tpu.memory_space<hbm>>) target(%arg9 : memref<125x128xf32, #tpu.memory_space<vmem>>) offsets(%dma_start3A_217 : memref<125xi32, #tpu.memory_space<vmem>>) semaphore(%arg11 : memref<!tpu.dma_semaphore, #tpu.memory_space<semaphore_mem>>)
      %dma_wait3A_221 = arith.constant 0 : i32
      %dma_wait3A_222 = arith.constant 0 : i32
      %dma_wait3A_223 = arith.constant 0 : i32
      %dma_wait3A_224 = tpu.memref_slice %arg7[%dma_wait3A_221, %dma_wait3A_222, %dma_wait3A_223] : memref<2x8x125xi32, #tpu.memory_space<vmem>> -> memref<1x1x125xi32, #tpu.memory_space<vmem>>
      %dma_wait3A_225 = tpu.memref_squeeze %dma_wait3A_224 : memref<1x1x125xi32, #tpu.memory_space<vmem>> -> memref<125xi32, #tpu.memory_space<vmem>>
      %dma_wait3A_226 = arith.constant 0 : i32
      %dma_wait3A_227 = arith.constant 0 : i32
      %dma_wait3A_228 = tpu.memref_slice %arg2[%dma_wait3A_226, %dma_wait3A_227] : memref<10000x128xf32, #tpu.memory_space<hbm>> -> memref<10000x128xf32, #tpu.memory_space<hbm>>
      tpu.wait_indirect_dma semaphore(%arg12 : memref<!tpu.dma_semaphore, #tpu.memory_space<semaphore_mem>>) src(%dma_wait3A_228 : memref<10000x128xf32, #tpu.memory_space<hbm>>) dst(%arg10 : memref<125x128xf32, #tpu.memory_space<vmem>>)
      %run_scoped3A_229 = arith.constant 0 : i32
      %run_scoped3A_230 = arith.constant 5 : i32
      "tpu.region"() ({
        %run_scoped3A_451 = tpu.sem_alloc : memref<!tpu.dma_semaphore, #tpu.memory_space<semaphore_mem>>
        %dma_start3A_452 = arith.constant 0 : i32
        %dma_start3A_453 = tpu.memref_slice %arg8[%run_scoped3A_229, %run_scoped3A_230, %dma_start3A_452] : memref<2x8x125xi32, #tpu.memory_space<vmem>> -> memref<1x1x125xi32, #tpu.memory_space<vmem>>
        %dma_start3A_454 = tpu.memref_squeeze %dma_start3A_453 : memref<1x1x125xi32, #tpu.memory_space<vmem>> -> memref<125xi32, #tpu.memory_space<vmem>>
        %dma_start3A_455 = arith.constant 0 : i32
        %dma_start3A_456 = arith.constant 0 : i32
        %dma_start3A_457 = tpu.memref_slice %arg6[%dma_start3A_455, %dma_start3A_456] : memref<10240x128xf32, #tpu.memory_space<vmem_shared>> -> memref<10240x128xf32, #tpu.memory_space<vmem_shared>>
        tpu.enqueue_indirect_dma source(%arg10 : memref<125x128xf32, #tpu.memory_space<vmem>>) target(%dma_start3A_457 : memref<10240x128xf32, #tpu.memory_space<vmem_shared>>) offsets(%dma_start3A_454 : memref<125xi32, #tpu.memory_space<vmem>>) semaphore(%run_scoped3A_451 : memref<!tpu.dma_semaphore, #tpu.memory_space<semaphore_mem>>) {add = true}
        %dma_wait3A_458 = arith.constant 0 : i32
        %dma_wait3A_459 = tpu.memref_slice %arg8[%run_scoped3A_229, %run_scoped3A_230, %dma_wait3A_458] : memref<2x8x125xi32, #tpu.memory_space<vmem>> -> memref<1x1x125xi32, #tpu.memory_space<vmem>>
        %dma_wait3A_460 = tpu.memref_squeeze %dma_wait3A_459 : memref<1x1x125xi32, #tpu.memory_space<vmem>> -> memref<125xi32, #tpu.memory_space<vmem>>
        %dma_wait3A_461 = arith.constant 0 : i32
        %dma_wait3A_462 = arith.constant 0 : i32
        %dma_wait3A_463 = tpu.memref_slice %arg6[%dma_wait3A_461, %dma_wait3A_462] : memref<10240x128xf32, #tpu.memory_space<vmem_shared>> -> memref<10240x128xf32, #tpu.memory_space<vmem_shared>>
        tpu.wait_indirect_dma semaphore(%run_scoped3A_451 : memref<!tpu.dma_semaphore, #tpu.memory_space<semaphore_mem>>) src(%arg10 : memref<125x128xf32, #tpu.memory_space<vmem>>) dst(%dma_wait3A_463 : memref<10240x128xf32, #tpu.memory_space<vmem_shared>>)
        tpu.yield
      }) : () -> ()
      %dma_start3A_231 = arith.constant 0 : i32
      %dma_start3A_232 = arith.constant 7 : i32
      %dma_start3A_233 = arith.constant 0 : i32
      %dma_start3A_234 = tpu.memref_slice %arg7[%dma_start3A_231, %dma_start3A_232, %dma_start3A_233] : memref<2x8x125xi32, #tpu.memory_space<vmem>> -> memref<1x1x125xi32, #tpu.memory_space<vmem>>
      %dma_start3A_235 = tpu.memref_squeeze %dma_start3A_234 : memref<1x1x125xi32, #tpu.memory_space<vmem>> -> memref<125xi32, #tpu.memory_space<vmem>>
      %dma_start3A_236 = arith.constant 0 : i32
      %dma_start3A_237 = arith.constant 0 : i32
      %dma_start3A_238 = tpu.memref_slice %arg2[%dma_start3A_236, %dma_start3A_237] : memref<10000x128xf32, #tpu.memory_space<hbm>> -> memref<10000x128xf32, #tpu.memory_space<hbm>>
      tpu.enqueue_indirect_dma source(%dma_start3A_238 : memref<10000x128xf32, #tpu.memory_space<hbm>>) target(%arg10 : memref<125x128xf32, #tpu.memory_space<vmem>>) offsets(%dma_start3A_235 : memref<125xi32, #tpu.memory_space<vmem>>) semaphore(%arg12 : memref<!tpu.dma_semaphore, #tpu.memory_space<semaphore_mem>>)
      %dma_wait3A_239 = arith.constant 0 : i32
      %dma_wait3A_240 = arith.constant 0 : i32
      %dma_wait3A_241 = arith.constant 0 : i32
      %dma_wait3A_242 = tpu.memref_slice %arg7[%dma_wait3A_239, %dma_wait3A_240, %dma_wait3A_241] : memref<2x8x125xi32, #tpu.memory_space<vmem>> -> memref<1x1x125xi32, #tpu.memory_space<vmem>>
      %dma_wait3A_243 = tpu.memref_squeeze %dma_wait3A_242 : memref<1x1x125xi32, #tpu.memory_space<vmem>> -> memref<125xi32, #tpu.memory_space<vmem>>
      %dma_wait3A_244 = arith.constant 0 : i32
      %dma_wait3A_245 = arith.constant 0 : i32
      %dma_wait3A_246 = tpu.memref_slice %arg2[%dma_wait3A_244, %dma_wait3A_245] : memref<10000x128xf32, #tpu.memory_space<hbm>> -> memref<10000x128xf32, #tpu.memory_space<hbm>>
      tpu.wait_indirect_dma semaphore(%arg11 : memref<!tpu.dma_semaphore, #tpu.memory_space<semaphore_mem>>) src(%dma_wait3A_246 : memref<10000x128xf32, #tpu.memory_space<hbm>>) dst(%arg9 : memref<125x128xf32, #tpu.memory_space<vmem>>)
      %run_scoped3A_247 = arith.constant 0 : i32
      %run_scoped3A_248 = arith.constant 6 : i32
      "tpu.region"() ({
        %run_scoped3A_451 = tpu.sem_alloc : memref<!tpu.dma_semaphore, #tpu.memory_space<semaphore_mem>>
        %dma_start3A_452 = arith.constant 0 : i32
        %dma_start3A_453 = tpu.memref_slice %arg8[%run_scoped3A_247, %run_scoped3A_248, %dma_start3A_452] : memref<2x8x125xi32, #tpu.memory_space<vmem>> -> memref<1x1x125xi32, #tpu.memory_space<vmem>>
        %dma_start3A_454 = tpu.memref_squeeze %dma_start3A_453 : memref<1x1x125xi32, #tpu.memory_space<vmem>> -> memref<125xi32, #tpu.memory_space<vmem>>
        %dma_start3A_455 = arith.constant 0 : i32
        %dma_start3A_456 = arith.constant 0 : i32
        %dma_start3A_457 = tpu.memref_slice %arg6[%dma_start3A_455, %dma_start3A_456] : memref<10240x128xf32, #tpu.memory_space<vmem_shared>> -> memref<10240x128xf32, #tpu.memory_space<vmem_shared>>
        tpu.enqueue_indirect_dma source(%arg9 : memref<125x128xf32, #tpu.memory_space<vmem>>) target(%dma_start3A_457 : memref<10240x128xf32, #tpu.memory_space<vmem_shared>>) offsets(%dma_start3A_454 : memref<125xi32, #tpu.memory_space<vmem>>) semaphore(%run_scoped3A_451 : memref<!tpu.dma_semaphore, #tpu.memory_space<semaphore_mem>>) {add = true}
        %dma_wait3A_458 = arith.constant 0 : i32
        %dma_wait3A_459 = tpu.memref_slice %arg8[%run_scoped3A_247, %run_scoped3A_248, %dma_wait3A_458] : memref<2x8x125xi32, #tpu.memory_space<vmem>> -> memref<1x1x125xi32, #tpu.memory_space<vmem>>
        %dma_wait3A_460 = tpu.memref_squeeze %dma_wait3A_459 : memref<1x1x125xi32, #tpu.memory_space<vmem>> -> memref<125xi32, #tpu.memory_space<vmem>>
        %dma_wait3A_461 = arith.constant 0 : i32
        %dma_wait3A_462 = arith.constant 0 : i32
        %dma_wait3A_463 = tpu.memref_slice %arg6[%dma_wait3A_461, %dma_wait3A_462] : memref<10240x128xf32, #tpu.memory_space<vmem_shared>> -> memref<10240x128xf32, #tpu.memory_space<vmem_shared>>
        tpu.wait_indirect_dma semaphore(%run_scoped3A_451 : memref<!tpu.dma_semaphore, #tpu.memory_space<semaphore_mem>>) src(%arg9 : memref<125x128xf32, #tpu.memory_space<vmem>>) dst(%dma_wait3A_463 : memref<10240x128xf32, #tpu.memory_space<vmem_shared>>)
        tpu.yield
      }) : () -> ()
      %dma_wait3A_249 = arith.constant 1 : i32
      %dma_wait3A_250 = arith.constant 0 : i32
      %dma_wait3A_251 = arith.constant 0 : i32
      %dma_wait3A_252 = tpu.memref_slice %arg7[%dma_wait3A_249, %dma_wait3A_250, %dma_wait3A_251] : memref<2x8x125xi32, #tpu.memory_space<vmem>> -> memref<1x8x125xi32, #tpu.memory_space<vmem>>
      %dma_wait3A_253 = tpu.memref_squeeze %dma_wait3A_252 : memref<1x8x125xi32, #tpu.memory_space<vmem>> -> memref<8x125xi32, #tpu.memory_space<vmem>>
      %dma_wait3A_254 = arith.constant 0 : i32
      %dma_wait3A_255 = arith.constant 0 : i32
      %dma_wait3A_256 = tpu.memref_slice %arg3[%dma_wait3A_254, %dma_wait3A_255] : memref<2560x125xi32, #tpu.memory_space<hbm>> -> memref<8x125xi32, #tpu.memory_space<hbm>>
      %dma_wait3A_257 = arith.constant 0 : i32
      %dma_wait3A_258 = arith.constant 0 : i32
      %dma_wait3A_259 = tpu.memref_slice %arg7[%dma_wait3A_249, %dma_wait3A_257, %dma_wait3A_258] : memref<2x8x125xi32, #tpu.memory_space<vmem>> -> memref<1x8x125xi32, #tpu.memory_space<vmem>>
      %dma_wait3A_260 = tpu.memref_squeeze %dma_wait3A_259 : memref<1x8x125xi32, #tpu.memory_space<vmem>> -> memref<8x125xi32, #tpu.memory_space<vmem>>
      %dma_wait3A_261 = arith.constant 0 : i32
      %dma_wait3A_262 = arith.constant 0 : i32
      %dma_wait3A_263 = tpu.memref_slice %arg3[%dma_wait3A_261, %dma_wait3A_262] : memref<2560x125xi32, #tpu.memory_space<hbm>> -> memref<8x125xi32, #tpu.memory_space<hbm>>
      tpu.wait_dma2 semaphore(%arg14 : memref<!tpu.dma_semaphore, #tpu.memory_space<semaphore_mem>>) src(%dma_wait3A_263 : memref<8x125xi32, #tpu.memory_space<hbm>>) dst(%dma_wait3A_260 : memref<8x125xi32, #tpu.memory_space<vmem>>)
      %dma_wait3A_264 = arith.constant 1 : i32
      %dma_wait3A_265 = arith.constant 0 : i32
      %dma_wait3A_266 = arith.constant 0 : i32
      %dma_wait3A_267 = tpu.memref_slice %arg8[%dma_wait3A_264, %dma_wait3A_265, %dma_wait3A_266] : memref<2x8x125xi32, #tpu.memory_space<vmem>> -> memref<1x8x125xi32, #tpu.memory_space<vmem>>
      %dma_wait3A_268 = tpu.memref_squeeze %dma_wait3A_267 : memref<1x8x125xi32, #tpu.memory_space<vmem>> -> memref<8x125xi32, #tpu.memory_space<vmem>>
      %dma_wait3A_269 = arith.constant 0 : i32
      %dma_wait3A_270 = arith.constant 0 : i32
      %dma_wait3A_271 = tpu.memref_slice %arg4[%dma_wait3A_269, %dma_wait3A_270] : memref<2560x125xi32, #tpu.memory_space<hbm>> -> memref<8x125xi32, #tpu.memory_space<hbm>>
      %dma_wait3A_272 = arith.constant 0 : i32
      %dma_wait3A_273 = arith.constant 0 : i32
      %dma_wait3A_274 = tpu.memref_slice %arg8[%dma_wait3A_264, %dma_wait3A_272, %dma_wait3A_273] : memref<2x8x125xi32, #tpu.memory_space<vmem>> -> memref<1x8x125xi32, #tpu.memory_space<vmem>>
      %dma_wait3A_275 = tpu.memref_squeeze %dma_wait3A_274 : memref<1x8x125xi32, #tpu.memory_space<vmem>> -> memref<8x125xi32, #tpu.memory_space<vmem>>
      %dma_wait3A_276 = arith.constant 0 : i32
      %dma_wait3A_277 = arith.constant 0 : i32
      %dma_wait3A_278 = tpu.memref_slice %arg4[%dma_wait3A_276, %dma_wait3A_277] : memref<2560x125xi32, #tpu.memory_space<hbm>> -> memref<8x125xi32, #tpu.memory_space<hbm>>
      tpu.wait_dma2 semaphore(%arg14 : memref<!tpu.dma_semaphore, #tpu.memory_space<semaphore_mem>>) src(%dma_wait3A_278 : memref<8x125xi32, #tpu.memory_space<hbm>>) dst(%dma_wait3A_275 : memref<8x125xi32, #tpu.memory_space<vmem>>)
      %dma_start3A_279 = arith.constant 1 : i32
      %dma_start3A_280 = arith.constant 0 : i32
      %dma_start3A_281 = arith.constant 0 : i32
      %dma_start3A_282 = tpu.memref_slice %arg7[%dma_start3A_279, %dma_start3A_280, %dma_start3A_281] : memref<2x8x125xi32, #tpu.memory_space<vmem>> -> memref<1x1x125xi32, #tpu.memory_space<vmem>>
      %dma_start3A_283 = tpu.memref_squeeze %dma_start3A_282 : memref<1x1x125xi32, #tpu.memory_space<vmem>> -> memref<125xi32, #tpu.memory_space<vmem>>
      %dma_start3A_284 = arith.constant 0 : i32
      %dma_start3A_285 = arith.constant 0 : i32
      %dma_start3A_286 = tpu.memref_slice %arg2[%dma_start3A_284, %dma_start3A_285] : memref<10000x128xf32, #tpu.memory_space<hbm>> -> memref<10000x128xf32, #tpu.memory_space<hbm>>
      tpu.enqueue_indirect_dma source(%dma_start3A_286 : memref<10000x128xf32, #tpu.memory_space<hbm>>) target(%arg9 : memref<125x128xf32, #tpu.memory_space<vmem>>) offsets(%dma_start3A_283 : memref<125xi32, #tpu.memory_space<vmem>>) semaphore(%arg11 : memref<!tpu.dma_semaphore, #tpu.memory_space<semaphore_mem>>)
      %dma_wait3A_287 = arith.constant 0 : i32
      %dma_wait3A_288 = arith.constant 0 : i32
      %dma_wait3A_289 = arith.constant 0 : i32
      %dma_wait3A_290 = tpu.memref_slice %arg7[%dma_wait3A_287, %dma_wait3A_288, %dma_wait3A_289] : memref<2x8x125xi32, #tpu.memory_space<vmem>> -> memref<1x1x125xi32, #tpu.memory_space<vmem>>
      %dma_wait3A_291 = tpu.memref_squeeze %dma_wait3A_290 : memref<1x1x125xi32, #tpu.memory_space<vmem>> -> memref<125xi32, #tpu.memory_space<vmem>>
      %dma_wait3A_292 = arith.constant 0 : i32
      %dma_wait3A_293 = arith.constant 0 : i32
      %dma_wait3A_294 = tpu.memref_slice %arg2[%dma_wait3A_292, %dma_wait3A_293] : memref<10000x128xf32, #tpu.memory_space<hbm>> -> memref<10000x128xf32, #tpu.memory_space<hbm>>
      tpu.wait_indirect_dma semaphore(%arg12 : memref<!tpu.dma_semaphore, #tpu.memory_space<semaphore_mem>>) src(%dma_wait3A_294 : memref<10000x128xf32, #tpu.memory_space<hbm>>) dst(%arg10 : memref<125x128xf32, #tpu.memory_space<vmem>>)
      %run_scoped3A_295 = arith.constant 0 : i32
      %run_scoped3A_296 = arith.constant 7 : i32
      "tpu.region"() ({
        %run_scoped3A_451 = tpu.sem_alloc : memref<!tpu.dma_semaphore, #tpu.memory_space<semaphore_mem>>
        %dma_start3A_452 = arith.constant 0 : i32
        %dma_start3A_453 = tpu.memref_slice %arg8[%run_scoped3A_295, %run_scoped3A_296, %dma_start3A_452] : memref<2x8x125xi32, #tpu.memory_space<vmem>> -> memref<1x1x125xi32, #tpu.memory_space<vmem>>
        %dma_start3A_454 = tpu.memref_squeeze %dma_start3A_453 : memref<1x1x125xi32, #tpu.memory_space<vmem>> -> memref<125xi32, #tpu.memory_space<vmem>>
        %dma_start3A_455 = arith.constant 0 : i32
        %dma_start3A_456 = arith.constant 0 : i32
        %dma_start3A_457 = tpu.memref_slice %arg6[%dma_start3A_455, %dma_start3A_456] : memref<10240x128xf32, #tpu.memory_space<vmem_shared>> -> memref<10240x128xf32, #tpu.memory_space<vmem_shared>>
        tpu.enqueue_indirect_dma source(%arg10 : memref<125x128xf32, #tpu.memory_space<vmem>>) target(%dma_start3A_457 : memref<10240x128xf32, #tpu.memory_space<vmem_shared>>) offsets(%dma_start3A_454 : memref<125xi32, #tpu.memory_space<vmem>>) semaphore(%run_scoped3A_451 : memref<!tpu.dma_semaphore, #tpu.memory_space<semaphore_mem>>) {add = true}
        %dma_wait3A_458 = arith.constant 0 : i32
        %dma_wait3A_459 = tpu.memref_slice %arg8[%run_scoped3A_295, %run_scoped3A_296, %dma_wait3A_458] : memref<2x8x125xi32, #tpu.memory_space<vmem>> -> memref<1x1x125xi32, #tpu.memory_space<vmem>>
        %dma_wait3A_460 = tpu.memref_squeeze %dma_wait3A_459 : memref<1x1x125xi32, #tpu.memory_space<vmem>> -> memref<125xi32, #tpu.memory_space<vmem>>
        %dma_wait3A_461 = arith.constant 0 : i32
        %dma_wait3A_462 = arith.constant 0 : i32
        %dma_wait3A_463 = tpu.memref_slice %arg6[%dma_wait3A_461, %dma_wait3A_462] : memref<10240x128xf32, #tpu.memory_space<vmem_shared>> -> memref<10240x128xf32, #tpu.memory_space<vmem_shared>>
        tpu.wait_indirect_dma semaphore(%run_scoped3A_451 : memref<!tpu.dma_semaphore, #tpu.memory_space<semaphore_mem>>) src(%arg10 : memref<125x128xf32, #tpu.memory_space<vmem>>) dst(%dma_wait3A_463 : memref<10240x128xf32, #tpu.memory_space<vmem_shared>>)
        tpu.yield
      }) : () -> ()
      %add3A_297 = arith.constant 2 : i32
      %add3A_298 = arith.addi %add3A_123, %add3A_297 : i32
      %lt3A = arith.constant 10 : i32
      %lt3A_299 = arith.cmpi slt, %add3A_298, %lt3A : i32
      %convert_element_type3A = arith.extui %lt3A_299 : i1 to i32
      %cond3A = arith.constant 0 : i32
      %cond3A_300 = arith.cmpi ne, %convert_element_type3A, %cond3A : i32
      scf.if %cond3A_300 {
        %add3A_451 = arith.constant 2 : i32
        %add3A_452 = arith.addi %add3A_123, %add3A_451 : i32
        %mul3A_453 = arith.constant 8 : i32
        %mul3A_454 = arith.muli %add3A_452, %mul3A_453 : i32
        %add3A_455 = arith.addi %mul3A_2, %mul3A_454 : i32
        %dma_start3A_456 = arith.constant 0 : i32
        %dma_start3A_457 = arith.constant 0 : i32
        %dma_start3A_458 = arith.constant 0 : i32
        %dma_start3A_459 = tpu.memref_slice %arg7[%dma_start3A_456, %dma_start3A_457, %dma_start3A_458] : memref<2x8x125xi32, #tpu.memory_space<vmem>> -> memref<1x8x125xi32, #tpu.memory_space<vmem>>
        %dma_start3A_460 = tpu.memref_squeeze %dma_start3A_459 : memref<1x8x125xi32, #tpu.memory_space<vmem>> -> memref<8x125xi32, #tpu.memory_space<vmem>>
        %dma_start3A_461 = arith.constant 0 : i32
        %dma_start3A_462 = tpu.memref_slice %arg3[%add3A_455, %dma_start3A_461] : memref<2560x125xi32, #tpu.memory_space<hbm>> -> memref<8x125xi32, #tpu.memory_space<hbm>>
        %dma_start3A_463 = arith.constant 0 : i32
        %dma_start3A_464 = arith.constant 0 : i32
        %dma_start3A_465 = tpu.memref_slice %arg7[%dma_start3A_456, %dma_start3A_463, %dma_start3A_464] : memref<2x8x125xi32, #tpu.memory_space<vmem>> -> memref<1x8x125xi32, #tpu.memory_space<vmem>>
        %dma_start3A_466 = tpu.memref_squeeze %dma_start3A_465 : memref<1x8x125xi32, #tpu.memory_space<vmem>> -> memref<8x125xi32, #tpu.memory_space<vmem>>
        %dma_start3A_467 = arith.constant 0 : i32
        %dma_start3A_468 = tpu.memref_slice %arg3[%add3A_455, %dma_start3A_467] : memref<2560x125xi32, #tpu.memory_space<hbm>> -> memref<8x125xi32, #tpu.memory_space<hbm>>
        tpu.enqueue_dma source(%dma_start3A_468 : memref<8x125xi32, #tpu.memory_space<hbm>>) target(%dma_start3A_466 : memref<8x125xi32, #tpu.memory_space<vmem>>) target_semaphore(%arg13 : memref<!tpu.dma_semaphore, #tpu.memory_space<semaphore_mem>>)
        %mul3A_469 = arith.constant 8 : i32
        %mul3A_470 = arith.muli %add3A_452, %mul3A_469 : i32
        %add3A_471 = arith.addi %mul3A_2, %mul3A_470 : i32
        %dma_start3A_472 = arith.constant 0 : i32
        %dma_start3A_473 = arith.constant 0 : i32
        %dma_start3A_474 = arith.constant 0 : i32
        %dma_start3A_475 = tpu.memref_slice %arg8[%dma_start3A_472, %dma_start3A_473, %dma_start3A_474] : memref<2x8x125xi32, #tpu.memory_space<vmem>> -> memref<1x8x125xi32, #tpu.memory_space<vmem>>
        %dma_start3A_476 = tpu.memref_squeeze %dma_start3A_475 : memref<1x8x125xi32, #tpu.memory_space<vmem>> -> memref<8x125xi32, #tpu.memory_space<vmem>>
        %dma_start3A_477 = arith.constant 0 : i32
        %dma_start3A_478 = tpu.memref_slice %arg4[%add3A_471, %dma_start3A_477] : memref<2560x125xi32, #tpu.memory_space<hbm>> -> memref<8x125xi32, #tpu.memory_space<hbm>>
        %dma_start3A_479 = arith.constant 0 : i32
        %dma_start3A_480 = arith.constant 0 : i32
        %dma_start3A_481 = tpu.memref_slice %arg8[%dma_start3A_472, %dma_start3A_479, %dma_start3A_480] : memref<2x8x125xi32, #tpu.memory_space<vmem>> -> memref<1x8x125xi32, #tpu.memory_space<vmem>>
        %dma_start3A_482 = tpu.memref_squeeze %dma_start3A_481 : memref<1x8x125xi32, #tpu.memory_space<vmem>> -> memref<8x125xi32, #tpu.memory_space<vmem>>
        %dma_start3A_483 = arith.constant 0 : i32
        %dma_start3A_484 = tpu.memref_slice %arg4[%add3A_471, %dma_start3A_483] : memref<2560x125xi32, #tpu.memory_space<hbm>> -> memref<8x125xi32, #tpu.memory_space<hbm>>
        tpu.enqueue_dma source(%dma_start3A_484 : memref<8x125xi32, #tpu.memory_space<hbm>>) target(%dma_start3A_482 : memref<8x125xi32, #tpu.memory_space<vmem>>) target_semaphore(%arg13 : memref<!tpu.dma_semaphore, #tpu.memory_space<semaphore_mem>>)
      } else {
      }
      %dma_start3A_301 = arith.constant 1 : i32
      %dma_start3A_302 = arith.constant 1 : i32
      %dma_start3A_303 = arith.constant 0 : i32
      %dma_start3A_304 = tpu.memref_slice %arg7[%dma_start3A_301, %dma_start3A_302, %dma_start3A_303] : memref<2x8x125xi32, #tpu.memory_space<vmem>> -> memref<1x1x125xi32, #tpu.memory_space<vmem>>
      %dma_start3A_305 = tpu.memref_squeeze %dma_start3A_304 : memref<1x1x125xi32, #tpu.memory_space<vmem>> -> memref<125xi32, #tpu.memory_space<vmem>>
      %dma_start3A_306 = arith.constant 0 : i32
      %dma_start3A_307 = arith.constant 0 : i32
      %dma_start3A_308 = tpu.memref_slice %arg2[%dma_start3A_306, %dma_start3A_307] : memref<10000x128xf32, #tpu.memory_space<hbm>> -> memref<10000x128xf32, #tpu.memory_space<hbm>>
      tpu.enqueue_indirect_dma source(%dma_start3A_308 : memref<10000x128xf32, #tpu.memory_space<hbm>>) target(%arg10 : memref<125x128xf32, #tpu.memory_space<vmem>>) offsets(%dma_start3A_305 : memref<125xi32, #tpu.memory_space<vmem>>) semaphore(%arg12 : memref<!tpu.dma_semaphore, #tpu.memory_space<semaphore_mem>>)
      %dma_wait3A_309 = arith.constant 0 : i32
      %dma_wait3A_310 = arith.constant 0 : i32
      %dma_wait3A_311 = arith.constant 0 : i32
      %dma_wait3A_312 = tpu.memref_slice %arg7[%dma_wait3A_309, %dma_wait3A_310, %dma_wait3A_311] : memref<2x8x125xi32, #tpu.memory_space<vmem>> -> memref<1x1x125xi32, #tpu.memory_space<vmem>>
      %dma_wait3A_313 = tpu.memref_squeeze %dma_wait3A_312 : memref<1x1x125xi32, #tpu.memory_space<vmem>> -> memref<125xi32, #tpu.memory_space<vmem>>
      %dma_wait3A_314 = arith.constant 0 : i32
      %dma_wait3A_315 = arith.constant 0 : i32
      %dma_wait3A_316 = tpu.memref_slice %arg2[%dma_wait3A_314, %dma_wait3A_315] : memref<10000x128xf32, #tpu.memory_space<hbm>> -> memref<10000x128xf32, #tpu.memory_space<hbm>>
      tpu.wait_indirect_dma semaphore(%arg11 : memref<!tpu.dma_semaphore, #tpu.memory_space<semaphore_mem>>) src(%dma_wait3A_316 : memref<10000x128xf32, #tpu.memory_space<hbm>>) dst(%arg9 : memref<125x128xf32, #tpu.memory_space<vmem>>)
      %run_scoped3A_317 = arith.constant 1 : i32
      %run_scoped3A_318 = arith.constant 0 : i32
      "tpu.region"() ({
        %run_scoped3A_451 = tpu.sem_alloc : memref<!tpu.dma_semaphore, #tpu.memory_space<semaphore_mem>>
        %dma_start3A_452 = arith.constant 0 : i32
        %dma_start3A_453 = tpu.memref_slice %arg8[%run_scoped3A_317, %run_scoped3A_318, %dma_start3A_452] : memref<2x8x125xi32, #tpu.memory_space<vmem>> -> memref<1x1x125xi32, #tpu.memory_space<vmem>>
        %dma_start3A_454 = tpu.memref_squeeze %dma_start3A_453 : memref<1x1x125xi32, #tpu.memory_space<vmem>> -> memref<125xi32, #tpu.memory_space<vmem>>
        %dma_start3A_455 = arith.constant 0 : i32
        %dma_start3A_456 = arith.constant 0 : i32
        %dma_start3A_457 = tpu.memref_slice %arg6[%dma_start3A_455, %dma_start3A_456] : memref<10240x128xf32, #tpu.memory_space<vmem_shared>> -> memref<10240x128xf32, #tpu.memory_space<vmem_shared>>
        tpu.enqueue_indirect_dma source(%arg9 : memref<125x128xf32, #tpu.memory_space<vmem>>) target(%dma_start3A_457 : memref<10240x128xf32, #tpu.memory_space<vmem_shared>>) offsets(%dma_start3A_454 : memref<125xi32, #tpu.memory_space<vmem>>) semaphore(%run_scoped3A_451 : memref<!tpu.dma_semaphore, #tpu.memory_space<semaphore_mem>>) {add = true}
        %dma_wait3A_458 = arith.constant 0 : i32
        %dma_wait3A_459 = tpu.memref_slice %arg8[%run_scoped3A_317, %run_scoped3A_318, %dma_wait3A_458] : memref<2x8x125xi32, #tpu.memory_space<vmem>> -> memref<1x1x125xi32, #tpu.memory_space<vmem>>
        %dma_wait3A_460 = tpu.memref_squeeze %dma_wait3A_459 : memref<1x1x125xi32, #tpu.memory_space<vmem>> -> memref<125xi32, #tpu.memory_space<vmem>>
        %dma_wait3A_461 = arith.constant 0 : i32
        %dma_wait3A_462 = arith.constant 0 : i32
        %dma_wait3A_463 = tpu.memref_slice %arg6[%dma_wait3A_461, %dma_wait3A_462] : memref<10240x128xf32, #tpu.memory_space<vmem_shared>> -> memref<10240x128xf32, #tpu.memory_space<vmem_shared>>
        tpu.wait_indirect_dma semaphore(%run_scoped3A_451 : memref<!tpu.dma_semaphore, #tpu.memory_space<semaphore_mem>>) src(%arg9 : memref<125x128xf32, #tpu.memory_space<vmem>>) dst(%dma_wait3A_463 : memref<10240x128xf32, #tpu.memory_space<vmem_shared>>)
        tpu.yield
      }) : () -> ()
      %dma_start3A_319 = arith.constant 1 : i32
      %dma_start3A_320 = arith.constant 2 : i32
      %dma_start3A_321 = arith.constant 0 : i32
      %dma_start3A_322 = tpu.memref_slice %arg7[%dma_start3A_319, %dma_start3A_320, %dma_start3A_321] : memref<2x8x125xi32, #tpu.memory_space<vmem>> -> memref<1x1x125xi32, #tpu.memory_space<vmem>>
      %dma_start3A_323 = tpu.memref_squeeze %dma_start3A_322 : memref<1x1x125xi32, #tpu.memory_space<vmem>> -> memref<125xi32, #tpu.memory_space<vmem>>
      %dma_start3A_324 = arith.constant 0 : i32
      %dma_start3A_325 = arith.constant 0 : i32
      %dma_start3A_326 = tpu.memref_slice %arg2[%dma_start3A_324, %dma_start3A_325] : memref<10000x128xf32, #tpu.memory_space<hbm>> -> memref<10000x128xf32, #tpu.memory_space<hbm>>
      tpu.enqueue_indirect_dma source(%dma_start3A_326 : memref<10000x128xf32, #tpu.memory_space<hbm>>) target(%arg9 : memref<125x128xf32, #tpu.memory_space<vmem>>) offsets(%dma_start3A_323 : memref<125xi32, #tpu.memory_space<vmem>>) semaphore(%arg11 : memref<!tpu.dma_semaphore, #tpu.memory_space<semaphore_mem>>)
      %dma_wait3A_327 = arith.constant 0 : i32
      %dma_wait3A_328 = arith.constant 0 : i32
      %dma_wait3A_329 = arith.constant 0 : i32
      %dma_wait3A_330 = tpu.memref_slice %arg7[%dma_wait3A_327, %dma_wait3A_328, %dma_wait3A_329] : memref<2x8x125xi32, #tpu.memory_space<vmem>> -> memref<1x1x125xi32, #tpu.memory_space<vmem>>
      %dma_wait3A_331 = tpu.memref_squeeze %dma_wait3A_330 : memref<1x1x125xi32, #tpu.memory_space<vmem>> -> memref<125xi32, #tpu.memory_space<vmem>>
      %dma_wait3A_332 = arith.constant 0 : i32
      %dma_wait3A_333 = arith.constant 0 : i32
      %dma_wait3A_334 = tpu.memref_slice %arg2[%dma_wait3A_332, %dma_wait3A_333] : memref<10000x128xf32, #tpu.memory_space<hbm>> -> memref<10000x128xf32, #tpu.memory_space<hbm>>
      tpu.wait_indirect_dma semaphore(%arg12 : memref<!tpu.dma_semaphore, #tpu.memory_space<semaphore_mem>>) src(%dma_wait3A_334 : memref<10000x128xf32, #tpu.memory_space<hbm>>) dst(%arg10 : memref<125x128xf32, #tpu.memory_space<vmem>>)
      %run_scoped3A_335 = arith.constant 1 : i32
      %run_scoped3A_336 = arith.constant 1 : i32
      "tpu.region"() ({
        %run_scoped3A_451 = tpu.sem_alloc : memref<!tpu.dma_semaphore, #tpu.memory_space<semaphore_mem>>
        %dma_start3A_452 = arith.constant 0 : i32
        %dma_start3A_453 = tpu.memref_slice %arg8[%run_scoped3A_335, %run_scoped3A_336, %dma_start3A_452] : memref<2x8x125xi32, #tpu.memory_space<vmem>> -> memref<1x1x125xi32, #tpu.memory_space<vmem>>
        %dma_start3A_454 = tpu.memref_squeeze %dma_start3A_453 : memref<1x1x125xi32, #tpu.memory_space<vmem>> -> memref<125xi32, #tpu.memory_space<vmem>>
        %dma_start3A_455 = arith.constant 0 : i32
        %dma_start3A_456 = arith.constant 0 : i32
        %dma_start3A_457 = tpu.memref_slice %arg6[%dma_start3A_455, %dma_start3A_456] : memref<10240x128xf32, #tpu.memory_space<vmem_shared>> -> memref<10240x128xf32, #tpu.memory_space<vmem_shared>>
        tpu.enqueue_indirect_dma source(%arg10 : memref<125x128xf32, #tpu.memory_space<vmem>>) target(%dma_start3A_457 : memref<10240x128xf32, #tpu.memory_space<vmem_shared>>) offsets(%dma_start3A_454 : memref<125xi32, #tpu.memory_space<vmem>>) semaphore(%run_scoped3A_451 : memref<!tpu.dma_semaphore, #tpu.memory_space<semaphore_mem>>) {add = true}
        %dma_wait3A_458 = arith.constant 0 : i32
        %dma_wait3A_459 = tpu.memref_slice %arg8[%run_scoped3A_335, %run_scoped3A_336, %dma_wait3A_458] : memref<2x8x125xi32, #tpu.memory_space<vmem>> -> memref<1x1x125xi32, #tpu.memory_space<vmem>>
        %dma_wait3A_460 = tpu.memref_squeeze %dma_wait3A_459 : memref<1x1x125xi32, #tpu.memory_space<vmem>> -> memref<125xi32, #tpu.memory_space<vmem>>
        %dma_wait3A_461 = arith.constant 0 : i32
        %dma_wait3A_462 = arith.constant 0 : i32
        %dma_wait3A_463 = tpu.memref_slice %arg6[%dma_wait3A_461, %dma_wait3A_462] : memref<10240x128xf32, #tpu.memory_space<vmem_shared>> -> memref<10240x128xf32, #tpu.memory_space<vmem_shared>>
        tpu.wait_indirect_dma semaphore(%run_scoped3A_451 : memref<!tpu.dma_semaphore, #tpu.memory_space<semaphore_mem>>) src(%arg10 : memref<125x128xf32, #tpu.memory_space<vmem>>) dst(%dma_wait3A_463 : memref<10240x128xf32, #tpu.memory_space<vmem_shared>>)
        tpu.yield
      }) : () -> ()
      %dma_start3A_337 = arith.constant 1 : i32
      %dma_start3A_338 = arith.constant 3 : i32
      %dma_start3A_339 = arith.constant 0 : i32
      %dma_start3A_340 = tpu.memref_slice %arg7[%dma_start3A_337, %dma_start3A_338, %dma_start3A_339] : memref<2x8x125xi32, #tpu.memory_space<vmem>> -> memref<1x1x125xi32, #tpu.memory_space<vmem>>
      %dma_start3A_341 = tpu.memref_squeeze %dma_start3A_340 : memref<1x1x125xi32, #tpu.memory_space<vmem>> -> memref<125xi32, #tpu.memory_space<vmem>>
      %dma_start3A_342 = arith.constant 0 : i32
      %dma_start3A_343 = arith.constant 0 : i32
      %dma_start3A_344 = tpu.memref_slice %arg2[%dma_start3A_342, %dma_start3A_343] : memref<10000x128xf32, #tpu.memory_space<hbm>> -> memref<10000x128xf32, #tpu.memory_space<hbm>>
      tpu.enqueue_indirect_dma source(%dma_start3A_344 : memref<10000x128xf32, #tpu.memory_space<hbm>>) target(%arg10 : memref<125x128xf32, #tpu.memory_space<vmem>>) offsets(%dma_start3A_341 : memref<125xi32, #tpu.memory_space<vmem>>) semaphore(%arg12 : memref<!tpu.dma_semaphore, #tpu.memory_space<semaphore_mem>>)
      %dma_wait3A_345 = arith.constant 0 : i32
      %dma_wait3A_346 = arith.constant 0 : i32
      %dma_wait3A_347 = arith.constant 0 : i32
      %dma_wait3A_348 = tpu.memref_slice %arg7[%dma_wait3A_345, %dma_wait3A_346, %dma_wait3A_347] : memref<2x8x125xi32, #tpu.memory_space<vmem>> -> memref<1x1x125xi32, #tpu.memory_space<vmem>>
      %dma_wait3A_349 = tpu.memref_squeeze %dma_wait3A_348 : memref<1x1x125xi32, #tpu.memory_space<vmem>> -> memref<125xi32, #tpu.memory_space<vmem>>
      %dma_wait3A_350 = arith.constant 0 : i32
      %dma_wait3A_351 = arith.constant 0 : i32
      %dma_wait3A_352 = tpu.memref_slice %arg2[%dma_wait3A_350, %dma_wait3A_351] : memref<10000x128xf32, #tpu.memory_space<hbm>> -> memref<10000x128xf32, #tpu.memory_space<hbm>>
      tpu.wait_indirect_dma semaphore(%arg11 : memref<!tpu.dma_semaphore, #tpu.memory_space<semaphore_mem>>) src(%dma_wait3A_352 : memref<10000x128xf32, #tpu.memory_space<hbm>>) dst(%arg9 : memref<125x128xf32, #tpu.memory_space<vmem>>)
      %run_scoped3A_353 = arith.constant 1 : i32
      %run_scoped3A_354 = arith.constant 2 : i32
      "tpu.region"() ({
        %run_scoped3A_451 = tpu.sem_alloc : memref<!tpu.dma_semaphore, #tpu.memory_space<semaphore_mem>>
        %dma_start3A_452 = arith.constant 0 : i32
        %dma_start3A_453 = tpu.memref_slice %arg8[%run_scoped3A_353, %run_scoped3A_354, %dma_start3A_452] : memref<2x8x125xi32, #tpu.memory_space<vmem>> -> memref<1x1x125xi32, #tpu.memory_space<vmem>>
        %dma_start3A_454 = tpu.memref_squeeze %dma_start3A_453 : memref<1x1x125xi32, #tpu.memory_space<vmem>> -> memref<125xi32, #tpu.memory_space<vmem>>
        %dma_start3A_455 = arith.constant 0 : i32
        %dma_start3A_456 = arith.constant 0 : i32
        %dma_start3A_457 = tpu.memref_slice %arg6[%dma_start3A_455, %dma_start3A_456] : memref<10240x128xf32, #tpu.memory_space<vmem_shared>> -> memref<10240x128xf32, #tpu.memory_space<vmem_shared>>
        tpu.enqueue_indirect_dma source(%arg9 : memref<125x128xf32, #tpu.memory_space<vmem>>) target(%dma_start3A_457 : memref<10240x128xf32, #tpu.memory_space<vmem_shared>>) offsets(%dma_start3A_454 : memref<125xi32, #tpu.memory_space<vmem>>) semaphore(%run_scoped3A_451 : memref<!tpu.dma_semaphore, #tpu.memory_space<semaphore_mem>>) {add = true}
        %dma_wait3A_458 = arith.constant 0 : i32
        %dma_wait3A_459 = tpu.memref_slice %arg8[%run_scoped3A_353, %run_scoped3A_354, %dma_wait3A_458] : memref<2x8x125xi32, #tpu.memory_space<vmem>> -> memref<1x1x125xi32, #tpu.memory_space<vmem>>
        %dma_wait3A_460 = tpu.memref_squeeze %dma_wait3A_459 : memref<1x1x125xi32, #tpu.memory_space<vmem>> -> memref<125xi32, #tpu.memory_space<vmem>>
        %dma_wait3A_461 = arith.constant 0 : i32
        %dma_wait3A_462 = arith.constant 0 : i32
        %dma_wait3A_463 = tpu.memref_slice %arg6[%dma_wait3A_461, %dma_wait3A_462] : memref<10240x128xf32, #tpu.memory_space<vmem_shared>> -> memref<10240x128xf32, #tpu.memory_space<vmem_shared>>
        tpu.wait_indirect_dma semaphore(%run_scoped3A_451 : memref<!tpu.dma_semaphore, #tpu.memory_space<semaphore_mem>>) src(%arg9 : memref<125x128xf32, #tpu.memory_space<vmem>>) dst(%dma_wait3A_463 : memref<10240x128xf32, #tpu.memory_space<vmem_shared>>)
        tpu.yield
      }) : () -> ()
      %dma_start3A_355 = arith.constant 1 : i32
      %dma_start3A_356 = arith.constant 4 : i32
      %dma_start3A_357 = arith.constant 0 : i32
      %dma_start3A_358 = tpu.memref_slice %arg7[%dma_start3A_355, %dma_start3A_356, %dma_start3A_357] : memref<2x8x125xi32, #tpu.memory_space<vmem>> -> memref<1x1x125xi32, #tpu.memory_space<vmem>>
      %dma_start3A_359 = tpu.memref_squeeze %dma_start3A_358 : memref<1x1x125xi32, #tpu.memory_space<vmem>> -> memref<125xi32, #tpu.memory_space<vmem>>
      %dma_start3A_360 = arith.constant 0 : i32
      %dma_start3A_361 = arith.constant 0 : i32
      %dma_start3A_362 = tpu.memref_slice %arg2[%dma_start3A_360, %dma_start3A_361] : memref<10000x128xf32, #tpu.memory_space<hbm>> -> memref<10000x128xf32, #tpu.memory_space<hbm>>
      tpu.enqueue_indirect_dma source(%dma_start3A_362 : memref<10000x128xf32, #tpu.memory_space<hbm>>) target(%arg9 : memref<125x128xf32, #tpu.memory_space<vmem>>) offsets(%dma_start3A_359 : memref<125xi32, #tpu.memory_space<vmem>>) semaphore(%arg11 : memref<!tpu.dma_semaphore, #tpu.memory_space<semaphore_mem>>)
      %dma_wait3A_363 = arith.constant 0 : i32
      %dma_wait3A_364 = arith.constant 0 : i32
      %dma_wait3A_365 = arith.constant 0 : i32
      %dma_wait3A_366 = tpu.memref_slice %arg7[%dma_wait3A_363, %dma_wait3A_364, %dma_wait3A_365] : memref<2x8x125xi32, #tpu.memory_space<vmem>> -> memref<1x1x125xi32, #tpu.memory_space<vmem>>
      %dma_wait3A_367 = tpu.memref_squeeze %dma_wait3A_366 : memref<1x1x125xi32, #tpu.memory_space<vmem>> -> memref<125xi32, #tpu.memory_space<vmem>>
      %dma_wait3A_368 = arith.constant 0 : i32
      %dma_wait3A_369 = arith.constant 0 : i32
      %dma_wait3A_370 = tpu.memref_slice %arg2[%dma_wait3A_368, %dma_wait3A_369] : memref<10000x128xf32, #tpu.memory_space<hbm>> -> memref<10000x128xf32, #tpu.memory_space<hbm>>
      tpu.wait_indirect_dma semaphore(%arg12 : memref<!tpu.dma_semaphore, #tpu.memory_space<semaphore_mem>>) src(%dma_wait3A_370 : memref<10000x128xf32, #tpu.memory_space<hbm>>) dst(%arg10 : memref<125x128xf32, #tpu.memory_space<vmem>>)
      %run_scoped3A_371 = arith.constant 1 : i32
      %run_scoped3A_372 = arith.constant 3 : i32
      "tpu.region"() ({
        %run_scoped3A_451 = tpu.sem_alloc : memref<!tpu.dma_semaphore, #tpu.memory_space<semaphore_mem>>
        %dma_start3A_452 = arith.constant 0 : i32
        %dma_start3A_453 = tpu.memref_slice %arg8[%run_scoped3A_371, %run_scoped3A_372, %dma_start3A_452] : memref<2x8x125xi32, #tpu.memory_space<vmem>> -> memref<1x1x125xi32, #tpu.memory_space<vmem>>
        %dma_start3A_454 = tpu.memref_squeeze %dma_start3A_453 : memref<1x1x125xi32, #tpu.memory_space<vmem>> -> memref<125xi32, #tpu.memory_space<vmem>>
        %dma_start3A_455 = arith.constant 0 : i32
        %dma_start3A_456 = arith.constant 0 : i32
        %dma_start3A_457 = tpu.memref_slice %arg6[%dma_start3A_455, %dma_start3A_456] : memref<10240x128xf32, #tpu.memory_space<vmem_shared>> -> memref<10240x128xf32, #tpu.memory_space<vmem_shared>>
        tpu.enqueue_indirect_dma source(%arg10 : memref<125x128xf32, #tpu.memory_space<vmem>>) target(%dma_start3A_457 : memref<10240x128xf32, #tpu.memory_space<vmem_shared>>) offsets(%dma_start3A_454 : memref<125xi32, #tpu.memory_space<vmem>>) semaphore(%run_scoped3A_451 : memref<!tpu.dma_semaphore, #tpu.memory_space<semaphore_mem>>) {add = true}
        %dma_wait3A_458 = arith.constant 0 : i32
        %dma_wait3A_459 = tpu.memref_slice %arg8[%run_scoped3A_371, %run_scoped3A_372, %dma_wait3A_458] : memref<2x8x125xi32, #tpu.memory_space<vmem>> -> memref<1x1x125xi32, #tpu.memory_space<vmem>>
        %dma_wait3A_460 = tpu.memref_squeeze %dma_wait3A_459 : memref<1x1x125xi32, #tpu.memory_space<vmem>> -> memref<125xi32, #tpu.memory_space<vmem>>
        %dma_wait3A_461 = arith.constant 0 : i32
        %dma_wait3A_462 = arith.constant 0 : i32
        %dma_wait3A_463 = tpu.memref_slice %arg6[%dma_wait3A_461, %dma_wait3A_462] : memref<10240x128xf32, #tpu.memory_space<vmem_shared>> -> memref<10240x128xf32, #tpu.memory_space<vmem_shared>>
        tpu.wait_indirect_dma semaphore(%run_scoped3A_451 : memref<!tpu.dma_semaphore, #tpu.memory_space<semaphore_mem>>) src(%arg10 : memref<125x128xf32, #tpu.memory_space<vmem>>) dst(%dma_wait3A_463 : memref<10240x128xf32, #tpu.memory_space<vmem_shared>>)
        tpu.yield
      }) : () -> ()
      %dma_start3A_373 = arith.constant 1 : i32
      %dma_start3A_374 = arith.constant 5 : i32
      %dma_start3A_375 = arith.constant 0 : i32
      %dma_start3A_376 = tpu.memref_slice %arg7[%dma_start3A_373, %dma_start3A_374, %dma_start3A_375] : memref<2x8x125xi32, #tpu.memory_space<vmem>> -> memref<1x1x125xi32, #tpu.memory_space<vmem>>
      %dma_start3A_377 = tpu.memref_squeeze %dma_start3A_376 : memref<1x1x125xi32, #tpu.memory_space<vmem>> -> memref<125xi32, #tpu.memory_space<vmem>>
      %dma_start3A_378 = arith.constant 0 : i32
      %dma_start3A_379 = arith.constant 0 : i32
      %dma_start3A_380 = tpu.memref_slice %arg2[%dma_start3A_378, %dma_start3A_379] : memref<10000x128xf32, #tpu.memory_space<hbm>> -> memref<10000x128xf32, #tpu.memory_space<hbm>>
      tpu.enqueue_indirect_dma source(%dma_start3A_380 : memref<10000x128xf32, #tpu.memory_space<hbm>>) target(%arg10 : memref<125x128xf32, #tpu.memory_space<vmem>>) offsets(%dma_start3A_377 : memref<125xi32, #tpu.memory_space<vmem>>) semaphore(%arg12 : memref<!tpu.dma_semaphore, #tpu.memory_space<semaphore_mem>>)
      %dma_wait3A_381 = arith.constant 0 : i32
      %dma_wait3A_382 = arith.constant 0 : i32
      %dma_wait3A_383 = arith.constant 0 : i32
      %dma_wait3A_384 = tpu.memref_slice %arg7[%dma_wait3A_381, %dma_wait3A_382, %dma_wait3A_383] : memref<2x8x125xi32, #tpu.memory_space<vmem>> -> memref<1x1x125xi32, #tpu.memory_space<vmem>>
      %dma_wait3A_385 = tpu.memref_squeeze %dma_wait3A_384 : memref<1x1x125xi32, #tpu.memory_space<vmem>> -> memref<125xi32, #tpu.memory_space<vmem>>
      %dma_wait3A_386 = arith.constant 0 : i32
      %dma_wait3A_387 = arith.constant 0 : i32
      %dma_wait3A_388 = tpu.memref_slice %arg2[%dma_wait3A_386, %dma_wait3A_387] : memref<10000x128xf32, #tpu.memory_space<hbm>> -> memref<10000x128xf32, #tpu.memory_space<hbm>>
      tpu.wait_indirect_dma semaphore(%arg11 : memref<!tpu.dma_semaphore, #tpu.memory_space<semaphore_mem>>) src(%dma_wait3A_388 : memref<10000x128xf32, #tpu.memory_space<hbm>>) dst(%arg9 : memref<125x128xf32, #tpu.memory_space<vmem>>)
      %run_scoped3A_389 = arith.constant 1 : i32
      %run_scoped3A_390 = arith.constant 4 : i32
      "tpu.region"() ({
        %run_scoped3A_451 = tpu.sem_alloc : memref<!tpu.dma_semaphore, #tpu.memory_space<semaphore_mem>>
        %dma_start3A_452 = arith.constant 0 : i32
        %dma_start3A_453 = tpu.memref_slice %arg8[%run_scoped3A_389, %run_scoped3A_390, %dma_start3A_452] : memref<2x8x125xi32, #tpu.memory_space<vmem>> -> memref<1x1x125xi32, #tpu.memory_space<vmem>>
        %dma_start3A_454 = tpu.memref_squeeze %dma_start3A_453 : memref<1x1x125xi32, #tpu.memory_space<vmem>> -> memref<125xi32, #tpu.memory_space<vmem>>
        %dma_start3A_455 = arith.constant 0 : i32
        %dma_start3A_456 = arith.constant 0 : i32
        %dma_start3A_457 = tpu.memref_slice %arg6[%dma_start3A_455, %dma_start3A_456] : memref<10240x128xf32, #tpu.memory_space<vmem_shared>> -> memref<10240x128xf32, #tpu.memory_space<vmem_shared>>
        tpu.enqueue_indirect_dma source(%arg9 : memref<125x128xf32, #tpu.memory_space<vmem>>) target(%dma_start3A_457 : memref<10240x128xf32, #tpu.memory_space<vmem_shared>>) offsets(%dma_start3A_454 : memref<125xi32, #tpu.memory_space<vmem>>) semaphore(%run_scoped3A_451 : memref<!tpu.dma_semaphore, #tpu.memory_space<semaphore_mem>>) {add = true}
        %dma_wait3A_458 = arith.constant 0 : i32
        %dma_wait3A_459 = tpu.memref_slice %arg8[%run_scoped3A_389, %run_scoped3A_390, %dma_wait3A_458] : memref<2x8x125xi32, #tpu.memory_space<vmem>> -> memref<1x1x125xi32, #tpu.memory_space<vmem>>
        %dma_wait3A_460 = tpu.memref_squeeze %dma_wait3A_459 : memref<1x1x125xi32, #tpu.memory_space<vmem>> -> memref<125xi32, #tpu.memory_space<vmem>>
        %dma_wait3A_461 = arith.constant 0 : i32
        %dma_wait3A_462 = arith.constant 0 : i32
        %dma_wait3A_463 = tpu.memref_slice %arg6[%dma_wait3A_461, %dma_wait3A_462] : memref<10240x128xf32, #tpu.memory_space<vmem_shared>> -> memref<10240x128xf32, #tpu.memory_space<vmem_shared>>
        tpu.wait_indirect_dma semaphore(%run_scoped3A_451 : memref<!tpu.dma_semaphore, #tpu.memory_space<semaphore_mem>>) src(%arg9 : memref<125x128xf32, #tpu.memory_space<vmem>>) dst(%dma_wait3A_463 : memref<10240x128xf32, #tpu.memory_space<vmem_shared>>)
        tpu.yield
      }) : () -> ()
      %dma_start3A_391 = arith.constant 1 : i32
      %dma_start3A_392 = arith.constant 6 : i32
      %dma_start3A_393 = arith.constant 0 : i32
      %dma_start3A_394 = tpu.memref_slice %arg7[%dma_start3A_391, %dma_start3A_392, %dma_start3A_393] : memref<2x8x125xi32, #tpu.memory_space<vmem>> -> memref<1x1x125xi32, #tpu.memory_space<vmem>>
      %dma_start3A_395 = tpu.memref_squeeze %dma_start3A_394 : memref<1x1x125xi32, #tpu.memory_space<vmem>> -> memref<125xi32, #tpu.memory_space<vmem>>
      %dma_start3A_396 = arith.constant 0 : i32
      %dma_start3A_397 = arith.constant 0 : i32
      %dma_start3A_398 = tpu.memref_slice %arg2[%dma_start3A_396, %dma_start3A_397] : memref<10000x128xf32, #tpu.memory_space<hbm>> -> memref<10000x128xf32, #tpu.memory_space<hbm>>
      tpu.enqueue_indirect_dma source(%dma_start3A_398 : memref<10000x128xf32, #tpu.memory_space<hbm>>) target(%arg9 : memref<125x128xf32, #tpu.memory_space<vmem>>) offsets(%dma_start3A_395 : memref<125xi32, #tpu.memory_space<vmem>>) semaphore(%arg11 : memref<!tpu.dma_semaphore, #tpu.memory_space<semaphore_mem>>)
      %dma_wait3A_399 = arith.constant 0 : i32
      %dma_wait3A_400 = arith.constant 0 : i32
      %dma_wait3A_401 = arith.constant 0 : i32
      %dma_wait3A_402 = tpu.memref_slice %arg7[%dma_wait3A_399, %dma_wait3A_400, %dma_wait3A_401] : memref<2x8x125xi32, #tpu.memory_space<vmem>> -> memref<1x1x125xi32, #tpu.memory_space<vmem>>
      %dma_wait3A_403 = tpu.memref_squeeze %dma_wait3A_402 : memref<1x1x125xi32, #tpu.memory_space<vmem>> -> memref<125xi32, #tpu.memory_space<vmem>>
      %dma_wait3A_404 = arith.constant 0 : i32
      %dma_wait3A_405 = arith.constant 0 : i32
      %dma_wait3A_406 = tpu.memref_slice %arg2[%dma_wait3A_404, %dma_wait3A_405] : memref<10000x128xf32, #tpu.memory_space<hbm>> -> memref<10000x128xf32, #tpu.memory_space<hbm>>
      tpu.wait_indirect_dma semaphore(%arg12 : memref<!tpu.dma_semaphore, #tpu.memory_space<semaphore_mem>>) src(%dma_wait3A_406 : memref<10000x128xf32, #tpu.memory_space<hbm>>) dst(%arg10 : memref<125x128xf32, #tpu.memory_space<vmem>>)
      %run_scoped3A_407 = arith.constant 1 : i32
      %run_scoped3A_408 = arith.constant 5 : i32
      "tpu.region"() ({
        %run_scoped3A_451 = tpu.sem_alloc : memref<!tpu.dma_semaphore, #tpu.memory_space<semaphore_mem>>
        %dma_start3A_452 = arith.constant 0 : i32
        %dma_start3A_453 = tpu.memref_slice %arg8[%run_scoped3A_407, %run_scoped3A_408, %dma_start3A_452] : memref<2x8x125xi32, #tpu.memory_space<vmem>> -> memref<1x1x125xi32, #tpu.memory_space<vmem>>
        %dma_start3A_454 = tpu.memref_squeeze %dma_start3A_453 : memref<1x1x125xi32, #tpu.memory_space<vmem>> -> memref<125xi32, #tpu.memory_space<vmem>>
        %dma_start3A_455 = arith.constant 0 : i32
        %dma_start3A_456 = arith.constant 0 : i32
        %dma_start3A_457 = tpu.memref_slice %arg6[%dma_start3A_455, %dma_start3A_456] : memref<10240x128xf32, #tpu.memory_space<vmem_shared>> -> memref<10240x128xf32, #tpu.memory_space<vmem_shared>>
        tpu.enqueue_indirect_dma source(%arg10 : memref<125x128xf32, #tpu.memory_space<vmem>>) target(%dma_start3A_457 : memref<10240x128xf32, #tpu.memory_space<vmem_shared>>) offsets(%dma_start3A_454 : memref<125xi32, #tpu.memory_space<vmem>>) semaphore(%run_scoped3A_451 : memref<!tpu.dma_semaphore, #tpu.memory_space<semaphore_mem>>) {add = true}
        %dma_wait3A_458 = arith.constant 0 : i32
        %dma_wait3A_459 = tpu.memref_slice %arg8[%run_scoped3A_407, %run_scoped3A_408, %dma_wait3A_458] : memref<2x8x125xi32, #tpu.memory_space<vmem>> -> memref<1x1x125xi32, #tpu.memory_space<vmem>>
        %dma_wait3A_460 = tpu.memref_squeeze %dma_wait3A_459 : memref<1x1x125xi32, #tpu.memory_space<vmem>> -> memref<125xi32, #tpu.memory_space<vmem>>
        %dma_wait3A_461 = arith.constant 0 : i32
        %dma_wait3A_462 = arith.constant 0 : i32
        %dma_wait3A_463 = tpu.memref_slice %arg6[%dma_wait3A_461, %dma_wait3A_462] : memref<10240x128xf32, #tpu.memory_space<vmem_shared>> -> memref<10240x128xf32, #tpu.memory_space<vmem_shared>>
        tpu.wait_indirect_dma semaphore(%run_scoped3A_451 : memref<!tpu.dma_semaphore, #tpu.memory_space<semaphore_mem>>) src(%arg10 : memref<125x128xf32, #tpu.memory_space<vmem>>) dst(%dma_wait3A_463 : memref<10240x128xf32, #tpu.memory_space<vmem_shared>>)
        tpu.yield
      }) : () -> ()
      %dma_start3A_409 = arith.constant 1 : i32
      %dma_start3A_410 = arith.constant 7 : i32
      %dma_start3A_411 = arith.constant 0 : i32
      %dma_start3A_412 = tpu.memref_slice %arg7[%dma_start3A_409, %dma_start3A_410, %dma_start3A_411] : memref<2x8x125xi32, #tpu.memory_space<vmem>> -> memref<1x1x125xi32, #tpu.memory_space<vmem>>
      %dma_start3A_413 = tpu.memref_squeeze %dma_start3A_412 : memref<1x1x125xi32, #tpu.memory_space<vmem>> -> memref<125xi32, #tpu.memory_space<vmem>>
      %dma_start3A_414 = arith.constant 0 : i32
      %dma_start3A_415 = arith.constant 0 : i32
      %dma_start3A_416 = tpu.memref_slice %arg2[%dma_start3A_414, %dma_start3A_415] : memref<10000x128xf32, #tpu.memory_space<hbm>> -> memref<10000x128xf32, #tpu.memory_space<hbm>>
      tpu.enqueue_indirect_dma source(%dma_start3A_416 : memref<10000x128xf32, #tpu.memory_space<hbm>>) target(%arg10 : memref<125x128xf32, #tpu.memory_space<vmem>>) offsets(%dma_start3A_413 : memref<125xi32, #tpu.memory_space<vmem>>) semaphore(%arg12 : memref<!tpu.dma_semaphore, #tpu.memory_space<semaphore_mem>>)
      %dma_wait3A_417 = arith.constant 0 : i32
      %dma_wait3A_418 = arith.constant 0 : i32
      %dma_wait3A_419 = arith.constant 0 : i32
      %dma_wait3A_420 = tpu.memref_slice %arg7[%dma_wait3A_417, %dma_wait3A_418, %dma_wait3A_419] : memref<2x8x125xi32, #tpu.memory_space<vmem>> -> memref<1x1x125xi32, #tpu.memory_space<vmem>>
      %dma_wait3A_421 = tpu.memref_squeeze %dma_wait3A_420 : memref<1x1x125xi32, #tpu.memory_space<vmem>> -> memref<125xi32, #tpu.memory_space<vmem>>
      %dma_wait3A_422 = arith.constant 0 : i32
      %dma_wait3A_423 = arith.constant 0 : i32
      %dma_wait3A_424 = tpu.memref_slice %arg2[%dma_wait3A_422, %dma_wait3A_423] : memref<10000x128xf32, #tpu.memory_space<hbm>> -> memref<10000x128xf32, #tpu.memory_space<hbm>>
      tpu.wait_indirect_dma semaphore(%arg11 : memref<!tpu.dma_semaphore, #tpu.memory_space<semaphore_mem>>) src(%dma_wait3A_424 : memref<10000x128xf32, #tpu.memory_space<hbm>>) dst(%arg9 : memref<125x128xf32, #tpu.memory_space<vmem>>)
      %run_scoped3A_425 = arith.constant 1 : i32
      %run_scoped3A_426 = arith.constant 6 : i32
      "tpu.region"() ({
        %run_scoped3A_451 = tpu.sem_alloc : memref<!tpu.dma_semaphore, #tpu.memory_space<semaphore_mem>>
        %dma_start3A_452 = arith.constant 0 : i32
        %dma_start3A_453 = tpu.memref_slice %arg8[%run_scoped3A_425, %run_scoped3A_426, %dma_start3A_452] : memref<2x8x125xi32, #tpu.memory_space<vmem>> -> memref<1x1x125xi32, #tpu.memory_space<vmem>>
        %dma_start3A_454 = tpu.memref_squeeze %dma_start3A_453 : memref<1x1x125xi32, #tpu.memory_space<vmem>> -> memref<125xi32, #tpu.memory_space<vmem>>
        %dma_start3A_455 = arith.constant 0 : i32
        %dma_start3A_456 = arith.constant 0 : i32
        %dma_start3A_457 = tpu.memref_slice %arg6[%dma_start3A_455, %dma_start3A_456] : memref<10240x128xf32, #tpu.memory_space<vmem_shared>> -> memref<10240x128xf32, #tpu.memory_space<vmem_shared>>
        tpu.enqueue_indirect_dma source(%arg9 : memref<125x128xf32, #tpu.memory_space<vmem>>) target(%dma_start3A_457 : memref<10240x128xf32, #tpu.memory_space<vmem_shared>>) offsets(%dma_start3A_454 : memref<125xi32, #tpu.memory_space<vmem>>) semaphore(%run_scoped3A_451 : memref<!tpu.dma_semaphore, #tpu.memory_space<semaphore_mem>>) {add = true}
        %dma_wait3A_458 = arith.constant 0 : i32
        %dma_wait3A_459 = tpu.memref_slice %arg8[%run_scoped3A_425, %run_scoped3A_426, %dma_wait3A_458] : memref<2x8x125xi32, #tpu.memory_space<vmem>> -> memref<1x1x125xi32, #tpu.memory_space<vmem>>
        %dma_wait3A_460 = tpu.memref_squeeze %dma_wait3A_459 : memref<1x1x125xi32, #tpu.memory_space<vmem>> -> memref<125xi32, #tpu.memory_space<vmem>>
        %dma_wait3A_461 = arith.constant 0 : i32
        %dma_wait3A_462 = arith.constant 0 : i32
        %dma_wait3A_463 = tpu.memref_slice %arg6[%dma_wait3A_461, %dma_wait3A_462] : memref<10240x128xf32, #tpu.memory_space<vmem_shared>> -> memref<10240x128xf32, #tpu.memory_space<vmem_shared>>
        tpu.wait_indirect_dma semaphore(%run_scoped3A_451 : memref<!tpu.dma_semaphore, #tpu.memory_space<semaphore_mem>>) src(%arg9 : memref<125x128xf32, #tpu.memory_space<vmem>>) dst(%dma_wait3A_463 : memref<10240x128xf32, #tpu.memory_space<vmem_shared>>)
        tpu.yield
      }) : () -> ()
      %add3A_427 = arith.constant 2 : i32
      %add3A_428 = arith.addi %add3A_123, %add3A_427 : i32
      %lt3A_429 = arith.constant 10 : i32
      %lt3A_430 = arith.cmpi slt, %add3A_428, %lt3A_429 : i32
      %convert_element_type3A_431 = arith.extui %lt3A_430 : i1 to i32
      %cond3A_432 = arith.constant 0 : i32
      %cond3A_433 = arith.cmpi ne, %convert_element_type3A_431, %cond3A_432 : i32
      scf.if %cond3A_433 {
        %dma_wait3A_451 = arith.constant 0 : i32
        %dma_wait3A_452 = arith.constant 0 : i32
        %dma_wait3A_453 = arith.constant 0 : i32
        %dma_wait3A_454 = tpu.memref_slice %arg7[%dma_wait3A_451, %dma_wait3A_452, %dma_wait3A_453] : memref<2x8x125xi32, #tpu.memory_space<vmem>> -> memref<1x8x125xi32, #tpu.memory_space<vmem>>
        %dma_wait3A_455 = tpu.memref_squeeze %dma_wait3A_454 : memref<1x8x125xi32, #tpu.memory_space<vmem>> -> memref<8x125xi32, #tpu.memory_space<vmem>>
        %dma_wait3A_456 = arith.constant 0 : i32
        %dma_wait3A_457 = arith.constant 0 : i32
        %dma_wait3A_458 = tpu.memref_slice %arg3[%dma_wait3A_456, %dma_wait3A_457] : memref<2560x125xi32, #tpu.memory_space<hbm>> -> memref<8x125xi32, #tpu.memory_space<hbm>>
        %dma_wait3A_459 = arith.constant 0 : i32
        %dma_wait3A_460 = arith.constant 0 : i32
        %dma_wait3A_461 = tpu.memref_slice %arg7[%dma_wait3A_451, %dma_wait3A_459, %dma_wait3A_460] : memref<2x8x125xi32, #tpu.memory_space<vmem>> -> memref<1x8x125xi32, #tpu.memory_space<vmem>>
        %dma_wait3A_462 = tpu.memref_squeeze %dma_wait3A_461 : memref<1x8x125xi32, #tpu.memory_space<vmem>> -> memref<8x125xi32, #tpu.memory_space<vmem>>
        %dma_wait3A_463 = arith.constant 0 : i32
        %dma_wait3A_464 = arith.constant 0 : i32
        %dma_wait3A_465 = tpu.memref_slice %arg3[%dma_wait3A_463, %dma_wait3A_464] : memref<2560x125xi32, #tpu.memory_space<hbm>> -> memref<8x125xi32, #tpu.memory_space<hbm>>
        tpu.wait_dma2 semaphore(%arg13 : memref<!tpu.dma_semaphore, #tpu.memory_space<semaphore_mem>>) src(%dma_wait3A_465 : memref<8x125xi32, #tpu.memory_space<hbm>>) dst(%dma_wait3A_462 : memref<8x125xi32, #tpu.memory_space<vmem>>)
        %dma_wait3A_466 = arith.constant 0 : i32
        %dma_wait3A_467 = arith.constant 0 : i32
        %dma_wait3A_468 = arith.constant 0 : i32
        %dma_wait3A_469 = tpu.memref_slice %arg8[%dma_wait3A_466, %dma_wait3A_467, %dma_wait3A_468] : memref<2x8x125xi32, #tpu.memory_space<vmem>> -> memref<1x8x125xi32, #tpu.memory_space<vmem>>
        %dma_wait3A_470 = tpu.memref_squeeze %dma_wait3A_469 : memref<1x8x125xi32, #tpu.memory_space<vmem>> -> memref<8x125xi32, #tpu.memory_space<vmem>>
        %dma_wait3A_471 = arith.constant 0 : i32
        %dma_wait3A_472 = arith.constant 0 : i32
        %dma_wait3A_473 = tpu.memref_slice %arg4[%dma_wait3A_471, %dma_wait3A_472] : memref<2560x125xi32, #tpu.memory_space<hbm>> -> memref<8x125xi32, #tpu.memory_space<hbm>>
        %dma_wait3A_474 = arith.constant 0 : i32
        %dma_wait3A_475 = arith.constant 0 : i32
        %dma_wait3A_476 = tpu.memref_slice %arg8[%dma_wait3A_466, %dma_wait3A_474, %dma_wait3A_475] : memref<2x8x125xi32, #tpu.memory_space<vmem>> -> memref<1x8x125xi32, #tpu.memory_space<vmem>>
        %dma_wait3A_477 = tpu.memref_squeeze %dma_wait3A_476 : memref<1x8x125xi32, #tpu.memory_space<vmem>> -> memref<8x125xi32, #tpu.memory_space<vmem>>
        %dma_wait3A_478 = arith.constant 0 : i32
        %dma_wait3A_479 = arith.constant 0 : i32
        %dma_wait3A_480 = tpu.memref_slice %arg4[%dma_wait3A_478, %dma_wait3A_479] : memref<2560x125xi32, #tpu.memory_space<hbm>> -> memref<8x125xi32, #tpu.memory_space<hbm>>
        tpu.wait_dma2 semaphore(%arg13 : memref<!tpu.dma_semaphore, #tpu.memory_space<semaphore_mem>>) src(%dma_wait3A_480 : memref<8x125xi32, #tpu.memory_space<hbm>>) dst(%dma_wait3A_477 : memref<8x125xi32, #tpu.memory_space<vmem>>)
        %dma_start3A_481 = arith.constant 0 : i32
        %dma_start3A_482 = arith.constant 0 : i32
        %dma_start3A_483 = arith.constant 0 : i32
        %dma_start3A_484 = tpu.memref_slice %arg7[%dma_start3A_481, %dma_start3A_482, %dma_start3A_483] : memref<2x8x125xi32, #tpu.memory_space<vmem>> -> memref<1x1x125xi32, #tpu.memory_space<vmem>>
        %dma_start3A_485 = tpu.memref_squeeze %dma_start3A_484 : memref<1x1x125xi32, #tpu.memory_space<vmem>> -> memref<125xi32, #tpu.memory_space<vmem>>
        %dma_start3A_486 = arith.constant 0 : i32
        %dma_start3A_487 = arith.constant 0 : i32
        %dma_start3A_488 = tpu.memref_slice %arg2[%dma_start3A_486, %dma_start3A_487] : memref<10000x128xf32, #tpu.memory_space<hbm>> -> memref<10000x128xf32, #tpu.memory_space<hbm>>
        tpu.enqueue_indirect_dma source(%dma_start3A_488 : memref<10000x128xf32, #tpu.memory_space<hbm>>) target(%arg9 : memref<125x128xf32, #tpu.memory_space<vmem>>) offsets(%dma_start3A_485 : memref<125xi32, #tpu.memory_space<vmem>>) semaphore(%arg11 : memref<!tpu.dma_semaphore, #tpu.memory_space<semaphore_mem>>)
      } else {
      }
      %dma_wait3A_434 = arith.constant 0 : i32
      %dma_wait3A_435 = arith.constant 0 : i32
      %dma_wait3A_436 = arith.constant 0 : i32
      %dma_wait3A_437 = tpu.memref_slice %arg7[%dma_wait3A_434, %dma_wait3A_435, %dma_wait3A_436] : memref<2x8x125xi32, #tpu.memory_space<vmem>> -> memref<1x1x125xi32, #tpu.memory_space<vmem>>
      %dma_wait3A_438 = tpu.memref_squeeze %dma_wait3A_437 : memref<1x1x125xi32, #tpu.memory_space<vmem>> -> memref<125xi32, #tpu.memory_space<vmem>>
      %dma_wait3A_439 = arith.constant 0 : i32
      %dma_wait3A_440 = arith.constant 0 : i32
      %dma_wait3A_441 = tpu.memref_slice %arg2[%dma_wait3A_439, %dma_wait3A_440] : memref<10000x128xf32, #tpu.memory_space<hbm>> -> memref<10000x128xf32, #tpu.memory_space<hbm>>
      tpu.wait_indirect_dma semaphore(%arg12 : memref<!tpu.dma_semaphore, #tpu.memory_space<semaphore_mem>>) src(%dma_wait3A_441 : memref<10000x128xf32, #tpu.memory_space<hbm>>) dst(%arg10 : memref<125x128xf32, #tpu.memory_space<vmem>>)
      %run_scoped3A_442 = arith.constant 1 : i32
      %run_scoped3A_443 = arith.constant 7 : i32
      "tpu.region"() ({
        %run_scoped3A_451 = tpu.sem_alloc : memref<!tpu.dma_semaphore, #tpu.memory_space<semaphore_mem>>
        %dma_start3A_452 = arith.constant 0 : i32
        %dma_start3A_453 = tpu.memref_slice %arg8[%run_scoped3A_442, %run_scoped3A_443, %dma_start3A_452] : memref<2x8x125xi32, #tpu.memory_space<vmem>> -> memref<1x1x125xi32, #tpu.memory_space<vmem>>
        %dma_start3A_454 = tpu.memref_squeeze %dma_start3A_453 : memref<1x1x125xi32, #tpu.memory_space<vmem>> -> memref<125xi32, #tpu.memory_space<vmem>>
        %dma_start3A_455 = arith.constant 0 : i32
        %dma_start3A_456 = arith.constant 0 : i32
        %dma_start3A_457 = tpu.memref_slice %arg6[%dma_start3A_455, %dma_start3A_456] : memref<10240x128xf32, #tpu.memory_space<vmem_shared>> -> memref<10240x128xf32, #tpu.memory_space<vmem_shared>>
        tpu.enqueue_indirect_dma source(%arg10 : memref<125x128xf32, #tpu.memory_space<vmem>>) target(%dma_start3A_457 : memref<10240x128xf32, #tpu.memory_space<vmem_shared>>) offsets(%dma_start3A_454 : memref<125xi32, #tpu.memory_space<vmem>>) semaphore(%run_scoped3A_451 : memref<!tpu.dma_semaphore, #tpu.memory_space<semaphore_mem>>) {add = true}
        %dma_wait3A_458 = arith.constant 0 : i32
        %dma_wait3A_459 = tpu.memref_slice %arg8[%run_scoped3A_442, %run_scoped3A_443, %dma_wait3A_458] : memref<2x8x125xi32, #tpu.memory_space<vmem>> -> memref<1x1x125xi32, #tpu.memory_space<vmem>>
        %dma_wait3A_460 = tpu.memref_squeeze %dma_wait3A_459 : memref<1x1x125xi32, #tpu.memory_space<vmem>> -> memref<125xi32, #tpu.memory_space<vmem>>
        %dma_wait3A_461 = arith.constant 0 : i32
        %dma_wait3A_462 = arith.constant 0 : i32
        %dma_wait3A_463 = tpu.memref_slice %arg6[%dma_wait3A_461, %dma_wait3A_462] : memref<10240x128xf32, #tpu.memory_space<vmem_shared>> -> memref<10240x128xf32, #tpu.memory_space<vmem_shared>>
        tpu.wait_indirect_dma semaphore(%run_scoped3A_451 : memref<!tpu.dma_semaphore, #tpu.memory_space<semaphore_mem>>) src(%arg10 : memref<125x128xf32, #tpu.memory_space<vmem>>) dst(%dma_wait3A_463 : memref<10240x128xf32, #tpu.memory_space<vmem_shared>>)
        tpu.yield
      }) : () -> ()
      %add3A_444 = arith.constant 3 : i32
      %add3A_445 = arith.addi %add3A_123, %add3A_444 : i32
      %lt3A_446 = arith.constant 10 : i32
      %lt3A_447 = arith.cmpi slt, %add3A_445, %lt3A_446 : i32
      %convert_element_type3A_448 = arith.extui %lt3A_447 : i1 to i32
      %cond3A_449 = arith.constant 0 : i32
      %cond3A_450 = arith.cmpi ne, %convert_element_type3A_448, %cond3A_449 : i32
      scf.if %cond3A_450 {
        %add3A_451 = arith.constant 3 : i32
        %add3A_452 = arith.addi %add3A_123, %add3A_451 : i32
        %mul3A_453 = arith.constant 8 : i32
        %mul3A_454 = arith.muli %add3A_452, %mul3A_453 : i32
        %add3A_455 = arith.addi %mul3A_2, %mul3A_454 : i32
        %dma_start3A_456 = arith.constant 1 : i32
        %dma_start3A_457 = arith.constant 0 : i32
        %dma_start3A_458 = arith.constant 0 : i32
        %dma_start3A_459 = tpu.memref_slice %arg7[%dma_start3A_456, %dma_start3A_457, %dma_start3A_458] : memref<2x8x125xi32, #tpu.memory_space<vmem>> -> memref<1x8x125xi32, #tpu.memory_space<vmem>>
        %dma_start3A_460 = tpu.memref_squeeze %dma_start3A_459 : memref<1x8x125xi32, #tpu.memory_space<vmem>> -> memref<8x125xi32, #tpu.memory_space<vmem>>
        %dma_start3A_461 = arith.constant 0 : i32
        %dma_start3A_462 = tpu.memref_slice %arg3[%add3A_455, %dma_start3A_461] : memref<2560x125xi32, #tpu.memory_space<hbm>> -> memref<8x125xi32, #tpu.memory_space<hbm>>
        %dma_start3A_463 = arith.constant 0 : i32
        %dma_start3A_464 = arith.constant 0 : i32
        %dma_start3A_465 = tpu.memref_slice %arg7[%dma_start3A_456, %dma_start3A_463, %dma_start3A_464] : memref<2x8x125xi32, #tpu.memory_space<vmem>> -> memref<1x8x125xi32, #tpu.memory_space<vmem>>
        %dma_start3A_466 = tpu.memref_squeeze %dma_start3A_465 : memref<1x8x125xi32, #tpu.memory_space<vmem>> -> memref<8x125xi32, #tpu.memory_space<vmem>>
        %dma_start3A_467 = arith.constant 0 : i32
        %dma_start3A_468 = tpu.memref_slice %arg3[%add3A_455, %dma_start3A_467] : memref<2560x125xi32, #tpu.memory_space<hbm>> -> memref<8x125xi32, #tpu.memory_space<hbm>>
        tpu.enqueue_dma source(%dma_start3A_468 : memref<8x125xi32, #tpu.memory_space<hbm>>) target(%dma_start3A_466 : memref<8x125xi32, #tpu.memory_space<vmem>>) target_semaphore(%arg14 : memref<!tpu.dma_semaphore, #tpu.memory_space<semaphore_mem>>)
        %mul3A_469 = arith.constant 8 : i32
        %mul3A_470 = arith.muli %add3A_452, %mul3A_469 : i32
        %add3A_471 = arith.addi %mul3A_2, %mul3A_470 : i32
        %dma_start3A_472 = arith.constant 1 : i32
        %dma_start3A_473 = arith.constant 0 : i32
        %dma_start3A_474 = arith.constant 0 : i32
        %dma_start3A_475 = tpu.memref_slice %arg8[%dma_start3A_472, %dma_start3A_473, %dma_start3A_474] : memref<2x8x125xi32, #tpu.memory_space<vmem>> -> memref<1x8x125xi32, #tpu.memory_space<vmem>>
        %dma_start3A_476 = tpu.memref_squeeze %dma_start3A_475 : memref<1x8x125xi32, #tpu.memory_space<vmem>> -> memref<8x125xi32, #tpu.memory_space<vmem>>
        %dma_start3A_477 = arith.constant 0 : i32
        %dma_start3A_478 = tpu.memref_slice %arg4[%add3A_471, %dma_start3A_477] : memref<2560x125xi32, #tpu.memory_space<hbm>> -> memref<8x125xi32, #tpu.memory_space<hbm>>
        %dma_start3A_479 = arith.constant 0 : i32
        %dma_start3A_480 = arith.constant 0 : i32
        %dma_start3A_481 = tpu.memref_slice %arg8[%dma_start3A_472, %dma_start3A_479, %dma_start3A_480] : memref<2x8x125xi32, #tpu.memory_space<vmem>> -> memref<1x8x125xi32, #tpu.memory_space<vmem>>
        %dma_start3A_482 = tpu.memref_squeeze %dma_start3A_481 : memref<1x8x125xi32, #tpu.memory_space<vmem>> -> memref<8x125xi32, #tpu.memory_space<vmem>>
        %dma_start3A_483 = arith.constant 0 : i32
        %dma_start3A_484 = tpu.memref_slice %arg4[%add3A_471, %dma_start3A_483] : memref<2560x125xi32, #tpu.memory_space<hbm>> -> memref<8x125xi32, #tpu.memory_space<hbm>>
        tpu.enqueue_dma source(%dma_start3A_484 : memref<8x125xi32, #tpu.memory_space<hbm>>) target(%dma_start3A_482 : memref<8x125xi32, #tpu.memory_space<vmem>>) target_semaphore(%arg14 : memref<!tpu.dma_semaphore, #tpu.memory_space<semaphore_mem>>)
      } else {
      }
    }
    %scan3A_113 = arith.constant 5 : i32
    %barrier3A_114 = arith.constant 0 : index
    tpu.barrier barrier_id(%barrier3A_114)
    %mul3A_115 = arith.constant 640 : i32
    %mul3A_116 = arith.muli %arg1, %mul3A_115 : i32
    %mul3A_117 = arith.constant 640 : i32
    %mul3A_118 = arith.muli %arg1, %mul3A_117 : i32
    "tpu.region"() ({
      %run_scoped3A = tpu.sem_alloc : memref<!tpu.dma_semaphore, #tpu.memory_space<semaphore_mem>>
      %dma_start3A_119 = arith.constant 0 : i32
      %dma_start3A_120 = tpu.memref_slice %arg5[%arg0, %mul3A_118, %dma_start3A_119] : memref<2x10240x128xf32, #tpu.memory_space<hbm>> -> memref<1x640x128xf32, #tpu.memory_space<hbm>>
      %dma_start3A_121 = tpu.memref_squeeze %dma_start3A_120 : memref<1x640x128xf32, #tpu.memory_space<hbm>> -> memref<640x128xf32, #tpu.memory_space<hbm>>
      %dma_start3A_122 = arith.constant 0 : i32
      %dma_start3A_123 = tpu.memref_slice %arg6[%mul3A_116, %dma_start3A_122] : memref<10240x128xf32, #tpu.memory_space<vmem_shared>> -> memref<640x128xf32, #tpu.memory_space<vmem_shared>>
      tpu.enqueue_dma source(%dma_start3A_123 : memref<640x128xf32, #tpu.memory_space<vmem_shared>>) target(%dma_start3A_121 : memref<640x128xf32, #tpu.memory_space<hbm>>) target_semaphore(%run_scoped3A : memref<!tpu.dma_semaphore, #tpu.memory_space<semaphore_mem>>)
      %dma_wait3A_124 = arith.constant 0 : i32
      %dma_wait3A_125 = tpu.memref_slice %arg5[%arg0, %mul3A_118, %dma_wait3A_124] : memref<2x10240x128xf32, #tpu.memory_space<hbm>> -> memref<1x640x128xf32, #tpu.memory_space<hbm>>
      %dma_wait3A_126 = tpu.memref_squeeze %dma_wait3A_125 : memref<1x640x128xf32, #tpu.memory_space<hbm>> -> memref<640x128xf32, #tpu.memory_space<hbm>>
      %dma_wait3A_127 = arith.constant 0 : i32
      %dma_wait3A_128 = tpu.memref_slice %arg6[%mul3A_116, %dma_wait3A_127] : memref<10240x128xf32, #tpu.memory_space<vmem_shared>> -> memref<640x128xf32, #tpu.memory_space<vmem_shared>>
      tpu.wait_dma2 semaphore(%run_scoped3A : memref<!tpu.dma_semaphore, #tpu.memory_space<semaphore_mem>>) src(%dma_wait3A_128 : memref<640x128xf32, #tpu.memory_space<vmem_shared>>) dst(%dma_wait3A_126 : memref<640x128xf32, #tpu.memory_space<hbm>>)
      tpu.yield
    }) : () -> ()
    return
  }
}

#map = affine_map<(d0, d1) -> (0, 0)>
#map1 = affine_map<(d0, d1) -> (0, 0, 0)>
module attributes {stable_mosaic.version = 14 : i64} {
  func.func @body(%arg0: i32, %arg1: i32, %arg2: memref<2560x125xi32, #tpu.memory_space<hbm>>, %arg3: memref<125x128xf32, #tpu.memory_space<hbm>>, %arg4: memref<640x128xf32, #tpu.memory_space<hbm>>, %arg5: memref<2x10240x128xf32, #tpu.memory_space<hbm>>, %arg6: memref<10240x128xf32, #tpu.memory_space<vmem_shared>>, %arg7: memref<2x8x125xi32, #tpu.memory_space<vmem>>, %arg8: memref<125x128xf32, #tpu.memory_space<vmem>>, %arg9: memref<!tpu.dma_semaphore, #tpu.memory_space<semaphore_mem>>, %arg10: memref<!tpu.dma_semaphore, #tpu.memory_space<semaphore_mem>>) attributes {dimension_semantics = [#tpu.dimension_semantics<core_parallel>, #tpu.dimension_semantics<subcore_parallel>], iteration_bounds = array<i64: 2, 16>, scalar_prefetch = 0 : i64, scratch_operands = 5 : i64, tpu.core_type = #tpu.core_type<sc_vector_subcore>, window_params = [{transform_indices = #map}, {transform_indices = #map}, {transform_indices = #map}, {transform_indices = #map1}]} {
    %mul3A = arith.constant 16 : i32
    %mul3A_0 = arith.muli %arg0, %mul3A : i32
    %add3A = arith.addi %mul3A_0, %arg1 : i32
    %mul3A_1 = arith.constant 80 : i32
    %mul3A_2 = arith.muli %add3A, %mul3A_1 : i32
    "tpu.region"() ({
      %run_scoped3A = tpu.sem_alloc : memref<!tpu.dma_semaphore, #tpu.memory_space<semaphore_mem>>
      tpu.enqueue_dma source(%arg3 : memref<125x128xf32, #tpu.memory_space<hbm>>) target(%arg8 : memref<125x128xf32, #tpu.memory_space<vmem>>) target_semaphore(%run_scoped3A : memref<!tpu.dma_semaphore, #tpu.memory_space<semaphore_mem>>)
      tpu.wait_dma2 semaphore(%run_scoped3A : memref<!tpu.dma_semaphore, #tpu.memory_space<semaphore_mem>>) src(%arg3 : memref<125x128xf32, #tpu.memory_space<hbm>>) dst(%arg8 : memref<125x128xf32, #tpu.memory_space<vmem>>)
      tpu.yield
    }) : () -> ()
    %mul3A_3 = arith.constant 640 : i32
    %mul3A_4 = arith.muli %arg1, %mul3A_3 : i32
    "tpu.region"() ({
      %run_scoped3A = tpu.sem_alloc : memref<!tpu.dma_semaphore, #tpu.memory_space<semaphore_mem>>
      %dma_start3A_57 = arith.constant 0 : i32
      %dma_start3A_58 = tpu.memref_slice %arg6[%mul3A_4, %dma_start3A_57] : memref<10240x128xf32, #tpu.memory_space<vmem_shared>> -> memref<640x128xf32, #tpu.memory_space<vmem_shared>>
      tpu.enqueue_dma source(%arg4 : memref<640x128xf32, #tpu.memory_space<hbm>>) target(%dma_start3A_58 : memref<640x128xf32, #tpu.memory_space<vmem_shared>>) target_semaphore(%run_scoped3A : memref<!tpu.dma_semaphore, #tpu.memory_space<semaphore_mem>>)
      %dma_wait3A_59 = arith.constant 0 : i32
      %dma_wait3A_60 = tpu.memref_slice %arg6[%mul3A_4, %dma_wait3A_59] : memref<10240x128xf32, #tpu.memory_space<vmem_shared>> -> memref<640x128xf32, #tpu.memory_space<vmem_shared>>
      tpu.wait_dma2 semaphore(%run_scoped3A : memref<!tpu.dma_semaphore, #tpu.memory_space<semaphore_mem>>) src(%arg4 : memref<640x128xf32, #tpu.memory_space<hbm>>) dst(%dma_wait3A_60 : memref<640x128xf32, #tpu.memory_space<vmem_shared>>)
      tpu.yield
    }) : () -> ()
    %barrier3A = arith.constant 0 : index
    tpu.barrier barrier_id(%barrier3A)
    %add3A_5 = arith.constant 0 : i32
    %add3A_6 = arith.addi %mul3A_2, %add3A_5 : i32
    %dma_start3A = arith.constant 0 : i32
    %dma_start3A_7 = arith.constant 0 : i32
    %dma_start3A_8 = arith.constant 0 : i32
    %dma_start3A_9 = tpu.memref_slice %arg7[%dma_start3A, %dma_start3A_7, %dma_start3A_8] : memref<2x8x125xi32, #tpu.memory_space<vmem>> -> memref<1x8x125xi32, #tpu.memory_space<vmem>>
    %dma_start3A_10 = tpu.memref_squeeze %dma_start3A_9 : memref<1x8x125xi32, #tpu.memory_space<vmem>> -> memref<8x125xi32, #tpu.memory_space<vmem>>
    %dma_start3A_11 = arith.constant 0 : i32
    %dma_start3A_12 = tpu.memref_slice %arg2[%add3A_6, %dma_start3A_11] : memref<2560x125xi32, #tpu.memory_space<hbm>> -> memref<8x125xi32, #tpu.memory_space<hbm>>
    %dma_start3A_13 = arith.constant 0 : i32
    %dma_start3A_14 = arith.constant 0 : i32
    %dma_start3A_15 = tpu.memref_slice %arg7[%dma_start3A, %dma_start3A_13, %dma_start3A_14] : memref<2x8x125xi32, #tpu.memory_space<vmem>> -> memref<1x8x125xi32, #tpu.memory_space<vmem>>
    %dma_start3A_16 = tpu.memref_squeeze %dma_start3A_15 : memref<1x8x125xi32, #tpu.memory_space<vmem>> -> memref<8x125xi32, #tpu.memory_space<vmem>>
    %dma_start3A_17 = arith.constant 0 : i32
    %dma_start3A_18 = tpu.memref_slice %arg2[%add3A_6, %dma_start3A_17] : memref<2560x125xi32, #tpu.memory_space<hbm>> -> memref<8x125xi32, #tpu.memory_space<hbm>>
    tpu.enqueue_dma source(%dma_start3A_18 : memref<8x125xi32, #tpu.memory_space<hbm>>) target(%dma_start3A_16 : memref<8x125xi32, #tpu.memory_space<vmem>>) target_semaphore(%arg9 : memref<!tpu.dma_semaphore, #tpu.memory_space<semaphore_mem>>)
    %dma_wait3A = arith.constant 0 : i32
    %dma_wait3A_19 = arith.constant 0 : i32
    %dma_wait3A_20 = arith.constant 0 : i32
    %dma_wait3A_21 = tpu.memref_slice %arg7[%dma_wait3A, %dma_wait3A_19, %dma_wait3A_20] : memref<2x8x125xi32, #tpu.memory_space<vmem>> -> memref<1x8x125xi32, #tpu.memory_space<vmem>>
    %dma_wait3A_22 = tpu.memref_squeeze %dma_wait3A_21 : memref<1x8x125xi32, #tpu.memory_space<vmem>> -> memref<8x125xi32, #tpu.memory_space<vmem>>
    %dma_wait3A_23 = arith.constant 0 : i32
    %dma_wait3A_24 = arith.constant 0 : i32
    %dma_wait3A_25 = tpu.memref_slice %arg2[%dma_wait3A_23, %dma_wait3A_24] : memref<2560x125xi32, #tpu.memory_space<hbm>> -> memref<8x125xi32, #tpu.memory_space<hbm>>
    %dma_wait3A_26 = arith.constant 0 : i32
    %dma_wait3A_27 = arith.constant 0 : i32
    %dma_wait3A_28 = tpu.memref_slice %arg7[%dma_wait3A, %dma_wait3A_26, %dma_wait3A_27] : memref<2x8x125xi32, #tpu.memory_space<vmem>> -> memref<1x8x125xi32, #tpu.memory_space<vmem>>
    %dma_wait3A_29 = tpu.memref_squeeze %dma_wait3A_28 : memref<1x8x125xi32, #tpu.memory_space<vmem>> -> memref<8x125xi32, #tpu.memory_space<vmem>>
    %dma_wait3A_30 = arith.constant 0 : i32
    %dma_wait3A_31 = arith.constant 0 : i32
    %dma_wait3A_32 = tpu.memref_slice %arg2[%dma_wait3A_30, %dma_wait3A_31] : memref<2560x125xi32, #tpu.memory_space<hbm>> -> memref<8x125xi32, #tpu.memory_space<hbm>>
    tpu.wait_dma2 semaphore(%arg9 : memref<!tpu.dma_semaphore, #tpu.memory_space<semaphore_mem>>) src(%dma_wait3A_32 : memref<8x125xi32, #tpu.memory_space<hbm>>) dst(%dma_wait3A_29 : memref<8x125xi32, #tpu.memory_space<vmem>>)
    %add3A_33 = arith.constant 8 : i32
    %add3A_34 = arith.addi %mul3A_2, %add3A_33 : i32
    %dma_start3A_35 = arith.constant 1 : i32
    %dma_start3A_36 = arith.constant 0 : i32
    %dma_start3A_37 = arith.constant 0 : i32
    %dma_start3A_38 = tpu.memref_slice %arg7[%dma_start3A_35, %dma_start3A_36, %dma_start3A_37] : memref<2x8x125xi32, #tpu.memory_space<vmem>> -> memref<1x8x125xi32, #tpu.memory_space<vmem>>
    %dma_start3A_39 = tpu.memref_squeeze %dma_start3A_38 : memref<1x8x125xi32, #tpu.memory_space<vmem>> -> memref<8x125xi32, #tpu.memory_space<vmem>>
    %dma_start3A_40 = arith.constant 0 : i32
    %dma_start3A_41 = tpu.memref_slice %arg2[%add3A_34, %dma_start3A_40] : memref<2560x125xi32, #tpu.memory_space<hbm>> -> memref<8x125xi32, #tpu.memory_space<hbm>>
    %dma_start3A_42 = arith.constant 0 : i32
    %dma_start3A_43 = arith.constant 0 : i32
    %dma_start3A_44 = tpu.memref_slice %arg7[%dma_start3A_35, %dma_start3A_42, %dma_start3A_43] : memref<2x8x125xi32, #tpu.memory_space<vmem>> -> memref<1x8x125xi32, #tpu.memory_space<vmem>>
    %dma_start3A_45 = tpu.memref_squeeze %dma_start3A_44 : memref<1x8x125xi32, #tpu.memory_space<vmem>> -> memref<8x125xi32, #tpu.memory_space<vmem>>
    %dma_start3A_46 = arith.constant 0 : i32
    %dma_start3A_47 = tpu.memref_slice %arg2[%add3A_34, %dma_start3A_46] : memref<2560x125xi32, #tpu.memory_space<hbm>> -> memref<8x125xi32, #tpu.memory_space<hbm>>
    tpu.enqueue_dma source(%dma_start3A_47 : memref<8x125xi32, #tpu.memory_space<hbm>>) target(%dma_start3A_45 : memref<8x125xi32, #tpu.memory_space<vmem>>) target_semaphore(%arg10 : memref<!tpu.dma_semaphore, #tpu.memory_space<semaphore_mem>>)
    %scan3A = arith.constant 0 : i32
    %scan3A_48 = arith.constant 5 : i32
    %scan3A_49 = arith.addi %scan3A, %scan3A_48 : i32
    %scan3A_50 = arith.constant 1 : i32
    scf.for %scan3A_57 = %scan3A to %scan3A_49 step %scan3A_50  : i32 {
      %mul3A_58 = arith.constant 2 : i32
      %mul3A_59 = arith.muli %scan3A_57, %mul3A_58 : i32
      %add3A_60 = arith.constant 0 : i32
      %add3A_61 = arith.addi %add3A_60, %mul3A_59 : i32
      %run_scoped3A = arith.constant 0 : i32
      %run_scoped3A_62 = arith.constant 0 : i32
      "tpu.region"() ({
        %run_scoped3A_126 = tpu.sem_alloc : memref<!tpu.dma_semaphore, #tpu.memory_space<semaphore_mem>>
        %dma_start3A_127 = arith.constant 0 : i32
        %dma_start3A_128 = tpu.memref_slice %arg7[%run_scoped3A, %run_scoped3A_62, %dma_start3A_127] : memref<2x8x125xi32, #tpu.memory_space<vmem>> -> memref<1x1x125xi32, #tpu.memory_space<vmem>>
        %dma_start3A_129 = tpu.memref_squeeze %dma_start3A_128 : memref<1x1x125xi32, #tpu.memory_space<vmem>> -> memref<125xi32, #tpu.memory_space<vmem>>
        %dma_start3A_130 = arith.constant 0 : i32
        %dma_start3A_131 = arith.constant 0 : i32
        %dma_start3A_132 = tpu.memref_slice %arg6[%dma_start3A_130, %dma_start3A_131] : memref<10240x128xf32, #tpu.memory_space<vmem_shared>> -> memref<10240x128xf32, #tpu.memory_space<vmem_shared>>
        tpu.enqueue_indirect_dma source(%arg8 : memref<125x128xf32, #tpu.memory_space<vmem>>) target(%dma_start3A_132 : memref<10240x128xf32, #tpu.memory_space<vmem_shared>>) offsets(%dma_start3A_129 : memref<125xi32, #tpu.memory_space<vmem>>) semaphore(%run_scoped3A_126 : memref<!tpu.dma_semaphore, #tpu.memory_space<semaphore_mem>>) {add = true}
        %dma_wait3A_133 = arith.constant 0 : i32
        %dma_wait3A_134 = tpu.memref_slice %arg7[%run_scoped3A, %run_scoped3A_62, %dma_wait3A_133] : memref<2x8x125xi32, #tpu.memory_space<vmem>> -> memref<1x1x125xi32, #tpu.memory_space<vmem>>
        %dma_wait3A_135 = tpu.memref_squeeze %dma_wait3A_134 : memref<1x1x125xi32, #tpu.memory_space<vmem>> -> memref<125xi32, #tpu.memory_space<vmem>>
        %dma_wait3A_136 = arith.constant 0 : i32
        %dma_wait3A_137 = arith.constant 0 : i32
        %dma_wait3A_138 = tpu.memref_slice %arg6[%dma_wait3A_136, %dma_wait3A_137] : memref<10240x128xf32, #tpu.memory_space<vmem_shared>> -> memref<10240x128xf32, #tpu.memory_space<vmem_shared>>
        tpu.wait_indirect_dma semaphore(%run_scoped3A_126 : memref<!tpu.dma_semaphore, #tpu.memory_space<semaphore_mem>>) src(%arg8 : memref<125x128xf32, #tpu.memory_space<vmem>>) dst(%dma_wait3A_138 : memref<10240x128xf32, #tpu.memory_space<vmem_shared>>)
        tpu.yield
      }) : () -> ()
      %run_scoped3A_63 = arith.constant 0 : i32
      %run_scoped3A_64 = arith.constant 1 : i32
      "tpu.region"() ({
        %run_scoped3A_126 = tpu.sem_alloc : memref<!tpu.dma_semaphore, #tpu.memory_space<semaphore_mem>>
        %dma_start3A_127 = arith.constant 0 : i32
        %dma_start3A_128 = tpu.memref_slice %arg7[%run_scoped3A_63, %run_scoped3A_64, %dma_start3A_127] : memref<2x8x125xi32, #tpu.memory_space<vmem>> -> memref<1x1x125xi32, #tpu.memory_space<vmem>>
        %dma_start3A_129 = tpu.memref_squeeze %dma_start3A_128 : memref<1x1x125xi32, #tpu.memory_space<vmem>> -> memref<125xi32, #tpu.memory_space<vmem>>
        %dma_start3A_130 = arith.constant 0 : i32
        %dma_start3A_131 = arith.constant 0 : i32
        %dma_start3A_132 = tpu.memref_slice %arg6[%dma_start3A_130, %dma_start3A_131] : memref<10240x128xf32, #tpu.memory_space<vmem_shared>> -> memref<10240x128xf32, #tpu.memory_space<vmem_shared>>
        tpu.enqueue_indirect_dma source(%arg8 : memref<125x128xf32, #tpu.memory_space<vmem>>) target(%dma_start3A_132 : memref<10240x128xf32, #tpu.memory_space<vmem_shared>>) offsets(%dma_start3A_129 : memref<125xi32, #tpu.memory_space<vmem>>) semaphore(%run_scoped3A_126 : memref<!tpu.dma_semaphore, #tpu.memory_space<semaphore_mem>>) {add = true}
        %dma_wait3A_133 = arith.constant 0 : i32
        %dma_wait3A_134 = tpu.memref_slice %arg7[%run_scoped3A_63, %run_scoped3A_64, %dma_wait3A_133] : memref<2x8x125xi32, #tpu.memory_space<vmem>> -> memref<1x1x125xi32, #tpu.memory_space<vmem>>
        %dma_wait3A_135 = tpu.memref_squeeze %dma_wait3A_134 : memref<1x1x125xi32, #tpu.memory_space<vmem>> -> memref<125xi32, #tpu.memory_space<vmem>>
        %dma_wait3A_136 = arith.constant 0 : i32
        %dma_wait3A_137 = arith.constant 0 : i32
        %dma_wait3A_138 = tpu.memref_slice %arg6[%dma_wait3A_136, %dma_wait3A_137] : memref<10240x128xf32, #tpu.memory_space<vmem_shared>> -> memref<10240x128xf32, #tpu.memory_space<vmem_shared>>
        tpu.wait_indirect_dma semaphore(%run_scoped3A_126 : memref<!tpu.dma_semaphore, #tpu.memory_space<semaphore_mem>>) src(%arg8 : memref<125x128xf32, #tpu.memory_space<vmem>>) dst(%dma_wait3A_138 : memref<10240x128xf32, #tpu.memory_space<vmem_shared>>)
        tpu.yield
      }) : () -> ()
      %run_scoped3A_65 = arith.constant 0 : i32
      %run_scoped3A_66 = arith.constant 2 : i32
      "tpu.region"() ({
        %run_scoped3A_126 = tpu.sem_alloc : memref<!tpu.dma_semaphore, #tpu.memory_space<semaphore_mem>>
        %dma_start3A_127 = arith.constant 0 : i32
        %dma_start3A_128 = tpu.memref_slice %arg7[%run_scoped3A_65, %run_scoped3A_66, %dma_start3A_127] : memref<2x8x125xi32, #tpu.memory_space<vmem>> -> memref<1x1x125xi32, #tpu.memory_space<vmem>>
        %dma_start3A_129 = tpu.memref_squeeze %dma_start3A_128 : memref<1x1x125xi32, #tpu.memory_space<vmem>> -> memref<125xi32, #tpu.memory_space<vmem>>
        %dma_start3A_130 = arith.constant 0 : i32
        %dma_start3A_131 = arith.constant 0 : i32
        %dma_start3A_132 = tpu.memref_slice %arg6[%dma_start3A_130, %dma_start3A_131] : memref<10240x128xf32, #tpu.memory_space<vmem_shared>> -> memref<10240x128xf32, #tpu.memory_space<vmem_shared>>
        tpu.enqueue_indirect_dma source(%arg8 : memref<125x128xf32, #tpu.memory_space<vmem>>) target(%dma_start3A_132 : memref<10240x128xf32, #tpu.memory_space<vmem_shared>>) offsets(%dma_start3A_129 : memref<125xi32, #tpu.memory_space<vmem>>) semaphore(%run_scoped3A_126 : memref<!tpu.dma_semaphore, #tpu.memory_space<semaphore_mem>>) {add = true}
        %dma_wait3A_133 = arith.constant 0 : i32
        %dma_wait3A_134 = tpu.memref_slice %arg7[%run_scoped3A_65, %run_scoped3A_66, %dma_wait3A_133] : memref<2x8x125xi32, #tpu.memory_space<vmem>> -> memref<1x1x125xi32, #tpu.memory_space<vmem>>
        %dma_wait3A_135 = tpu.memref_squeeze %dma_wait3A_134 : memref<1x1x125xi32, #tpu.memory_space<vmem>> -> memref<125xi32, #tpu.memory_space<vmem>>
        %dma_wait3A_136 = arith.constant 0 : i32
        %dma_wait3A_137 = arith.constant 0 : i32
        %dma_wait3A_138 = tpu.memref_slice %arg6[%dma_wait3A_136, %dma_wait3A_137] : memref<10240x128xf32, #tpu.memory_space<vmem_shared>> -> memref<10240x128xf32, #tpu.memory_space<vmem_shared>>
        tpu.wait_indirect_dma semaphore(%run_scoped3A_126 : memref<!tpu.dma_semaphore, #tpu.memory_space<semaphore_mem>>) src(%arg8 : memref<125x128xf32, #tpu.memory_space<vmem>>) dst(%dma_wait3A_138 : memref<10240x128xf32, #tpu.memory_space<vmem_shared>>)
        tpu.yield
      }) : () -> ()
      %run_scoped3A_67 = arith.constant 0 : i32
      %run_scoped3A_68 = arith.constant 3 : i32
      "tpu.region"() ({
        %run_scoped3A_126 = tpu.sem_alloc : memref<!tpu.dma_semaphore, #tpu.memory_space<semaphore_mem>>
        %dma_start3A_127 = arith.constant 0 : i32
        %dma_start3A_128 = tpu.memref_slice %arg7[%run_scoped3A_67, %run_scoped3A_68, %dma_start3A_127] : memref<2x8x125xi32, #tpu.memory_space<vmem>> -> memref<1x1x125xi32, #tpu.memory_space<vmem>>
        %dma_start3A_129 = tpu.memref_squeeze %dma_start3A_128 : memref<1x1x125xi32, #tpu.memory_space<vmem>> -> memref<125xi32, #tpu.memory_space<vmem>>
        %dma_start3A_130 = arith.constant 0 : i32
        %dma_start3A_131 = arith.constant 0 : i32
        %dma_start3A_132 = tpu.memref_slice %arg6[%dma_start3A_130, %dma_start3A_131] : memref<10240x128xf32, #tpu.memory_space<vmem_shared>> -> memref<10240x128xf32, #tpu.memory_space<vmem_shared>>
        tpu.enqueue_indirect_dma source(%arg8 : memref<125x128xf32, #tpu.memory_space<vmem>>) target(%dma_start3A_132 : memref<10240x128xf32, #tpu.memory_space<vmem_shared>>) offsets(%dma_start3A_129 : memref<125xi32, #tpu.memory_space<vmem>>) semaphore(%run_scoped3A_126 : memref<!tpu.dma_semaphore, #tpu.memory_space<semaphore_mem>>) {add = true}
        %dma_wait3A_133 = arith.constant 0 : i32
        %dma_wait3A_134 = tpu.memref_slice %arg7[%run_scoped3A_67, %run_scoped3A_68, %dma_wait3A_133] : memref<2x8x125xi32, #tpu.memory_space<vmem>> -> memref<1x1x125xi32, #tpu.memory_space<vmem>>
        %dma_wait3A_135 = tpu.memref_squeeze %dma_wait3A_134 : memref<1x1x125xi32, #tpu.memory_space<vmem>> -> memref<125xi32, #tpu.memory_space<vmem>>
        %dma_wait3A_136 = arith.constant 0 : i32
        %dma_wait3A_137 = arith.constant 0 : i32
        %dma_wait3A_138 = tpu.memref_slice %arg6[%dma_wait3A_136, %dma_wait3A_137] : memref<10240x128xf32, #tpu.memory_space<vmem_shared>> -> memref<10240x128xf32, #tpu.memory_space<vmem_shared>>
        tpu.wait_indirect_dma semaphore(%run_scoped3A_126 : memref<!tpu.dma_semaphore, #tpu.memory_space<semaphore_mem>>) src(%arg8 : memref<125x128xf32, #tpu.memory_space<vmem>>) dst(%dma_wait3A_138 : memref<10240x128xf32, #tpu.memory_space<vmem_shared>>)
        tpu.yield
      }) : () -> ()
      %run_scoped3A_69 = arith.constant 0 : i32
      %run_scoped3A_70 = arith.constant 4 : i32
      "tpu.region"() ({
        %run_scoped3A_126 = tpu.sem_alloc : memref<!tpu.dma_semaphore, #tpu.memory_space<semaphore_mem>>
        %dma_start3A_127 = arith.constant 0 : i32
        %dma_start3A_128 = tpu.memref_slice %arg7[%run_scoped3A_69, %run_scoped3A_70, %dma_start3A_127] : memref<2x8x125xi32, #tpu.memory_space<vmem>> -> memref<1x1x125xi32, #tpu.memory_space<vmem>>
        %dma_start3A_129 = tpu.memref_squeeze %dma_start3A_128 : memref<1x1x125xi32, #tpu.memory_space<vmem>> -> memref<125xi32, #tpu.memory_space<vmem>>
        %dma_start3A_130 = arith.constant 0 : i32
        %dma_start3A_131 = arith.constant 0 : i32
        %dma_start3A_132 = tpu.memref_slice %arg6[%dma_start3A_130, %dma_start3A_131] : memref<10240x128xf32, #tpu.memory_space<vmem_shared>> -> memref<10240x128xf32, #tpu.memory_space<vmem_shared>>
        tpu.enqueue_indirect_dma source(%arg8 : memref<125x128xf32, #tpu.memory_space<vmem>>) target(%dma_start3A_132 : memref<10240x128xf32, #tpu.memory_space<vmem_shared>>) offsets(%dma_start3A_129 : memref<125xi32, #tpu.memory_space<vmem>>) semaphore(%run_scoped3A_126 : memref<!tpu.dma_semaphore, #tpu.memory_space<semaphore_mem>>) {add = true}
        %dma_wait3A_133 = arith.constant 0 : i32
        %dma_wait3A_134 = tpu.memref_slice %arg7[%run_scoped3A_69, %run_scoped3A_70, %dma_wait3A_133] : memref<2x8x125xi32, #tpu.memory_space<vmem>> -> memref<1x1x125xi32, #tpu.memory_space<vmem>>
        %dma_wait3A_135 = tpu.memref_squeeze %dma_wait3A_134 : memref<1x1x125xi32, #tpu.memory_space<vmem>> -> memref<125xi32, #tpu.memory_space<vmem>>
        %dma_wait3A_136 = arith.constant 0 : i32
        %dma_wait3A_137 = arith.constant 0 : i32
        %dma_wait3A_138 = tpu.memref_slice %arg6[%dma_wait3A_136, %dma_wait3A_137] : memref<10240x128xf32, #tpu.memory_space<vmem_shared>> -> memref<10240x128xf32, #tpu.memory_space<vmem_shared>>
        tpu.wait_indirect_dma semaphore(%run_scoped3A_126 : memref<!tpu.dma_semaphore, #tpu.memory_space<semaphore_mem>>) src(%arg8 : memref<125x128xf32, #tpu.memory_space<vmem>>) dst(%dma_wait3A_138 : memref<10240x128xf32, #tpu.memory_space<vmem_shared>>)
        tpu.yield
      }) : () -> ()
      %run_scoped3A_71 = arith.constant 0 : i32
      %run_scoped3A_72 = arith.constant 5 : i32
      "tpu.region"() ({
        %run_scoped3A_126 = tpu.sem_alloc : memref<!tpu.dma_semaphore, #tpu.memory_space<semaphore_mem>>
        %dma_start3A_127 = arith.constant 0 : i32
        %dma_start3A_128 = tpu.memref_slice %arg7[%run_scoped3A_71, %run_scoped3A_72, %dma_start3A_127] : memref<2x8x125xi32, #tpu.memory_space<vmem>> -> memref<1x1x125xi32, #tpu.memory_space<vmem>>
        %dma_start3A_129 = tpu.memref_squeeze %dma_start3A_128 : memref<1x1x125xi32, #tpu.memory_space<vmem>> -> memref<125xi32, #tpu.memory_space<vmem>>
        %dma_start3A_130 = arith.constant 0 : i32
        %dma_start3A_131 = arith.constant 0 : i32
        %dma_start3A_132 = tpu.memref_slice %arg6[%dma_start3A_130, %dma_start3A_131] : memref<10240x128xf32, #tpu.memory_space<vmem_shared>> -> memref<10240x128xf32, #tpu.memory_space<vmem_shared>>
        tpu.enqueue_indirect_dma source(%arg8 : memref<125x128xf32, #tpu.memory_space<vmem>>) target(%dma_start3A_132 : memref<10240x128xf32, #tpu.memory_space<vmem_shared>>) offsets(%dma_start3A_129 : memref<125xi32, #tpu.memory_space<vmem>>) semaphore(%run_scoped3A_126 : memref<!tpu.dma_semaphore, #tpu.memory_space<semaphore_mem>>) {add = true}
        %dma_wait3A_133 = arith.constant 0 : i32
        %dma_wait3A_134 = tpu.memref_slice %arg7[%run_scoped3A_71, %run_scoped3A_72, %dma_wait3A_133] : memref<2x8x125xi32, #tpu.memory_space<vmem>> -> memref<1x1x125xi32, #tpu.memory_space<vmem>>
        %dma_wait3A_135 = tpu.memref_squeeze %dma_wait3A_134 : memref<1x1x125xi32, #tpu.memory_space<vmem>> -> memref<125xi32, #tpu.memory_space<vmem>>
        %dma_wait3A_136 = arith.constant 0 : i32
        %dma_wait3A_137 = arith.constant 0 : i32
        %dma_wait3A_138 = tpu.memref_slice %arg6[%dma_wait3A_136, %dma_wait3A_137] : memref<10240x128xf32, #tpu.memory_space<vmem_shared>> -> memref<10240x128xf32, #tpu.memory_space<vmem_shared>>
        tpu.wait_indirect_dma semaphore(%run_scoped3A_126 : memref<!tpu.dma_semaphore, #tpu.memory_space<semaphore_mem>>) src(%arg8 : memref<125x128xf32, #tpu.memory_space<vmem>>) dst(%dma_wait3A_138 : memref<10240x128xf32, #tpu.memory_space<vmem_shared>>)
        tpu.yield
      }) : () -> ()
      %run_scoped3A_73 = arith.constant 0 : i32
      %run_scoped3A_74 = arith.constant 6 : i32
      "tpu.region"() ({
        %run_scoped3A_126 = tpu.sem_alloc : memref<!tpu.dma_semaphore, #tpu.memory_space<semaphore_mem>>
        %dma_start3A_127 = arith.constant 0 : i32
        %dma_start3A_128 = tpu.memref_slice %arg7[%run_scoped3A_73, %run_scoped3A_74, %dma_start3A_127] : memref<2x8x125xi32, #tpu.memory_space<vmem>> -> memref<1x1x125xi32, #tpu.memory_space<vmem>>
        %dma_start3A_129 = tpu.memref_squeeze %dma_start3A_128 : memref<1x1x125xi32, #tpu.memory_space<vmem>> -> memref<125xi32, #tpu.memory_space<vmem>>
        %dma_start3A_130 = arith.constant 0 : i32
        %dma_start3A_131 = arith.constant 0 : i32
        %dma_start3A_132 = tpu.memref_slice %arg6[%dma_start3A_130, %dma_start3A_131] : memref<10240x128xf32, #tpu.memory_space<vmem_shared>> -> memref<10240x128xf32, #tpu.memory_space<vmem_shared>>
        tpu.enqueue_indirect_dma source(%arg8 : memref<125x128xf32, #tpu.memory_space<vmem>>) target(%dma_start3A_132 : memref<10240x128xf32, #tpu.memory_space<vmem_shared>>) offsets(%dma_start3A_129 : memref<125xi32, #tpu.memory_space<vmem>>) semaphore(%run_scoped3A_126 : memref<!tpu.dma_semaphore, #tpu.memory_space<semaphore_mem>>) {add = true}
        %dma_wait3A_133 = arith.constant 0 : i32
        %dma_wait3A_134 = tpu.memref_slice %arg7[%run_scoped3A_73, %run_scoped3A_74, %dma_wait3A_133] : memref<2x8x125xi32, #tpu.memory_space<vmem>> -> memref<1x1x125xi32, #tpu.memory_space<vmem>>
        %dma_wait3A_135 = tpu.memref_squeeze %dma_wait3A_134 : memref<1x1x125xi32, #tpu.memory_space<vmem>> -> memref<125xi32, #tpu.memory_space<vmem>>
        %dma_wait3A_136 = arith.constant 0 : i32
        %dma_wait3A_137 = arith.constant 0 : i32
        %dma_wait3A_138 = tpu.memref_slice %arg6[%dma_wait3A_136, %dma_wait3A_137] : memref<10240x128xf32, #tpu.memory_space<vmem_shared>> -> memref<10240x128xf32, #tpu.memory_space<vmem_shared>>
        tpu.wait_indirect_dma semaphore(%run_scoped3A_126 : memref<!tpu.dma_semaphore, #tpu.memory_space<semaphore_mem>>) src(%arg8 : memref<125x128xf32, #tpu.memory_space<vmem>>) dst(%dma_wait3A_138 : memref<10240x128xf32, #tpu.memory_space<vmem_shared>>)
        tpu.yield
      }) : () -> ()
      %run_scoped3A_75 = arith.constant 0 : i32
      %run_scoped3A_76 = arith.constant 7 : i32
      "tpu.region"() ({
        %run_scoped3A_126 = tpu.sem_alloc : memref<!tpu.dma_semaphore, #tpu.memory_space<semaphore_mem>>
        %dma_start3A_127 = arith.constant 0 : i32
        %dma_start3A_128 = tpu.memref_slice %arg7[%run_scoped3A_75, %run_scoped3A_76, %dma_start3A_127] : memref<2x8x125xi32, #tpu.memory_space<vmem>> -> memref<1x1x125xi32, #tpu.memory_space<vmem>>
        %dma_start3A_129 = tpu.memref_squeeze %dma_start3A_128 : memref<1x1x125xi32, #tpu.memory_space<vmem>> -> memref<125xi32, #tpu.memory_space<vmem>>
        %dma_start3A_130 = arith.constant 0 : i32
        %dma_start3A_131 = arith.constant 0 : i32
        %dma_start3A_132 = tpu.memref_slice %arg6[%dma_start3A_130, %dma_start3A_131] : memref<10240x128xf32, #tpu.memory_space<vmem_shared>> -> memref<10240x128xf32, #tpu.memory_space<vmem_shared>>
        tpu.enqueue_indirect_dma source(%arg8 : memref<125x128xf32, #tpu.memory_space<vmem>>) target(%dma_start3A_132 : memref<10240x128xf32, #tpu.memory_space<vmem_shared>>) offsets(%dma_start3A_129 : memref<125xi32, #tpu.memory_space<vmem>>) semaphore(%run_scoped3A_126 : memref<!tpu.dma_semaphore, #tpu.memory_space<semaphore_mem>>) {add = true}
        %dma_wait3A_133 = arith.constant 0 : i32
        %dma_wait3A_134 = tpu.memref_slice %arg7[%run_scoped3A_75, %run_scoped3A_76, %dma_wait3A_133] : memref<2x8x125xi32, #tpu.memory_space<vmem>> -> memref<1x1x125xi32, #tpu.memory_space<vmem>>
        %dma_wait3A_135 = tpu.memref_squeeze %dma_wait3A_134 : memref<1x1x125xi32, #tpu.memory_space<vmem>> -> memref<125xi32, #tpu.memory_space<vmem>>
        %dma_wait3A_136 = arith.constant 0 : i32
        %dma_wait3A_137 = arith.constant 0 : i32
        %dma_wait3A_138 = tpu.memref_slice %arg6[%dma_wait3A_136, %dma_wait3A_137] : memref<10240x128xf32, #tpu.memory_space<vmem_shared>> -> memref<10240x128xf32, #tpu.memory_space<vmem_shared>>
        tpu.wait_indirect_dma semaphore(%run_scoped3A_126 : memref<!tpu.dma_semaphore, #tpu.memory_space<semaphore_mem>>) src(%arg8 : memref<125x128xf32, #tpu.memory_space<vmem>>) dst(%dma_wait3A_138 : memref<10240x128xf32, #tpu.memory_space<vmem_shared>>)
        tpu.yield
      }) : () -> ()
      %add3A_77 = arith.constant 2 : i32
      %add3A_78 = arith.addi %add3A_61, %add3A_77 : i32
      %lt3A = arith.constant 10 : i32
      %lt3A_79 = arith.cmpi slt, %add3A_78, %lt3A : i32
      %convert_element_type3A = arith.extui %lt3A_79 : i1 to i32
      %cond3A = arith.constant 0 : i32
      %cond3A_80 = arith.cmpi ne, %convert_element_type3A, %cond3A : i32
      scf.if %cond3A_80 {
        %add3A_126 = arith.constant 2 : i32
        %add3A_127 = arith.addi %add3A_61, %add3A_126 : i32
        %mul3A_128 = arith.constant 8 : i32
        %mul3A_129 = arith.muli %add3A_127, %mul3A_128 : i32
        %add3A_130 = arith.addi %mul3A_2, %mul3A_129 : i32
        %dma_start3A_131 = arith.constant 0 : i32
        %dma_start3A_132 = arith.constant 0 : i32
        %dma_start3A_133 = arith.constant 0 : i32
        %dma_start3A_134 = tpu.memref_slice %arg7[%dma_start3A_131, %dma_start3A_132, %dma_start3A_133] : memref<2x8x125xi32, #tpu.memory_space<vmem>> -> memref<1x8x125xi32, #tpu.memory_space<vmem>>
        %dma_start3A_135 = tpu.memref_squeeze %dma_start3A_134 : memref<1x8x125xi32, #tpu.memory_space<vmem>> -> memref<8x125xi32, #tpu.memory_space<vmem>>
        %dma_start3A_136 = arith.constant 0 : i32
        %dma_start3A_137 = tpu.memref_slice %arg2[%add3A_130, %dma_start3A_136] : memref<2560x125xi32, #tpu.memory_space<hbm>> -> memref<8x125xi32, #tpu.memory_space<hbm>>
        %dma_start3A_138 = arith.constant 0 : i32
        %dma_start3A_139 = arith.constant 0 : i32
        %dma_start3A_140 = tpu.memref_slice %arg7[%dma_start3A_131, %dma_start3A_138, %dma_start3A_139] : memref<2x8x125xi32, #tpu.memory_space<vmem>> -> memref<1x8x125xi32, #tpu.memory_space<vmem>>
        %dma_start3A_141 = tpu.memref_squeeze %dma_start3A_140 : memref<1x8x125xi32, #tpu.memory_space<vmem>> -> memref<8x125xi32, #tpu.memory_space<vmem>>
        %dma_start3A_142 = arith.constant 0 : i32
        %dma_start3A_143 = tpu.memref_slice %arg2[%add3A_130, %dma_start3A_142] : memref<2560x125xi32, #tpu.memory_space<hbm>> -> memref<8x125xi32, #tpu.memory_space<hbm>>
        tpu.enqueue_dma source(%dma_start3A_143 : memref<8x125xi32, #tpu.memory_space<hbm>>) target(%dma_start3A_141 : memref<8x125xi32, #tpu.memory_space<vmem>>) target_semaphore(%arg9 : memref<!tpu.dma_semaphore, #tpu.memory_space<semaphore_mem>>)
      } else {
      }
      %dma_wait3A_81 = arith.constant 1 : i32
      %dma_wait3A_82 = arith.constant 0 : i32
      %dma_wait3A_83 = arith.constant 0 : i32
      %dma_wait3A_84 = tpu.memref_slice %arg7[%dma_wait3A_81, %dma_wait3A_82, %dma_wait3A_83] : memref<2x8x125xi32, #tpu.memory_space<vmem>> -> memref<1x8x125xi32, #tpu.memory_space<vmem>>
      %dma_wait3A_85 = tpu.memref_squeeze %dma_wait3A_84 : memref<1x8x125xi32, #tpu.memory_space<vmem>> -> memref<8x125xi32, #tpu.memory_space<vmem>>
      %dma_wait3A_86 = arith.constant 0 : i32
      %dma_wait3A_87 = arith.constant 0 : i32
      %dma_wait3A_88 = tpu.memref_slice %arg2[%dma_wait3A_86, %dma_wait3A_87] : memref<2560x125xi32, #tpu.memory_space<hbm>> -> memref<8x125xi32, #tpu.memory_space<hbm>>
      %dma_wait3A_89 = arith.constant 0 : i32
      %dma_wait3A_90 = arith.constant 0 : i32
      %dma_wait3A_91 = tpu.memref_slice %arg7[%dma_wait3A_81, %dma_wait3A_89, %dma_wait3A_90] : memref<2x8x125xi32, #tpu.memory_space<vmem>> -> memref<1x8x125xi32, #tpu.memory_space<vmem>>
      %dma_wait3A_92 = tpu.memref_squeeze %dma_wait3A_91 : memref<1x8x125xi32, #tpu.memory_space<vmem>> -> memref<8x125xi32, #tpu.memory_space<vmem>>
      %dma_wait3A_93 = arith.constant 0 : i32
      %dma_wait3A_94 = arith.constant 0 : i32
      %dma_wait3A_95 = tpu.memref_slice %arg2[%dma_wait3A_93, %dma_wait3A_94] : memref<2560x125xi32, #tpu.memory_space<hbm>> -> memref<8x125xi32, #tpu.memory_space<hbm>>
      tpu.wait_dma2 semaphore(%arg10 : memref<!tpu.dma_semaphore, #tpu.memory_space<semaphore_mem>>) src(%dma_wait3A_95 : memref<8x125xi32, #tpu.memory_space<hbm>>) dst(%dma_wait3A_92 : memref<8x125xi32, #tpu.memory_space<vmem>>)
      %run_scoped3A_96 = arith.constant 1 : i32
      %run_scoped3A_97 = arith.constant 0 : i32
      "tpu.region"() ({
        %run_scoped3A_126 = tpu.sem_alloc : memref<!tpu.dma_semaphore, #tpu.memory_space<semaphore_mem>>
        %dma_start3A_127 = arith.constant 0 : i32
        %dma_start3A_128 = tpu.memref_slice %arg7[%run_scoped3A_96, %run_scoped3A_97, %dma_start3A_127] : memref<2x8x125xi32, #tpu.memory_space<vmem>> -> memref<1x1x125xi32, #tpu.memory_space<vmem>>
        %dma_start3A_129 = tpu.memref_squeeze %dma_start3A_128 : memref<1x1x125xi32, #tpu.memory_space<vmem>> -> memref<125xi32, #tpu.memory_space<vmem>>
        %dma_start3A_130 = arith.constant 0 : i32
        %dma_start3A_131 = arith.constant 0 : i32
        %dma_start3A_132 = tpu.memref_slice %arg6[%dma_start3A_130, %dma_start3A_131] : memref<10240x128xf32, #tpu.memory_space<vmem_shared>> -> memref<10240x128xf32, #tpu.memory_space<vmem_shared>>
        tpu.enqueue_indirect_dma source(%arg8 : memref<125x128xf32, #tpu.memory_space<vmem>>) target(%dma_start3A_132 : memref<10240x128xf32, #tpu.memory_space<vmem_shared>>) offsets(%dma_start3A_129 : memref<125xi32, #tpu.memory_space<vmem>>) semaphore(%run_scoped3A_126 : memref<!tpu.dma_semaphore, #tpu.memory_space<semaphore_mem>>) {add = true}
        %dma_wait3A_133 = arith.constant 0 : i32
        %dma_wait3A_134 = tpu.memref_slice %arg7[%run_scoped3A_96, %run_scoped3A_97, %dma_wait3A_133] : memref<2x8x125xi32, #tpu.memory_space<vmem>> -> memref<1x1x125xi32, #tpu.memory_space<vmem>>
        %dma_wait3A_135 = tpu.memref_squeeze %dma_wait3A_134 : memref<1x1x125xi32, #tpu.memory_space<vmem>> -> memref<125xi32, #tpu.memory_space<vmem>>
        %dma_wait3A_136 = arith.constant 0 : i32
        %dma_wait3A_137 = arith.constant 0 : i32
        %dma_wait3A_138 = tpu.memref_slice %arg6[%dma_wait3A_136, %dma_wait3A_137] : memref<10240x128xf32, #tpu.memory_space<vmem_shared>> -> memref<10240x128xf32, #tpu.memory_space<vmem_shared>>
        tpu.wait_indirect_dma semaphore(%run_scoped3A_126 : memref<!tpu.dma_semaphore, #tpu.memory_space<semaphore_mem>>) src(%arg8 : memref<125x128xf32, #tpu.memory_space<vmem>>) dst(%dma_wait3A_138 : memref<10240x128xf32, #tpu.memory_space<vmem_shared>>)
        tpu.yield
      }) : () -> ()
      %run_scoped3A_98 = arith.constant 1 : i32
      %run_scoped3A_99 = arith.constant 1 : i32
      "tpu.region"() ({
        %run_scoped3A_126 = tpu.sem_alloc : memref<!tpu.dma_semaphore, #tpu.memory_space<semaphore_mem>>
        %dma_start3A_127 = arith.constant 0 : i32
        %dma_start3A_128 = tpu.memref_slice %arg7[%run_scoped3A_98, %run_scoped3A_99, %dma_start3A_127] : memref<2x8x125xi32, #tpu.memory_space<vmem>> -> memref<1x1x125xi32, #tpu.memory_space<vmem>>
        %dma_start3A_129 = tpu.memref_squeeze %dma_start3A_128 : memref<1x1x125xi32, #tpu.memory_space<vmem>> -> memref<125xi32, #tpu.memory_space<vmem>>
        %dma_start3A_130 = arith.constant 0 : i32
        %dma_start3A_131 = arith.constant 0 : i32
        %dma_start3A_132 = tpu.memref_slice %arg6[%dma_start3A_130, %dma_start3A_131] : memref<10240x128xf32, #tpu.memory_space<vmem_shared>> -> memref<10240x128xf32, #tpu.memory_space<vmem_shared>>
        tpu.enqueue_indirect_dma source(%arg8 : memref<125x128xf32, #tpu.memory_space<vmem>>) target(%dma_start3A_132 : memref<10240x128xf32, #tpu.memory_space<vmem_shared>>) offsets(%dma_start3A_129 : memref<125xi32, #tpu.memory_space<vmem>>) semaphore(%run_scoped3A_126 : memref<!tpu.dma_semaphore, #tpu.memory_space<semaphore_mem>>) {add = true}
        %dma_wait3A_133 = arith.constant 0 : i32
        %dma_wait3A_134 = tpu.memref_slice %arg7[%run_scoped3A_98, %run_scoped3A_99, %dma_wait3A_133] : memref<2x8x125xi32, #tpu.memory_space<vmem>> -> memref<1x1x125xi32, #tpu.memory_space<vmem>>
        %dma_wait3A_135 = tpu.memref_squeeze %dma_wait3A_134 : memref<1x1x125xi32, #tpu.memory_space<vmem>> -> memref<125xi32, #tpu.memory_space<vmem>>
        %dma_wait3A_136 = arith.constant 0 : i32
        %dma_wait3A_137 = arith.constant 0 : i32
        %dma_wait3A_138 = tpu.memref_slice %arg6[%dma_wait3A_136, %dma_wait3A_137] : memref<10240x128xf32, #tpu.memory_space<vmem_shared>> -> memref<10240x128xf32, #tpu.memory_space<vmem_shared>>
        tpu.wait_indirect_dma semaphore(%run_scoped3A_126 : memref<!tpu.dma_semaphore, #tpu.memory_space<semaphore_mem>>) src(%arg8 : memref<125x128xf32, #tpu.memory_space<vmem>>) dst(%dma_wait3A_138 : memref<10240x128xf32, #tpu.memory_space<vmem_shared>>)
        tpu.yield
      }) : () -> ()
      %run_scoped3A_100 = arith.constant 1 : i32
      %run_scoped3A_101 = arith.constant 2 : i32
      "tpu.region"() ({
        %run_scoped3A_126 = tpu.sem_alloc : memref<!tpu.dma_semaphore, #tpu.memory_space<semaphore_mem>>
        %dma_start3A_127 = arith.constant 0 : i32
        %dma_start3A_128 = tpu.memref_slice %arg7[%run_scoped3A_100, %run_scoped3A_101, %dma_start3A_127] : memref<2x8x125xi32, #tpu.memory_space<vmem>> -> memref<1x1x125xi32, #tpu.memory_space<vmem>>
        %dma_start3A_129 = tpu.memref_squeeze %dma_start3A_128 : memref<1x1x125xi32, #tpu.memory_space<vmem>> -> memref<125xi32, #tpu.memory_space<vmem>>
        %dma_start3A_130 = arith.constant 0 : i32
        %dma_start3A_131 = arith.constant 0 : i32
        %dma_start3A_132 = tpu.memref_slice %arg6[%dma_start3A_130, %dma_start3A_131] : memref<10240x128xf32, #tpu.memory_space<vmem_shared>> -> memref<10240x128xf32, #tpu.memory_space<vmem_shared>>
        tpu.enqueue_indirect_dma source(%arg8 : memref<125x128xf32, #tpu.memory_space<vmem>>) target(%dma_start3A_132 : memref<10240x128xf32, #tpu.memory_space<vmem_shared>>) offsets(%dma_start3A_129 : memref<125xi32, #tpu.memory_space<vmem>>) semaphore(%run_scoped3A_126 : memref<!tpu.dma_semaphore, #tpu.memory_space<semaphore_mem>>) {add = true}
        %dma_wait3A_133 = arith.constant 0 : i32
        %dma_wait3A_134 = tpu.memref_slice %arg7[%run_scoped3A_100, %run_scoped3A_101, %dma_wait3A_133] : memref<2x8x125xi32, #tpu.memory_space<vmem>> -> memref<1x1x125xi32, #tpu.memory_space<vmem>>
        %dma_wait3A_135 = tpu.memref_squeeze %dma_wait3A_134 : memref<1x1x125xi32, #tpu.memory_space<vmem>> -> memref<125xi32, #tpu.memory_space<vmem>>
        %dma_wait3A_136 = arith.constant 0 : i32
        %dma_wait3A_137 = arith.constant 0 : i32
        %dma_wait3A_138 = tpu.memref_slice %arg6[%dma_wait3A_136, %dma_wait3A_137] : memref<10240x128xf32, #tpu.memory_space<vmem_shared>> -> memref<10240x128xf32, #tpu.memory_space<vmem_shared>>
        tpu.wait_indirect_dma semaphore(%run_scoped3A_126 : memref<!tpu.dma_semaphore, #tpu.memory_space<semaphore_mem>>) src(%arg8 : memref<125x128xf32, #tpu.memory_space<vmem>>) dst(%dma_wait3A_138 : memref<10240x128xf32, #tpu.memory_space<vmem_shared>>)
        tpu.yield
      }) : () -> ()
      %run_scoped3A_102 = arith.constant 1 : i32
      %run_scoped3A_103 = arith.constant 3 : i32
      "tpu.region"() ({
        %run_scoped3A_126 = tpu.sem_alloc : memref<!tpu.dma_semaphore, #tpu.memory_space<semaphore_mem>>
        %dma_start3A_127 = arith.constant 0 : i32
        %dma_start3A_128 = tpu.memref_slice %arg7[%run_scoped3A_102, %run_scoped3A_103, %dma_start3A_127] : memref<2x8x125xi32, #tpu.memory_space<vmem>> -> memref<1x1x125xi32, #tpu.memory_space<vmem>>
        %dma_start3A_129 = tpu.memref_squeeze %dma_start3A_128 : memref<1x1x125xi32, #tpu.memory_space<vmem>> -> memref<125xi32, #tpu.memory_space<vmem>>
        %dma_start3A_130 = arith.constant 0 : i32
        %dma_start3A_131 = arith.constant 0 : i32
        %dma_start3A_132 = tpu.memref_slice %arg6[%dma_start3A_130, %dma_start3A_131] : memref<10240x128xf32, #tpu.memory_space<vmem_shared>> -> memref<10240x128xf32, #tpu.memory_space<vmem_shared>>
        tpu.enqueue_indirect_dma source(%arg8 : memref<125x128xf32, #tpu.memory_space<vmem>>) target(%dma_start3A_132 : memref<10240x128xf32, #tpu.memory_space<vmem_shared>>) offsets(%dma_start3A_129 : memref<125xi32, #tpu.memory_space<vmem>>) semaphore(%run_scoped3A_126 : memref<!tpu.dma_semaphore, #tpu.memory_space<semaphore_mem>>) {add = true}
        %dma_wait3A_133 = arith.constant 0 : i32
        %dma_wait3A_134 = tpu.memref_slice %arg7[%run_scoped3A_102, %run_scoped3A_103, %dma_wait3A_133] : memref<2x8x125xi32, #tpu.memory_space<vmem>> -> memref<1x1x125xi32, #tpu.memory_space<vmem>>
        %dma_wait3A_135 = tpu.memref_squeeze %dma_wait3A_134 : memref<1x1x125xi32, #tpu.memory_space<vmem>> -> memref<125xi32, #tpu.memory_space<vmem>>
        %dma_wait3A_136 = arith.constant 0 : i32
        %dma_wait3A_137 = arith.constant 0 : i32
        %dma_wait3A_138 = tpu.memref_slice %arg6[%dma_wait3A_136, %dma_wait3A_137] : memref<10240x128xf32, #tpu.memory_space<vmem_shared>> -> memref<10240x128xf32, #tpu.memory_space<vmem_shared>>
        tpu.wait_indirect_dma semaphore(%run_scoped3A_126 : memref<!tpu.dma_semaphore, #tpu.memory_space<semaphore_mem>>) src(%arg8 : memref<125x128xf32, #tpu.memory_space<vmem>>) dst(%dma_wait3A_138 : memref<10240x128xf32, #tpu.memory_space<vmem_shared>>)
        tpu.yield
      }) : () -> ()
      %run_scoped3A_104 = arith.constant 1 : i32
      %run_scoped3A_105 = arith.constant 4 : i32
      "tpu.region"() ({
        %run_scoped3A_126 = tpu.sem_alloc : memref<!tpu.dma_semaphore, #tpu.memory_space<semaphore_mem>>
        %dma_start3A_127 = arith.constant 0 : i32
        %dma_start3A_128 = tpu.memref_slice %arg7[%run_scoped3A_104, %run_scoped3A_105, %dma_start3A_127] : memref<2x8x125xi32, #tpu.memory_space<vmem>> -> memref<1x1x125xi32, #tpu.memory_space<vmem>>
        %dma_start3A_129 = tpu.memref_squeeze %dma_start3A_128 : memref<1x1x125xi32, #tpu.memory_space<vmem>> -> memref<125xi32, #tpu.memory_space<vmem>>
        %dma_start3A_130 = arith.constant 0 : i32
        %dma_start3A_131 = arith.constant 0 : i32
        %dma_start3A_132 = tpu.memref_slice %arg6[%dma_start3A_130, %dma_start3A_131] : memref<10240x128xf32, #tpu.memory_space<vmem_shared>> -> memref<10240x128xf32, #tpu.memory_space<vmem_shared>>
        tpu.enqueue_indirect_dma source(%arg8 : memref<125x128xf32, #tpu.memory_space<vmem>>) target(%dma_start3A_132 : memref<10240x128xf32, #tpu.memory_space<vmem_shared>>) offsets(%dma_start3A_129 : memref<125xi32, #tpu.memory_space<vmem>>) semaphore(%run_scoped3A_126 : memref<!tpu.dma_semaphore, #tpu.memory_space<semaphore_mem>>) {add = true}
        %dma_wait3A_133 = arith.constant 0 : i32
        %dma_wait3A_134 = tpu.memref_slice %arg7[%run_scoped3A_104, %run_scoped3A_105, %dma_wait3A_133] : memref<2x8x125xi32, #tpu.memory_space<vmem>> -> memref<1x1x125xi32, #tpu.memory_space<vmem>>
        %dma_wait3A_135 = tpu.memref_squeeze %dma_wait3A_134 : memref<1x1x125xi32, #tpu.memory_space<vmem>> -> memref<125xi32, #tpu.memory_space<vmem>>
        %dma_wait3A_136 = arith.constant 0 : i32
        %dma_wait3A_137 = arith.constant 0 : i32
        %dma_wait3A_138 = tpu.memref_slice %arg6[%dma_wait3A_136, %dma_wait3A_137] : memref<10240x128xf32, #tpu.memory_space<vmem_shared>> -> memref<10240x128xf32, #tpu.memory_space<vmem_shared>>
        tpu.wait_indirect_dma semaphore(%run_scoped3A_126 : memref<!tpu.dma_semaphore, #tpu.memory_space<semaphore_mem>>) src(%arg8 : memref<125x128xf32, #tpu.memory_space<vmem>>) dst(%dma_wait3A_138 : memref<10240x128xf32, #tpu.memory_space<vmem_shared>>)
        tpu.yield
      }) : () -> ()
      %run_scoped3A_106 = arith.constant 1 : i32
      %run_scoped3A_107 = arith.constant 5 : i32
      "tpu.region"() ({
        %run_scoped3A_126 = tpu.sem_alloc : memref<!tpu.dma_semaphore, #tpu.memory_space<semaphore_mem>>
        %dma_start3A_127 = arith.constant 0 : i32
        %dma_start3A_128 = tpu.memref_slice %arg7[%run_scoped3A_106, %run_scoped3A_107, %dma_start3A_127] : memref<2x8x125xi32, #tpu.memory_space<vmem>> -> memref<1x1x125xi32, #tpu.memory_space<vmem>>
        %dma_start3A_129 = tpu.memref_squeeze %dma_start3A_128 : memref<1x1x125xi32, #tpu.memory_space<vmem>> -> memref<125xi32, #tpu.memory_space<vmem>>
        %dma_start3A_130 = arith.constant 0 : i32
        %dma_start3A_131 = arith.constant 0 : i32
        %dma_start3A_132 = tpu.memref_slice %arg6[%dma_start3A_130, %dma_start3A_131] : memref<10240x128xf32, #tpu.memory_space<vmem_shared>> -> memref<10240x128xf32, #tpu.memory_space<vmem_shared>>
        tpu.enqueue_indirect_dma source(%arg8 : memref<125x128xf32, #tpu.memory_space<vmem>>) target(%dma_start3A_132 : memref<10240x128xf32, #tpu.memory_space<vmem_shared>>) offsets(%dma_start3A_129 : memref<125xi32, #tpu.memory_space<vmem>>) semaphore(%run_scoped3A_126 : memref<!tpu.dma_semaphore, #tpu.memory_space<semaphore_mem>>) {add = true}
        %dma_wait3A_133 = arith.constant 0 : i32
        %dma_wait3A_134 = tpu.memref_slice %arg7[%run_scoped3A_106, %run_scoped3A_107, %dma_wait3A_133] : memref<2x8x125xi32, #tpu.memory_space<vmem>> -> memref<1x1x125xi32, #tpu.memory_space<vmem>>
        %dma_wait3A_135 = tpu.memref_squeeze %dma_wait3A_134 : memref<1x1x125xi32, #tpu.memory_space<vmem>> -> memref<125xi32, #tpu.memory_space<vmem>>
        %dma_wait3A_136 = arith.constant 0 : i32
        %dma_wait3A_137 = arith.constant 0 : i32
        %dma_wait3A_138 = tpu.memref_slice %arg6[%dma_wait3A_136, %dma_wait3A_137] : memref<10240x128xf32, #tpu.memory_space<vmem_shared>> -> memref<10240x128xf32, #tpu.memory_space<vmem_shared>>
        tpu.wait_indirect_dma semaphore(%run_scoped3A_126 : memref<!tpu.dma_semaphore, #tpu.memory_space<semaphore_mem>>) src(%arg8 : memref<125x128xf32, #tpu.memory_space<vmem>>) dst(%dma_wait3A_138 : memref<10240x128xf32, #tpu.memory_space<vmem_shared>>)
        tpu.yield
      }) : () -> ()
      %run_scoped3A_108 = arith.constant 1 : i32
      %run_scoped3A_109 = arith.constant 6 : i32
      "tpu.region"() ({
        %run_scoped3A_126 = tpu.sem_alloc : memref<!tpu.dma_semaphore, #tpu.memory_space<semaphore_mem>>
        %dma_start3A_127 = arith.constant 0 : i32
        %dma_start3A_128 = tpu.memref_slice %arg7[%run_scoped3A_108, %run_scoped3A_109, %dma_start3A_127] : memref<2x8x125xi32, #tpu.memory_space<vmem>> -> memref<1x1x125xi32, #tpu.memory_space<vmem>>
        %dma_start3A_129 = tpu.memref_squeeze %dma_start3A_128 : memref<1x1x125xi32, #tpu.memory_space<vmem>> -> memref<125xi32, #tpu.memory_space<vmem>>
        %dma_start3A_130 = arith.constant 0 : i32
        %dma_start3A_131 = arith.constant 0 : i32
        %dma_start3A_132 = tpu.memref_slice %arg6[%dma_start3A_130, %dma_start3A_131] : memref<10240x128xf32, #tpu.memory_space<vmem_shared>> -> memref<10240x128xf32, #tpu.memory_space<vmem_shared>>
        tpu.enqueue_indirect_dma source(%arg8 : memref<125x128xf32, #tpu.memory_space<vmem>>) target(%dma_start3A_132 : memref<10240x128xf32, #tpu.memory_space<vmem_shared>>) offsets(%dma_start3A_129 : memref<125xi32, #tpu.memory_space<vmem>>) semaphore(%run_scoped3A_126 : memref<!tpu.dma_semaphore, #tpu.memory_space<semaphore_mem>>) {add = true}
        %dma_wait3A_133 = arith.constant 0 : i32
        %dma_wait3A_134 = tpu.memref_slice %arg7[%run_scoped3A_108, %run_scoped3A_109, %dma_wait3A_133] : memref<2x8x125xi32, #tpu.memory_space<vmem>> -> memref<1x1x125xi32, #tpu.memory_space<vmem>>
        %dma_wait3A_135 = tpu.memref_squeeze %dma_wait3A_134 : memref<1x1x125xi32, #tpu.memory_space<vmem>> -> memref<125xi32, #tpu.memory_space<vmem>>
        %dma_wait3A_136 = arith.constant 0 : i32
        %dma_wait3A_137 = arith.constant 0 : i32
        %dma_wait3A_138 = tpu.memref_slice %arg6[%dma_wait3A_136, %dma_wait3A_137] : memref<10240x128xf32, #tpu.memory_space<vmem_shared>> -> memref<10240x128xf32, #tpu.memory_space<vmem_shared>>
        tpu.wait_indirect_dma semaphore(%run_scoped3A_126 : memref<!tpu.dma_semaphore, #tpu.memory_space<semaphore_mem>>) src(%arg8 : memref<125x128xf32, #tpu.memory_space<vmem>>) dst(%dma_wait3A_138 : memref<10240x128xf32, #tpu.memory_space<vmem_shared>>)
        tpu.yield
      }) : () -> ()
      %run_scoped3A_110 = arith.constant 1 : i32
      %run_scoped3A_111 = arith.constant 7 : i32
      "tpu.region"() ({
        %run_scoped3A_126 = tpu.sem_alloc : memref<!tpu.dma_semaphore, #tpu.memory_space<semaphore_mem>>
        %dma_start3A_127 = arith.constant 0 : i32
        %dma_start3A_128 = tpu.memref_slice %arg7[%run_scoped3A_110, %run_scoped3A_111, %dma_start3A_127] : memref<2x8x125xi32, #tpu.memory_space<vmem>> -> memref<1x1x125xi32, #tpu.memory_space<vmem>>
        %dma_start3A_129 = tpu.memref_squeeze %dma_start3A_128 : memref<1x1x125xi32, #tpu.memory_space<vmem>> -> memref<125xi32, #tpu.memory_space<vmem>>
        %dma_start3A_130 = arith.constant 0 : i32
        %dma_start3A_131 = arith.constant 0 : i32
        %dma_start3A_132 = tpu.memref_slice %arg6[%dma_start3A_130, %dma_start3A_131] : memref<10240x128xf32, #tpu.memory_space<vmem_shared>> -> memref<10240x128xf32, #tpu.memory_space<vmem_shared>>
        tpu.enqueue_indirect_dma source(%arg8 : memref<125x128xf32, #tpu.memory_space<vmem>>) target(%dma_start3A_132 : memref<10240x128xf32, #tpu.memory_space<vmem_shared>>) offsets(%dma_start3A_129 : memref<125xi32, #tpu.memory_space<vmem>>) semaphore(%run_scoped3A_126 : memref<!tpu.dma_semaphore, #tpu.memory_space<semaphore_mem>>) {add = true}
        %dma_wait3A_133 = arith.constant 0 : i32
        %dma_wait3A_134 = tpu.memref_slice %arg7[%run_scoped3A_110, %run_scoped3A_111, %dma_wait3A_133] : memref<2x8x125xi32, #tpu.memory_space<vmem>> -> memref<1x1x125xi32, #tpu.memory_space<vmem>>
        %dma_wait3A_135 = tpu.memref_squeeze %dma_wait3A_134 : memref<1x1x125xi32, #tpu.memory_space<vmem>> -> memref<125xi32, #tpu.memory_space<vmem>>
        %dma_wait3A_136 = arith.constant 0 : i32
        %dma_wait3A_137 = arith.constant 0 : i32
        %dma_wait3A_138 = tpu.memref_slice %arg6[%dma_wait3A_136, %dma_wait3A_137] : memref<10240x128xf32, #tpu.memory_space<vmem_shared>> -> memref<10240x128xf32, #tpu.memory_space<vmem_shared>>
        tpu.wait_indirect_dma semaphore(%run_scoped3A_126 : memref<!tpu.dma_semaphore, #tpu.memory_space<semaphore_mem>>) src(%arg8 : memref<125x128xf32, #tpu.memory_space<vmem>>) dst(%dma_wait3A_138 : memref<10240x128xf32, #tpu.memory_space<vmem_shared>>)
        tpu.yield
      }) : () -> ()
      %add3A_112 = arith.constant 3 : i32
      %add3A_113 = arith.addi %add3A_61, %add3A_112 : i32
      %lt3A_114 = arith.constant 10 : i32
      %lt3A_115 = arith.cmpi slt, %add3A_113, %lt3A_114 : i32
      %convert_element_type3A_116 = arith.extui %lt3A_115 : i1 to i32
      %cond3A_117 = arith.constant 0 : i32
      %cond3A_118 = arith.cmpi ne, %convert_element_type3A_116, %cond3A_117 : i32
      scf.if %cond3A_118 {
        %add3A_126 = arith.constant 3 : i32
        %add3A_127 = arith.addi %add3A_61, %add3A_126 : i32
        %mul3A_128 = arith.constant 8 : i32
        %mul3A_129 = arith.muli %add3A_127, %mul3A_128 : i32
        %add3A_130 = arith.addi %mul3A_2, %mul3A_129 : i32
        %dma_start3A_131 = arith.constant 1 : i32
        %dma_start3A_132 = arith.constant 0 : i32
        %dma_start3A_133 = arith.constant 0 : i32
        %dma_start3A_134 = tpu.memref_slice %arg7[%dma_start3A_131, %dma_start3A_132, %dma_start3A_133] : memref<2x8x125xi32, #tpu.memory_space<vmem>> -> memref<1x8x125xi32, #tpu.memory_space<vmem>>
        %dma_start3A_135 = tpu.memref_squeeze %dma_start3A_134 : memref<1x8x125xi32, #tpu.memory_space<vmem>> -> memref<8x125xi32, #tpu.memory_space<vmem>>
        %dma_start3A_136 = arith.constant 0 : i32
        %dma_start3A_137 = tpu.memref_slice %arg2[%add3A_130, %dma_start3A_136] : memref<2560x125xi32, #tpu.memory_space<hbm>> -> memref<8x125xi32, #tpu.memory_space<hbm>>
        %dma_start3A_138 = arith.constant 0 : i32
        %dma_start3A_139 = arith.constant 0 : i32
        %dma_start3A_140 = tpu.memref_slice %arg7[%dma_start3A_131, %dma_start3A_138, %dma_start3A_139] : memref<2x8x125xi32, #tpu.memory_space<vmem>> -> memref<1x8x125xi32, #tpu.memory_space<vmem>>
        %dma_start3A_141 = tpu.memref_squeeze %dma_start3A_140 : memref<1x8x125xi32, #tpu.memory_space<vmem>> -> memref<8x125xi32, #tpu.memory_space<vmem>>
        %dma_start3A_142 = arith.constant 0 : i32
        %dma_start3A_143 = tpu.memref_slice %arg2[%add3A_130, %dma_start3A_142] : memref<2560x125xi32, #tpu.memory_space<hbm>> -> memref<8x125xi32, #tpu.memory_space<hbm>>
        tpu.enqueue_dma source(%dma_start3A_143 : memref<8x125xi32, #tpu.memory_space<hbm>>) target(%dma_start3A_141 : memref<8x125xi32, #tpu.memory_space<vmem>>) target_semaphore(%arg10 : memref<!tpu.dma_semaphore, #tpu.memory_space<semaphore_mem>>)
      } else {
      }
      %add3A_119 = arith.constant 2 : i32
      %add3A_120 = arith.addi %add3A_61, %add3A_119 : i32
      %lt3A_121 = arith.constant 10 : i32
      %lt3A_122 = arith.cmpi slt, %add3A_120, %lt3A_121 : i32
      %convert_element_type3A_123 = arith.extui %lt3A_122 : i1 to i32
      %cond3A_124 = arith.constant 0 : i32
      %cond3A_125 = arith.cmpi ne, %convert_element_type3A_123, %cond3A_124 : i32
      scf.if %cond3A_125 {
        %dma_wait3A_126 = arith.constant 0 : i32
        %dma_wait3A_127 = arith.constant 0 : i32
        %dma_wait3A_128 = arith.constant 0 : i32
        %dma_wait3A_129 = tpu.memref_slice %arg7[%dma_wait3A_126, %dma_wait3A_127, %dma_wait3A_128] : memref<2x8x125xi32, #tpu.memory_space<vmem>> -> memref<1x8x125xi32, #tpu.memory_space<vmem>>
        %dma_wait3A_130 = tpu.memref_squeeze %dma_wait3A_129 : memref<1x8x125xi32, #tpu.memory_space<vmem>> -> memref<8x125xi32, #tpu.memory_space<vmem>>
        %dma_wait3A_131 = arith.constant 0 : i32
        %dma_wait3A_132 = arith.constant 0 : i32
        %dma_wait3A_133 = tpu.memref_slice %arg2[%dma_wait3A_131, %dma_wait3A_132] : memref<2560x125xi32, #tpu.memory_space<hbm>> -> memref<8x125xi32, #tpu.memory_space<hbm>>
        %dma_wait3A_134 = arith.constant 0 : i32
        %dma_wait3A_135 = arith.constant 0 : i32
        %dma_wait3A_136 = tpu.memref_slice %arg7[%dma_wait3A_126, %dma_wait3A_134, %dma_wait3A_135] : memref<2x8x125xi32, #tpu.memory_space<vmem>> -> memref<1x8x125xi32, #tpu.memory_space<vmem>>
        %dma_wait3A_137 = tpu.memref_squeeze %dma_wait3A_136 : memref<1x8x125xi32, #tpu.memory_space<vmem>> -> memref<8x125xi32, #tpu.memory_space<vmem>>
        %dma_wait3A_138 = arith.constant 0 : i32
        %dma_wait3A_139 = arith.constant 0 : i32
        %dma_wait3A_140 = tpu.memref_slice %arg2[%dma_wait3A_138, %dma_wait3A_139] : memref<2560x125xi32, #tpu.memory_space<hbm>> -> memref<8x125xi32, #tpu.memory_space<hbm>>
        tpu.wait_dma2 semaphore(%arg9 : memref<!tpu.dma_semaphore, #tpu.memory_space<semaphore_mem>>) src(%dma_wait3A_140 : memref<8x125xi32, #tpu.memory_space<hbm>>) dst(%dma_wait3A_137 : memref<8x125xi32, #tpu.memory_space<vmem>>)
      } else {
      }
    }
    %scan3A_51 = arith.constant 5 : i32
    %barrier3A_52 = arith.constant 0 : index
    tpu.barrier barrier_id(%barrier3A_52)
    %mul3A_53 = arith.constant 640 : i32
    %mul3A_54 = arith.muli %arg1, %mul3A_53 : i32
    %mul3A_55 = arith.constant 640 : i32
    %mul3A_56 = arith.muli %arg1, %mul3A_55 : i32
    "tpu.region"() ({
      %run_scoped3A = tpu.sem_alloc : memref<!tpu.dma_semaphore, #tpu.memory_space<semaphore_mem>>
      %dma_start3A_57 = arith.constant 0 : i32
      %dma_start3A_58 = tpu.memref_slice %arg5[%arg0, %mul3A_56, %dma_start3A_57] : memref<2x10240x128xf32, #tpu.memory_space<hbm>> -> memref<1x640x128xf32, #tpu.memory_space<hbm>>
      %dma_start3A_59 = tpu.memref_squeeze %dma_start3A_58 : memref<1x640x128xf32, #tpu.memory_space<hbm>> -> memref<640x128xf32, #tpu.memory_space<hbm>>
      %dma_start3A_60 = arith.constant 0 : i32
      %dma_start3A_61 = tpu.memref_slice %arg6[%mul3A_54, %dma_start3A_60] : memref<10240x128xf32, #tpu.memory_space<vmem_shared>> -> memref<640x128xf32, #tpu.memory_space<vmem_shared>>
      tpu.enqueue_dma source(%dma_start3A_61 : memref<640x128xf32, #tpu.memory_space<vmem_shared>>) target(%dma_start3A_59 : memref<640x128xf32, #tpu.memory_space<hbm>>) target_semaphore(%run_scoped3A : memref<!tpu.dma_semaphore, #tpu.memory_space<semaphore_mem>>)
      %dma_wait3A_62 = arith.constant 0 : i32
      %dma_wait3A_63 = tpu.memref_slice %arg5[%arg0, %mul3A_56, %dma_wait3A_62] : memref<2x10240x128xf32, #tpu.memory_space<hbm>> -> memref<1x640x128xf32, #tpu.memory_space<hbm>>
      %dma_wait3A_64 = tpu.memref_squeeze %dma_wait3A_63 : memref<1x640x128xf32, #tpu.memory_space<hbm>> -> memref<640x128xf32, #tpu.memory_space<hbm>>
      %dma_wait3A_65 = arith.constant 0 : i32
      %dma_wait3A_66 = tpu.memref_slice %arg6[%mul3A_54, %dma_wait3A_65] : memref<10240x128xf32, #tpu.memory_space<vmem_shared>> -> memref<640x128xf32, #tpu.memory_space<vmem_shared>>
      tpu.wait_dma2 semaphore(%run_scoped3A : memref<!tpu.dma_semaphore, #tpu.memory_space<semaphore_mem>>) src(%dma_wait3A_66 : memref<640x128xf32, #tpu.memory_space<vmem_shared>>) dst(%dma_wait3A_64 : memref<640x128xf32, #tpu.memory_space<hbm>>)
      tpu.yield
    }) : () -> ()
    return
  }
}

#map = affine_map<(d0, d1) -> (0, 0)>
#map1 = affine_map<(d0, d1) -> (0, 0, 0)>
module attributes {stable_mosaic.version = 14 : i64} {
  func.func @body(%arg0: i32, %arg1: i32, %arg2: memref<10000x128xf32, #tpu.memory_space<hbm>>, %arg3: memref<2560x125xi32, #tpu.memory_space<hbm>>, %arg4: memref<2560x125xi32, #tpu.memory_space<hbm>>, %arg5: memref<2x10240x128xf32, #tpu.memory_space<hbm>>, %arg6: memref<10240x128xf32, #tpu.memory_space<vmem_shared>>, %arg7: memref<2x8x125xi32, #tpu.memory_space<vmem>>, %arg8: memref<2x8x125xi32, #tpu.memory_space<vmem>>, %arg9: memref<125x128xf32, #tpu.memory_space<vmem>>, %arg10: memref<125x128xf32, #tpu.memory_space<vmem>>, %arg11: memref<!tpu.dma_semaphore, #tpu.memory_space<semaphore_mem>>, %arg12: memref<!tpu.dma_semaphore, #tpu.memory_space<semaphore_mem>>, %arg13: memref<!tpu.dma_semaphore, #tpu.memory_space<semaphore_mem>>, %arg14: memref<!tpu.dma_semaphore, #tpu.memory_space<semaphore_mem>>) attributes {dimension_semantics = [#tpu.dimension_semantics<core_parallel>, #tpu.dimension_semantics<subcore_parallel>], iteration_bounds = array<i64: 2, 16>, scalar_prefetch = 0 : i64, scratch_operands = 9 : i64, tpu.core_type = #tpu.core_type<sc_vector_subcore>, window_params = [{transform_indices = #map}, {transform_indices = #map}, {transform_indices = #map}, {transform_indices = #map1}]} {
    %mul3A = arith.constant 16 : i32
    %mul3A_0 = arith.muli %arg0, %mul3A : i32
    %add3A = arith.addi %mul3A_0, %arg1 : i32
    %mul3A_1 = arith.constant 80 : i32
    %mul3A_2 = arith.muli %add3A, %mul3A_1 : i32
    %broadcast_in_dim3A = arith.constant 0.000000e+00 : f32
    %broadcast_in_dim3A_3 = vector.broadcast %broadcast_in_dim3A : f32 to vector<16xf32>
    %scan3A = arith.constant 0 : i32
    %scan3A_4 = arith.constant 125 : i32
    %scan3A_5 = arith.addi %scan3A, %scan3A_4 : i32
    %scan3A_6 = arith.constant 1 : i32
    scf.for %scan3A_119 = %scan3A to %scan3A_5 step %scan3A_6  : i32 {
      %mul3A_120 = arith.constant 1 : i32
      %mul3A_121 = arith.muli %scan3A_119, %mul3A_120 : i32
      %add3A_122 = arith.constant 0 : i32
      %add3A_123 = arith.addi %add3A_122, %mul3A_121 : i32
      %scan3A_124 = arith.constant 0 : i32
      %scan3A_125 = arith.constant 8 : i32
      %scan3A_126 = arith.addi %scan3A_124, %scan3A_125 : i32
      %scan3A_127 = arith.constant 1 : i32
      scf.for %scan3A_129 = %scan3A_124 to %scan3A_126 step %scan3A_127  : i32 {
        %mul3A_130 = arith.constant 16 : i32
        %mul3A_131 = arith.muli %scan3A_129, %mul3A_130 : i32
        %add3A_132 = arith.constant 0 : i32
        %add3A_133 = arith.addi %add3A_132, %mul3A_131 : i32
        %swap3A = arith.index_cast %add3A_123 : i32 to index
        %swap3A_134 = arith.index_cast %add3A_133 : i32 to index
        %swap3A_135 = tpu.vector_load %arg9[%swap3A, %swap3A_134] {strides = array<i32>} : memref<125x128xf32, #tpu.memory_space<vmem>>, vector<1x16xf32>,
        %swap3A_136 = vector.shape_cast %swap3A_135 : vector<1x16xf32> to vector<16xf32>
        %swap3A_137 = vector.shape_cast %broadcast_in_dim3A_3 : vector<16xf32> to vector<1x16xf32>
        tpu.vector_store %arg9[%swap3A, %swap3A_134], %swap3A_137 {strides = array<i32>} : memref<125x128xf32, #tpu.memory_space<vmem>>, vector<1x16xf32>,
      }
      %scan3A_128 = arith.constant 8 : i32
    }
    %scan3A_7 = arith.constant 125 : i32
    %scan3A_8 = arith.constant 0 : i32
    %scan3A_9 = arith.constant 8 : i32
    %scan3A_10 = arith.addi %scan3A_8, %scan3A_9 : i32
    %scan3A_11 = arith.constant 1 : i32
    scf.for %scan3A_119 = %scan3A_8 to %scan3A_10 step %scan3A_11  : i32 {
      %mul3A_120 = arith.constant 1 : i32
      %mul3A_121 = arith.muli %scan3A_119, %mul3A_120 : i32
      %add3A_122 = arith.constant 0 : i32
      %add3A_123 = arith.addi %add3A_122, %mul3A_121 : i32
      %mul3A_124 = arith.constant 640 : i32
      %mul3A_125 = arith.muli %arg1, %mul3A_124 : i32
      %mul3A_126 = arith.constant 80 : i32
      %mul3A_127 = arith.muli %add3A_123, %mul3A_126 : i32
      %add3A_128 = arith.addi %mul3A_125, %mul3A_127 : i32
      "tpu.region"() ({
        %run_scoped3A = tpu.sem_alloc : memref<!tpu.dma_semaphore, #tpu.memory_space<semaphore_mem>>
        %dma_start3A_129 = arith.constant 0 : i32
        %dma_start3A_130 = arith.constant 0 : i32
        %dma_start3A_131 = tpu.memref_slice %arg9[%dma_start3A_129, %dma_start3A_130] : memref<125x128xf32, #tpu.memory_space<vmem>> -> memref<80x128xf32, #tpu.memory_space<vmem>>
        %dma_start3A_132 = arith.constant 0 : i32
        %dma_start3A_133 = tpu.memref_slice %arg6[%add3A_128, %dma_start3A_132] : memref<10240x128xf32, #tpu.memory_space<vmem_shared>> -> memref<80x128xf32, #tpu.memory_space<vmem_shared>>
        %dma_start3A_134 = arith.constant 0 : i32
        %dma_start3A_135 = tpu.memref_slice %arg6[%add3A_128, %dma_start3A_134] : memref<10240x128xf32, #tpu.memory_space<vmem_shared>> -> memref<80x128xf32, #tpu.memory_space<vmem_shared>>
        %dma_start3A_136 = arith.constant 0 : i32
        %dma_start3A_137 = arith.constant 0 : i32
        %dma_start3A_138 = tpu.memref_slice %arg9[%dma_start3A_136, %dma_start3A_137] : memref<125x128xf32, #tpu.memory_space<vmem>> -> memref<80x128xf32, #tpu.memory_space<vmem>>
        tpu.enqueue_dma source(%dma_start3A_138 : memref<80x128xf32, #tpu.memory_space<vmem>>) target(%dma_start3A_135 : memref<80x128xf32, #tpu.memory_space<vmem_shared>>) target_semaphore(%run_scoped3A : memref<!tpu.dma_semaphore, #tpu.memory_space<semaphore_mem>>)
        %dma_wait3A_139 = arith.constant 0 : i32
        %dma_wait3A_140 = arith.constant 0 : i32
        %dma_wait3A_141 = tpu.memref_slice %arg9[%dma_wait3A_139, %dma_wait3A_140] : memref<125x128xf32, #tpu.memory_space<vmem>> -> memref<80x128xf32, #tpu.memory_space<vmem>>
        %dma_wait3A_142 = arith.constant 0 : i32
        %dma_wait3A_143 = tpu.memref_slice %arg6[%add3A_128, %dma_wait3A_142] : memref<10240x128xf32, #tpu.memory_space<vmem_shared>> -> memref<80x128xf32, #tpu.memory_space<vmem_shared>>
        %dma_wait3A_144 = arith.constant 0 : i32
        %dma_wait3A_145 = tpu.memref_slice %arg6[%add3A_128, %dma_wait3A_144] : memref<10240x128xf32, #tpu.memory_space<vmem_shared>> -> memref<80x128xf32, #tpu.memory_space<vmem_shared>>
        %dma_wait3A_146 = arith.constant 0 : i32
        %dma_wait3A_147 = arith.constant 0 : i32
        %dma_wait3A_148 = tpu.memref_slice %arg9[%dma_wait3A_146, %dma_wait3A_147] : memref<125x128xf32, #tpu.memory_space<vmem>> -> memref<80x128xf32, #tpu.memory_space<vmem>>
        tpu.wait_dma2 semaphore(%run_scoped3A : memref<!tpu.dma_semaphore, #tpu.memory_space<semaphore_mem>>) src(%dma_wait3A_148 : memref<80x128xf32, #tpu.memory_space<vmem>>) dst(%dma_wait3A_145 : memref<80x128xf32, #tpu.memory_space<vmem_shared>>)
        tpu.yield
      }) : () -> ()
    }
    %scan3A_12 = arith.constant 8 : i32
    %barrier3A = arith.constant 0 : index
    tpu.barrier barrier_id(%barrier3A)
    %add3A_13 = arith.constant 0 : i32
    %add3A_14 = arith.addi %mul3A_2, %add3A_13 : i32
    %dma_start3A = arith.constant 0 : i32
    %dma_start3A_15 = arith.constant 0 : i32
    %dma_start3A_16 = arith.constant 0 : i32
    %dma_start3A_17 = tpu.memref_slice %arg7[%dma_start3A, %dma_start3A_15, %dma_start3A_16] : memref<2x8x125xi32, #tpu.memory_space<vmem>> -> memref<1x8x125xi32, #tpu.memory_space<vmem>>
    %dma_start3A_18 = tpu.memref_squeeze %dma_start3A_17 : memref<1x8x125xi32, #tpu.memory_space<vmem>> -> memref<8x125xi32, #tpu.memory_space<vmem>>
    %dma_start3A_19 = arith.constant 0 : i32
    %dma_start3A_20 = tpu.memref_slice %arg3[%add3A_14, %dma_start3A_19] : memref<2560x125xi32, #tpu.memory_space<hbm>> -> memref<8x125xi32, #tpu.memory_space<hbm>>
    %dma_start3A_21 = arith.constant 0 : i32
    %dma_start3A_22 = arith.constant 0 : i32
    %dma_start3A_23 = tpu.memref_slice %arg7[%dma_start3A, %dma_start3A_21, %dma_start3A_22] : memref<2x8x125xi32, #tpu.memory_space<vmem>> -> memref<1x8x125xi32, #tpu.memory_space<vmem>>
    %dma_start3A_24 = tpu.memref_squeeze %dma_start3A_23 : memref<1x8x125xi32, #tpu.memory_space<vmem>> -> memref<8x125xi32, #tpu.memory_space<vmem>>
    %dma_start3A_25 = arith.constant 0 : i32
    %dma_start3A_26 = tpu.memref_slice %arg3[%add3A_14, %dma_start3A_25] : memref<2560x125xi32, #tpu.memory_space<hbm>> -> memref<8x125xi32, #tpu.memory_space<hbm>>
    tpu.enqueue_dma source(%dma_start3A_26 : memref<8x125xi32, #tpu.memory_space<hbm>>) target(%dma_start3A_24 : memref<8x125xi32, #tpu.memory_space<vmem>>) target_semaphore(%arg13 : memref<!tpu.dma_semaphore, #tpu.memory_space<semaphore_mem>>)
    %add3A_27 = arith.constant 0 : i32
    %add3A_28 = arith.addi %mul3A_2, %add3A_27 : i32
    %dma_start3A_29 = arith.constant 0 : i32
    %dma_start3A_30 = arith.constant 0 : i32
    %dma_start3A_31 = arith.constant 0 : i32
    %dma_start3A_32 = tpu.memref_slice %arg8[%dma_start3A_29, %dma_start3A_30, %dma_start3A_31] : memref<2x8x125xi32, #tpu.memory_space<vmem>> -> memref<1x8x125xi32, #tpu.memory_space<vmem>>
    %dma_start3A_33 = tpu.memref_squeeze %dma_start3A_32 : memref<1x8x125xi32, #tpu.memory_space<vmem>> -> memref<8x125xi32, #tpu.memory_space<vmem>>
    %dma_start3A_34 = arith.constant 0 : i32
    %dma_start3A_35 = tpu.memref_slice %arg4[%add3A_28, %dma_start3A_34] : memref<2560x125xi32, #tpu.memory_space<hbm>> -> memref<8x125xi32, #tpu.memory_space<hbm>>
    %dma_start3A_36 = arith.constant 0 : i32
    %dma_start3A_37 = arith.constant 0 : i32
    %dma_start3A_38 = tpu.memref_slice %arg8[%dma_start3A_29, %dma_start3A_36, %dma_start3A_37] : memref<2x8x125xi32, #tpu.memory_space<vmem>> -> memref<1x8x125xi32, #tpu.memory_space<vmem>>
    %dma_start3A_39 = tpu.memref_squeeze %dma_start3A_38 : memref<1x8x125xi32, #tpu.memory_space<vmem>> -> memref<8x125xi32, #tpu.memory_space<vmem>>
    %dma_start3A_40 = arith.constant 0 : i32
    %dma_start3A_41 = tpu.memref_slice %arg4[%add3A_28, %dma_start3A_40] : memref<2560x125xi32, #tpu.memory_space<hbm>> -> memref<8x125xi32, #tpu.memory_space<hbm>>
    tpu.enqueue_dma source(%dma_start3A_41 : memref<8x125xi32, #tpu.memory_space<hbm>>) target(%dma_start3A_39 : memref<8x125xi32, #tpu.memory_space<vmem>>) target_semaphore(%arg13 : memref<!tpu.dma_semaphore, #tpu.memory_space<semaphore_mem>>)
    %dma_wait3A = arith.constant 0 : i32
    %dma_wait3A_42 = arith.constant 0 : i32
    %dma_wait3A_43 = arith.constant 0 : i32
    %dma_wait3A_44 = tpu.memref_slice %arg7[%dma_wait3A, %dma_wait3A_42, %dma_wait3A_43] : memref<2x8x125xi32, #tpu.memory_space<vmem>> -> memref<1x8x125xi32, #tpu.memory_space<vmem>>
    %dma_wait3A_45 = tpu.memref_squeeze %dma_wait3A_44 : memref<1x8x125xi32, #tpu.memory_space<vmem>> -> memref<8x125xi32, #tpu.memory_space<vmem>>
    %dma_wait3A_46 = arith.constant 0 : i32
    %dma_wait3A_47 = arith.constant 0 : i32
    %dma_wait3A_48 = tpu.memref_slice %arg3[%dma_wait3A_46, %dma_wait3A_47] : memref<2560x125xi32, #tpu.memory_space<hbm>> -> memref<8x125xi32, #tpu.memory_space<hbm>>
    %dma_wait3A_49 = arith.constant 0 : i32
    %dma_wait3A_50 = arith.constant 0 : i32
    %dma_wait3A_51 = tpu.memref_slice %arg7[%dma_wait3A, %dma_wait3A_49, %dma_wait3A_50] : memref<2x8x125xi32, #tpu.memory_space<vmem>> -> memref<1x8x125xi32, #tpu.memory_space<vmem>>
    %dma_wait3A_52 = tpu.memref_squeeze %dma_wait3A_51 : memref<1x8x125xi32, #tpu.memory_space<vmem>> -> memref<8x125xi32, #tpu.memory_space<vmem>>
    %dma_wait3A_53 = arith.constant 0 : i32
    %dma_wait3A_54 = arith.constant 0 : i32
    %dma_wait3A_55 = tpu.memref_slice %arg3[%dma_wait3A_53, %dma_wait3A_54] : memref<2560x125xi32, #tpu.memory_space<hbm>> -> memref<8x125xi32, #tpu.memory_space<hbm>>
    tpu.wait_dma2 semaphore(%arg13 : memref<!tpu.dma_semaphore, #tpu.memory_space<semaphore_mem>>) src(%dma_wait3A_55 : memref<8x125xi32, #tpu.memory_space<hbm>>) dst(%dma_wait3A_52 : memref<8x125xi32, #tpu.memory_space<vmem>>)
    %dma_wait3A_56 = arith.constant 0 : i32
    %dma_wait3A_57 = arith.constant 0 : i32
    %dma_wait3A_58 = arith.constant 0 : i32
    %dma_wait3A_59 = tpu.memref_slice %arg8[%dma_wait3A_56, %dma_wait3A_57, %dma_wait3A_58] : memref<2x8x125xi32, #tpu.memory_space<vmem>> -> memref<1x8x125xi32, #tpu.memory_space<vmem>>
    %dma_wait3A_60 = tpu.memref_squeeze %dma_wait3A_59 : memref<1x8x125xi32, #tpu.memory_space<vmem>> -> memref<8x125xi32, #tpu.memory_space<vmem>>
    %dma_wait3A_61 = arith.constant 0 : i32
    %dma_wait3A_62 = arith.constant 0 : i32
    %dma_wait3A_63 = tpu.memref_slice %arg4[%dma_wait3A_61, %dma_wait3A_62] : memref<2560x125xi32, #tpu.memory_space<hbm>> -> memref<8x125xi32, #tpu.memory_space<hbm>>
    %dma_wait3A_64 = arith.constant 0 : i32
    %dma_wait3A_65 = arith.constant 0 : i32
    %dma_wait3A_66 = tpu.memref_slice %arg8[%dma_wait3A_56, %dma_wait3A_64, %dma_wait3A_65] : memref<2x8x125xi32, #tpu.memory_space<vmem>> -> memref<1x8x125xi32, #tpu.memory_space<vmem>>
    %dma_wait3A_67 = tpu.memref_squeeze %dma_wait3A_66 : memref<1x8x125xi32, #tpu.memory_space<vmem>> -> memref<8x125xi32, #tpu.memory_space<vmem>>
    %dma_wait3A_68 = arith.constant 0 : i32
    %dma_wait3A_69 = arith.constant 0 : i32
    %dma_wait3A_70 = tpu.memref_slice %arg4[%dma_wait3A_68, %dma_wait3A_69] : memref<2560x125xi32, #tpu.memory_space<hbm>> -> memref<8x125xi32, #tpu.memory_space<hbm>>
    tpu.wait_dma2 semaphore(%arg13 : memref<!tpu.dma_semaphore, #tpu.memory_space<semaphore_mem>>) src(%dma_wait3A_70 : memref<8x125xi32, #tpu.memory_space<hbm>>) dst(%dma_wait3A_67 : memref<8x125xi32, #tpu.memory_space<vmem>>)
    %dma_start3A_71 = arith.constant 0 : i32
    %dma_start3A_72 = arith.constant 0 : i32
    %dma_start3A_73 = arith.constant 0 : i32
    %dma_start3A_74 = tpu.memref_slice %arg7[%dma_start3A_71, %dma_start3A_72, %dma_start3A_73] : memref<2x8x125xi32, #tpu.memory_space<vmem>> -> memref<1x1x125xi32, #tpu.memory_space<vmem>>
    %dma_start3A_75 = tpu.memref_squeeze %dma_start3A_74 : memref<1x1x125xi32, #tpu.memory_space<vmem>> -> memref<125xi32, #tpu.memory_space<vmem>>
    %dma_start3A_76 = arith.constant 0 : i32
    %dma_start3A_77 = arith.constant 0 : i32
    %dma_start3A_78 = tpu.memref_slice %arg2[%dma_start3A_76, %dma_start3A_77] : memref<10000x128xf32, #tpu.memory_space<hbm>> -> memref<10000x128xf32, #tpu.memory_space<hbm>>
    tpu.enqueue_indirect_dma source(%dma_start3A_78 : memref<10000x128xf32, #tpu.memory_space<hbm>>) target(%arg9 : memref<125x128xf32, #tpu.memory_space<vmem>>) offsets(%dma_start3A_75 : memref<125xi32, #tpu.memory_space<vmem>>) semaphore(%arg11 : memref<!tpu.dma_semaphore, #tpu.memory_space<semaphore_mem>>)
    %add3A_79 = arith.constant 8 : i32
    %add3A_80 = arith.addi %mul3A_2, %add3A_79 : i32
    %dma_start3A_81 = arith.constant 1 : i32
    %dma_start3A_82 = arith.constant 0 : i32
    %dma_start3A_83 = arith.constant 0 : i32
    %dma_start3A_84 = tpu.memref_slice %arg7[%dma_start3A_81, %dma_start3A_82, %dma_start3A_83] : memref<2x8x125xi32, #tpu.memory_space<vmem>> -> memref<1x8x125xi32, #tpu.memory_space<vmem>>
    %dma_start3A_85 = tpu.memref_squeeze %dma_start3A_84 : memref<1x8x125xi32, #tpu.memory_space<vmem>> -> memref<8x125xi32, #tpu.memory_space<vmem>>
    %dma_start3A_86 = arith.constant 0 : i32
    %dma_start3A_87 = tpu.memref_slice %arg3[%add3A_80, %dma_start3A_86] : memref<2560x125xi32, #tpu.memory_space<hbm>> -> memref<8x125xi32, #tpu.memory_space<hbm>>
    %dma_start3A_88 = arith.constant 0 : i32
    %dma_start3A_89 = arith.constant 0 : i32
    %dma_start3A_90 = tpu.memref_slice %arg7[%dma_start3A_81, %dma_start3A_88, %dma_start3A_89] : memref<2x8x125xi32, #tpu.memory_space<vmem>> -> memref<1x8x125xi32, #tpu.memory_space<vmem>>
    %dma_start3A_91 = tpu.memref_squeeze %dma_start3A_90 : memref<1x8x125xi32, #tpu.memory_space<vmem>> -> memref<8x125xi32, #tpu.memory_space<vmem>>
    %dma_start3A_92 = arith.constant 0 : i32
    %dma_start3A_93 = tpu.memref_slice %arg3[%add3A_80, %dma_start3A_92] : memref<2560x125xi32, #tpu.memory_space<hbm>> -> memref<8x125xi32, #tpu.memory_space<hbm>>
    tpu.enqueue_dma source(%dma_start3A_93 : memref<8x125xi32, #tpu.memory_space<hbm>>) target(%dma_start3A_91 : memref<8x125xi32, #tpu.memory_space<vmem>>) target_semaphore(%arg14 : memref<!tpu.dma_semaphore, #tpu.memory_space<semaphore_mem>>)
    %add3A_94 = arith.constant 8 : i32
    %add3A_95 = arith.addi %mul3A_2, %add3A_94 : i32
    %dma_start3A_96 = arith.constant 1 : i32
    %dma_start3A_97 = arith.constant 0 : i32
    %dma_start3A_98 = arith.constant 0 : i32
    %dma_start3A_99 = tpu.memref_slice %arg8[%dma_start3A_96, %dma_start3A_97, %dma_start3A_98] : memref<2x8x125xi32, #tpu.memory_space<vmem>> -> memref<1x8x125xi32, #tpu.memory_space<vmem>>
    %dma_start3A_100 = tpu.memref_squeeze %dma_start3A_99 : memref<1x8x125xi32, #tpu.memory_space<vmem>> -> memref<8x125xi32, #tpu.memory_space<vmem>>
    %dma_start3A_101 = arith.constant 0 : i32
    %dma_start3A_102 = tpu.memref_slice %arg4[%add3A_95, %dma_start3A_101] : memref<2560x125xi32, #tpu.memory_space<hbm>> -> memref<8x125xi32, #tpu.memory_space<hbm>>
    %dma_start3A_103 = arith.constant 0 : i32
    %dma_start3A_104 = arith.constant 0 : i32
    %dma_start3A_105 = tpu.memref_slice %arg8[%dma_start3A_96, %dma_start3A_103, %dma_start3A_104] : memref<2x8x125xi32, #tpu.memory_space<vmem>> -> memref<1x8x125xi32, #tpu.memory_space<vmem>>
    %dma_start3A_106 = tpu.memref_squeeze %dma_start3A_105 : memref<1x8x125xi32, #tpu.memory_space<vmem>> -> memref<8x125xi32, #tpu.memory_space<vmem>>
    %dma_start3A_107 = arith.constant 0 : i32
    %dma_start3A_108 = tpu.memref_slice %arg4[%add3A_95, %dma_start3A_107] : memref<2560x125xi32, #tpu.memory_space<hbm>> -> memref<8x125xi32, #tpu.memory_space<hbm>>
    tpu.enqueue_dma source(%dma_start3A_108 : memref<8x125xi32, #tpu.memory_space<hbm>>) target(%dma_start3A_106 : memref<8x125xi32, #tpu.memory_space<vmem>>) target_semaphore(%arg14 : memref<!tpu.dma_semaphore, #tpu.memory_space<semaphore_mem>>)
    %scan3A_109 = arith.constant 0 : i32
    %scan3A_110 = arith.constant 5 : i32
    %scan3A_111 = arith.addi %scan3A_109, %scan3A_110 : i32
    %scan3A_112 = arith.constant 1 : i32
    scf.for %scan3A_119 = %scan3A_109 to %scan3A_111 step %scan3A_112  : i32 {
      %mul3A_120 = arith.constant 2 : i32
      %mul3A_121 = arith.muli %scan3A_119, %mul3A_120 : i32
      %add3A_122 = arith.constant 0 : i32
      %add3A_123 = arith.addi %add3A_122, %mul3A_121 : i32
      %dma_start3A_124 = arith.constant 0 : i32
      %dma_start3A_125 = arith.constant 1 : i32
      %dma_start3A_126 = arith.constant 0 : i32
      %dma_start3A_127 = tpu.memref_slice %arg7[%dma_start3A_124, %dma_start3A_125, %dma_start3A_126] : memref<2x8x125xi32, #tpu.memory_space<vmem>> -> memref<1x1x125xi32, #tpu.memory_space<vmem>>
      %dma_start3A_128 = tpu.memref_squeeze %dma_start3A_127 : memref<1x1x125xi32, #tpu.memory_space<vmem>> -> memref<125xi32, #tpu.memory_space<vmem>>
      %dma_start3A_129 = arith.constant 0 : i32
      %dma_start3A_130 = arith.constant 0 : i32
      %dma_start3A_131 = tpu.memref_slice %arg2[%dma_start3A_129, %dma_start3A_130] : memref<10000x128xf32, #tpu.memory_space<hbm>> -> memref<10000x128xf32, #tpu.memory_space<hbm>>
      tpu.enqueue_indirect_dma source(%dma_start3A_131 : memref<10000x128xf32, #tpu.memory_space<hbm>>) target(%arg10 : memref<125x128xf32, #tpu.memory_space<vmem>>) offsets(%dma_start3A_128 : memref<125xi32, #tpu.memory_space<vmem>>) semaphore(%arg12 : memref<!tpu.dma_semaphore, #tpu.memory_space<semaphore_mem>>)
      %dma_wait3A_132 = arith.constant 0 : i32
      %dma_wait3A_133 = arith.constant 0 : i32
      %dma_wait3A_134 = arith.constant 0 : i32
      %dma_wait3A_135 = tpu.memref_slice %arg7[%dma_wait3A_132, %dma_wait3A_133, %dma_wait3A_134] : memref<2x8x125xi32, #tpu.memory_space<vmem>> -> memref<1x1x125xi32, #tpu.memory_space<vmem>>
      %dma_wait3A_136 = tpu.memref_squeeze %dma_wait3A_135 : memref<1x1x125xi32, #tpu.memory_space<vmem>> -> memref<125xi32, #tpu.memory_space<vmem>>
      %dma_wait3A_137 = arith.constant 0 : i32
      %dma_wait3A_138 = arith.constant 0 : i32
      %dma_wait3A_139 = tpu.memref_slice %arg2[%dma_wait3A_137, %dma_wait3A_138] : memref<10000x128xf32, #tpu.memory_space<hbm>> -> memref<10000x128xf32, #tpu.memory_space<hbm>>
      tpu.wait_indirect_dma semaphore(%arg11 : memref<!tpu.dma_semaphore, #tpu.memory_space<semaphore_mem>>) src(%dma_wait3A_139 : memref<10000x128xf32, #tpu.memory_space<hbm>>) dst(%arg9 : memref<125x128xf32, #tpu.memory_space<vmem>>)
      %run_scoped3A = arith.constant 0 : i32
      %run_scoped3A_140 = arith.constant 0 : i32
      "tpu.region"() ({
        %run_scoped3A_451 = tpu.sem_alloc : memref<!tpu.dma_semaphore, #tpu.memory_space<semaphore_mem>>
        %dma_start3A_452 = arith.constant 0 : i32
        %dma_start3A_453 = tpu.memref_slice %arg8[%run_scoped3A, %run_scoped3A_140, %dma_start3A_452] : memref<2x8x125xi32, #tpu.memory_space<vmem>> -> memref<1x1x125xi32, #tpu.memory_space<vmem>>
        %dma_start3A_454 = tpu.memref_squeeze %dma_start3A_453 : memref<1x1x125xi32, #tpu.memory_space<vmem>> -> memref<125xi32, #tpu.memory_space<vmem>>
        %dma_start3A_455 = arith.constant 0 : i32
        %dma_start3A_456 = arith.constant 0 : i32
        %dma_start3A_457 = tpu.memref_slice %arg6[%dma_start3A_455, %dma_start3A_456] : memref<10240x128xf32, #tpu.memory_space<vmem_shared>> -> memref<10240x128xf32, #tpu.memory_space<vmem_shared>>
        tpu.enqueue_indirect_dma source(%arg9 : memref<125x128xf32, #tpu.memory_space<vmem>>) target(%dma_start3A_457 : memref<10240x128xf32, #tpu.memory_space<vmem_shared>>) offsets(%dma_start3A_454 : memref<125xi32, #tpu.memory_space<vmem>>) semaphore(%run_scoped3A_451 : memref<!tpu.dma_semaphore, #tpu.memory_space<semaphore_mem>>) {add = true}
        %dma_wait3A_458 = arith.constant 0 : i32
        %dma_wait3A_459 = tpu.memref_slice %arg8[%run_scoped3A, %run_scoped3A_140, %dma_wait3A_458] : memref<2x8x125xi32, #tpu.memory_space<vmem>> -> memref<1x1x125xi32, #tpu.memory_space<vmem>>
        %dma_wait3A_460 = tpu.memref_squeeze %dma_wait3A_459 : memref<1x1x125xi32, #tpu.memory_space<vmem>> -> memref<125xi32, #tpu.memory_space<vmem>>
        %dma_wait3A_461 = arith.constant 0 : i32
        %dma_wait3A_462 = arith.constant 0 : i32
        %dma_wait3A_463 = tpu.memref_slice %arg6[%dma_wait3A_461, %dma_wait3A_462] : memref<10240x128xf32, #tpu.memory_space<vmem_shared>> -> memref<10240x128xf32, #tpu.memory_space<vmem_shared>>
        tpu.wait_indirect_dma semaphore(%run_scoped3A_451 : memref<!tpu.dma_semaphore, #tpu.memory_space<semaphore_mem>>) src(%arg9 : memref<125x128xf32, #tpu.memory_space<vmem>>) dst(%dma_wait3A_463 : memref<10240x128xf32, #tpu.memory_space<vmem_shared>>)
        tpu.yield
      }) : () -> ()
      %dma_start3A_141 = arith.constant 0 : i32
      %dma_start3A_142 = arith.constant 2 : i32
      %dma_start3A_143 = arith.constant 0 : i32
      %dma_start3A_144 = tpu.memref_slice %arg7[%dma_start3A_141, %dma_start3A_142, %dma_start3A_143] : memref<2x8x125xi32, #tpu.memory_space<vmem>> -> memref<1x1x125xi32, #tpu.memory_space<vmem>>
      %dma_start3A_145 = tpu.memref_squeeze %dma_start3A_144 : memref<1x1x125xi32, #tpu.memory_space<vmem>> -> memref<125xi32, #tpu.memory_space<vmem>>
      %dma_start3A_146 = arith.constant 0 : i32
      %dma_start3A_147 = arith.constant 0 : i32
      %dma_start3A_148 = tpu.memref_slice %arg2[%dma_start3A_146, %dma_start3A_147] : memref<10000x128xf32, #tpu.memory_space<hbm>> -> memref<10000x128xf32, #tpu.memory_space<hbm>>
      tpu.enqueue_indirect_dma source(%dma_start3A_148 : memref<10000x128xf32, #tpu.memory_space<hbm>>) target(%arg9 : memref<125x128xf32, #tpu.memory_space<vmem>>) offsets(%dma_start3A_145 : memref<125xi32, #tpu.memory_space<vmem>>) semaphore(%arg11 : memref<!tpu.dma_semaphore, #tpu.memory_space<semaphore_mem>>)
      %dma_wait3A_149 = arith.constant 0 : i32
      %dma_wait3A_150 = arith.constant 0 : i32
      %dma_wait3A_151 = arith.constant 0 : i32
      %dma_wait3A_152 = tpu.memref_slice %arg7[%dma_wait3A_149, %dma_wait3A_150, %dma_wait3A_151] : memref<2x8x125xi32, #tpu.memory_space<vmem>> -> memref<1x1x125xi32, #tpu.memory_space<vmem>>
      %dma_wait3A_153 = tpu.memref_squeeze %dma_wait3A_152 : memref<1x1x125xi32, #tpu.memory_space<vmem>> -> memref<125xi32, #tpu.memory_space<vmem>>
      %dma_wait3A_154 = arith.constant 0 : i32
      %dma_wait3A_155 = arith.constant 0 : i32
      %dma_wait3A_156 = tpu.memref_slice %arg2[%dma_wait3A_154, %dma_wait3A_155] : memref<10000x128xf32, #tpu.memory_space<hbm>> -> memref<10000x128xf32, #tpu.memory_space<hbm>>
      tpu.wait_indirect_dma semaphore(%arg12 : memref<!tpu.dma_semaphore, #tpu.memory_space<semaphore_mem>>) src(%dma_wait3A_156 : memref<10000x128xf32, #tpu.memory_space<hbm>>) dst(%arg10 : memref<125x128xf32, #tpu.memory_space<vmem>>)
      %run_scoped3A_157 = arith.constant 0 : i32
      %run_scoped3A_158 = arith.constant 1 : i32
      "tpu.region"() ({
        %run_scoped3A_451 = tpu.sem_alloc : memref<!tpu.dma_semaphore, #tpu.memory_space<semaphore_mem>>
        %dma_start3A_452 = arith.constant 0 : i32
        %dma_start3A_453 = tpu.memref_slice %arg8[%run_scoped3A_157, %run_scoped3A_158, %dma_start3A_452] : memref<2x8x125xi32, #tpu.memory_space<vmem>> -> memref<1x1x125xi32, #tpu.memory_space<vmem>>
        %dma_start3A_454 = tpu.memref_squeeze %dma_start3A_453 : memref<1x1x125xi32, #tpu.memory_space<vmem>> -> memref<125xi32, #tpu.memory_space<vmem>>
        %dma_start3A_455 = arith.constant 0 : i32
        %dma_start3A_456 = arith.constant 0 : i32
        %dma_start3A_457 = tpu.memref_slice %arg6[%dma_start3A_455, %dma_start3A_456] : memref<10240x128xf32, #tpu.memory_space<vmem_shared>> -> memref<10240x128xf32, #tpu.memory_space<vmem_shared>>
        tpu.enqueue_indirect_dma source(%arg10 : memref<125x128xf32, #tpu.memory_space<vmem>>) target(%dma_start3A_457 : memref<10240x128xf32, #tpu.memory_space<vmem_shared>>) offsets(%dma_start3A_454 : memref<125xi32, #tpu.memory_space<vmem>>) semaphore(%run_scoped3A_451 : memref<!tpu.dma_semaphore, #tpu.memory_space<semaphore_mem>>) {add = true}
        %dma_wait3A_458 = arith.constant 0 : i32
        %dma_wait3A_459 = tpu.memref_slice %arg8[%run_scoped3A_157, %run_scoped3A_158, %dma_wait3A_458] : memref<2x8x125xi32, #tpu.memory_space<vmem>> -> memref<1x1x125xi32, #tpu.memory_space<vmem>>
        %dma_wait3A_460 = tpu.memref_squeeze %dma_wait3A_459 : memref<1x1x125xi32, #tpu.memory_space<vmem>> -> memref<125xi32, #tpu.memory_space<vmem>>
        %dma_wait3A_461 = arith.constant 0 : i32
        %dma_wait3A_462 = arith.constant 0 : i32
        %dma_wait3A_463 = tpu.memref_slice %arg6[%dma_wait3A_461, %dma_wait3A_462] : memref<10240x128xf32, #tpu.memory_space<vmem_shared>> -> memref<10240x128xf32, #tpu.memory_space<vmem_shared>>
        tpu.wait_indirect_dma semaphore(%run_scoped3A_451 : memref<!tpu.dma_semaphore, #tpu.memory_space<semaphore_mem>>) src(%arg10 : memref<125x128xf32, #tpu.memory_space<vmem>>) dst(%dma_wait3A_463 : memref<10240x128xf32, #tpu.memory_space<vmem_shared>>)
        tpu.yield
      }) : () -> ()
      %dma_start3A_159 = arith.constant 0 : i32
      %dma_start3A_160 = arith.constant 3 : i32
      %dma_start3A_161 = arith.constant 0 : i32
      %dma_start3A_162 = tpu.memref_slice %arg7[%dma_start3A_159, %dma_start3A_160, %dma_start3A_161] : memref<2x8x125xi32, #tpu.memory_space<vmem>> -> memref<1x1x125xi32, #tpu.memory_space<vmem>>
      %dma_start3A_163 = tpu.memref_squeeze %dma_start3A_162 : memref<1x1x125xi32, #tpu.memory_space<vmem>> -> memref<125xi32, #tpu.memory_space<vmem>>
      %dma_start3A_164 = arith.constant 0 : i32
      %dma_start3A_165 = arith.constant 0 : i32
      %dma_start3A_166 = tpu.memref_slice %arg2[%dma_start3A_164, %dma_start3A_165] : memref<10000x128xf32, #tpu.memory_space<hbm>> -> memref<10000x128xf32, #tpu.memory_space<hbm>>
      tpu.enqueue_indirect_dma source(%dma_start3A_166 : memref<10000x128xf32, #tpu.memory_space<hbm>>) target(%arg10 : memref<125x128xf32, #tpu.memory_space<vmem>>) offsets(%dma_start3A_163 : memref<125xi32, #tpu.memory_space<vmem>>) semaphore(%arg12 : memref<!tpu.dma_semaphore, #tpu.memory_space<semaphore_mem>>)
      %dma_wait3A_167 = arith.constant 0 : i32
      %dma_wait3A_168 = arith.constant 0 : i32
      %dma_wait3A_169 = arith.constant 0 : i32
      %dma_wait3A_170 = tpu.memref_slice %arg7[%dma_wait3A_167, %dma_wait3A_168, %dma_wait3A_169] : memref<2x8x125xi32, #tpu.memory_space<vmem>> -> memref<1x1x125xi32, #tpu.memory_space<vmem>>
      %dma_wait3A_171 = tpu.memref_squeeze %dma_wait3A_170 : memref<1x1x125xi32, #tpu.memory_space<vmem>> -> memref<125xi32, #tpu.memory_space<vmem>>
      %dma_wait3A_172 = arith.constant 0 : i32
      %dma_wait3A_173 = arith.constant 0 : i32
      %dma_wait3A_174 = tpu.memref_slice %arg2[%dma_wait3A_172, %dma_wait3A_173] : memref<10000x128xf32, #tpu.memory_space<hbm>> -> memref<10000x128xf32, #tpu.memory_space<hbm>>
      tpu.wait_indirect_dma semaphore(%arg11 : memref<!tpu.dma_semaphore, #tpu.memory_space<semaphore_mem>>) src(%dma_wait3A_174 : memref<10000x128xf32, #tpu.memory_space<hbm>>) dst(%arg9 : memref<125x128xf32, #tpu.memory_space<vmem>>)
      %run_scoped3A_175 = arith.constant 0 : i32
      %run_scoped3A_176 = arith.constant 2 : i32
      "tpu.region"() ({
        %run_scoped3A_451 = tpu.sem_alloc : memref<!tpu.dma_semaphore, #tpu.memory_space<semaphore_mem>>
        %dma_start3A_452 = arith.constant 0 : i32
        %dma_start3A_453 = tpu.memref_slice %arg8[%run_scoped3A_175, %run_scoped3A_176, %dma_start3A_452] : memref<2x8x125xi32, #tpu.memory_space<vmem>> -> memref<1x1x125xi32, #tpu.memory_space<vmem>>
        %dma_start3A_454 = tpu.memref_squeeze %dma_start3A_453 : memref<1x1x125xi32, #tpu.memory_space<vmem>> -> memref<125xi32, #tpu.memory_space<vmem>>
        %dma_start3A_455 = arith.constant 0 : i32
        %dma_start3A_456 = arith.constant 0 : i32
        %dma_start3A_457 = tpu.memref_slice %arg6[%dma_start3A_455, %dma_start3A_456] : memref<10240x128xf32, #tpu.memory_space<vmem_shared>> -> memref<10240x128xf32, #tpu.memory_space<vmem_shared>>
        tpu.enqueue_indirect_dma source(%arg9 : memref<125x128xf32, #tpu.memory_space<vmem>>) target(%dma_start3A_457 : memref<10240x128xf32, #tpu.memory_space<vmem_shared>>) offsets(%dma_start3A_454 : memref<125xi32, #tpu.memory_space<vmem>>) semaphore(%run_scoped3A_451 : memref<!tpu.dma_semaphore, #tpu.memory_space<semaphore_mem>>) {add = true}
        %dma_wait3A_458 = arith.constant 0 : i32
        %dma_wait3A_459 = tpu.memref_slice %arg8[%run_scoped3A_175, %run_scoped3A_176, %dma_wait3A_458] : memref<2x8x125xi32, #tpu.memory_space<vmem>> -> memref<1x1x125xi32, #tpu.memory_space<vmem>>
        %dma_wait3A_460 = tpu.memref_squeeze %dma_wait3A_459 : memref<1x1x125xi32, #tpu.memory_space<vmem>> -> memref<125xi32, #tpu.memory_space<vmem>>
        %dma_wait3A_461 = arith.constant 0 : i32
        %dma_wait3A_462 = arith.constant 0 : i32
        %dma_wait3A_463 = tpu.memref_slice %arg6[%dma_wait3A_461, %dma_wait3A_462] : memref<10240x128xf32, #tpu.memory_space<vmem_shared>> -> memref<10240x128xf32, #tpu.memory_space<vmem_shared>>
        tpu.wait_indirect_dma semaphore(%run_scoped3A_451 : memref<!tpu.dma_semaphore, #tpu.memory_space<semaphore_mem>>) src(%arg9 : memref<125x128xf32, #tpu.memory_space<vmem>>) dst(%dma_wait3A_463 : memref<10240x128xf32, #tpu.memory_space<vmem_shared>>)
        tpu.yield
      }) : () -> ()
      %dma_start3A_177 = arith.constant 0 : i32
      %dma_start3A_178 = arith.constant 4 : i32
      %dma_start3A_179 = arith.constant 0 : i32
      %dma_start3A_180 = tpu.memref_slice %arg7[%dma_start3A_177, %dma_start3A_178, %dma_start3A_179] : memref<2x8x125xi32, #tpu.memory_space<vmem>> -> memref<1x1x125xi32, #tpu.memory_space<vmem>>
      %dma_start3A_181 = tpu.memref_squeeze %dma_start3A_180 : memref<1x1x125xi32, #tpu.memory_space<vmem>> -> memref<125xi32, #tpu.memory_space<vmem>>
      %dma_start3A_182 = arith.constant 0 : i32
      %dma_start3A_183 = arith.constant 0 : i32
      %dma_start3A_184 = tpu.memref_slice %arg2[%dma_start3A_182, %dma_start3A_183] : memref<10000x128xf32, #tpu.memory_space<hbm>> -> memref<10000x128xf32, #tpu.memory_space<hbm>>
      tpu.enqueue_indirect_dma source(%dma_start3A_184 : memref<10000x128xf32, #tpu.memory_space<hbm>>) target(%arg9 : memref<125x128xf32, #tpu.memory_space<vmem>>) offsets(%dma_start3A_181 : memref<125xi32, #tpu.memory_space<vmem>>) semaphore(%arg11 : memref<!tpu.dma_semaphore, #tpu.memory_space<semaphore_mem>>)
      %dma_wait3A_185 = arith.constant 0 : i32
      %dma_wait3A_186 = arith.constant 0 : i32
      %dma_wait3A_187 = arith.constant 0 : i32
      %dma_wait3A_188 = tpu.memref_slice %arg7[%dma_wait3A_185, %dma_wait3A_186, %dma_wait3A_187] : memref<2x8x125xi32, #tpu.memory_space<vmem>> -> memref<1x1x125xi32, #tpu.memory_space<vmem>>
      %dma_wait3A_189 = tpu.memref_squeeze %dma_wait3A_188 : memref<1x1x125xi32, #tpu.memory_space<vmem>> -> memref<125xi32, #tpu.memory_space<vmem>>
      %dma_wait3A_190 = arith.constant 0 : i32
      %dma_wait3A_191 = arith.constant 0 : i32
      %dma_wait3A_192 = tpu.memref_slice %arg2[%dma_wait3A_190, %dma_wait3A_191] : memref<10000x128xf32, #tpu.memory_space<hbm>> -> memref<10000x128xf32, #tpu.memory_space<hbm>>
      tpu.wait_indirect_dma semaphore(%arg12 : memref<!tpu.dma_semaphore, #tpu.memory_space<semaphore_mem>>) src(%dma_wait3A_192 : memref<10000x128xf32, #tpu.memory_space<hbm>>) dst(%arg10 : memref<125x128xf32, #tpu.memory_space<vmem>>)
      %run_scoped3A_193 = arith.constant 0 : i32
      %run_scoped3A_194 = arith.constant 3 : i32
      "tpu.region"() ({
        %run_scoped3A_451 = tpu.sem_alloc : memref<!tpu.dma_semaphore, #tpu.memory_space<semaphore_mem>>
        %dma_start3A_452 = arith.constant 0 : i32
        %dma_start3A_453 = tpu.memref_slice %arg8[%run_scoped3A_193, %run_scoped3A_194, %dma_start3A_452] : memref<2x8x125xi32, #tpu.memory_space<vmem>> -> memref<1x1x125xi32, #tpu.memory_space<vmem>>
        %dma_start3A_454 = tpu.memref_squeeze %dma_start3A_453 : memref<1x1x125xi32, #tpu.memory_space<vmem>> -> memref<125xi32, #tpu.memory_space<vmem>>
        %dma_start3A_455 = arith.constant 0 : i32
        %dma_start3A_456 = arith.constant 0 : i32
        %dma_start3A_457 = tpu.memref_slice %arg6[%dma_start3A_455, %dma_start3A_456] : memref<10240x128xf32, #tpu.memory_space<vmem_shared>> -> memref<10240x128xf32, #tpu.memory_space<vmem_shared>>
        tpu.enqueue_indirect_dma source(%arg10 : memref<125x128xf32, #tpu.memory_space<vmem>>) target(%dma_start3A_457 : memref<10240x128xf32, #tpu.memory_space<vmem_shared>>) offsets(%dma_start3A_454 : memref<125xi32, #tpu.memory_space<vmem>>) semaphore(%run_scoped3A_451 : memref<!tpu.dma_semaphore, #tpu.memory_space<semaphore_mem>>) {add = true}
        %dma_wait3A_458 = arith.constant 0 : i32
        %dma_wait3A_459 = tpu.memref_slice %arg8[%run_scoped3A_193, %run_scoped3A_194, %dma_wait3A_458] : memref<2x8x125xi32, #tpu.memory_space<vmem>> -> memref<1x1x125xi32, #tpu.memory_space<vmem>>
        %dma_wait3A_460 = tpu.memref_squeeze %dma_wait3A_459 : memref<1x1x125xi32, #tpu.memory_space<vmem>> -> memref<125xi32, #tpu.memory_space<vmem>>
        %dma_wait3A_461 = arith.constant 0 : i32
        %dma_wait3A_462 = arith.constant 0 : i32
        %dma_wait3A_463 = tpu.memref_slice %arg6[%dma_wait3A_461, %dma_wait3A_462] : memref<10240x128xf32, #tpu.memory_space<vmem_shared>> -> memref<10240x128xf32, #tpu.memory_space<vmem_shared>>
        tpu.wait_indirect_dma semaphore(%run_scoped3A_451 : memref<!tpu.dma_semaphore, #tpu.memory_space<semaphore_mem>>) src(%arg10 : memref<125x128xf32, #tpu.memory_space<vmem>>) dst(%dma_wait3A_463 : memref<10240x128xf32, #tpu.memory_space<vmem_shared>>)
        tpu.yield
      }) : () -> ()
      %dma_start3A_195 = arith.constant 0 : i32
      %dma_start3A_196 = arith.constant 5 : i32
      %dma_start3A_197 = arith.constant 0 : i32
      %dma_start3A_198 = tpu.memref_slice %arg7[%dma_start3A_195, %dma_start3A_196, %dma_start3A_197] : memref<2x8x125xi32, #tpu.memory_space<vmem>> -> memref<1x1x125xi32, #tpu.memory_space<vmem>>
      %dma_start3A_199 = tpu.memref_squeeze %dma_start3A_198 : memref<1x1x125xi32, #tpu.memory_space<vmem>> -> memref<125xi32, #tpu.memory_space<vmem>>
      %dma_start3A_200 = arith.constant 0 : i32
      %dma_start3A_201 = arith.constant 0 : i32
      %dma_start3A_202 = tpu.memref_slice %arg2[%dma_start3A_200, %dma_start3A_201] : memref<10000x128xf32, #tpu.memory_space<hbm>> -> memref<10000x128xf32, #tpu.memory_space<hbm>>
      tpu.enqueue_indirect_dma source(%dma_start3A_202 : memref<10000x128xf32, #tpu.memory_space<hbm>>) target(%arg10 : memref<125x128xf32, #tpu.memory_space<vmem>>) offsets(%dma_start3A_199 : memref<125xi32, #tpu.memory_space<vmem>>) semaphore(%arg12 : memref<!tpu.dma_semaphore, #tpu.memory_space<semaphore_mem>>)
      %dma_wait3A_203 = arith.constant 0 : i32
      %dma_wait3A_204 = arith.constant 0 : i32
      %dma_wait3A_205 = arith.constant 0 : i32
      %dma_wait3A_206 = tpu.memref_slice %arg7[%dma_wait3A_203, %dma_wait3A_204, %dma_wait3A_205] : memref<2x8x125xi32, #tpu.memory_space<vmem>> -> memref<1x1x125xi32, #tpu.memory_space<vmem>>
      %dma_wait3A_207 = tpu.memref_squeeze %dma_wait3A_206 : memref<1x1x125xi32, #tpu.memory_space<vmem>> -> memref<125xi32, #tpu.memory_space<vmem>>
      %dma_wait3A_208 = arith.constant 0 : i32
      %dma_wait3A_209 = arith.constant 0 : i32
      %dma_wait3A_210 = tpu.memref_slice %arg2[%dma_wait3A_208, %dma_wait3A_209] : memref<10000x128xf32, #tpu.memory_space<hbm>> -> memref<10000x128xf32, #tpu.memory_space<hbm>>
      tpu.wait_indirect_dma semaphore(%arg11 : memref<!tpu.dma_semaphore, #tpu.memory_space<semaphore_mem>>) src(%dma_wait3A_210 : memref<10000x128xf32, #tpu.memory_space<hbm>>) dst(%arg9 : memref<125x128xf32, #tpu.memory_space<vmem>>)
      %run_scoped3A_211 = arith.constant 0 : i32
      %run_scoped3A_212 = arith.constant 4 : i32
      "tpu.region"() ({
        %run_scoped3A_451 = tpu.sem_alloc : memref<!tpu.dma_semaphore, #tpu.memory_space<semaphore_mem>>
        %dma_start3A_452 = arith.constant 0 : i32
        %dma_start3A_453 = tpu.memref_slice %arg8[%run_scoped3A_211, %run_scoped3A_212, %dma_start3A_452] : memref<2x8x125xi32, #tpu.memory_space<vmem>> -> memref<1x1x125xi32, #tpu.memory_space<vmem>>
        %dma_start3A_454 = tpu.memref_squeeze %dma_start3A_453 : memref<1x1x125xi32, #tpu.memory_space<vmem>> -> memref<125xi32, #tpu.memory_space<vmem>>
        %dma_start3A_455 = arith.constant 0 : i32
        %dma_start3A_456 = arith.constant 0 : i32
        %dma_start3A_457 = tpu.memref_slice %arg6[%dma_start3A_455, %dma_start3A_456] : memref<10240x128xf32, #tpu.memory_space<vmem_shared>> -> memref<10240x128xf32, #tpu.memory_space<vmem_shared>>
        tpu.enqueue_indirect_dma source(%arg9 : memref<125x128xf32, #tpu.memory_space<vmem>>) target(%dma_start3A_457 : memref<10240x128xf32, #tpu.memory_space<vmem_shared>>) offsets(%dma_start3A_454 : memref<125xi32, #tpu.memory_space<vmem>>) semaphore(%run_scoped3A_451 : memref<!tpu.dma_semaphore, #tpu.memory_space<semaphore_mem>>) {add = true}
        %dma_wait3A_458 = arith.constant 0 : i32
        %dma_wait3A_459 = tpu.memref_slice %arg8[%run_scoped3A_211, %run_scoped3A_212, %dma_wait3A_458] : memref<2x8x125xi32, #tpu.memory_space<vmem>> -> memref<1x1x125xi32, #tpu.memory_space<vmem>>
        %dma_wait3A_460 = tpu.memref_squeeze %dma_wait3A_459 : memref<1x1x125xi32, #tpu.memory_space<vmem>> -> memref<125xi32, #tpu.memory_space<vmem>>
        %dma_wait3A_461 = arith.constant 0 : i32
        %dma_wait3A_462 = arith.constant 0 : i32
        %dma_wait3A_463 = tpu.memref_slice %arg6[%dma_wait3A_461, %dma_wait3A_462] : memref<10240x128xf32, #tpu.memory_space<vmem_shared>> -> memref<10240x128xf32, #tpu.memory_space<vmem_shared>>
        tpu.wait_indirect_dma semaphore(%run_scoped3A_451 : memref<!tpu.dma_semaphore, #tpu.memory_space<semaphore_mem>>) src(%arg9 : memref<125x128xf32, #tpu.memory_space<vmem>>) dst(%dma_wait3A_463 : memref<10240x128xf32, #tpu.memory_space<vmem_shared>>)
        tpu.yield
      }) : () -> ()
      %dma_start3A_213 = arith.constant 0 : i32
      %dma_start3A_214 = arith.constant 6 : i32
      %dma_start3A_215 = arith.constant 0 : i32
      %dma_start3A_216 = tpu.memref_slice %arg7[%dma_start3A_213, %dma_start3A_214, %dma_start3A_215] : memref<2x8x125xi32, #tpu.memory_space<vmem>> -> memref<1x1x125xi32, #tpu.memory_space<vmem>>
      %dma_start3A_217 = tpu.memref_squeeze %dma_start3A_216 : memref<1x1x125xi32, #tpu.memory_space<vmem>> -> memref<125xi32, #tpu.memory_space<vmem>>
      %dma_start3A_218 = arith.constant 0 : i32
      %dma_start3A_219 = arith.constant 0 : i32
      %dma_start3A_220 = tpu.memref_slice %arg2[%dma_start3A_218, %dma_start3A_219] : memref<10000x128xf32, #tpu.memory_space<hbm>> -> memref<10000x128xf32, #tpu.memory_space<hbm>>
      tpu.enqueue_indirect_dma source(%dma_start3A_220 : memref<10000x128xf32, #tpu.memory_space<hbm>>) target(%arg9 : memref<125x128xf32, #tpu.memory_space<vmem>>) offsets(%dma_start3A_217 : memref<125xi32, #tpu.memory_space<vmem>>) semaphore(%arg11 : memref<!tpu.dma_semaphore, #tpu.memory_space<semaphore_mem>>)
      %dma_wait3A_221 = arith.constant 0 : i32
      %dma_wait3A_222 = arith.constant 0 : i32
      %dma_wait3A_223 = arith.constant 0 : i32
      %dma_wait3A_224 = tpu.memref_slice %arg7[%dma_wait3A_221, %dma_wait3A_222, %dma_wait3A_223] : memref<2x8x125xi32, #tpu.memory_space<vmem>> -> memref<1x1x125xi32, #tpu.memory_space<vmem>>
      %dma_wait3A_225 = tpu.memref_squeeze %dma_wait3A_224 : memref<1x1x125xi32, #tpu.memory_space<vmem>> -> memref<125xi32, #tpu.memory_space<vmem>>
      %dma_wait3A_226 = arith.constant 0 : i32
      %dma_wait3A_227 = arith.constant 0 : i32
      %dma_wait3A_228 = tpu.memref_slice %arg2[%dma_wait3A_226, %dma_wait3A_227] : memref<10000x128xf32, #tpu.memory_space<hbm>> -> memref<10000x128xf32, #tpu.memory_space<hbm>>
      tpu.wait_indirect_dma semaphore(%arg12 : memref<!tpu.dma_semaphore, #tpu.memory_space<semaphore_mem>>) src(%dma_wait3A_228 : memref<10000x128xf32, #tpu.memory_space<hbm>>) dst(%arg10 : memref<125x128xf32, #tpu.memory_space<vmem>>)
      %run_scoped3A_229 = arith.constant 0 : i32
      %run_scoped3A_230 = arith.constant 5 : i32
      "tpu.region"() ({
        %run_scoped3A_451 = tpu.sem_alloc : memref<!tpu.dma_semaphore, #tpu.memory_space<semaphore_mem>>
        %dma_start3A_452 = arith.constant 0 : i32
        %dma_start3A_453 = tpu.memref_slice %arg8[%run_scoped3A_229, %run_scoped3A_230, %dma_start3A_452] : memref<2x8x125xi32, #tpu.memory_space<vmem>> -> memref<1x1x125xi32, #tpu.memory_space<vmem>>
        %dma_start3A_454 = tpu.memref_squeeze %dma_start3A_453 : memref<1x1x125xi32, #tpu.memory_space<vmem>> -> memref<125xi32, #tpu.memory_space<vmem>>
        %dma_start3A_455 = arith.constant 0 : i32
        %dma_start3A_456 = arith.constant 0 : i32
        %dma_start3A_457 = tpu.memref_slice %arg6[%dma_start3A_455, %dma_start3A_456] : memref<10240x128xf32, #tpu.memory_space<vmem_shared>> -> memref<10240x128xf32, #tpu.memory_space<vmem_shared>>
        tpu.enqueue_indirect_dma source(%arg10 : memref<125x128xf32, #tpu.memory_space<vmem>>) target(%dma_start3A_457 : memref<10240x128xf32, #tpu.memory_space<vmem_shared>>) offsets(%dma_start3A_454 : memref<125xi32, #tpu.memory_space<vmem>>) semaphore(%run_scoped3A_451 : memref<!tpu.dma_semaphore, #tpu.memory_space<semaphore_mem>>) {add = true}
        %dma_wait3A_458 = arith.constant 0 : i32
        %dma_wait3A_459 = tpu.memref_slice %arg8[%run_scoped3A_229, %run_scoped3A_230, %dma_wait3A_458] : memref<2x8x125xi32, #tpu.memory_space<vmem>> -> memref<1x1x125xi32, #tpu.memory_space<vmem>>
        %dma_wait3A_460 = tpu.memref_squeeze %dma_wait3A_459 : memref<1x1x125xi32, #tpu.memory_space<vmem>> -> memref<125xi32, #tpu.memory_space<vmem>>
        %dma_wait3A_461 = arith.constant 0 : i32
        %dma_wait3A_462 = arith.constant 0 : i32
        %dma_wait3A_463 = tpu.memref_slice %arg6[%dma_wait3A_461, %dma_wait3A_462] : memref<10240x128xf32, #tpu.memory_space<vmem_shared>> -> memref<10240x128xf32, #tpu.memory_space<vmem_shared>>
        tpu.wait_indirect_dma semaphore(%run_scoped3A_451 : memref<!tpu.dma_semaphore, #tpu.memory_space<semaphore_mem>>) src(%arg10 : memref<125x128xf32, #tpu.memory_space<vmem>>) dst(%dma_wait3A_463 : memref<10240x128xf32, #tpu.memory_space<vmem_shared>>)
        tpu.yield
      }) : () -> ()
      %dma_start3A_231 = arith.constant 0 : i32
      %dma_start3A_232 = arith.constant 7 : i32
      %dma_start3A_233 = arith.constant 0 : i32
      %dma_start3A_234 = tpu.memref_slice %arg7[%dma_start3A_231, %dma_start3A_232, %dma_start3A_233] : memref<2x8x125xi32, #tpu.memory_space<vmem>> -> memref<1x1x125xi32, #tpu.memory_space<vmem>>
      %dma_start3A_235 = tpu.memref_squeeze %dma_start3A_234 : memref<1x1x125xi32, #tpu.memory_space<vmem>> -> memref<125xi32, #tpu.memory_space<vmem>>
      %dma_start3A_236 = arith.constant 0 : i32
      %dma_start3A_237 = arith.constant 0 : i32
      %dma_start3A_238 = tpu.memref_slice %arg2[%dma_start3A_236, %dma_start3A_237] : memref<10000x128xf32, #tpu.memory_space<hbm>> -> memref<10000x128xf32, #tpu.memory_space<hbm>>
      tpu.enqueue_indirect_dma source(%dma_start3A_238 : memref<10000x128xf32, #tpu.memory_space<hbm>>) target(%arg10 : memref<125x128xf32, #tpu.memory_space<vmem>>) offsets(%dma_start3A_235 : memref<125xi32, #tpu.memory_space<vmem>>) semaphore(%arg12 : memref<!tpu.dma_semaphore, #tpu.memory_space<semaphore_mem>>)
      %dma_wait3A_239 = arith.constant 0 : i32
      %dma_wait3A_240 = arith.constant 0 : i32
      %dma_wait3A_241 = arith.constant 0 : i32
      %dma_wait3A_242 = tpu.memref_slice %arg7[%dma_wait3A_239, %dma_wait3A_240, %dma_wait3A_241] : memref<2x8x125xi32, #tpu.memory_space<vmem>> -> memref<1x1x125xi32, #tpu.memory_space<vmem>>
      %dma_wait3A_243 = tpu.memref_squeeze %dma_wait3A_242 : memref<1x1x125xi32, #tpu.memory_space<vmem>> -> memref<125xi32, #tpu.memory_space<vmem>>
      %dma_wait3A_244 = arith.constant 0 : i32
      %dma_wait3A_245 = arith.constant 0 : i32
      %dma_wait3A_246 = tpu.memref_slice %arg2[%dma_wait3A_244, %dma_wait3A_245] : memref<10000x128xf32, #tpu.memory_space<hbm>> -> memref<10000x128xf32, #tpu.memory_space<hbm>>
      tpu.wait_indirect_dma semaphore(%arg11 : memref<!tpu.dma_semaphore, #tpu.memory_space<semaphore_mem>>) src(%dma_wait3A_246 : memref<10000x128xf32, #tpu.memory_space<hbm>>) dst(%arg9 : memref<125x128xf32, #tpu.memory_space<vmem>>)
      %run_scoped3A_247 = arith.constant 0 : i32
      %run_scoped3A_248 = arith.constant 6 : i32
      "tpu.region"() ({
        %run_scoped3A_451 = tpu.sem_alloc : memref<!tpu.dma_semaphore, #tpu.memory_space<semaphore_mem>>
        %dma_start3A_452 = arith.constant 0 : i32
        %dma_start3A_453 = tpu.memref_slice %arg8[%run_scoped3A_247, %run_scoped3A_248, %dma_start3A_452] : memref<2x8x125xi32, #tpu.memory_space<vmem>> -> memref<1x1x125xi32, #tpu.memory_space<vmem>>
        %dma_start3A_454 = tpu.memref_squeeze %dma_start3A_453 : memref<1x1x125xi32, #tpu.memory_space<vmem>> -> memref<125xi32, #tpu.memory_space<vmem>>
        %dma_start3A_455 = arith.constant 0 : i32
        %dma_start3A_456 = arith.constant 0 : i32
        %dma_start3A_457 = tpu.memref_slice %arg6[%dma_start3A_455, %dma_start3A_456] : memref<10240x128xf32, #tpu.memory_space<vmem_shared>> -> memref<10240x128xf32, #tpu.memory_space<vmem_shared>>
        tpu.enqueue_indirect_dma source(%arg9 : memref<125x128xf32, #tpu.memory_space<vmem>>) target(%dma_start3A_457 : memref<10240x128xf32, #tpu.memory_space<vmem_shared>>) offsets(%dma_start3A_454 : memref<125xi32, #tpu.memory_space<vmem>>) semaphore(%run_scoped3A_451 : memref<!tpu.dma_semaphore, #tpu.memory_space<semaphore_mem>>) {add = true}
        %dma_wait3A_458 = arith.constant 0 : i32
        %dma_wait3A_459 = tpu.memref_slice %arg8[%run_scoped3A_247, %run_scoped3A_248, %dma_wait3A_458] : memref<2x8x125xi32, #tpu.memory_space<vmem>> -> memref<1x1x125xi32, #tpu.memory_space<vmem>>
        %dma_wait3A_460 = tpu.memref_squeeze %dma_wait3A_459 : memref<1x1x125xi32, #tpu.memory_space<vmem>> -> memref<125xi32, #tpu.memory_space<vmem>>
        %dma_wait3A_461 = arith.constant 0 : i32
        %dma_wait3A_462 = arith.constant 0 : i32
        %dma_wait3A_463 = tpu.memref_slice %arg6[%dma_wait3A_461, %dma_wait3A_462] : memref<10240x128xf32, #tpu.memory_space<vmem_shared>> -> memref<10240x128xf32, #tpu.memory_space<vmem_shared>>
        tpu.wait_indirect_dma semaphore(%run_scoped3A_451 : memref<!tpu.dma_semaphore, #tpu.memory_space<semaphore_mem>>) src(%arg9 : memref<125x128xf32, #tpu.memory_space<vmem>>) dst(%dma_wait3A_463 : memref<10240x128xf32, #tpu.memory_space<vmem_shared>>)
        tpu.yield
      }) : () -> ()
      %dma_wait3A_249 = arith.constant 1 : i32
      %dma_wait3A_250 = arith.constant 0 : i32
      %dma_wait3A_251 = arith.constant 0 : i32
      %dma_wait3A_252 = tpu.memref_slice %arg7[%dma_wait3A_249, %dma_wait3A_250, %dma_wait3A_251] : memref<2x8x125xi32, #tpu.memory_space<vmem>> -> memref<1x8x125xi32, #tpu.memory_space<vmem>>
      %dma_wait3A_253 = tpu.memref_squeeze %dma_wait3A_252 : memref<1x8x125xi32, #tpu.memory_space<vmem>> -> memref<8x125xi32, #tpu.memory_space<vmem>>
      %dma_wait3A_254 = arith.constant 0 : i32
      %dma_wait3A_255 = arith.constant 0 : i32
      %dma_wait3A_256 = tpu.memref_slice %arg3[%dma_wait3A_254, %dma_wait3A_255] : memref<2560x125xi32, #tpu.memory_space<hbm>> -> memref<8x125xi32, #tpu.memory_space<hbm>>
      %dma_wait3A_257 = arith.constant 0 : i32
      %dma_wait3A_258 = arith.constant 0 : i32
      %dma_wait3A_259 = tpu.memref_slice %arg7[%dma_wait3A_249, %dma_wait3A_257, %dma_wait3A_258] : memref<2x8x125xi32, #tpu.memory_space<vmem>> -> memref<1x8x125xi32, #tpu.memory_space<vmem>>
      %dma_wait3A_260 = tpu.memref_squeeze %dma_wait3A_259 : memref<1x8x125xi32, #tpu.memory_space<vmem>> -> memref<8x125xi32, #tpu.memory_space<vmem>>
      %dma_wait3A_261 = arith.constant 0 : i32
      %dma_wait3A_262 = arith.constant 0 : i32
      %dma_wait3A_263 = tpu.memref_slice %arg3[%dma_wait3A_261, %dma_wait3A_262] : memref<2560x125xi32, #tpu.memory_space<hbm>> -> memref<8x125xi32, #tpu.memory_space<hbm>>
      tpu.wait_dma2 semaphore(%arg14 : memref<!tpu.dma_semaphore, #tpu.memory_space<semaphore_mem>>) src(%dma_wait3A_263 : memref<8x125xi32, #tpu.memory_space<hbm>>) dst(%dma_wait3A_260 : memref<8x125xi32, #tpu.memory_space<vmem>>)
      %dma_wait3A_264 = arith.constant 1 : i32
      %dma_wait3A_265 = arith.constant 0 : i32
      %dma_wait3A_266 = arith.constant 0 : i32
      %dma_wait3A_267 = tpu.memref_slice %arg8[%dma_wait3A_264, %dma_wait3A_265, %dma_wait3A_266] : memref<2x8x125xi32, #tpu.memory_space<vmem>> -> memref<1x8x125xi32, #tpu.memory_space<vmem>>
      %dma_wait3A_268 = tpu.memref_squeeze %dma_wait3A_267 : memref<1x8x125xi32, #tpu.memory_space<vmem>> -> memref<8x125xi32, #tpu.memory_space<vmem>>
      %dma_wait3A_269 = arith.constant 0 : i32
      %dma_wait3A_270 = arith.constant 0 : i32
      %dma_wait3A_271 = tpu.memref_slice %arg4[%dma_wait3A_269, %dma_wait3A_270] : memref<2560x125xi32, #tpu.memory_space<hbm>> -> memref<8x125xi32, #tpu.memory_space<hbm>>
      %dma_wait3A_272 = arith.constant 0 : i32
      %dma_wait3A_273 = arith.constant 0 : i32
      %dma_wait3A_274 = tpu.memref_slice %arg8[%dma_wait3A_264, %dma_wait3A_272, %dma_wait3A_273] : memref<2x8x125xi32, #tpu.memory_space<vmem>> -> memref<1x8x125xi32, #tpu.memory_space<vmem>>
      %dma_wait3A_275 = tpu.memref_squeeze %dma_wait3A_274 : memref<1x8x125xi32, #tpu.memory_space<vmem>> -> memref<8x125xi32, #tpu.memory_space<vmem>>
      %dma_wait3A_276 = arith.constant 0 : i32
      %dma_wait3A_277 = arith.constant 0 : i32
      %dma_wait3A_278 = tpu.memref_slice %arg4[%dma_wait3A_276, %dma_wait3A_277] : memref<2560x125xi32, #tpu.memory_space<hbm>> -> memref<8x125xi32, #tpu.memory_space<hbm>>
      tpu.wait_dma2 semaphore(%arg14 : memref<!tpu.dma_semaphore, #tpu.memory_space<semaphore_mem>>) src(%dma_wait3A_278 : memref<8x125xi32, #tpu.memory_space<hbm>>) dst(%dma_wait3A_275 : memref<8x125xi32, #tpu.memory_space<vmem>>)
      %dma_start3A_279 = arith.constant 1 : i32
      %dma_start3A_280 = arith.constant 0 : i32
      %dma_start3A_281 = arith.constant 0 : i32
      %dma_start3A_282 = tpu.memref_slice %arg7[%dma_start3A_279, %dma_start3A_280, %dma_start3A_281] : memref<2x8x125xi32, #tpu.memory_space<vmem>> -> memref<1x1x125xi32, #tpu.memory_space<vmem>>
      %dma_start3A_283 = tpu.memref_squeeze %dma_start3A_282 : memref<1x1x125xi32, #tpu.memory_space<vmem>> -> memref<125xi32, #tpu.memory_space<vmem>>
      %dma_start3A_284 = arith.constant 0 : i32
      %dma_start3A_285 = arith.constant 0 : i32
      %dma_start3A_286 = tpu.memref_slice %arg2[%dma_start3A_284, %dma_start3A_285] : memref<10000x128xf32, #tpu.memory_space<hbm>> -> memref<10000x128xf32, #tpu.memory_space<hbm>>
      tpu.enqueue_indirect_dma source(%dma_start3A_286 : memref<10000x128xf32, #tpu.memory_space<hbm>>) target(%arg9 : memref<125x128xf32, #tpu.memory_space<vmem>>) offsets(%dma_start3A_283 : memref<125xi32, #tpu.memory_space<vmem>>) semaphore(%arg11 : memref<!tpu.dma_semaphore, #tpu.memory_space<semaphore_mem>>)
      %dma_wait3A_287 = arith.constant 0 : i32
      %dma_wait3A_288 = arith.constant 0 : i32
      %dma_wait3A_289 = arith.constant 0 : i32
      %dma_wait3A_290 = tpu.memref_slice %arg7[%dma_wait3A_287, %dma_wait3A_288, %dma_wait3A_289] : memref<2x8x125xi32, #tpu.memory_space<vmem>> -> memref<1x1x125xi32, #tpu.memory_space<vmem>>
      %dma_wait3A_291 = tpu.memref_squeeze %dma_wait3A_290 : memref<1x1x125xi32, #tpu.memory_space<vmem>> -> memref<125xi32, #tpu.memory_space<vmem>>
      %dma_wait3A_292 = arith.constant 0 : i32
      %dma_wait3A_293 = arith.constant 0 : i32
      %dma_wait3A_294 = tpu.memref_slice %arg2[%dma_wait3A_292, %dma_wait3A_293] : memref<10000x128xf32, #tpu.memory_space<hbm>> -> memref<10000x128xf32, #tpu.memory_space<hbm>>
      tpu.wait_indirect_dma semaphore(%arg12 : memref<!tpu.dma_semaphore, #tpu.memory_space<semaphore_mem>>) src(%dma_wait3A_294 : memref<10000x128xf32, #tpu.memory_space<hbm>>) dst(%arg10 : memref<125x128xf32, #tpu.memory_space<vmem>>)
      %run_scoped3A_295 = arith.constant 0 : i32
      %run_scoped3A_296 = arith.constant 7 : i32
      "tpu.region"() ({
        %run_scoped3A_451 = tpu.sem_alloc : memref<!tpu.dma_semaphore, #tpu.memory_space<semaphore_mem>>
        %dma_start3A_452 = arith.constant 0 : i32
        %dma_start3A_453 = tpu.memref_slice %arg8[%run_scoped3A_295, %run_scoped3A_296, %dma_start3A_452] : memref<2x8x125xi32, #tpu.memory_space<vmem>> -> memref<1x1x125xi32, #tpu.memory_space<vmem>>
        %dma_start3A_454 = tpu.memref_squeeze %dma_start3A_453 : memref<1x1x125xi32, #tpu.memory_space<vmem>> -> memref<125xi32, #tpu.memory_space<vmem>>
        %dma_start3A_455 = arith.constant 0 : i32
        %dma_start3A_456 = arith.constant 0 : i32
        %dma_start3A_457 = tpu.memref_slice %arg6[%dma_start3A_455, %dma_start3A_456] : memref<10240x128xf32, #tpu.memory_space<vmem_shared>> -> memref<10240x128xf32, #tpu.memory_space<vmem_shared>>
        tpu.enqueue_indirect_dma source(%arg10 : memref<125x128xf32, #tpu.memory_space<vmem>>) target(%dma_start3A_457 : memref<10240x128xf32, #tpu.memory_space<vmem_shared>>) offsets(%dma_start3A_454 : memref<125xi32, #tpu.memory_space<vmem>>) semaphore(%run_scoped3A_451 : memref<!tpu.dma_semaphore, #tpu.memory_space<semaphore_mem>>) {add = true}
        %dma_wait3A_458 = arith.constant 0 : i32
        %dma_wait3A_459 = tpu.memref_slice %arg8[%run_scoped3A_295, %run_scoped3A_296, %dma_wait3A_458] : memref<2x8x125xi32, #tpu.memory_space<vmem>> -> memref<1x1x125xi32, #tpu.memory_space<vmem>>
        %dma_wait3A_460 = tpu.memref_squeeze %dma_wait3A_459 : memref<1x1x125xi32, #tpu.memory_space<vmem>> -> memref<125xi32, #tpu.memory_space<vmem>>
        %dma_wait3A_461 = arith.constant 0 : i32
        %dma_wait3A_462 = arith.constant 0 : i32
        %dma_wait3A_463 = tpu.memref_slice %arg6[%dma_wait3A_461, %dma_wait3A_462] : memref<10240x128xf32, #tpu.memory_space<vmem_shared>> -> memref<10240x128xf32, #tpu.memory_space<vmem_shared>>
        tpu.wait_indirect_dma semaphore(%run_scoped3A_451 : memref<!tpu.dma_semaphore, #tpu.memory_space<semaphore_mem>>) src(%arg10 : memref<125x128xf32, #tpu.memory_space<vmem>>) dst(%dma_wait3A_463 : memref<10240x128xf32, #tpu.memory_space<vmem_shared>>)
        tpu.yield
      }) : () -> ()
      %add3A_297 = arith.constant 2 : i32
      %add3A_298 = arith.addi %add3A_123, %add3A_297 : i32
      %lt3A = arith.constant 10 : i32
      %lt3A_299 = arith.cmpi slt, %add3A_298, %lt3A : i32
      %convert_element_type3A = arith.extui %lt3A_299 : i1 to i32
      %cond3A = arith.constant 0 : i32
      %cond3A_300 = arith.cmpi ne, %convert_element_type3A, %cond3A : i32
      scf.if %cond3A_300 {
        %add3A_451 = arith.constant 2 : i32
        %add3A_452 = arith.addi %add3A_123, %add3A_451 : i32
        %mul3A_453 = arith.constant 8 : i32
        %mul3A_454 = arith.muli %add3A_452, %mul3A_453 : i32
        %add3A_455 = arith.addi %mul3A_2, %mul3A_454 : i32
        %dma_start3A_456 = arith.constant 0 : i32
        %dma_start3A_457 = arith.constant 0 : i32
        %dma_start3A_458 = arith.constant 0 : i32
        %dma_start3A_459 = tpu.memref_slice %arg7[%dma_start3A_456, %dma_start3A_457, %dma_start3A_458] : memref<2x8x125xi32, #tpu.memory_space<vmem>> -> memref<1x8x125xi32, #tpu.memory_space<vmem>>
        %dma_start3A_460 = tpu.memref_squeeze %dma_start3A_459 : memref<1x8x125xi32, #tpu.memory_space<vmem>> -> memref<8x125xi32, #tpu.memory_space<vmem>>
        %dma_start3A_461 = arith.constant 0 : i32
        %dma_start3A_462 = tpu.memref_slice %arg3[%add3A_455, %dma_start3A_461] : memref<2560x125xi32, #tpu.memory_space<hbm>> -> memref<8x125xi32, #tpu.memory_space<hbm>>
        %dma_start3A_463 = arith.constant 0 : i32
        %dma_start3A_464 = arith.constant 0 : i32
        %dma_start3A_465 = tpu.memref_slice %arg7[%dma_start3A_456, %dma_start3A_463, %dma_start3A_464] : memref<2x8x125xi32, #tpu.memory_space<vmem>> -> memref<1x8x125xi32, #tpu.memory_space<vmem>>
        %dma_start3A_466 = tpu.memref_squeeze %dma_start3A_465 : memref<1x8x125xi32, #tpu.memory_space<vmem>> -> memref<8x125xi32, #tpu.memory_space<vmem>>
        %dma_start3A_467 = arith.constant 0 : i32
        %dma_start3A_468 = tpu.memref_slice %arg3[%add3A_455, %dma_start3A_467] : memref<2560x125xi32, #tpu.memory_space<hbm>> -> memref<8x125xi32, #tpu.memory_space<hbm>>
        tpu.enqueue_dma source(%dma_start3A_468 : memref<8x125xi32, #tpu.memory_space<hbm>>) target(%dma_start3A_466 : memref<8x125xi32, #tpu.memory_space<vmem>>) target_semaphore(%arg13 : memref<!tpu.dma_semaphore, #tpu.memory_space<semaphore_mem>>)
        %mul3A_469 = arith.constant 8 : i32
        %mul3A_470 = arith.muli %add3A_452, %mul3A_469 : i32
        %add3A_471 = arith.addi %mul3A_2, %mul3A_470 : i32
        %dma_start3A_472 = arith.constant 0 : i32
        %dma_start3A_473 = arith.constant 0 : i32
        %dma_start3A_474 = arith.constant 0 : i32
        %dma_start3A_475 = tpu.memref_slice %arg8[%dma_start3A_472, %dma_start3A_473, %dma_start3A_474] : memref<2x8x125xi32, #tpu.memory_space<vmem>> -> memref<1x8x125xi32, #tpu.memory_space<vmem>>
        %dma_start3A_476 = tpu.memref_squeeze %dma_start3A_475 : memref<1x8x125xi32, #tpu.memory_space<vmem>> -> memref<8x125xi32, #tpu.memory_space<vmem>>
        %dma_start3A_477 = arith.constant 0 : i32
        %dma_start3A_478 = tpu.memref_slice %arg4[%add3A_471, %dma_start3A_477] : memref<2560x125xi32, #tpu.memory_space<hbm>> -> memref<8x125xi32, #tpu.memory_space<hbm>>
        %dma_start3A_479 = arith.constant 0 : i32
        %dma_start3A_480 = arith.constant 0 : i32
        %dma_start3A_481 = tpu.memref_slice %arg8[%dma_start3A_472, %dma_start3A_479, %dma_start3A_480] : memref<2x8x125xi32, #tpu.memory_space<vmem>> -> memref<1x8x125xi32, #tpu.memory_space<vmem>>
        %dma_start3A_482 = tpu.memref_squeeze %dma_start3A_481 : memref<1x8x125xi32, #tpu.memory_space<vmem>> -> memref<8x125xi32, #tpu.memory_space<vmem>>
        %dma_start3A_483 = arith.constant 0 : i32
        %dma_start3A_484 = tpu.memref_slice %arg4[%add3A_471, %dma_start3A_483] : memref<2560x125xi32, #tpu.memory_space<hbm>> -> memref<8x125xi32, #tpu.memory_space<hbm>>
        tpu.enqueue_dma source(%dma_start3A_484 : memref<8x125xi32, #tpu.memory_space<hbm>>) target(%dma_start3A_482 : memref<8x125xi32, #tpu.memory_space<vmem>>) target_semaphore(%arg13 : memref<!tpu.dma_semaphore, #tpu.memory_space<semaphore_mem>>)
      } else {
      }
      %dma_start3A_301 = arith.constant 1 : i32
      %dma_start3A_302 = arith.constant 1 : i32
      %dma_start3A_303 = arith.constant 0 : i32
      %dma_start3A_304 = tpu.memref_slice %arg7[%dma_start3A_301, %dma_start3A_302, %dma_start3A_303] : memref<2x8x125xi32, #tpu.memory_space<vmem>> -> memref<1x1x125xi32, #tpu.memory_space<vmem>>
      %dma_start3A_305 = tpu.memref_squeeze %dma_start3A_304 : memref<1x1x125xi32, #tpu.memory_space<vmem>> -> memref<125xi32, #tpu.memory_space<vmem>>
      %dma_start3A_306 = arith.constant 0 : i32
      %dma_start3A_307 = arith.constant 0 : i32
      %dma_start3A_308 = tpu.memref_slice %arg2[%dma_start3A_306, %dma_start3A_307] : memref<10000x128xf32, #tpu.memory_space<hbm>> -> memref<10000x128xf32, #tpu.memory_space<hbm>>
      tpu.enqueue_indirect_dma source(%dma_start3A_308 : memref<10000x128xf32, #tpu.memory_space<hbm>>) target(%arg10 : memref<125x128xf32, #tpu.memory_space<vmem>>) offsets(%dma_start3A_305 : memref<125xi32, #tpu.memory_space<vmem>>) semaphore(%arg12 : memref<!tpu.dma_semaphore, #tpu.memory_space<semaphore_mem>>)
      %dma_wait3A_309 = arith.constant 0 : i32
      %dma_wait3A_310 = arith.constant 0 : i32
      %dma_wait3A_311 = arith.constant 0 : i32
      %dma_wait3A_312 = tpu.memref_slice %arg7[%dma_wait3A_309, %dma_wait3A_310, %dma_wait3A_311] : memref<2x8x125xi32, #tpu.memory_space<vmem>> -> memref<1x1x125xi32, #tpu.memory_space<vmem>>
      %dma_wait3A_313 = tpu.memref_squeeze %dma_wait3A_312 : memref<1x1x125xi32, #tpu.memory_space<vmem>> -> memref<125xi32, #tpu.memory_space<vmem>>
      %dma_wait3A_314 = arith.constant 0 : i32
      %dma_wait3A_315 = arith.constant 0 : i32
      %dma_wait3A_316 = tpu.memref_slice %arg2[%dma_wait3A_314, %dma_wait3A_315] : memref<10000x128xf32, #tpu.memory_space<hbm>> -> memref<10000x128xf32, #tpu.memory_space<hbm>>
      tpu.wait_indirect_dma semaphore(%arg11 : memref<!tpu.dma_semaphore, #tpu.memory_space<semaphore_mem>>) src(%dma_wait3A_316 : memref<10000x128xf32, #tpu.memory_space<hbm>>) dst(%arg9 : memref<125x128xf32, #tpu.memory_space<vmem>>)
      %run_scoped3A_317 = arith.constant 1 : i32
      %run_scoped3A_318 = arith.constant 0 : i32
      "tpu.region"() ({
        %run_scoped3A_451 = tpu.sem_alloc : memref<!tpu.dma_semaphore, #tpu.memory_space<semaphore_mem>>
        %dma_start3A_452 = arith.constant 0 : i32
        %dma_start3A_453 = tpu.memref_slice %arg8[%run_scoped3A_317, %run_scoped3A_318, %dma_start3A_452] : memref<2x8x125xi32, #tpu.memory_space<vmem>> -> memref<1x1x125xi32, #tpu.memory_space<vmem>>
        %dma_start3A_454 = tpu.memref_squeeze %dma_start3A_453 : memref<1x1x125xi32, #tpu.memory_space<vmem>> -> memref<125xi32, #tpu.memory_space<vmem>>
        %dma_start3A_455 = arith.constant 0 : i32
        %dma_start3A_456 = arith.constant 0 : i32
        %dma_start3A_457 = tpu.memref_slice %arg6[%dma_start3A_455, %dma_start3A_456] : memref<10240x128xf32, #tpu.memory_space<vmem_shared>> -> memref<10240x128xf32, #tpu.memory_space<vmem_shared>>
        tpu.enqueue_indirect_dma source(%arg9 : memref<125x128xf32, #tpu.memory_space<vmem>>) target(%dma_start3A_457 : memref<10240x128xf32, #tpu.memory_space<vmem_shared>>) offsets(%dma_start3A_454 : memref<125xi32, #tpu.memory_space<vmem>>) semaphore(%run_scoped3A_451 : memref<!tpu.dma_semaphore, #tpu.memory_space<semaphore_mem>>) {add = true}
        %dma_wait3A_458 = arith.constant 0 : i32
        %dma_wait3A_459 = tpu.memref_slice %arg8[%run_scoped3A_317, %run_scoped3A_318, %dma_wait3A_458] : memref<2x8x125xi32, #tpu.memory_space<vmem>> -> memref<1x1x125xi32, #tpu.memory_space<vmem>>
        %dma_wait3A_460 = tpu.memref_squeeze %dma_wait3A_459 : memref<1x1x125xi32, #tpu.memory_space<vmem>> -> memref<125xi32, #tpu.memory_space<vmem>>
        %dma_wait3A_461 = arith.constant 0 : i32
        %dma_wait3A_462 = arith.constant 0 : i32
        %dma_wait3A_463 = tpu.memref_slice %arg6[%dma_wait3A_461, %dma_wait3A_462] : memref<10240x128xf32, #tpu.memory_space<vmem_shared>> -> memref<10240x128xf32, #tpu.memory_space<vmem_shared>>
        tpu.wait_indirect_dma semaphore(%run_scoped3A_451 : memref<!tpu.dma_semaphore, #tpu.memory_space<semaphore_mem>>) src(%arg9 : memref<125x128xf32, #tpu.memory_space<vmem>>) dst(%dma_wait3A_463 : memref<10240x128xf32, #tpu.memory_space<vmem_shared>>)
        tpu.yield
      }) : () -> ()
      %dma_start3A_319 = arith.constant 1 : i32
      %dma_start3A_320 = arith.constant 2 : i32
      %dma_start3A_321 = arith.constant 0 : i32
      %dma_start3A_322 = tpu.memref_slice %arg7[%dma_start3A_319, %dma_start3A_320, %dma_start3A_321] : memref<2x8x125xi32, #tpu.memory_space<vmem>> -> memref<1x1x125xi32, #tpu.memory_space<vmem>>
      %dma_start3A_323 = tpu.memref_squeeze %dma_start3A_322 : memref<1x1x125xi32, #tpu.memory_space<vmem>> -> memref<125xi32, #tpu.memory_space<vmem>>
      %dma_start3A_324 = arith.constant 0 : i32
      %dma_start3A_325 = arith.constant 0 : i32
      %dma_start3A_326 = tpu.memref_slice %arg2[%dma_start3A_324, %dma_start3A_325] : memref<10000x128xf32, #tpu.memory_space<hbm>> -> memref<10000x128xf32, #tpu.memory_space<hbm>>
      tpu.enqueue_indirect_dma source(%dma_start3A_326 : memref<10000x128xf32, #tpu.memory_space<hbm>>) target(%arg9 : memref<125x128xf32, #tpu.memory_space<vmem>>) offsets(%dma_start3A_323 : memref<125xi32, #tpu.memory_space<vmem>>) semaphore(%arg11 : memref<!tpu.dma_semaphore, #tpu.memory_space<semaphore_mem>>)
      %dma_wait3A_327 = arith.constant 0 : i32
      %dma_wait3A_328 = arith.constant 0 : i32
      %dma_wait3A_329 = arith.constant 0 : i32
      %dma_wait3A_330 = tpu.memref_slice %arg7[%dma_wait3A_327, %dma_wait3A_328, %dma_wait3A_329] : memref<2x8x125xi32, #tpu.memory_space<vmem>> -> memref<1x1x125xi32, #tpu.memory_space<vmem>>
      %dma_wait3A_331 = tpu.memref_squeeze %dma_wait3A_330 : memref<1x1x125xi32, #tpu.memory_space<vmem>> -> memref<125xi32, #tpu.memory_space<vmem>>
      %dma_wait3A_332 = arith.constant 0 : i32
      %dma_wait3A_333 = arith.constant 0 : i32
      %dma_wait3A_334 = tpu.memref_slice %arg2[%dma_wait3A_332, %dma_wait3A_333] : memref<10000x128xf32, #tpu.memory_space<hbm>> -> memref<10000x128xf32, #tpu.memory_space<hbm>>
      tpu.wait_indirect_dma semaphore(%arg12 : memref<!tpu.dma_semaphore, #tpu.memory_space<semaphore_mem>>) src(%dma_wait3A_334 : memref<10000x128xf32, #tpu.memory_space<hbm>>) dst(%arg10 : memref<125x128xf32, #tpu.memory_space<vmem>>)
      %run_scoped3A_335 = arith.constant 1 : i32
      %run_scoped3A_336 = arith.constant 1 : i32
      "tpu.region"() ({
        %run_scoped3A_451 = tpu.sem_alloc : memref<!tpu.dma_semaphore, #tpu.memory_space<semaphore_mem>>
        %dma_start3A_452 = arith.constant 0 : i32
        %dma_start3A_453 = tpu.memref_slice %arg8[%run_scoped3A_335, %run_scoped3A_336, %dma_start3A_452] : memref<2x8x125xi32, #tpu.memory_space<vmem>> -> memref<1x1x125xi32, #tpu.memory_space<vmem>>
        %dma_start3A_454 = tpu.memref_squeeze %dma_start3A_453 : memref<1x1x125xi32, #tpu.memory_space<vmem>> -> memref<125xi32, #tpu.memory_space<vmem>>
        %dma_start3A_455 = arith.constant 0 : i32
        %dma_start3A_456 = arith.constant 0 : i32
        %dma_start3A_457 = tpu.memref_slice %arg6[%dma_start3A_455, %dma_start3A_456] : memref<10240x128xf32, #tpu.memory_space<vmem_shared>> -> memref<10240x128xf32, #tpu.memory_space<vmem_shared>>
        tpu.enqueue_indirect_dma source(%arg10 : memref<125x128xf32, #tpu.memory_space<vmem>>) target(%dma_start3A_457 : memref<10240x128xf32, #tpu.memory_space<vmem_shared>>) offsets(%dma_start3A_454 : memref<125xi32, #tpu.memory_space<vmem>>) semaphore(%run_scoped3A_451 : memref<!tpu.dma_semaphore, #tpu.memory_space<semaphore_mem>>) {add = true}
        %dma_wait3A_458 = arith.constant 0 : i32
        %dma_wait3A_459 = tpu.memref_slice %arg8[%run_scoped3A_335, %run_scoped3A_336, %dma_wait3A_458] : memref<2x8x125xi32, #tpu.memory_space<vmem>> -> memref<1x1x125xi32, #tpu.memory_space<vmem>>
        %dma_wait3A_460 = tpu.memref_squeeze %dma_wait3A_459 : memref<1x1x125xi32, #tpu.memory_space<vmem>> -> memref<125xi32, #tpu.memory_space<vmem>>
        %dma_wait3A_461 = arith.constant 0 : i32
        %dma_wait3A_462 = arith.constant 0 : i32
        %dma_wait3A_463 = tpu.memref_slice %arg6[%dma_wait3A_461, %dma_wait3A_462] : memref<10240x128xf32, #tpu.memory_space<vmem_shared>> -> memref<10240x128xf32, #tpu.memory_space<vmem_shared>>
        tpu.wait_indirect_dma semaphore(%run_scoped3A_451 : memref<!tpu.dma_semaphore, #tpu.memory_space<semaphore_mem>>) src(%arg10 : memref<125x128xf32, #tpu.memory_space<vmem>>) dst(%dma_wait3A_463 : memref<10240x128xf32, #tpu.memory_space<vmem_shared>>)
        tpu.yield
      }) : () -> ()
      %dma_start3A_337 = arith.constant 1 : i32
      %dma_start3A_338 = arith.constant 3 : i32
      %dma_start3A_339 = arith.constant 0 : i32
      %dma_start3A_340 = tpu.memref_slice %arg7[%dma_start3A_337, %dma_start3A_338, %dma_start3A_339] : memref<2x8x125xi32, #tpu.memory_space<vmem>> -> memref<1x1x125xi32, #tpu.memory_space<vmem>>
      %dma_start3A_341 = tpu.memref_squeeze %dma_start3A_340 : memref<1x1x125xi32, #tpu.memory_space<vmem>> -> memref<125xi32, #tpu.memory_space<vmem>>
      %dma_start3A_342 = arith.constant 0 : i32
      %dma_start3A_343 = arith.constant 0 : i32
      %dma_start3A_344 = tpu.memref_slice %arg2[%dma_start3A_342, %dma_start3A_343] : memref<10000x128xf32, #tpu.memory_space<hbm>> -> memref<10000x128xf32, #tpu.memory_space<hbm>>
      tpu.enqueue_indirect_dma source(%dma_start3A_344 : memref<10000x128xf32, #tpu.memory_space<hbm>>) target(%arg10 : memref<125x128xf32, #tpu.memory_space<vmem>>) offsets(%dma_start3A_341 : memref<125xi32, #tpu.memory_space<vmem>>) semaphore(%arg12 : memref<!tpu.dma_semaphore, #tpu.memory_space<semaphore_mem>>)
      %dma_wait3A_345 = arith.constant 0 : i32
      %dma_wait3A_346 = arith.constant 0 : i32
      %dma_wait3A_347 = arith.constant 0 : i32
      %dma_wait3A_348 = tpu.memref_slice %arg7[%dma_wait3A_345, %dma_wait3A_346, %dma_wait3A_347] : memref<2x8x125xi32, #tpu.memory_space<vmem>> -> memref<1x1x125xi32, #tpu.memory_space<vmem>>
      %dma_wait3A_349 = tpu.memref_squeeze %dma_wait3A_348 : memref<1x1x125xi32, #tpu.memory_space<vmem>> -> memref<125xi32, #tpu.memory_space<vmem>>
      %dma_wait3A_350 = arith.constant 0 : i32
      %dma_wait3A_351 = arith.constant 0 : i32
      %dma_wait3A_352 = tpu.memref_slice %arg2[%dma_wait3A_350, %dma_wait3A_351] : memref<10000x128xf32, #tpu.memory_space<hbm>> -> memref<10000x128xf32, #tpu.memory_space<hbm>>
      tpu.wait_indirect_dma semaphore(%arg11 : memref<!tpu.dma_semaphore, #tpu.memory_space<semaphore_mem>>) src(%dma_wait3A_352 : memref<10000x128xf32, #tpu.memory_space<hbm>>) dst(%arg9 : memref<125x128xf32, #tpu.memory_space<vmem>>)
      %run_scoped3A_353 = arith.constant 1 : i32
      %run_scoped3A_354 = arith.constant 2 : i32
      "tpu.region"() ({
        %run_scoped3A_451 = tpu.sem_alloc : memref<!tpu.dma_semaphore, #tpu.memory_space<semaphore_mem>>
        %dma_start3A_452 = arith.constant 0 : i32
        %dma_start3A_453 = tpu.memref_slice %arg8[%run_scoped3A_353, %run_scoped3A_354, %dma_start3A_452] : memref<2x8x125xi32, #tpu.memory_space<vmem>> -> memref<1x1x125xi32, #tpu.memory_space<vmem>>
        %dma_start3A_454 = tpu.memref_squeeze %dma_start3A_453 : memref<1x1x125xi32, #tpu.memory_space<vmem>> -> memref<125xi32, #tpu.memory_space<vmem>>
        %dma_start3A_455 = arith.constant 0 : i32
        %dma_start3A_456 = arith.constant 0 : i32
        %dma_start3A_457 = tpu.memref_slice %arg6[%dma_start3A_455, %dma_start3A_456] : memref<10240x128xf32, #tpu.memory_space<vmem_shared>> -> memref<10240x128xf32, #tpu.memory_space<vmem_shared>>
        tpu.enqueue_indirect_dma source(%arg9 : memref<125x128xf32, #tpu.memory_space<vmem>>) target(%dma_start3A_457 : memref<10240x128xf32, #tpu.memory_space<vmem_shared>>) offsets(%dma_start3A_454 : memref<125xi32, #tpu.memory_space<vmem>>) semaphore(%run_scoped3A_451 : memref<!tpu.dma_semaphore, #tpu.memory_space<semaphore_mem>>) {add = true}
        %dma_wait3A_458 = arith.constant 0 : i32
        %dma_wait3A_459 = tpu.memref_slice %arg8[%run_scoped3A_353, %run_scoped3A_354, %dma_wait3A_458] : memref<2x8x125xi32, #tpu.memory_space<vmem>> -> memref<1x1x125xi32, #tpu.memory_space<vmem>>
        %dma_wait3A_460 = tpu.memref_squeeze %dma_wait3A_459 : memref<1x1x125xi32, #tpu.memory_space<vmem>> -> memref<125xi32, #tpu.memory_space<vmem>>
        %dma_wait3A_461 = arith.constant 0 : i32
        %dma_wait3A_462 = arith.constant 0 : i32
        %dma_wait3A_463 = tpu.memref_slice %arg6[%dma_wait3A_461, %dma_wait3A_462] : memref<10240x128xf32, #tpu.memory_space<vmem_shared>> -> memref<10240x128xf32, #tpu.memory_space<vmem_shared>>
        tpu.wait_indirect_dma semaphore(%run_scoped3A_451 : memref<!tpu.dma_semaphore, #tpu.memory_space<semaphore_mem>>) src(%arg9 : memref<125x128xf32, #tpu.memory_space<vmem>>) dst(%dma_wait3A_463 : memref<10240x128xf32, #tpu.memory_space<vmem_shared>>)
        tpu.yield
      }) : () -> ()
      %dma_start3A_355 = arith.constant 1 : i32
      %dma_start3A_356 = arith.constant 4 : i32
      %dma_start3A_357 = arith.constant 0 : i32
      %dma_start3A_358 = tpu.memref_slice %arg7[%dma_start3A_355, %dma_start3A_356, %dma_start3A_357] : memref<2x8x125xi32, #tpu.memory_space<vmem>> -> memref<1x1x125xi32, #tpu.memory_space<vmem>>
      %dma_start3A_359 = tpu.memref_squeeze %dma_start3A_358 : memref<1x1x125xi32, #tpu.memory_space<vmem>> -> memref<125xi32, #tpu.memory_space<vmem>>
      %dma_start3A_360 = arith.constant 0 : i32
      %dma_start3A_361 = arith.constant 0 : i32
      %dma_start3A_362 = tpu.memref_slice %arg2[%dma_start3A_360, %dma_start3A_361] : memref<10000x128xf32, #tpu.memory_space<hbm>> -> memref<10000x128xf32, #tpu.memory_space<hbm>>
      tpu.enqueue_indirect_dma source(%dma_start3A_362 : memref<10000x128xf32, #tpu.memory_space<hbm>>) target(%arg9 : memref<125x128xf32, #tpu.memory_space<vmem>>) offsets(%dma_start3A_359 : memref<125xi32, #tpu.memory_space<vmem>>) semaphore(%arg11 : memref<!tpu.dma_semaphore, #tpu.memory_space<semaphore_mem>>)
      %dma_wait3A_363 = arith.constant 0 : i32
      %dma_wait3A_364 = arith.constant 0 : i32
      %dma_wait3A_365 = arith.constant 0 : i32
      %dma_wait3A_366 = tpu.memref_slice %arg7[%dma_wait3A_363, %dma_wait3A_364, %dma_wait3A_365] : memref<2x8x125xi32, #tpu.memory_space<vmem>> -> memref<1x1x125xi32, #tpu.memory_space<vmem>>
      %dma_wait3A_367 = tpu.memref_squeeze %dma_wait3A_366 : memref<1x1x125xi32, #tpu.memory_space<vmem>> -> memref<125xi32, #tpu.memory_space<vmem>>
      %dma_wait3A_368 = arith.constant 0 : i32
      %dma_wait3A_369 = arith.constant 0 : i32
      %dma_wait3A_370 = tpu.memref_slice %arg2[%dma_wait3A_368, %dma_wait3A_369] : memref<10000x128xf32, #tpu.memory_space<hbm>> -> memref<10000x128xf32, #tpu.memory_space<hbm>>
      tpu.wait_indirect_dma semaphore(%arg12 : memref<!tpu.dma_semaphore, #tpu.memory_space<semaphore_mem>>) src(%dma_wait3A_370 : memref<10000x128xf32, #tpu.memory_space<hbm>>) dst(%arg10 : memref<125x128xf32, #tpu.memory_space<vmem>>)
      %run_scoped3A_371 = arith.constant 1 : i32
      %run_scoped3A_372 = arith.constant 3 : i32
      "tpu.region"() ({
        %run_scoped3A_451 = tpu.sem_alloc : memref<!tpu.dma_semaphore, #tpu.memory_space<semaphore_mem>>
        %dma_start3A_452 = arith.constant 0 : i32
        %dma_start3A_453 = tpu.memref_slice %arg8[%run_scoped3A_371, %run_scoped3A_372, %dma_start3A_452] : memref<2x8x125xi32, #tpu.memory_space<vmem>> -> memref<1x1x125xi32, #tpu.memory_space<vmem>>
        %dma_start3A_454 = tpu.memref_squeeze %dma_start3A_453 : memref<1x1x125xi32, #tpu.memory_space<vmem>> -> memref<125xi32, #tpu.memory_space<vmem>>
        %dma_start3A_455 = arith.constant 0 : i32
        %dma_start3A_456 = arith.constant 0 : i32
        %dma_start3A_457 = tpu.memref_slice %arg6[%dma_start3A_455, %dma_start3A_456] : memref<10240x128xf32, #tpu.memory_space<vmem_shared>> -> memref<10240x128xf32, #tpu.memory_space<vmem_shared>>
        tpu.enqueue_indirect_dma source(%arg10 : memref<125x128xf32, #tpu.memory_space<vmem>>) target(%dma_start3A_457 : memref<10240x128xf32, #tpu.memory_space<vmem_shared>>) offsets(%dma_start3A_454 : memref<125xi32, #tpu.memory_space<vmem>>) semaphore(%run_scoped3A_451 : memref<!tpu.dma_semaphore, #tpu.memory_space<semaphore_mem>>) {add = true}
        %dma_wait3A_458 = arith.constant 0 : i32
        %dma_wait3A_459 = tpu.memref_slice %arg8[%run_scoped3A_371, %run_scoped3A_372, %dma_wait3A_458] : memref<2x8x125xi32, #tpu.memory_space<vmem>> -> memref<1x1x125xi32, #tpu.memory_space<vmem>>
        %dma_wait3A_460 = tpu.memref_squeeze %dma_wait3A_459 : memref<1x1x125xi32, #tpu.memory_space<vmem>> -> memref<125xi32, #tpu.memory_space<vmem>>
        %dma_wait3A_461 = arith.constant 0 : i32
        %dma_wait3A_462 = arith.constant 0 : i32
        %dma_wait3A_463 = tpu.memref_slice %arg6[%dma_wait3A_461, %dma_wait3A_462] : memref<10240x128xf32, #tpu.memory_space<vmem_shared>> -> memref<10240x128xf32, #tpu.memory_space<vmem_shared>>
        tpu.wait_indirect_dma semaphore(%run_scoped3A_451 : memref<!tpu.dma_semaphore, #tpu.memory_space<semaphore_mem>>) src(%arg10 : memref<125x128xf32, #tpu.memory_space<vmem>>) dst(%dma_wait3A_463 : memref<10240x128xf32, #tpu.memory_space<vmem_shared>>)
        tpu.yield
      }) : () -> ()
      %dma_start3A_373 = arith.constant 1 : i32
      %dma_start3A_374 = arith.constant 5 : i32
      %dma_start3A_375 = arith.constant 0 : i32
      %dma_start3A_376 = tpu.memref_slice %arg7[%dma_start3A_373, %dma_start3A_374, %dma_start3A_375] : memref<2x8x125xi32, #tpu.memory_space<vmem>> -> memref<1x1x125xi32, #tpu.memory_space<vmem>>
      %dma_start3A_377 = tpu.memref_squeeze %dma_start3A_376 : memref<1x1x125xi32, #tpu.memory_space<vmem>> -> memref<125xi32, #tpu.memory_space<vmem>>
      %dma_start3A_378 = arith.constant 0 : i32
      %dma_start3A_379 = arith.constant 0 : i32
      %dma_start3A_380 = tpu.memref_slice %arg2[%dma_start3A_378, %dma_start3A_379] : memref<10000x128xf32, #tpu.memory_space<hbm>> -> memref<10000x128xf32, #tpu.memory_space<hbm>>
      tpu.enqueue_indirect_dma source(%dma_start3A_380 : memref<10000x128xf32, #tpu.memory_space<hbm>>) target(%arg10 : memref<125x128xf32, #tpu.memory_space<vmem>>) offsets(%dma_start3A_377 : memref<125xi32, #tpu.memory_space<vmem>>) semaphore(%arg12 : memref<!tpu.dma_semaphore, #tpu.memory_space<semaphore_mem>>)
      %dma_wait3A_381 = arith.constant 0 : i32
      %dma_wait3A_382 = arith.constant 0 : i32
      %dma_wait3A_383 = arith.constant 0 : i32
      %dma_wait3A_384 = tpu.memref_slice %arg7[%dma_wait3A_381, %dma_wait3A_382, %dma_wait3A_383] : memref<2x8x125xi32, #tpu.memory_space<vmem>> -> memref<1x1x125xi32, #tpu.memory_space<vmem>>
      %dma_wait3A_385 = tpu.memref_squeeze %dma_wait3A_384 : memref<1x1x125xi32, #tpu.memory_space<vmem>> -> memref<125xi32, #tpu.memory_space<vmem>>
      %dma_wait3A_386 = arith.constant 0 : i32
      %dma_wait3A_387 = arith.constant 0 : i32
      %dma_wait3A_388 = tpu.memref_slice %arg2[%dma_wait3A_386, %dma_wait3A_387] : memref<10000x128xf32, #tpu.memory_space<hbm>> -> memref<10000x128xf32, #tpu.memory_space<hbm>>
      tpu.wait_indirect_dma semaphore(%arg11 : memref<!tpu.dma_semaphore, #tpu.memory_space<semaphore_mem>>) src(%dma_wait3A_388 : memref<10000x128xf32, #tpu.memory_space<hbm>>) dst(%arg9 : memref<125x128xf32, #tpu.memory_space<vmem>>)
      %run_scoped3A_389 = arith.constant 1 : i32
      %run_scoped3A_390 = arith.constant 4 : i32
      "tpu.region"() ({
        %run_scoped3A_451 = tpu.sem_alloc : memref<!tpu.dma_semaphore, #tpu.memory_space<semaphore_mem>>
        %dma_start3A_452 = arith.constant 0 : i32
        %dma_start3A_453 = tpu.memref_slice %arg8[%run_scoped3A_389, %run_scoped3A_390, %dma_start3A_452] : memref<2x8x125xi32, #tpu.memory_space<vmem>> -> memref<1x1x125xi32, #tpu.memory_space<vmem>>
        %dma_start3A_454 = tpu.memref_squeeze %dma_start3A_453 : memref<1x1x125xi32, #tpu.memory_space<vmem>> -> memref<125xi32, #tpu.memory_space<vmem>>
        %dma_start3A_455 = arith.constant 0 : i32
        %dma_start3A_456 = arith.constant 0 : i32
        %dma_start3A_457 = tpu.memref_slice %arg6[%dma_start3A_455, %dma_start3A_456] : memref<10240x128xf32, #tpu.memory_space<vmem_shared>> -> memref<10240x128xf32, #tpu.memory_space<vmem_shared>>
        tpu.enqueue_indirect_dma source(%arg9 : memref<125x128xf32, #tpu.memory_space<vmem>>) target(%dma_start3A_457 : memref<10240x128xf32, #tpu.memory_space<vmem_shared>>) offsets(%dma_start3A_454 : memref<125xi32, #tpu.memory_space<vmem>>) semaphore(%run_scoped3A_451 : memref<!tpu.dma_semaphore, #tpu.memory_space<semaphore_mem>>) {add = true}
        %dma_wait3A_458 = arith.constant 0 : i32
        %dma_wait3A_459 = tpu.memref_slice %arg8[%run_scoped3A_389, %run_scoped3A_390, %dma_wait3A_458] : memref<2x8x125xi32, #tpu.memory_space<vmem>> -> memref<1x1x125xi32, #tpu.memory_space<vmem>>
        %dma_wait3A_460 = tpu.memref_squeeze %dma_wait3A_459 : memref<1x1x125xi32, #tpu.memory_space<vmem>> -> memref<125xi32, #tpu.memory_space<vmem>>
        %dma_wait3A_461 = arith.constant 0 : i32
        %dma_wait3A_462 = arith.constant 0 : i32
        %dma_wait3A_463 = tpu.memref_slice %arg6[%dma_wait3A_461, %dma_wait3A_462] : memref<10240x128xf32, #tpu.memory_space<vmem_shared>> -> memref<10240x128xf32, #tpu.memory_space<vmem_shared>>
        tpu.wait_indirect_dma semaphore(%run_scoped3A_451 : memref<!tpu.dma_semaphore, #tpu.memory_space<semaphore_mem>>) src(%arg9 : memref<125x128xf32, #tpu.memory_space<vmem>>) dst(%dma_wait3A_463 : memref<10240x128xf32, #tpu.memory_space<vmem_shared>>)
        tpu.yield
      }) : () -> ()
      %dma_start3A_391 = arith.constant 1 : i32
      %dma_start3A_392 = arith.constant 6 : i32
      %dma_start3A_393 = arith.constant 0 : i32
      %dma_start3A_394 = tpu.memref_slice %arg7[%dma_start3A_391, %dma_start3A_392, %dma_start3A_393] : memref<2x8x125xi32, #tpu.memory_space<vmem>> -> memref<1x1x125xi32, #tpu.memory_space<vmem>>
      %dma_start3A_395 = tpu.memref_squeeze %dma_start3A_394 : memref<1x1x125xi32, #tpu.memory_space<vmem>> -> memref<125xi32, #tpu.memory_space<vmem>>
      %dma_start3A_396 = arith.constant 0 : i32
      %dma_start3A_397 = arith.constant 0 : i32
      %dma_start3A_398 = tpu.memref_slice %arg2[%dma_start3A_396, %dma_start3A_397] : memref<10000x128xf32, #tpu.memory_space<hbm>> -> memref<10000x128xf32, #tpu.memory_space<hbm>>
      tpu.enqueue_indirect_dma source(%dma_start3A_398 : memref<10000x128xf32, #tpu.memory_space<hbm>>) target(%arg9 : memref<125x128xf32, #tpu.memory_space<vmem>>) offsets(%dma_start3A_395 : memref<125xi32, #tpu.memory_space<vmem>>) semaphore(%arg11 : memref<!tpu.dma_semaphore, #tpu.memory_space<semaphore_mem>>)
      %dma_wait3A_399 = arith.constant 0 : i32
      %dma_wait3A_400 = arith.constant 0 : i32
      %dma_wait3A_401 = arith.constant 0 : i32
      %dma_wait3A_402 = tpu.memref_slice %arg7[%dma_wait3A_399, %dma_wait3A_400, %dma_wait3A_401] : memref<2x8x125xi32, #tpu.memory_space<vmem>> -> memref<1x1x125xi32, #tpu.memory_space<vmem>>
      %dma_wait3A_403 = tpu.memref_squeeze %dma_wait3A_402 : memref<1x1x125xi32, #tpu.memory_space<vmem>> -> memref<125xi32, #tpu.memory_space<vmem>>
      %dma_wait3A_404 = arith.constant 0 : i32
      %dma_wait3A_405 = arith.constant 0 : i32
      %dma_wait3A_406 = tpu.memref_slice %arg2[%dma_wait3A_404, %dma_wait3A_405] : memref<10000x128xf32, #tpu.memory_space<hbm>> -> memref<10000x128xf32, #tpu.memory_space<hbm>>
      tpu.wait_indirect_dma semaphore(%arg12 : memref<!tpu.dma_semaphore, #tpu.memory_space<semaphore_mem>>) src(%dma_wait3A_406 : memref<10000x128xf32, #tpu.memory_space<hbm>>) dst(%arg10 : memref<125x128xf32, #tpu.memory_space<vmem>>)
      %run_scoped3A_407 = arith.constant 1 : i32
      %run_scoped3A_408 = arith.constant 5 : i32
      "tpu.region"() ({
        %run_scoped3A_451 = tpu.sem_alloc : memref<!tpu.dma_semaphore, #tpu.memory_space<semaphore_mem>>
        %dma_start3A_452 = arith.constant 0 : i32
        %dma_start3A_453 = tpu.memref_slice %arg8[%run_scoped3A_407, %run_scoped3A_408, %dma_start3A_452] : memref<2x8x125xi32, #tpu.memory_space<vmem>> -> memref<1x1x125xi32, #tpu.memory_space<vmem>>
        %dma_start3A_454 = tpu.memref_squeeze %dma_start3A_453 : memref<1x1x125xi32, #tpu.memory_space<vmem>> -> memref<125xi32, #tpu.memory_space<vmem>>
        %dma_start3A_455 = arith.constant 0 : i32
        %dma_start3A_456 = arith.constant 0 : i32
        %dma_start3A_457 = tpu.memref_slice %arg6[%dma_start3A_455, %dma_start3A_456] : memref<10240x128xf32, #tpu.memory_space<vmem_shared>> -> memref<10240x128xf32, #tpu.memory_space<vmem_shared>>
        tpu.enqueue_indirect_dma source(%arg10 : memref<125x128xf32, #tpu.memory_space<vmem>>) target(%dma_start3A_457 : memref<10240x128xf32, #tpu.memory_space<vmem_shared>>) offsets(%dma_start3A_454 : memref<125xi32, #tpu.memory_space<vmem>>) semaphore(%run_scoped3A_451 : memref<!tpu.dma_semaphore, #tpu.memory_space<semaphore_mem>>) {add = true}
        %dma_wait3A_458 = arith.constant 0 : i32
        %dma_wait3A_459 = tpu.memref_slice %arg8[%run_scoped3A_407, %run_scoped3A_408, %dma_wait3A_458] : memref<2x8x125xi32, #tpu.memory_space<vmem>> -> memref<1x1x125xi32, #tpu.memory_space<vmem>>
        %dma_wait3A_460 = tpu.memref_squeeze %dma_wait3A_459 : memref<1x1x125xi32, #tpu.memory_space<vmem>> -> memref<125xi32, #tpu.memory_space<vmem>>
        %dma_wait3A_461 = arith.constant 0 : i32
        %dma_wait3A_462 = arith.constant 0 : i32
        %dma_wait3A_463 = tpu.memref_slice %arg6[%dma_wait3A_461, %dma_wait3A_462] : memref<10240x128xf32, #tpu.memory_space<vmem_shared>> -> memref<10240x128xf32, #tpu.memory_space<vmem_shared>>
        tpu.wait_indirect_dma semaphore(%run_scoped3A_451 : memref<!tpu.dma_semaphore, #tpu.memory_space<semaphore_mem>>) src(%arg10 : memref<125x128xf32, #tpu.memory_space<vmem>>) dst(%dma_wait3A_463 : memref<10240x128xf32, #tpu.memory_space<vmem_shared>>)
        tpu.yield
      }) : () -> ()
      %dma_start3A_409 = arith.constant 1 : i32
      %dma_start3A_410 = arith.constant 7 : i32
      %dma_start3A_411 = arith.constant 0 : i32
      %dma_start3A_412 = tpu.memref_slice %arg7[%dma_start3A_409, %dma_start3A_410, %dma_start3A_411] : memref<2x8x125xi32, #tpu.memory_space<vmem>> -> memref<1x1x125xi32, #tpu.memory_space<vmem>>
      %dma_start3A_413 = tpu.memref_squeeze %dma_start3A_412 : memref<1x1x125xi32, #tpu.memory_space<vmem>> -> memref<125xi32, #tpu.memory_space<vmem>>
      %dma_start3A_414 = arith.constant 0 : i32
      %dma_start3A_415 = arith.constant 0 : i32
      %dma_start3A_416 = tpu.memref_slice %arg2[%dma_start3A_414, %dma_start3A_415] : memref<10000x128xf32, #tpu.memory_space<hbm>> -> memref<10000x128xf32, #tpu.memory_space<hbm>>
      tpu.enqueue_indirect_dma source(%dma_start3A_416 : memref<10000x128xf32, #tpu.memory_space<hbm>>) target(%arg10 : memref<125x128xf32, #tpu.memory_space<vmem>>) offsets(%dma_start3A_413 : memref<125xi32, #tpu.memory_space<vmem>>) semaphore(%arg12 : memref<!tpu.dma_semaphore, #tpu.memory_space<semaphore_mem>>)
      %dma_wait3A_417 = arith.constant 0 : i32
      %dma_wait3A_418 = arith.constant 0 : i32
      %dma_wait3A_419 = arith.constant 0 : i32
      %dma_wait3A_420 = tpu.memref_slice %arg7[%dma_wait3A_417, %dma_wait3A_418, %dma_wait3A_419] : memref<2x8x125xi32, #tpu.memory_space<vmem>> -> memref<1x1x125xi32, #tpu.memory_space<vmem>>
      %dma_wait3A_421 = tpu.memref_squeeze %dma_wait3A_420 : memref<1x1x125xi32, #tpu.memory_space<vmem>> -> memref<125xi32, #tpu.memory_space<vmem>>
      %dma_wait3A_422 = arith.constant 0 : i32
      %dma_wait3A_423 = arith.constant 0 : i32
      %dma_wait3A_424 = tpu.memref_slice %arg2[%dma_wait3A_422, %dma_wait3A_423] : memref<10000x128xf32, #tpu.memory_space<hbm>> -> memref<10000x128xf32, #tpu.memory_space<hbm>>
      tpu.wait_indirect_dma semaphore(%arg11 : memref<!tpu.dma_semaphore, #tpu.memory_space<semaphore_mem>>) src(%dma_wait3A_424 : memref<10000x128xf32, #tpu.memory_space<hbm>>) dst(%arg9 : memref<125x128xf32, #tpu.memory_space<vmem>>)
      %run_scoped3A_425 = arith.constant 1 : i32
      %run_scoped3A_426 = arith.constant 6 : i32
      "tpu.region"() ({
        %run_scoped3A_451 = tpu.sem_alloc : memref<!tpu.dma_semaphore, #tpu.memory_space<semaphore_mem>>
        %dma_start3A_452 = arith.constant 0 : i32
        %dma_start3A_453 = tpu.memref_slice %arg8[%run_scoped3A_425, %run_scoped3A_426, %dma_start3A_452] : memref<2x8x125xi32, #tpu.memory_space<vmem>> -> memref<1x1x125xi32, #tpu.memory_space<vmem>>
        %dma_start3A_454 = tpu.memref_squeeze %dma_start3A_453 : memref<1x1x125xi32, #tpu.memory_space<vmem>> -> memref<125xi32, #tpu.memory_space<vmem>>
        %dma_start3A_455 = arith.constant 0 : i32
        %dma_start3A_456 = arith.constant 0 : i32
        %dma_start3A_457 = tpu.memref_slice %arg6[%dma_start3A_455, %dma_start3A_456] : memref<10240x128xf32, #tpu.memory_space<vmem_shared>> -> memref<10240x128xf32, #tpu.memory_space<vmem_shared>>
        tpu.enqueue_indirect_dma source(%arg9 : memref<125x128xf32, #tpu.memory_space<vmem>>) target(%dma_start3A_457 : memref<10240x128xf32, #tpu.memory_space<vmem_shared>>) offsets(%dma_start3A_454 : memref<125xi32, #tpu.memory_space<vmem>>) semaphore(%run_scoped3A_451 : memref<!tpu.dma_semaphore, #tpu.memory_space<semaphore_mem>>) {add = true}
        %dma_wait3A_458 = arith.constant 0 : i32
        %dma_wait3A_459 = tpu.memref_slice %arg8[%run_scoped3A_425, %run_scoped3A_426, %dma_wait3A_458] : memref<2x8x125xi32, #tpu.memory_space<vmem>> -> memref<1x1x125xi32, #tpu.memory_space<vmem>>
        %dma_wait3A_460 = tpu.memref_squeeze %dma_wait3A_459 : memref<1x1x125xi32, #tpu.memory_space<vmem>> -> memref<125xi32, #tpu.memory_space<vmem>>
        %dma_wait3A_461 = arith.constant 0 : i32
        %dma_wait3A_462 = arith.constant 0 : i32
        %dma_wait3A_463 = tpu.memref_slice %arg6[%dma_wait3A_461, %dma_wait3A_462] : memref<10240x128xf32, #tpu.memory_space<vmem_shared>> -> memref<10240x128xf32, #tpu.memory_space<vmem_shared>>
        tpu.wait_indirect_dma semaphore(%run_scoped3A_451 : memref<!tpu.dma_semaphore, #tpu.memory_space<semaphore_mem>>) src(%arg9 : memref<125x128xf32, #tpu.memory_space<vmem>>) dst(%dma_wait3A_463 : memref<10240x128xf32, #tpu.memory_space<vmem_shared>>)
        tpu.yield
      }) : () -> ()
      %add3A_427 = arith.constant 2 : i32
      %add3A_428 = arith.addi %add3A_123, %add3A_427 : i32
      %lt3A_429 = arith.constant 10 : i32
      %lt3A_430 = arith.cmpi slt, %add3A_428, %lt3A_429 : i32
      %convert_element_type3A_431 = arith.extui %lt3A_430 : i1 to i32
      %cond3A_432 = arith.constant 0 : i32
      %cond3A_433 = arith.cmpi ne, %convert_element_type3A_431, %cond3A_432 : i32
      scf.if %cond3A_433 {
        %dma_wait3A_451 = arith.constant 0 : i32
        %dma_wait3A_452 = arith.constant 0 : i32
        %dma_wait3A_453 = arith.constant 0 : i32
        %dma_wait3A_454 = tpu.memref_slice %arg7[%dma_wait3A_451, %dma_wait3A_452, %dma_wait3A_453] : memref<2x8x125xi32, #tpu.memory_space<vmem>> -> memref<1x8x125xi32, #tpu.memory_space<vmem>>
        %dma_wait3A_455 = tpu.memref_squeeze %dma_wait3A_454 : memref<1x8x125xi32, #tpu.memory_space<vmem>> -> memref<8x125xi32, #tpu.memory_space<vmem>>
        %dma_wait3A_456 = arith.constant 0 : i32
        %dma_wait3A_457 = arith.constant 0 : i32
        %dma_wait3A_458 = tpu.memref_slice %arg3[%dma_wait3A_456, %dma_wait3A_457] : memref<2560x125xi32, #tpu.memory_space<hbm>> -> memref<8x125xi32, #tpu.memory_space<hbm>>
        %dma_wait3A_459 = arith.constant 0 : i32
        %dma_wait3A_460 = arith.constant 0 : i32
        %dma_wait3A_461 = tpu.memref_slice %arg7[%dma_wait3A_451, %dma_wait3A_459, %dma_wait3A_460] : memref<2x8x125xi32, #tpu.memory_space<vmem>> -> memref<1x8x125xi32, #tpu.memory_space<vmem>>
        %dma_wait3A_462 = tpu.memref_squeeze %dma_wait3A_461 : memref<1x8x125xi32, #tpu.memory_space<vmem>> -> memref<8x125xi32, #tpu.memory_space<vmem>>
        %dma_wait3A_463 = arith.constant 0 : i32
        %dma_wait3A_464 = arith.constant 0 : i32
        %dma_wait3A_465 = tpu.memref_slice %arg3[%dma_wait3A_463, %dma_wait3A_464] : memref<2560x125xi32, #tpu.memory_space<hbm>> -> memref<8x125xi32, #tpu.memory_space<hbm>>
        tpu.wait_dma2 semaphore(%arg13 : memref<!tpu.dma_semaphore, #tpu.memory_space<semaphore_mem>>) src(%dma_wait3A_465 : memref<8x125xi32, #tpu.memory_space<hbm>>) dst(%dma_wait3A_462 : memref<8x125xi32, #tpu.memory_space<vmem>>)
        %dma_wait3A_466 = arith.constant 0 : i32
        %dma_wait3A_467 = arith.constant 0 : i32
        %dma_wait3A_468 = arith.constant 0 : i32
        %dma_wait3A_469 = tpu.memref_slice %arg8[%dma_wait3A_466, %dma_wait3A_467, %dma_wait3A_468] : memref<2x8x125xi32, #tpu.memory_space<vmem>> -> memref<1x8x125xi32, #tpu.memory_space<vmem>>
        %dma_wait3A_470 = tpu.memref_squeeze %dma_wait3A_469 : memref<1x8x125xi32, #tpu.memory_space<vmem>> -> memref<8x125xi32, #tpu.memory_space<vmem>>
        %dma_wait3A_471 = arith.constant 0 : i32
        %dma_wait3A_472 = arith.constant 0 : i32
        %dma_wait3A_473 = tpu.memref_slice %arg4[%dma_wait3A_471, %dma_wait3A_472] : memref<2560x125xi32, #tpu.memory_space<hbm>> -> memref<8x125xi32, #tpu.memory_space<hbm>>
        %dma_wait3A_474 = arith.constant 0 : i32
        %dma_wait3A_475 = arith.constant 0 : i32
        %dma_wait3A_476 = tpu.memref_slice %arg8[%dma_wait3A_466, %dma_wait3A_474, %dma_wait3A_475] : memref<2x8x125xi32, #tpu.memory_space<vmem>> -> memref<1x8x125xi32, #tpu.memory_space<vmem>>
        %dma_wait3A_477 = tpu.memref_squeeze %dma_wait3A_476 : memref<1x8x125xi32, #tpu.memory_space<vmem>> -> memref<8x125xi32, #tpu.memory_space<vmem>>
        %dma_wait3A_478 = arith.constant 0 : i32
        %dma_wait3A_479 = arith.constant 0 : i32
        %dma_wait3A_480 = tpu.memref_slice %arg4[%dma_wait3A_478, %dma_wait3A_479] : memref<2560x125xi32, #tpu.memory_space<hbm>> -> memref<8x125xi32, #tpu.memory_space<hbm>>
        tpu.wait_dma2 semaphore(%arg13 : memref<!tpu.dma_semaphore, #tpu.memory_space<semaphore_mem>>) src(%dma_wait3A_480 : memref<8x125xi32, #tpu.memory_space<hbm>>) dst(%dma_wait3A_477 : memref<8x125xi32, #tpu.memory_space<vmem>>)
        %dma_start3A_481 = arith.constant 0 : i32
        %dma_start3A_482 = arith.constant 0 : i32
        %dma_start3A_483 = arith.constant 0 : i32
        %dma_start3A_484 = tpu.memref_slice %arg7[%dma_start3A_481, %dma_start3A_482, %dma_start3A_483] : memref<2x8x125xi32, #tpu.memory_space<vmem>> -> memref<1x1x125xi32, #tpu.memory_space<vmem>>
        %dma_start3A_485 = tpu.memref_squeeze %dma_start3A_484 : memref<1x1x125xi32, #tpu.memory_space<vmem>> -> memref<125xi32, #tpu.memory_space<vmem>>
        %dma_start3A_486 = arith.constant 0 : i32
        %dma_start3A_487 = arith.constant 0 : i32
        %dma_start3A_488 = tpu.memref_slice %arg2[%dma_start3A_486, %dma_start3A_487] : memref<10000x128xf32, #tpu.memory_space<hbm>> -> memref<10000x128xf32, #tpu.memory_space<hbm>>
        tpu.enqueue_indirect_dma source(%dma_start3A_488 : memref<10000x128xf32, #tpu.memory_space<hbm>>) target(%arg9 : memref<125x128xf32, #tpu.memory_space<vmem>>) offsets(%dma_start3A_485 : memref<125xi32, #tpu.memory_space<vmem>>) semaphore(%arg11 : memref<!tpu.dma_semaphore, #tpu.memory_space<semaphore_mem>>)
      } else {
      }
      %dma_wait3A_434 = arith.constant 0 : i32
      %dma_wait3A_435 = arith.constant 0 : i32
      %dma_wait3A_436 = arith.constant 0 : i32
      %dma_wait3A_437 = tpu.memref_slice %arg7[%dma_wait3A_434, %dma_wait3A_435, %dma_wait3A_436] : memref<2x8x125xi32, #tpu.memory_space<vmem>> -> memref<1x1x125xi32, #tpu.memory_space<vmem>>
      %dma_wait3A_438 = tpu.memref_squeeze %dma_wait3A_437 : memref<1x1x125xi32, #tpu.memory_space<vmem>> -> memref<125xi32, #tpu.memory_space<vmem>>
      %dma_wait3A_439 = arith.constant 0 : i32
      %dma_wait3A_440 = arith.constant 0 : i32
      %dma_wait3A_441 = tpu.memref_slice %arg2[%dma_wait3A_439, %dma_wait3A_440] : memref<10000x128xf32, #tpu.memory_space<hbm>> -> memref<10000x128xf32, #tpu.memory_space<hbm>>
      tpu.wait_indirect_dma semaphore(%arg12 : memref<!tpu.dma_semaphore, #tpu.memory_space<semaphore_mem>>) src(%dma_wait3A_441 : memref<10000x128xf32, #tpu.memory_space<hbm>>) dst(%arg10 : memref<125x128xf32, #tpu.memory_space<vmem>>)
      %run_scoped3A_442 = arith.constant 1 : i32
      %run_scoped3A_443 = arith.constant 7 : i32
      "tpu.region"() ({
        %run_scoped3A_451 = tpu.sem_alloc : memref<!tpu.dma_semaphore, #tpu.memory_space<semaphore_mem>>
        %dma_start3A_452 = arith.constant 0 : i32
        %dma_start3A_453 = tpu.memref_slice %arg8[%run_scoped3A_442, %run_scoped3A_443, %dma_start3A_452] : memref<2x8x125xi32, #tpu.memory_space<vmem>> -> memref<1x1x125xi32, #tpu.memory_space<vmem>>
        %dma_start3A_454 = tpu.memref_squeeze %dma_start3A_453 : memref<1x1x125xi32, #tpu.memory_space<vmem>> -> memref<125xi32, #tpu.memory_space<vmem>>
        %dma_start3A_455 = arith.constant 0 : i32
        %dma_start3A_456 = arith.constant 0 : i32
        %dma_start3A_457 = tpu.memref_slice %arg6[%dma_start3A_455, %dma_start3A_456] : memref<10240x128xf32, #tpu.memory_space<vmem_shared>> -> memref<10240x128xf32, #tpu.memory_space<vmem_shared>>
        tpu.enqueue_indirect_dma source(%arg10 : memref<125x128xf32, #tpu.memory_space<vmem>>) target(%dma_start3A_457 : memref<10240x128xf32, #tpu.memory_space<vmem_shared>>) offsets(%dma_start3A_454 : memref<125xi32, #tpu.memory_space<vmem>>) semaphore(%run_scoped3A_451 : memref<!tpu.dma_semaphore, #tpu.memory_space<semaphore_mem>>) {add = true}
        %dma_wait3A_458 = arith.constant 0 : i32
        %dma_wait3A_459 = tpu.memref_slice %arg8[%run_scoped3A_442, %run_scoped3A_443, %dma_wait3A_458] : memref<2x8x125xi32, #tpu.memory_space<vmem>> -> memref<1x1x125xi32, #tpu.memory_space<vmem>>
        %dma_wait3A_460 = tpu.memref_squeeze %dma_wait3A_459 : memref<1x1x125xi32, #tpu.memory_space<vmem>> -> memref<125xi32, #tpu.memory_space<vmem>>
        %dma_wait3A_461 = arith.constant 0 : i32
        %dma_wait3A_462 = arith.constant 0 : i32
        %dma_wait3A_463 = tpu.memref_slice %arg6[%dma_wait3A_461, %dma_wait3A_462] : memref<10240x128xf32, #tpu.memory_space<vmem_shared>> -> memref<10240x128xf32, #tpu.memory_space<vmem_shared>>
        tpu.wait_indirect_dma semaphore(%run_scoped3A_451 : memref<!tpu.dma_semaphore, #tpu.memory_space<semaphore_mem>>) src(%arg10 : memref<125x128xf32, #tpu.memory_space<vmem>>) dst(%dma_wait3A_463 : memref<10240x128xf32, #tpu.memory_space<vmem_shared>>)
        tpu.yield
      }) : () -> ()
      %add3A_444 = arith.constant 3 : i32
      %add3A_445 = arith.addi %add3A_123, %add3A_444 : i32
      %lt3A_446 = arith.constant 10 : i32
      %lt3A_447 = arith.cmpi slt, %add3A_445, %lt3A_446 : i32
      %convert_element_type3A_448 = arith.extui %lt3A_447 : i1 to i32
      %cond3A_449 = arith.constant 0 : i32
      %cond3A_450 = arith.cmpi ne, %convert_element_type3A_448, %cond3A_449 : i32
      scf.if %cond3A_450 {
        %add3A_451 = arith.constant 3 : i32
        %add3A_452 = arith.addi %add3A_123, %add3A_451 : i32
        %mul3A_453 = arith.constant 8 : i32
        %mul3A_454 = arith.muli %add3A_452, %mul3A_453 : i32
        %add3A_455 = arith.addi %mul3A_2, %mul3A_454 : i32
        %dma_start3A_456 = arith.constant 1 : i32
        %dma_start3A_457 = arith.constant 0 : i32
        %dma_start3A_458 = arith.constant 0 : i32
        %dma_start3A_459 = tpu.memref_slice %arg7[%dma_start3A_456, %dma_start3A_457, %dma_start3A_458] : memref<2x8x125xi32, #tpu.memory_space<vmem>> -> memref<1x8x125xi32, #tpu.memory_space<vmem>>
        %dma_start3A_460 = tpu.memref_squeeze %dma_start3A_459 : memref<1x8x125xi32, #tpu.memory_space<vmem>> -> memref<8x125xi32, #tpu.memory_space<vmem>>
        %dma_start3A_461 = arith.constant 0 : i32
        %dma_start3A_462 = tpu.memref_slice %arg3[%add3A_455, %dma_start3A_461] : memref<2560x125xi32, #tpu.memory_space<hbm>> -> memref<8x125xi32, #tpu.memory_space<hbm>>
        %dma_start3A_463 = arith.constant 0 : i32
        %dma_start3A_464 = arith.constant 0 : i32
        %dma_start3A_465 = tpu.memref_slice %arg7[%dma_start3A_456, %dma_start3A_463, %dma_start3A_464] : memref<2x8x125xi32, #tpu.memory_space<vmem>> -> memref<1x8x125xi32, #tpu.memory_space<vmem>>
        %dma_start3A_466 = tpu.memref_squeeze %dma_start3A_465 : memref<1x8x125xi32, #tpu.memory_space<vmem>> -> memref<8x125xi32, #tpu.memory_space<vmem>>
        %dma_start3A_467 = arith.constant 0 : i32
        %dma_start3A_468 = tpu.memref_slice %arg3[%add3A_455, %dma_start3A_467] : memref<2560x125xi32, #tpu.memory_space<hbm>> -> memref<8x125xi32, #tpu.memory_space<hbm>>
        tpu.enqueue_dma source(%dma_start3A_468 : memref<8x125xi32, #tpu.memory_space<hbm>>) target(%dma_start3A_466 : memref<8x125xi32, #tpu.memory_space<vmem>>) target_semaphore(%arg14 : memref<!tpu.dma_semaphore, #tpu.memory_space<semaphore_mem>>)
        %mul3A_469 = arith.constant 8 : i32
        %mul3A_470 = arith.muli %add3A_452, %mul3A_469 : i32
        %add3A_471 = arith.addi %mul3A_2, %mul3A_470 : i32
        %dma_start3A_472 = arith.constant 1 : i32
        %dma_start3A_473 = arith.constant 0 : i32
        %dma_start3A_474 = arith.constant 0 : i32
        %dma_start3A_475 = tpu.memref_slice %arg8[%dma_start3A_472, %dma_start3A_473, %dma_start3A_474] : memref<2x8x125xi32, #tpu.memory_space<vmem>> -> memref<1x8x125xi32, #tpu.memory_space<vmem>>
        %dma_start3A_476 = tpu.memref_squeeze %dma_start3A_475 : memref<1x8x125xi32, #tpu.memory_space<vmem>> -> memref<8x125xi32, #tpu.memory_space<vmem>>
        %dma_start3A_477 = arith.constant 0 : i32
        %dma_start3A_478 = tpu.memref_slice %arg4[%add3A_471, %dma_start3A_477] : memref<2560x125xi32, #tpu.memory_space<hbm>> -> memref<8x125xi32, #tpu.memory_space<hbm>>
        %dma_start3A_479 = arith.constant 0 : i32
        %dma_start3A_480 = arith.constant 0 : i32
        %dma_start3A_481 = tpu.memref_slice %arg8[%dma_start3A_472, %dma_start3A_479, %dma_start3A_480] : memref<2x8x125xi32, #tpu.memory_space<vmem>> -> memref<1x8x125xi32, #tpu.memory_space<vmem>>
        %dma_start3A_482 = tpu.memref_squeeze %dma_start3A_481 : memref<1x8x125xi32, #tpu.memory_space<vmem>> -> memref<8x125xi32, #tpu.memory_space<vmem>>
        %dma_start3A_483 = arith.constant 0 : i32
        %dma_start3A_484 = tpu.memref_slice %arg4[%add3A_471, %dma_start3A_483] : memref<2560x125xi32, #tpu.memory_space<hbm>> -> memref<8x125xi32, #tpu.memory_space<hbm>>
        tpu.enqueue_dma source(%dma_start3A_484 : memref<8x125xi32, #tpu.memory_space<hbm>>) target(%dma_start3A_482 : memref<8x125xi32, #tpu.memory_space<vmem>>) target_semaphore(%arg14 : memref<!tpu.dma_semaphore, #tpu.memory_space<semaphore_mem>>)
      } else {
      }
    }
    %scan3A_113 = arith.constant 5 : i32
    %barrier3A_114 = arith.constant 0 : index
    tpu.barrier barrier_id(%barrier3A_114)
    %mul3A_115 = arith.constant 640 : i32
    %mul3A_116 = arith.muli %arg1, %mul3A_115 : i32
    %mul3A_117 = arith.constant 640 : i32
    %mul3A_118 = arith.muli %arg1, %mul3A_117 : i32
    "tpu.region"() ({
      %run_scoped3A = tpu.sem_alloc : memref<!tpu.dma_semaphore, #tpu.memory_space<semaphore_mem>>
      %dma_start3A_119 = arith.constant 0 : i32
      %dma_start3A_120 = tpu.memref_slice %arg5[%arg0, %mul3A_118, %dma_start3A_119] : memref<2x10240x128xf32, #tpu.memory_space<hbm>> -> memref<1x640x128xf32, #tpu.memory_space<hbm>>
      %dma_start3A_121 = tpu.memref_squeeze %dma_start3A_120 : memref<1x640x128xf32, #tpu.memory_space<hbm>> -> memref<640x128xf32, #tpu.memory_space<hbm>>
      %dma_start3A_122 = arith.constant 0 : i32
      %dma_start3A_123 = tpu.memref_slice %arg6[%mul3A_116, %dma_start3A_122] : memref<10240x128xf32, #tpu.memory_space<vmem_shared>> -> memref<640x128xf32, #tpu.memory_space<vmem_shared>>
      tpu.enqueue_dma source(%dma_start3A_123 : memref<640x128xf32, #tpu.memory_space<vmem_shared>>) target(%dma_start3A_121 : memref<640x128xf32, #tpu.memory_space<hbm>>) target_semaphore(%run_scoped3A : memref<!tpu.dma_semaphore, #tpu.memory_space<semaphore_mem>>)
      %dma_wait3A_124 = arith.constant 0 : i32
      %dma_wait3A_125 = tpu.memref_slice %arg5[%arg0, %mul3A_118, %dma_wait3A_124] : memref<2x10240x128xf32, #tpu.memory_space<hbm>> -> memref<1x640x128xf32, #tpu.memory_space<hbm>>
      %dma_wait3A_126 = tpu.memref_squeeze %dma_wait3A_125 : memref<1x640x128xf32, #tpu.memory_space<hbm>> -> memref<640x128xf32, #tpu.memory_space<hbm>>
      %dma_wait3A_127 = arith.constant 0 : i32
      %dma_wait3A_128 = tpu.memref_slice %arg6[%mul3A_116, %dma_wait3A_127] : memref<10240x128xf32, #tpu.memory_space<vmem_shared>> -> memref<640x128xf32, #tpu.memory_space<vmem_shared>>
      tpu.wait_dma2 semaphore(%run_scoped3A : memref<!tpu.dma_semaphore, #tpu.memory_space<semaphore_mem>>) src(%dma_wait3A_128 : memref<640x128xf32, #tpu.memory_space<vmem_shared>>) dst(%dma_wait3A_126 : memref<640x128xf32, #tpu.memory_space<hbm>>)
      tpu.yield
    }) : () -> ()
    return
  }
}

module attributes {stable_mosaic.version = 14 : i64} {
  func.func @body(%arg0: memref<2x10240x128xf32, #tpu.memory_space<vmem>>, %arg1: memref<2x10240x128xf32, #tpu.memory_space<vmem>>, %arg2: memref<10000x128xf32, #tpu.memory_space<vmem>>, %arg3: memref<128x128xf32, #tpu.memory_space<vmem>>, %arg4: memref<128x128xf32, #tpu.memory_space<vmem>>, %arg5: memref<1x128xf32, #tpu.memory_space<vmem>>, %arg6: memref<10000x128xf32, #tpu.memory_space<vmem>>) attributes {dimension_semantics = [], scalar_prefetch = 0 : i64, scratch_operands = 0 : i64, tpu.core_type = #tpu.core_type<tc>} {
    %get3A = arith.constant 0 : index
    %get3A_0 = arith.constant 0 : index
    %get3A_1 = arith.constant 0 : index
    %get3A_2 = vector.load %arg0[%get3A, %get3A_0, %get3A_1] : memref<2x10240x128xf32, #tpu.memory_space<vmem>>, vector<1x10240x128xf32>
    %get3A_3 = vector.shape_cast %get3A_2 : vector<1x10240x128xf32> to vector<10240x128xf32>
    %slice3A = vector.extract_strided_slice %get3A_3 {offsets = [0, 0], sizes = [10000, 128], strides = [1, 1]} : vector<10240x128xf32> to vector<10000x128xf32>
    %get3A_4 = arith.constant 1 : index
    %get3A_5 = arith.constant 0 : index
    %get3A_6 = arith.constant 0 : index
    %get3A_7 = vector.load %arg0[%get3A_4, %get3A_5, %get3A_6] : memref<2x10240x128xf32, #tpu.memory_space<vmem>>, vector<1x10240x128xf32>
    %get3A_8 = vector.shape_cast %get3A_7 : vector<1x10240x128xf32> to vector<10240x128xf32>
    %slice3A_9 = vector.extract_strided_slice %get3A_8 {offsets = [0, 0], sizes = [10000, 128], strides = [1, 1]} : vector<10240x128xf32> to vector<10000x128xf32>
    %add3A = arith.addf %slice3A, %slice3A_9 : vector<10000x128xf32>
    %get3A_10 = arith.constant 0 : index
    %get3A_11 = arith.constant 0 : index
    %get3A_12 = arith.constant 0 : index
    %get3A_13 = vector.load %arg1[%get3A_10, %get3A_11, %get3A_12] : memref<2x10240x128xf32, #tpu.memory_space<vmem>>, vector<1x10240x128xf32>
    %get3A_14 = vector.shape_cast %get3A_13 : vector<1x10240x128xf32> to vector<10240x128xf32>
    %slice3A_15 = vector.extract_strided_slice %get3A_14 {offsets = [0, 0], sizes = [10000, 1], strides = [1, 1]} : vector<10240x128xf32> to vector<10000x1xf32>
    %get3A_16 = arith.constant 1 : index
    %get3A_17 = arith.constant 0 : index
    %get3A_18 = arith.constant 0 : index
    %get3A_19 = vector.load %arg1[%get3A_16, %get3A_17, %get3A_18] : memref<2x10240x128xf32, #tpu.memory_space<vmem>>, vector<1x10240x128xf32>
    %get3A_20 = vector.shape_cast %get3A_19 : vector<1x10240x128xf32> to vector<10240x128xf32>
    %slice3A_21 = vector.extract_strided_slice %get3A_20 {offsets = [0, 0], sizes = [10000, 1], strides = [1, 1]} : vector<10240x128xf32> to vector<10000x1xf32>
    %add3A_22 = arith.addf %slice3A_15, %slice3A_21 : vector<10000x1xf32>
    %max3A = arith.constant 1.000000e+00 : f32
    %max3A_23 = vector.broadcast %max3A : f32 to vector<10000x1xf32>
    %max3A_24 = arith.maximumf %add3A_22, %max3A_23 : vector<10000x1xf32>
    %div3A = vector.broadcast %max3A_24 : vector<10000x1xf32> to vector<10000x128xf32>
    %div3A_25 = arith.divf %add3A, %div3A : vector<10000x128xf32>
    %get3A_26 = arith.constant 0 : index
    %get3A_27 = arith.constant 0 : index
    %get3A_28 = vector.load %arg3[%get3A_26, %get3A_27] : memref<128x128xf32, #tpu.memory_space<vmem>>, vector<128x128xf32>
    %dot_general3A = arith.constant dense<0.000000e+00> : vector<10000x128xf32>
    %dot_general3A_29 = tpu.matmul %div3A_25, %get3A_28, %dot_general3A {dimension_numbers = #tpu.dot_dimension_numbers<[1], [0], [0], [1], [0, 0, 1, 1], [], []>, transpose_lhs_hint = false} : vector<10000x128xf32>, vector<128x128xf32>, vector<10000x128xf32> -> vector<10000x128xf32>
    %get3A_30 = arith.constant 0 : index
    %get3A_31 = arith.constant 0 : index
    %get3A_32 = vector.load %arg5[%get3A_30, %get3A_31] : memref<1x128xf32, #tpu.memory_space<vmem>>, vector<1x128xf32>
    %add3A_33 = vector.broadcast %get3A_32 : vector<1x128xf32> to vector<10000x128xf32>
    %add3A_34 = arith.addf %dot_general3A_29, %add3A_33 : vector<10000x128xf32>
    %get3A_35 = arith.constant 0 : index
    %get3A_36 = arith.constant 0 : index
    %get3A_37 = vector.load %arg2[%get3A_35, %get3A_36] : memref<10000x128xf32, #tpu.memory_space<vmem>>, vector<10000x128xf32>
    %get3A_38 = arith.constant 0 : index
    %get3A_39 = arith.constant 0 : index
    %get3A_40 = vector.load %arg4[%get3A_38, %get3A_39] : memref<128x128xf32, #tpu.memory_space<vmem>>, vector<128x128xf32>
    %dot_general3A_41 = arith.constant dense<0.000000e+00> : vector<10000x128xf32>
    %dot_general3A_42 = tpu.matmul %get3A_37, %get3A_40, %dot_general3A_41 {dimension_numbers = #tpu.dot_dimension_numbers<[1], [0], [0], [1], [0, 0, 1, 1], [], []>, transpose_lhs_hint = false} : vector<10000x128xf32>, vector<128x128xf32>, vector<10000x128xf32> -> vector<10000x128xf32>
    %add3A_43 = arith.addf %add3A_34, %dot_general3A_42 : vector<10000x128xf32>
    %swap3A = arith.constant 0 : index
    %swap3A_44 = arith.constant 0 : index
    %swap3A_45 = vector.load %arg6[%swap3A, %swap3A_44] : memref<10000x128xf32, #tpu.memory_space<vmem>>, vector<10000x128xf32>
    tpu.vector_store %arg6[%swap3A, %swap3A_44], %add3A_43 {strides = array<i32>} : memref<10000x128xf32, #tpu.memory_space<vmem>>, vector<10000x128xf32>,
    return
  }
}

module attributes {stable_mosaic.version = 14 : i64} {
  func.func @body(%arg0: memref<2x10240x128xf32, #tpu.memory_space<vmem>>, %arg1: memref<2x10240x128xf32, #tpu.memory_space<vmem>>, %arg2: memref<10000x128xf32, #tpu.memory_space<vmem>>, %arg3: memref<128x128xf32, #tpu.memory_space<vmem>>, %arg4: memref<128x128xf32, #tpu.memory_space<vmem>>, %arg5: memref<1x128xf32, #tpu.memory_space<vmem>>, %arg6: memref<10000x128xf32, #tpu.memory_space<vmem>>) attributes {dimension_semantics = [], scalar_prefetch = 0 : i64, scratch_operands = 0 : i64, tpu.core_type = #tpu.core_type<tc>} {
    %get3A = arith.constant 0 : index
    %get3A_0 = arith.constant 0 : index
    %get3A_1 = arith.constant 0 : index
    %get3A_2 = vector.load %arg0[%get3A, %get3A_0, %get3A_1] : memref<2x10240x128xf32, #tpu.memory_space<vmem>>, vector<1x10240x128xf32>
    %get3A_3 = vector.shape_cast %get3A_2 : vector<1x10240x128xf32> to vector<10240x128xf32>
    %slice3A = vector.extract_strided_slice %get3A_3 {offsets = [0, 0], sizes = [10000, 128], strides = [1, 1]} : vector<10240x128xf32> to vector<10000x128xf32>
    %get3A_4 = arith.constant 1 : index
    %get3A_5 = arith.constant 0 : index
    %get3A_6 = arith.constant 0 : index
    %get3A_7 = vector.load %arg0[%get3A_4, %get3A_5, %get3A_6] : memref<2x10240x128xf32, #tpu.memory_space<vmem>>, vector<1x10240x128xf32>
    %get3A_8 = vector.shape_cast %get3A_7 : vector<1x10240x128xf32> to vector<10240x128xf32>
    %slice3A_9 = vector.extract_strided_slice %get3A_8 {offsets = [0, 0], sizes = [10000, 128], strides = [1, 1]} : vector<10240x128xf32> to vector<10000x128xf32>
    %add3A = arith.addf %slice3A, %slice3A_9 : vector<10000x128xf32>
    %get3A_10 = arith.constant 0 : index
    %get3A_11 = arith.constant 0 : index
    %get3A_12 = arith.constant 0 : index
    %get3A_13 = vector.load %arg1[%get3A_10, %get3A_11, %get3A_12] : memref<2x10240x128xf32, #tpu.memory_space<vmem>>, vector<1x10240x128xf32>
    %get3A_14 = vector.shape_cast %get3A_13 : vector<1x10240x128xf32> to vector<10240x128xf32>
    %slice3A_15 = vector.extract_strided_slice %get3A_14 {offsets = [0, 0], sizes = [10000, 1], strides = [1, 1]} : vector<10240x128xf32> to vector<10000x1xf32>
    %get3A_16 = arith.constant 1 : index
    %get3A_17 = arith.constant 0 : index
    %get3A_18 = arith.constant 0 : index
    %get3A_19 = vector.load %arg1[%get3A_16, %get3A_17, %get3A_18] : memref<2x10240x128xf32, #tpu.memory_space<vmem>>, vector<1x10240x128xf32>
    %get3A_20 = vector.shape_cast %get3A_19 : vector<1x10240x128xf32> to vector<10240x128xf32>
    %slice3A_21 = vector.extract_strided_slice %get3A_20 {offsets = [0, 0], sizes = [10000, 1], strides = [1, 1]} : vector<10240x128xf32> to vector<10000x1xf32>
    %add3A_22 = arith.addf %slice3A_15, %slice3A_21 : vector<10000x1xf32>
    %max3A = arith.constant 1.000000e+00 : f32
    %max3A_23 = vector.broadcast %max3A : f32 to vector<10000x1xf32>
    %max3A_24 = arith.maximumf %add3A_22, %max3A_23 : vector<10000x1xf32>
    %div3A = vector.broadcast %max3A_24 : vector<10000x1xf32> to vector<10000x128xf32>
    %div3A_25 = arith.divf %add3A, %div3A : vector<10000x128xf32>
    %get3A_26 = arith.constant 0 : index
    %get3A_27 = arith.constant 0 : index
    %get3A_28 = vector.load %arg3[%get3A_26, %get3A_27] : memref<128x128xf32, #tpu.memory_space<vmem>>, vector<128x128xf32>
    %dot_general3A = arith.constant dense<0.000000e+00> : vector<10000x128xf32>
    %dot_general3A_29 = tpu.matmul %div3A_25, %get3A_28, %dot_general3A {dimension_numbers = #tpu.dot_dimension_numbers<[1], [0], [0], [1], [0, 0, 1, 1], [], []>, transpose_lhs_hint = false} : vector<10000x128xf32>, vector<128x128xf32>, vector<10000x128xf32> -> vector<10000x128xf32>
    %get3A_30 = arith.constant 0 : index
    %get3A_31 = arith.constant 0 : index
    %get3A_32 = vector.load %arg5[%get3A_30, %get3A_31] : memref<1x128xf32, #tpu.memory_space<vmem>>, vector<1x128xf32>
    %add3A_33 = vector.broadcast %get3A_32 : vector<1x128xf32> to vector<10000x128xf32>
    %add3A_34 = arith.addf %dot_general3A_29, %add3A_33 : vector<10000x128xf32>
    %get3A_35 = arith.constant 0 : index
    %get3A_36 = arith.constant 0 : index
    %get3A_37 = vector.load %arg2[%get3A_35, %get3A_36] : memref<10000x128xf32, #tpu.memory_space<vmem>>, vector<10000x128xf32>
    %get3A_38 = arith.constant 0 : index
    %get3A_39 = arith.constant 0 : index
    %get3A_40 = vector.load %arg4[%get3A_38, %get3A_39] : memref<128x128xf32, #tpu.memory_space<vmem>>, vector<128x128xf32>
    %dot_general3A_41 = arith.constant dense<0.000000e+00> : vector<10000x128xf32>
    %dot_general3A_42 = tpu.matmul %get3A_37, %get3A_40, %dot_general3A_41 {dimension_numbers = #tpu.dot_dimension_numbers<[1], [0], [0], [1], [0, 0, 1, 1], [], []>, transpose_lhs_hint = false} : vector<10000x128xf32>, vector<128x128xf32>, vector<10000x128xf32> -> vector<10000x128xf32>
    %add3A_43 = arith.addf %add3A_34, %dot_general3A_42 : vector<10000x128xf32>
    %max3A_44 = arith.constant 0.000000e+00 : f32
    %max3A_45 = vector.broadcast %max3A_44 : f32 to vector<10000x128xf32>
    %max3A_46 = arith.maximumf %add3A_43, %max3A_45 : vector<10000x128xf32>
    %swap3A = arith.constant 0 : index
    %swap3A_47 = arith.constant 0 : index
    %swap3A_48 = vector.load %arg6[%swap3A, %swap3A_47] : memref<10000x128xf32, #tpu.memory_space<vmem>>, vector<10000x128xf32>
    tpu.vector_store %arg6[%swap3A, %swap3A_47], %max3A_46 {strides = array<i32>} : memref<10000x128xf32, #tpu.memory_space<vmem>>, vector<10000x128xf32>,
    return
  }
}

</mosaic_0001>

<sc_bundles>
// kernel: kernel.10.cloned.1.call-start
scs
__scs_entry_jumppad:
0x0: {  	(pc) =	sbr.rel $0x88, $3  }
0x1: {  	(tag) =	ssettag $0x0;
	lr =	simm.s32 $0x1  }
0x2: {  	[smem:$0x3F99] =	sst lr;
	_ =	strace $0xD0000000  }
0x3: {  	_ = 	snop  }
0x4: {  	_ = 	snop  }
0x5: {  	_ = 	snop  }
0x6: {  	_ = 	snop  }
0x7: {  	_ = 	snop  }
__scs_overlays_trampoline_lowered:
0x8: {  	[smem:$0x3FA8] =	sst s0  }
0x9: {  	[smem:$0x3FA9] =	sst s1  }
0xa: {  	[smem:$0x3FAA] =	sst s2  }
0xb: {  	[smem:$0x3FAB] =	sst s3  }
0xc: {  	[smem:$0x3FAC] =	sst s4  }
0xd: {  	[smem:$0x3FAD] =	sst s5  }
0xe: {  	[smem:$0x3FAE] =	sst s6  }
0xf: {  	[smem:$0x3FAF] =	sst s7  }
0x10: {  	[smem:$0x3FB0] =	sst s8  }
0x11: {  	[smem:$0x3FB1] =	sst s9;
	s0 =	simm.s32 @!p0 $0x0  }
0x12: {  	s1 =	sld [smem:$0x3F97];
	s0 =	simm.s32 @p0 $0x1  }
0x13: {  	[smem:$0x3FB2] =	sst s0;
	s0 =	simm.s32 @!p1 $0x0  }
0x14: {  	s2 =	sld [smem:$0x3F96];
	s0 =	simm.s32 @p1 $0x1  }
0x15: {  	[smem:$0x3FB3] =	sst s0;
	s0 =	simm.s32 @!p2 $0x0  }
0x16: {  	s3 =	sld [smem:$0x3FDB];
	s0 =	simm.s32 @p2 $0x1  }
0x17: {  	s4 =	simm.s32 $0x1BF5;
	[smem:$0x3FB5] =	sst s0  }
0x18: {  	s0 =	sld [smem:$0x3F98];
	_ =	swait.ge [sflag:s4], $0x0  }
0x19: {  	s7 =	sld [smem:$0x3F99]  }
0x1a: {  	s8 =	sadd.s32 $0xFFFFE003, lr  }
0x1b: {  	s9 =	sadd.s32 $0xFFFFFEF7, lr;
	s5 =	simm.s32 $0xFFFFFFFF;
	p2 =	slt.u32 s8, $0xFFFFF086  }
0x1c: {  	p1 =	slt.u32 s9, $0xF7A;
	s5 =	simm.s32 @!p2 $0x0  }
0x1d: {  	s5 =	simm.s32 @p1 $0x1;
	p0 =	seq.s32 s7, s2  }
0x1e: {  	s7 =	smul.u32 @!p0 $0xF7A, s2;
	p2 =	seq.s32 @!p0 s5, $0x0  }
0x1f: {  	s9 =	smul.u32 $0xF7A, s1;
	s8 =	simm.s32 @!p0 $0x1BF5;
	p2 =	por !p2, p0  }
0x20: {  	[sflag:s8] =	ssyncset.s32 @!p0 $0xFFFFF086;
	s6 =	sadd.s32 @!p0 s3, s7;
	s7 =	simm.s32 @!p0 $0x108  }
0x21: {  	s3 =	sadd.s32 s3, s9;
	s6 =	sadd.s32 @!p0 $0x88, s6;
	s7 =	simm.s32 @p2 $0x1082  }
0x22: {  	[simem:s7], [sflag:s8] =	dma.local @!p0 [hbm:s6], $0xF7A  }
0x23: {  	s9 =	sor.u32 $0xD0000000, s2;
	s6 =	simm.s32 $0x108;
	_ =	swait.ge @!p0 [sflag:s8], $0x0  }
0x24: {  	s3 =	sadd.s32 $0x88, s3;
	s6 =	simm.s32 @!p1 $0x1082;
	[sflag:s4] =	ssyncset.s32 $0xFFFFF086  }
0x25: {  	[simem:s6], [sflag:s4] =	dma.local [hbm:s3], $0xF7A  }
0x26: {  	[smem:$0x3F99] =	sst s1;
	(tag) =	ssettag s2;
	_ =	strace s9  }
0x27: {  	s1 =	sld [smem:$0x3FA9]  }
0x28: {  	s2 =	sld [smem:$0x3FAA]  }
0x29: {  	s4 =	sld [smem:$0x3FAC]  }
0x2a: {  	p0 =	seq.s32 s5, $0x0;
	s5 =	sld [smem:$0x3FAD]  }
0x2b: {  	s6 =	sld [smem:$0x3FAE]  }
0x2c: {  	s7 =	sld [smem:$0x3FAF]  }
0x2d: {  	s3 =	simm.s32 $0x108;
	s8 =	sld [smem:$0x3FB0]  }
0x2e: {  	s3 =	simm.s32 @!p0 $0x1082;
	s9 =	sld [smem:$0x3FB1]  }
0x2f: {  	lr =	sadd.s32 s0, s3;
	s0 =	sld [smem:$0x3FA8]  }
0x30: {  	s3 =	sld [smem:$0x3FAB]  }
0x31: {  	[smem:$0x3FB4] =	sst s10  }
0x32: {  	s10 =	sld [smem:$0x3FB2];
	_ =	sdelay $0x3  }
0x33: {  	p0 =	seq.s32 s10, $0x1;
	s10 =	sld [smem:$0x3FB4];
	_ =	sdelay $0x3  }
0x34: {  	[smem:$0x3FB4] =	sst s10  }
0x35: {  	s10 =	sld [smem:$0x3FB3];
	_ =	sdelay $0x3  }
0x36: {  	p1 =	seq.s32 s10, $0x1;
	s10 =	sld [smem:$0x3FB4];
	_ =	sdelay $0x3  }
0x37: {  	[smem:$0x3FB4] =	sst s10  }
0x38: {  	s10 =	sld [smem:$0x3FB5]  }
0x39: {  	_ = 	snop;
	(pc) =	sbr.ind lr, $3  }
0x3a: {  	_ = 	snop  }
0x3b: {  	_ = 	snop  }
0x3c: {  	p2 =	seq.s32 s10, $0x1;
	s10 =	sld [smem:$0x3FB4]  }
0x3d: {  	_ =	shalt  }
0x3e: {  	_ =	shalt  }
0x3f: {  	_ =	shalt  }
0x40: {  	_ =	shalt  }
0x41: {  	_ =	shalt  }
0x42: {  	_ =	shalt  }
0x43: {  	_ =	shalt  }
0x44: {  	_ =	shalt  }
0x45: {  	_ =	shalt  }
0x46: {  	_ =	shalt  }
0x47: {  	_ =	shalt  }
0x48: {  	_ =	shalt  }
0x49: {  	_ =	shalt  }
0x4a: {  	_ =	shalt  }
0x4b: {  	_ =	shalt  }
0x4c: {  	_ =	shalt  }
0x4d: {  	_ =	shalt  }
0x4e: {  	_ =	shalt  }
0x4f: {  	_ =	shalt  }
0x50: {  	_ =	shalt  }
0x51: {  	_ =	shalt  }
0x52: {  	_ =	shalt  }
0x53: {  	_ =	shalt  }
0x54: {  	_ =	shalt  }
0x55: {  	_ =	shalt  }
0x56: {  	_ =	shalt  }
0x57: {  	_ =	shalt  }
0x58: {  	_ =	shalt  }
0x59: {  	_ =	shalt  }
0x5a: {  	_ =	shalt  }
0x5b: {  	_ =	shalt  }
0x5c: {  	_ =	shalt  }
0x5d: {  	_ =	shalt  }
0x5e: {  	_ =	shalt  }
0x5f: {  	_ =	shalt  }
0x60: {  	_ =	shalt  }
0x61: {  	_ =	shalt  }
0x62: {  	_ =	shalt  }
0x63: {  	_ =	shalt  }
0x64: {  	_ =	shalt  }
0x65: {  	_ =	shalt  }
0x66: {  	_ =	shalt  }
0x67: {  	_ =	shalt  }
0x68: {  	_ =	shalt  }
0x69: {  	_ =	shalt  }
0x6a: {  	_ =	shalt  }
0x6b: {  	_ =	shalt  }
0x6c: {  	_ =	shalt  }
0x6d: {  	_ =	shalt  }
0x6e: {  	_ =	shalt  }
0x6f: {  	_ =	shalt  }
0x70: {  	_ =	shalt  }
0x71: {  	_ =	shalt  }
0x72: {  	_ =	shalt  }
0x73: {  	_ =	shalt  }
0x74: {  	_ =	shalt  }
0x75: {  	_ =	shalt  }
0x76: {  	_ =	shalt  }
0x77: {  	_ =	shalt  }
0x78: {  	_ =	shalt  }
0x79: {  	_ =	shalt  }
0x7a: {  	_ =	shalt  }
0x7b: {  	_ =	shalt  }
0x7c: {  	_ =	shalt  }
0x7d: {  	_ =	shalt  }
0x7e: {  	_ =	shalt  }
0x7f: {  	_ =	shalt  }
0x80: {  	_ =	shalt  }
0x81: {  	_ =	shalt  }
0x82: {  	_ =	shalt  }
0x83: {  	_ =	shalt  }
0x84: {  	_ =	shalt  }
0x85: {  	_ =	shalt  }
0x86: {  	_ =	shalt  }
0x87: {  	_ =	shalt  }
.Lfunc_end0:
.L_simem_size_0:
called_computation.1_lowered:
.L_overlay_start_0:
0x88: {  	s2 =	sld [smem:$0x3FD9]  }
0x89: {  	s3 =	sld [smem:$0x3FFE];
	_ =	sdelay $0x1  }
0x8a: {  	s1 =	srdreg.scid  }
0x8b: {  	s0 =	sand.u32 $0x1, s1  }
0x8c: {  	s17 =	sshll.u32 s0, $0xA;
	s2 =	sadd.s32 s3, s2  }
0x8d: {  	s2 =	sadd.s32 s2, s17  }
0x8e: {  	[smem:$0x3FC0] =	sst s2  }
0x8f: {  	_ = 	snop  }
0x90: {  	s2 =	sld [smem:$0x3FC9];
	(tm) =	ssettm $0x1  }
0x91: {  	s18 =	sld [smem:$0x3FFB];
	_ =	sdelay $0x3  }
0x92: {  	_ =	strace s18  }
0x93: {  	s3 =	sld [smem:$0x3FFC];
	_ =	sdelay $0x3  }
0x94: {  	_ =	strace s3  }
0x95: {  	s3 =	sld [smem:$0x3FFD];
	_ =	sdelay $0x3  }
0x96: {  	_ =	strace s3  }
0x97: {  	_ =	strace $0x8FFFFFFF  }
0x98: {  	s19 =	sld [smem:$0x3FDB];
	_ =	sdelay $0x1  }
0x99: {  	s4 =	simm.s32 $_scs_section_size  }
0x9a: {  	s5 =	simm.s32 $_size__tile_overlayer_lowered;
	s6 =	simm.s32 $_tile_overlayer_lowered  }
0x9b: {  	s22 =	simm.s32 $0x1BFF;
	s21 =	sshll.u32 s6, $0x1;
	s3 =	sadd.s32 s4, s19  }
0x9c: {  	s7 =	simm.s32 $0x0;
	s20 =	sshll.u32 s5, $0x1;
	s5 =	sadd.s32 s21, s3  }
0x9d: {  	[timem:s7], [sflag:s22] =	dma.local [hbm:s5], s20  }
0x9e: {  	_ =	swait.ge [sflag:s22], s20  }
0x9f: {  	s4 =	ssub.s32 $0x0, s20;
	[sflag:s22] =	ssyncset.done $0x0  }
0xa0: {  	[sflag:s22] =	ssyncadd.s32 s4;
	_ =	sdelay $0x1  }
0xa1: {  	s23 =	simm.s32 $0x1B8B  }
0xa2: {  	_ =	swait.ge [sflag:s23], $0x1  }
0xa3: {  	[sflag:s23] =	ssyncset.done $0x0  }
0xa4: {  	s25 =	simm.s32 $0x1B8E;
	s24 =	sld [smem:$0x3FFE];
	[sflag:s23] =	ssyncadd.s32 $0xFFFFFFFF  }
0xa5: {  	s26 =	simm.s32 $execute0_lowered;
	[smem:$0x3FD2] =	sst s25  }
0xa6: {  	s5 =	sshll.u32 s26, $0x1;
	_ =	strace $0x80000046;
	[dreg:$0x1] =	wrdreg $0xFFFFFFFF  }
0xa7: {  	s28 =	simm.s32 $_size_execute0_lowered;
	s3 =	sadd.s32 s3, s5;
	[dreg:$0x0] =	wrdreg $0x0  }
0xa8: {  	s5 =	sshll.u32 s28, $0x1;
	[dreg:$0x2] =	wrdreg s3  }
0xa9: {  	[dreg:$0x3] =	wrdreg s5  }
0xaa: {  	[dreg:$0x4] =	wrdreg $0xC0  }
0xab: {  	_ =	task [dreg:s7], $0x5FFFF  }
0xac: {  	[dreg:$0x1] =	wrdreg $0xFFFFFFFF  }
0xad: {  	[dreg:$0x0] =	wrdreg $0x60  }
0xae: {  	[dreg:$0x2] =	wrdreg s2  }
0xaf: {  	[dreg:$0x3] =	wrdreg s24  }
0xb0: {  	[dreg:$0x4] =	wrdreg $0x0  }
0xb1: {  	[dreg:$0x5] =	wrdreg $0xA  }
0xb2: {  	_ =	task.clear_ibuf [dreg:s7], $0x6FFFF;
	_ =	strace $0x90000046  }
0xb3: {  	s29 =	simm.s32 $0xA;
	_ =	strace $0x80000048  }
0xb4: {  	_ =	swait.ge [sflag:s29], $0x1  }
0xb5: {  	[sflag:s29] =	ssyncadd.s32 $0xFFFFFFFF  }
0xb6: {  	_ =	strace $0x90000048  }
0xb7: {  	_ =	sfence  }
0xb8: {  	s30 =	sld [smem:$0x0];
	_ =	sdelay $0x2  }
0xb9: {  	s31 =	sshll.u32 s1, $0xD;
	s1 =	sshrl.u32 s1, $0x2  }
0xba: {  	s3 =	sand.u32 $0x4000, s31;
	s1 =	sadd.s32 s1, s30  }
0xbb: {  	s0 =	sor.u32 s3, s0;
	s1 =	sshll.u32 s1, $0x11  }
0xbc: {  	s0 =	sor.u32 s1, s0  }
0xbd: {  	s0 =	sadd.s32 $0x8F2B, s0  }
0xbe: {  	[sflag:s0] =	ssyncadd.remote.s32 $0x1  }
0xbf: {  	_ =	sfence.sel $0xFFFF  }
0xc0: {  	[dreg:$0x0] =	wrdreg $0xFFFFFFFF;
	(pc) =	sbr.abs _section_cstart, $3  }
0xc1: {  	[dreg:$0x1] =	wrdreg $0xFFFFFFFF  }
0xc2: {  	_ =	task.clear_ibuf [dreg:s7], $0x2FFFF;
	_ =	strace $0x9FFFFFFF  }
0xc3: {  	(tm) =	ssettm $0x7FFFFFFF  }
tec
execute0_lowered:
.L_overlay_start_1:
0x0: {  	(tag) =	ssettag $0x1  }
0x1: {  	s1 =	rddreg [dreg:$0x0]  }
0x2: {  	s0 =	rddreg [dreg:$0x1]  }
0x3: {  	s2 =	rddreg [dreg:$0x2];
	s4 =	simm.s32 $0x0;
	s11 =	stileid.u32  }
0x4: {  	s3 =	srdreg.scid;
	s28 =	simm.s32 $0x3;
	s6 =	smul.u32 $0x14000, s11  }
0x5: {  	s29 =	simm.s32 $0x7D;
	s30 =	simm.s32 $0x14400;
	s12 =	smul.u32 $0x50000, s11  }
0x6: {  	s31 =	simm.s32 $0x14C00;
	s3 =	sand.u32 $0x1, s3;
	s22 =	smul.u32 $0xA, s11  }
0x7: {  	[smem:$0x7FF] =	sst s4;
	s7 =	sadd.s32 $0xC000, s0;
	s5 =	smul.u32 $0x140000, s3  }
0x8: {  	s8 =	sadd.s32 $0x2000, s0;
	_ =	strace $0x80000047;
	s19 =	smul.u32 $0xA0, s3  }
0x9: {  	s9 =	sshll.u32 s3, $0x4;
	s25 =	ssub.s32 $0x2, s3;
	s3 =	smul.u32 $0x5000, s3  }
0xa: {  	s9 =	sor.u32 s11, s9;
	s10 =	sshrl.u32 s25, $0x1;
	s5 =	sadd.s32 s6, s5  }
0xb: {  	s9 =	smul.u32 $0x500, s9;
	s26 =	ssub.s32 s25, s10;
	s6 =	sshrl.u32 s12, $0x2  }
0xc: {  	s25 =	smul.u32 $0x500, s11;
	s12 =	simm.s32 $0x14600;
	s16 =	smax.u32 s26, $0x1  }
0xd: {  	s10 =	simm.s32 $0x14F00;
	s6 =	sadd.s32 s6, s2;
	[dreg:$0xa] =	wrdreg s16  }
0xe: {  	s5 =	sshrl.u32 s5, $0x3;
	s13 =	sadd.s32 s7, s9;
	[dreg:$0x9] =	wrdreg s6  }
0xf: {  	s26 =	sadd.s32 s3, s8;
	s14 =	sadd.s32 s8, s9;
	[dreg:$0x4] =	wrdreg s13  }
0x10: {  	s3 =	sadd.s32 s3, s7;
	s17 =	sadd.s32 $0x2800, s6;
	[dreg:$0x5] =	wrdreg s14  }
0x11: {  	s0 =	sadd.s32 s5, s0;
	s18 =	sadd.s32 $0x5000, s6;
	[dreg:$0xb] =	wrdreg s17  }
0x12: {  	s9 =	sor.u32 $0x80, s9;
	s20 =	sadd.s32 $0x7800, s6;
	[dreg:$0xc] =	wrdreg s18  }
0x13: {  	s21 =	sadd.s32 $0xA000, s6;
	s23 =	sadd.s32 $0xC800, s6;
	[dreg:$0xd] =	wrdreg s20  }
0x14: {  	s24 =	sadd.s32 $0xF000, s6;
	s6 =	sadd.s32 $0x11800, s6;
	[dreg:$0xe] =	wrdreg s21  }
0x15: {  	s5 =	sadd.s32 s25, s26;
	s3 =	sadd.s32 s25, s3;
	[dreg:$0xf] =	wrdreg s23  }
0x16: {  	s16 =	simm.s32 $0x14700;
	s15 =	sadd.s32 s7, s9;
	[dreg:$0x10] =	wrdreg s24  }
0x17: {  	s9 =	sadd.s32 s8, s9;
	s0 =	sadd.s32 $0x16000, s0;
	[dreg:$0x11] =	wrdreg s6  }
0x18: {  	s20 =	sadd.s32 $0x180, s3;
	s23 =	simm.s32 $0x15000;
	s24 =	simm.s32 $0x5  }
0x19: {  	s3 =	simm.s32 $0x19000;
	s13 =	simm.s32 $0x14D80;
	s14 =	simm.s32 $0x14680  }
0x1a: {  	s17 =	simm.s32 $0x14E80;
	s18 =	simm.s32 $0x14780;
	[dreg:$0x6] =	wrdreg s15  }
.Ltmp0:
0x1b: {  	[dreg:$0x8] =	wrdreg s0;
	s0 =	sadd.s32 s22, s19;
	(pc) =	sbr.rel .LBB2_1-.Ltmp0, $4  }
0x1c: {  	s6 =	simm.s32 $0x14F80;
	[dreg:$0x7] =	wrdreg s9;
	s0 =	sshll.u32 s0, $0x7  }
0x1d: {  	s19 =	sadd.s32 $0x180, s5;
	s5 =	simm.s32 $0x1;
	s0 =	sadd.s32 $0x100, s0  }
0x1e: {  	s15 =	simm.s32 $0x14E00;
	s9 =	simm.s32 $0x0;
	s21 =	sadd.s32 s0, s7  }
0x1f: {  	v0 =	vimm.f32 $0.0e+00;
	s22 =	sadd.s32 s0, s8;
	s7 =	simm.s32 $0x2;
	s0 =	simm.s32 $0x4  }
.LBB2_6:
0x20: {  	_ =	swait.ge [sflag:s7], $0x3E80  }
0x21: {  	[sflag:s7] =	ssyncset.done $0x0  }
0x22: {  	[sflag:s7] =	ssyncadd.s32 $0xFFFFC180  }
0x23: {  	[spmem:s2] =	stream.indirect.scatter.add.f32 [tilespmem:s3], [sflag:$0x5], $0x80, s6, s29, $0xb8;
	[tilespmem:$0x1D000] =	vst v63  }
0x24: {  	_ =	swait.ge [sflag:s24], $0x3E80  }
0x25: {  	[sflag:s24] =	ssyncset.done $0x0  }
0x26: {  	[sflag:s24] =	ssyncadd.s32 $0xFFFFC180  }
0x27: {  	s8 =	stileid.u32;
	[bflag:$0x0] =	sbarrier.arrive $0xFFFF  }
0x28: {  	s8 =	sshll.u32 s8, $0x6;
	s9 =	rddreg [dreg:$0x9]  }
0x29: {  	s8 =	sor.u32 $0x1C05, s8;
	s25 =	rddreg [dreg:$0x8];
	s9 =	sshrl.u32 s9, $0x3  }
0x2a: {  	[hbm:s25], [sflag:s8] =	dma.local [spmem:s9], $0x2800  }
0x2b: {  	_ =	swait.ge [sflag:s24], $0x2800  }
0x2c: {  	s25 =	rddreg [dreg:$0x12]  }
0x2d: {  	s26 =	rddreg [dreg:$0xa];
	s9 =	sadd.s32 $0x1, s25  }
0x2e: {  	p0 =	sne.s32 s9, s26  }
.Ltmp1:
0x2f: {  	_ = 	snop;
	(pc) =	sbr.rel @!p0 .LBB2_7-.Ltmp1, $3  }
0x30: {  	_ =	sdelay $0x1  }
0x31: {  	[sflag:s24] =	ssyncset.done $0x0  }
0x32: {  	[sflag:s24] =	ssyncadd.s32 $0xFFFFD800  }
.LBB2_1:
0x33: {  	[dreg:$0x12] =	wrdreg s9;
	s25 =	simm.s32 $0x70;
	s26 =	simm.s32 $0x3C0  }
.LBB2_2:
0x34: {  	p0 =	sne.s32 s26, $0xF9C0;
	[tilespmem:s25+$0x15000] =	vst v0  }
0x35: {  	[tilespmem:s25+$0x14F90] =	vst v0  }
0x36: {  	[tilespmem:s25+$0x14FA0] =	vst v0  }
.Ltmp2:
0x37: {  	[tilespmem:s25+$0x14FB0] =	vst v0;
	(pc) =	sbr.rel @p0 .LBB2_2-.Ltmp2, $4  }
0x38: {  	[tilespmem:s25+$0x14FC0] =	vst v0  }
0x39: {  	[tilespmem:s25+$0x14FD0] =	vst v0  }
0x3a: {  	[tilespmem:s25+$0x14FE0] =	vst v0  }
0x3b: {  	[tilespmem:s25+$0x14FF0] =	vst v0;
	s25 =	sshra.s32 s26, $0x2;
	s26 =	sadd.s32 $0x200, s26  }
0x3c: {  	[tilespmem:s25+$0x15000] =	vst v0  }
0x3d: {  	[tilespmem:s25+$0x14F90] =	vst v0  }
0x3e: {  	[tilespmem:s25+$0x14FA0] =	vst v0  }
0x3f: {  	[tilespmem:s25+$0x14FB0] =	vst v0  }
0x40: {  	[tilespmem:s25+$0x14FC0] =	vst v0  }
0x41: {  	[tilespmem:s25+$0x14FD0] =	vst v0  }
0x42: {  	[tilespmem:s25+$0x14FE0] =	vst v0  }
0x43: {  	[tilespmem:s25+$0x14FF0] =	vst v0;
	s8 =	rddreg [dreg:$0x9]  }
0x44: {  	[spmem:s8] =	stream.linear.scatter [tilespmem:s23], [sflag:$0x5], $0x2800, $0x38;
	[tilespmem:$0x1D000] =	vst v63  }
0x45: {  	_ =	swait.ge [sflag:s24], $0x2800  }
0x46: {  	[sflag:s24] =	ssyncset.done $0x0  }
0x47: {  	s25 =	rddreg [dreg:$0xb];
	[sflag:s24] =	ssyncadd.s32 $0xFFFFD800  }
0x48: {  	[spmem:s25] =	stream.linear.scatter [tilespmem:s23], [sflag:$0x5], $0x2800, $0x38;
	[tilespmem:$0x1D000] =	vst v63  }
0x49: {  	_ =	swait.ge [sflag:s24], $0x2800  }
0x4a: {  	[sflag:s24] =	ssyncset.done $0x0  }
0x4b: {  	s26 =	rddreg [dreg:$0xc];
	[sflag:s24] =	ssyncadd.s32 $0xFFFFD800  }
0x4c: {  	[spmem:s26] =	stream.linear.scatter [tilespmem:s23], [sflag:$0x5], $0x2800, $0x38;
	[tilespmem:$0x1D000] =	vst v63  }
0x4d: {  	_ =	swait.ge [sflag:s24], $0x2800  }
0x4e: {  	[sflag:s24] =	ssyncset.done $0x0  }
0x4f: {  	s9 =	rddreg [dreg:$0xd];
	[sflag:s24] =	ssyncadd.s32 $0xFFFFD800  }
0x50: {  	[spmem:s9] =	stream.linear.scatter [tilespmem:s23], [sflag:$0x5], $0x2800, $0x38;
	[tilespmem:$0x1D000] =	vst v63  }
0x51: {  	_ =	swait.ge [sflag:s24], $0x2800  }
0x52: {  	[sflag:s24] =	ssyncset.done $0x0  }
0x53: {  	s11 =	rddreg [dreg:$0xe];
	[sflag:s24] =	ssyncadd.s32 $0xFFFFD800  }
0x54: {  	[spmem:s11] =	stream.linear.scatter [tilespmem:s23], [sflag:$0x5], $0x2800, $0x38;
	[tilespmem:$0x1D000] =	vst v63  }
0x55: {  	_ =	swait.ge [sflag:s24], $0x2800  }
0x56: {  	[sflag:s24] =	ssyncset.done $0x0  }
0x57: {  	s25 =	rddreg [dreg:$0xf];
	[sflag:s24] =	ssyncadd.s32 $0xFFFFD800  }
0x58: {  	[spmem:s25] =	stream.linear.scatter [tilespmem:s23], [sflag:$0x5], $0x2800, $0x38;
	[tilespmem:$0x1D000] =	vst v63  }
0x59: {  	_ =	swait.ge [sflag:s24], $0x2800  }
0x5a: {  	[sflag:s24] =	ssyncset.done $0x0  }
0x5b: {  	s26 =	rddreg [dreg:$0x10];
	[sflag:s24] =	ssyncadd.s32 $0xFFFFD800  }
0x5c: {  	[spmem:s26] =	stream.linear.scatter [tilespmem:s23], [sflag:$0x5], $0x2800, $0x38;
	[tilespmem:$0x1D000] =	vst v63  }
0x5d: {  	_ =	swait.ge [sflag:s24], $0x2800  }
0x5e: {  	[sflag:s24] =	ssyncset.done $0x0  }
0x5f: {  	s9 =	rddreg [dreg:$0x11];
	[sflag:s24] =	ssyncadd.s32 $0xFFFFD800  }
0x60: {  	[spmem:s9] =	stream.linear.scatter [tilespmem:s23], [sflag:$0x5], $0x2800, $0x38;
	[tilespmem:$0x1D000] =	vst v63  }
0x61: {  	_ =	swait.ge [sflag:s24], $0x2800  }
0x62: {  	[sflag:s24] =	ssyncset.done $0x0  }
0x63: {  	[sflag:s24] =	ssyncadd.s32 $0xFFFFD800  }
0x64: {  	[bflag:$0x0] =	sbarrier.arrive $0xFFFF  }
0x65: {  	s25 =	simm.s32 $0x0;
	s9 =	simm.s32 $0x14000;
	s11 =	rddreg [dreg:$0x4]  }
0x66: {  	[tilespmem:s9], [sflag:$0x3] =	stream.linear.gather [hbm4b:s11+s25], $0x400, $0x38;
	[tilespmem:$0x1D000] =	vst v63  }
0x67: {  	s26 =	rddreg [dreg:$0x5];
	s11 =	simm.s32 $0x14800  }
0x68: {  	[tilespmem:s11], [sflag:$0x3] =	stream.linear.gather [hbm4b:s26+s25], $0x400, $0x38;
	[tilespmem:$0x1D000] =	vst v63  }
0x69: {  	_ =	swait.ge [sflag:s28], $0x400  }
0x6a: {  	[sflag:s28] =	ssyncset.done $0x0  }
0x6b: {  	[sflag:s28] =	ssyncadd.s32 $0xFFFFFC00  }
0x6c: {  	_ =	swait.ge [sflag:s28], $0x400  }
0x6d: {  	[sflag:s28] =	ssyncset.done $0x0  }
0x6e: {  	[sflag:s28] =	ssyncadd.s32 $0xFFFFFC00  }
0x6f: {  	[tilespmem:s23], [sflag:$0x1] =	stream.indirect.gather [hbm4b:s1+s29], $0x80, s9, s29, $0xb8;
	[tilespmem:$0x1D000] =	vst v63  }
0x70: {  	s9 =	rddreg [dreg:$0x6]  }
0x71: {  	[tilespmem:s30], [sflag:$0x4] =	stream.linear.gather [hbm4b:s9+s25], $0x400, $0x38;
	[tilespmem:$0x1D000] =	vst v63  }
0x72: {  	s11 =	simm.s32 $0x14000;
	s26 =	rddreg [dreg:$0x7]  }
0x73: {  	[tilespmem:s31], [sflag:$0x4] =	stream.linear.gather [hbm4b:s26+s25], $0x400, $0x38;
	[tilespmem:$0x1D000] =	vst v63  }
.LBB2_4:
0x74: {  	s8 =	simm.s32 $0x14080  }
0x75: {  	[tilespmem:s3], [sflag:$0x2] =	stream.indirect.gather [hbm4b:s1+s29], $0x80, s8, s29, $0xb8;
	[tilespmem:$0x1D000] =	vst v63  }
0x76: {  	_ =	swait.ge [sflag:s5], $0x3E80  }
0x77: {  	[sflag:s5] =	ssyncset.done $0x0  }
0x78: {  	s26 =	simm.s32 $0x14800;
	[sflag:s5] =	ssyncadd.s32 $0xFFFFC180  }
0x79: {  	[spmem:s2] =	stream.indirect.scatter.add.f32 [tilespmem:s23], [sflag:$0x5], $0x80, s26, s29, $0xb8;
	[tilespmem:$0x1D000] =	vst v63  }
0x7a: {  	_ =	swait.ge [sflag:s24], $0x3E80  }
0x7b: {  	[sflag:s24] =	ssyncset.done $0x0  }
0x7c: {  	s9 =	simm.s32 $0x14100;
	[sflag:s24] =	ssyncadd.s32 $0xFFFFC180  }
0x7d: {  	[tilespmem:s23], [sflag:$0x1] =	stream.indirect.gather [hbm4b:s1+s29], $0x80, s9, s29, $0xb8;
	[tilespmem:$0x1D000] =	vst v63  }
0x7e: {  	_ =	swait.ge [sflag:s7], $0x3E80  }
0x7f: {  	[sflag:s7] =	ssyncset.done $0x0  }
0x80: {  	s26 =	simm.s32 $0x14880;
	[sflag:s7] =	ssyncadd.s32 $0xFFFFC180  }
0x81: {  	[spmem:s2] =	stream.indirect.scatter.add.f32 [tilespmem:s3], [sflag:$0x5], $0x80, s26, s29, $0xb8;
	[tilespmem:$0x1D000] =	vst v63  }
0x82: {  	_ =	swait.ge [sflag:s24], $0x3E80  }
0x83: {  	[sflag:s24] =	ssyncset.done $0x0  }
0x84: {  	s9 =	simm.s32 $0x14180;
	[sflag:s24] =	ssyncadd.s32 $0xFFFFC180  }
0x85: {  	[tilespmem:s3], [sflag:$0x2] =	stream.indirect.gather [hbm4b:s1+s29], $0x80, s9, s29, $0xb8;
	[tilespmem:$0x1D000] =	vst v63  }
0x86: {  	_ =	swait.ge [sflag:s5], $0x3E80  }
0x87: {  	[sflag:s5] =	ssyncset.done $0x0  }
0x88: {  	s26 =	simm.s32 $0x14900;
	[sflag:s5] =	ssyncadd.s32 $0xFFFFC180  }
0x89: {  	[spmem:s2] =	stream.indirect.scatter.add.f32 [tilespmem:s23], [sflag:$0x5], $0x80, s26, s29, $0xb8;
	[tilespmem:$0x1D000] =	vst v63  }
0x8a: {  	_ =	swait.ge [sflag:s24], $0x3E80  }
0x8b: {  	[sflag:s24] =	ssyncset.done $0x0  }
0x8c: {  	s9 =	simm.s32 $0x14200;
	[sflag:s24] =	ssyncadd.s32 $0xFFFFC180  }
0x8d: {  	[tilespmem:s23], [sflag:$0x1] =	stream.indirect.gather [hbm4b:s1+s29], $0x80, s9, s29, $0xb8;
	[tilespmem:$0x1D000] =	vst v63  }
0x8e: {  	_ =	swait.ge [sflag:s7], $0x3E80  }
0x8f: {  	[sflag:s7] =	ssyncset.done $0x0  }
0x90: {  	s26 =	simm.s32 $0x14980;
	[sflag:s7] =	ssyncadd.s32 $0xFFFFC180  }
0x91: {  	[spmem:s2] =	stream.indirect.scatter.add.f32 [tilespmem:s3], [sflag:$0x5], $0x80, s26, s29, $0xb8;
	[tilespmem:$0x1D000] =	vst v63  }
0x92: {  	_ =	swait.ge [sflag:s24], $0x3E80  }
0x93: {  	[sflag:s24] =	ssyncset.done $0x0  }
0x94: {  	s9 =	simm.s32 $0x14280;
	[sflag:s24] =	ssyncadd.s32 $0xFFFFC180  }
0x95: {  	[tilespmem:s3], [sflag:$0x2] =	stream.indirect.gather [hbm4b:s1+s29], $0x80, s9, s29, $0xb8;
	[tilespmem:$0x1D000] =	vst v63  }
0x96: {  	_ =	swait.ge [sflag:s5], $0x3E80  }
0x97: {  	[sflag:s5] =	ssyncset.done $0x0  }
0x98: {  	s26 =	simm.s32 $0x14A00;
	[sflag:s5] =	ssyncadd.s32 $0xFFFFC180  }
0x99: {  	[spmem:s2] =	stream.indirect.scatter.add.f32 [tilespmem:s23], [sflag:$0x5], $0x80, s26, s29, $0xb8;
	[tilespmem:$0x1D000] =	vst v63  }
0x9a: {  	_ =	swait.ge [sflag:s24], $0x3E80  }
0x9b: {  	[sflag:s24] =	ssyncset.done $0x0  }
0x9c: {  	s9 =	simm.s32 $0x14300;
	[sflag:s24] =	ssyncadd.s32 $0xFFFFC180  }
0x9d: {  	[tilespmem:s23], [sflag:$0x1] =	stream.indirect.gather [hbm4b:s1+s29], $0x80, s9, s29, $0xb8;
	[tilespmem:$0x1D000] =	vst v63  }
0x9e: {  	_ =	swait.ge [sflag:s7], $0x3E80  }
0x9f: {  	[sflag:s7] =	ssyncset.done $0x0  }
0xa0: {  	s26 =	simm.s32 $0x14A80;
	[sflag:s7] =	ssyncadd.s32 $0xFFFFC180  }
0xa1: {  	[spmem:s2] =	stream.indirect.scatter.add.f32 [tilespmem:s3], [sflag:$0x5], $0x80, s26, s29, $0xb8;
	[tilespmem:$0x1D000] =	vst v63  }
0xa2: {  	_ =	swait.ge [sflag:s24], $0x3E80  }
0xa3: {  	[sflag:s24] =	ssyncset.done $0x0  }
0xa4: {  	s9 =	simm.s32 $0x14380;
	[sflag:s24] =	ssyncadd.s32 $0xFFFFC180  }
0xa5: {  	[tilespmem:s3], [sflag:$0x2] =	stream.indirect.gather [hbm4b:s1+s29], $0x80, s9, s29, $0xb8;
	[tilespmem:$0x1D000] =	vst v63  }
0xa6: {  	_ =	swait.ge [sflag:s5], $0x3E80  }
0xa7: {  	[sflag:s5] =	ssyncset.done $0x0  }
0xa8: {  	s26 =	simm.s32 $0x14B00;
	[sflag:s5] =	ssyncadd.s32 $0xFFFFC180  }
0xa9: {  	[spmem:s2] =	stream.indirect.scatter.add.f32 [tilespmem:s23], [sflag:$0x5], $0x80, s26, s29, $0xb8;
	[tilespmem:$0x1D000] =	vst v63  }
0xaa: {  	_ =	swait.ge [sflag:s24], $0x3E80  }
0xab: {  	[sflag:s24] =	ssyncset.done $0x0  }
0xac: {  	[sflag:s24] =	ssyncadd.s32 $0xFFFFC180  }
0xad: {  	_ =	swait.ge [sflag:s0], $0x400  }
0xae: {  	[sflag:s0] =	ssyncset.done $0x0  }
0xaf: {  	[sflag:s0] =	ssyncadd.s32 $0xFFFFFC00  }
0xb0: {  	_ =	swait.ge [sflag:s0], $0x400  }
0xb1: {  	[sflag:s0] =	ssyncset.done $0x0  }
0xb2: {  	[sflag:s0] =	ssyncadd.s32 $0xFFFFFC00  }
0xb3: {  	[tilespmem:s23], [sflag:$0x1] =	stream.indirect.gather [hbm4b:s1+s29], $0x80, s30, s29, $0xb8;
	[tilespmem:$0x1D000] =	vst v63  }
0xb4: {  	_ =	swait.ge [sflag:s7], $0x3E80  }
0xb5: {  	[sflag:s7] =	ssyncset.done $0x0  }
0xb6: {  	s9 =	simm.s32 $0x14B80;
	[sflag:s7] =	ssyncadd.s32 $0xFFFFC180  }
0xb7: {  	[spmem:s2] =	stream.indirect.scatter.add.f32 [tilespmem:s3], [sflag:$0x5], $0x80, s9, s29, $0xb8;
	[tilespmem:$0x1D000] =	vst v63  }
0xb8: {  	p0 =	seq.s32 s25, $0x400;
	_ =	swait.ge [sflag:s24], $0x3E80  }
0xb9: {  	s8 =	simm.s32 @!p0 $0x0;
	[sflag:s24] =	ssyncset.done $0x0  }
0xba: {  	s26 =	sadd.s32 @!p0 s25, s21;
	s9 =	simm.s32 @!p0 $0x14000;
	[sflag:s24] =	ssyncadd.s32 $0xFFFFC180  }
0xbb: {  	[tilespmem:s9], [sflag:$0x3] =	stream.linear.gather @!p0 [hbm4b:s26+s8], $0x400, $0x38;
	[tilespmem:$0x1D000] =	vst v63  }
0xbc: {  	s9 =	sadd.s32 @!p0 s25, s22;
	s26 =	simm.s32 @!p0 $0x14800  }
0xbd: {  	[tilespmem:s26], [sflag:$0x3] =	stream.linear.gather @!p0 [hbm4b:s9+s8], $0x400, $0x38;
	[tilespmem:$0x1D000] =	vst v63  }
0xbe: {  	s26 =	simm.s32 $0x14480  }
0xbf: {  	[tilespmem:s3], [sflag:$0x2] =	stream.indirect.gather [hbm4b:s1+s29], $0x80, s26, s29, $0xb8;
	[tilespmem:$0x1D000] =	vst v63  }
0xc0: {  	_ =	swait.ge [sflag:s5], $0x3E80  }
0xc1: {  	[sflag:s5] =	ssyncset.done $0x0  }
0xc2: {  	[sflag:s5] =	ssyncadd.s32 $0xFFFFC180  }
0xc3: {  	[spmem:s2] =	stream.indirect.scatter.add.f32 [tilespmem:s23], [sflag:$0x5], $0x80, s31, s29, $0xb8;
	[tilespmem:$0x1D000] =	vst v63  }
0xc4: {  	_ =	swait.ge [sflag:s24], $0x3E80  }
0xc5: {  	[sflag:s24] =	ssyncset.done $0x0  }
0xc6: {  	s9 =	simm.s32 $0x14500;
	[sflag:s24] =	ssyncadd.s32 $0xFFFFC180  }
0xc7: {  	[tilespmem:s23], [sflag:$0x1] =	stream.indirect.gather [hbm4b:s1+s29], $0x80, s9, s29, $0xb8;
	[tilespmem:$0x1D000] =	vst v63  }
0xc8: {  	_ =	swait.ge [sflag:s7], $0x3E80  }
0xc9: {  	[sflag:s7] =	ssyncset.done $0x0  }
0xca: {  	s26 =	simm.s32 $0x14C80;
	[sflag:s7] =	ssyncadd.s32 $0xFFFFC180  }
0xcb: {  	[spmem:s2] =	stream.indirect.scatter.add.f32 [tilespmem:s3], [sflag:$0x5], $0x80, s26, s29, $0xb8;
	[tilespmem:$0x1D000] =	vst v63  }
0xcc: {  	_ =	swait.ge [sflag:s24], $0x3E80  }
0xcd: {  	[sflag:s24] =	ssyncset.done $0x0  }
0xce: {  	s9 =	simm.s32 $0x14580;
	[sflag:s24] =	ssyncadd.s32 $0xFFFFC180  }
0xcf: {  	[tilespmem:s3], [sflag:$0x2] =	stream.indirect.gather [hbm4b:s1+s29], $0x80, s9, s29, $0xb8;
	[tilespmem:$0x1D000] =	vst v63  }
0xd0: {  	_ =	swait.ge [sflag:s5], $0x3E80  }
0xd1: {  	[sflag:s5] =	ssyncset.done $0x0  }
0xd2: {  	s26 =	simm.s32 $0x14D00;
	[sflag:s5] =	ssyncadd.s32 $0xFFFFC180  }
0xd3: {  	[spmem:s2] =	stream.indirect.scatter.add.f32 [tilespmem:s23], [sflag:$0x5], $0x80, s26, s29, $0xb8;
	[tilespmem:$0x1D000] =	vst v63  }
0xd4: {  	_ =	swait.ge [sflag:s24], $0x3E80  }
0xd5: {  	[sflag:s24] =	ssyncset.done $0x0  }
0xd6: {  	[sflag:s24] =	ssyncadd.s32 $0xFFFFC180  }
0xd7: {  	[tilespmem:s23], [sflag:$0x1] =	stream.indirect.gather [hbm4b:s1+s29], $0x80, s12, s29, $0xb8;
	[tilespmem:$0x1D000] =	vst v63  }
0xd8: {  	_ =	swait.ge [sflag:s7], $0x3E80  }
0xd9: {  	[sflag:s7] =	ssyncset.done $0x0  }
0xda: {  	[sflag:s7] =	ssyncadd.s32 $0xFFFFC180  }
0xdb: {  	[spmem:s2] =	stream.indirect.scatter.add.f32 [tilespmem:s3], [sflag:$0x5], $0x80, s13, s29, $0xb8;
	[tilespmem:$0x1D000] =	vst v63  }
0xdc: {  	_ =	swait.ge [sflag:s24], $0x3E80  }
0xdd: {  	[sflag:s24] =	ssyncset.done $0x0  }
0xde: {  	[sflag:s24] =	ssyncadd.s32 $0xFFFFC180  }
0xdf: {  	[tilespmem:s3], [sflag:$0x2] =	stream.indirect.gather [hbm4b:s1+s29], $0x80, s14, s29, $0xb8;
	[tilespmem:$0x1D000] =	vst v63  }
0xe0: {  	_ =	swait.ge [sflag:s5], $0x3E80  }
0xe1: {  	[sflag:s5] =	ssyncset.done $0x0  }
0xe2: {  	[sflag:s5] =	ssyncadd.s32 $0xFFFFC180  }
0xe3: {  	[spmem:s2] =	stream.indirect.scatter.add.f32 [tilespmem:s23], [sflag:$0x5], $0x80, s15, s29, $0xb8;
	[tilespmem:$0x1D000] =	vst v63  }
0xe4: {  	_ =	swait.ge [sflag:s24], $0x3E80  }
0xe5: {  	[sflag:s24] =	ssyncset.done $0x0  }
0xe6: {  	[sflag:s24] =	ssyncadd.s32 $0xFFFFC180  }
0xe7: {  	[tilespmem:s23], [sflag:$0x1] =	stream.indirect.gather [hbm4b:s1+s29], $0x80, s16, s29, $0xb8;
	[tilespmem:$0x1D000] =	vst v63  }
0xe8: {  	_ =	swait.ge [sflag:s7], $0x3E80  }
0xe9: {  	[sflag:s7] =	ssyncset.done $0x0  }
0xea: {  	[sflag:s7] =	ssyncadd.s32 $0xFFFFC180  }
0xeb: {  	[spmem:s2] =	stream.indirect.scatter.add.f32 [tilespmem:s3], [sflag:$0x5], $0x80, s17, s29, $0xb8;
	[tilespmem:$0x1D000] =	vst v63  }
0xec: {  	_ =	swait.ge [sflag:s24], $0x3E80  }
0xed: {  	[sflag:s24] =	ssyncset.done $0x0  }
0xee: {  	[sflag:s24] =	ssyncadd.s32 $0xFFFFC180  }
0xef: {  	[tilespmem:s3], [sflag:$0x2] =	stream.indirect.gather [hbm4b:s1+s29], $0x80, s18, s29, $0xb8;
	[tilespmem:$0x1D000] =	vst v63  }
0xf0: {  	_ =	swait.ge [sflag:s5], $0x3E80  }
0xf1: {  	[sflag:s5] =	ssyncset.done $0x0  }
.Ltmp3:
0xf2: {  	[sflag:s5] =	ssyncadd.s32 $0xFFFFC180;
	(pc) =	sbr.rel @p0 .LBB2_6-.Ltmp3, $4  }
0xf3: {  	[spmem:s2] =	stream.indirect.scatter.add.f32 [tilespmem:s23], [sflag:$0x5], $0x80, s10, s29, $0xb8;
	[tilespmem:$0x1D000] =	vst v63  }
0xf4: {  	_ =	swait.ge [sflag:s24], $0x3E80  }
0xf5: {  	[sflag:s24] =	ssyncset.done $0x0  }
0xf6: {  	[sflag:s24] =	ssyncadd.s32 $0xFFFFC180  }
0xf7: {  	_ =	swait.ge [sflag:s28], $0x400  }
0xf8: {  	[sflag:s28] =	ssyncset.done $0x0  }
0xf9: {  	[sflag:s28] =	ssyncadd.s32 $0xFFFFFC00  }
0xfa: {  	_ =	swait.ge [sflag:s28], $0x400  }
0xfb: {  	[sflag:s28] =	ssyncset.done $0x0  }
0xfc: {  	[sflag:s28] =	ssyncadd.s32 $0xFFFFFC00  }
0xfd: {  	[tilespmem:s23], [sflag:$0x1] =	stream.indirect.gather [hbm4b:s1+s29], $0x80, s11, s29, $0xb8;
	[tilespmem:$0x1D000] =	vst v63  }
0xfe: {  	_ =	swait.ge [sflag:s7], $0x3E80  }
0xff: {  	[sflag:s7] =	ssyncset.done $0x0  }
0x100: {  	[sflag:s7] =	ssyncadd.s32 $0xFFFFC180  }
0x101: {  	[spmem:s2] =	stream.indirect.scatter.add.f32 [tilespmem:s3], [sflag:$0x5], $0x80, s6, s29, $0xb8;
	[tilespmem:$0x1D000] =	vst v63  }
0x102: {  	_ =	swait.ge [sflag:s24], $0x3E80  }
.Ltmp4:
0x103: {  	[sflag:s24] =	ssyncset.done $0x0;
	(pc) =	sbr.rel .LBB2_4-.Ltmp4, $4  }
0x104: {  	s8 =	sadd.s32 s25, s20;
	[sflag:s24] =	ssyncadd.s32 $0xFFFFC180  }
0x105: {  	[tilespmem:s30], [sflag:$0x4] =	stream.linear.gather [hbm4b:s8+s4], $0x400, $0x38;
	[tilespmem:$0x1D000] =	vst v63  }
0x106: {  	s26 =	sadd.s32 s25, s19;
	s25 =	sadd.s32 $0x100, s25  }
0x107: {  	[tilespmem:s31], [sflag:$0x4] =	stream.linear.gather [hbm4b:s26+s4], $0x400, $0x38;
	[tilespmem:$0x1D000] =	vst v63  }
.LBB2_7:
0x108: {  	_ =	sfence.sel $0x180000  }
0x109: {  	[bflag:$0x0] =	sbarrier.arrive $0xFFFF  }
0x10a: {  	_ =	strace $0x90000047  }
0x10b: {  	s0 =	stileid.u32;
	[bflag:$0x2] =	sbarrier.arrive $0xFFFF  }
0x10c: {  	p0 =	sne.s32 s0, $0x0;
	s0 =	rddreg [dreg:$0x3]  }
0x10d: {  	s0 =	sadd.s32 @!p0 $0x100000, s0  }
0x10e: {  	[sflag:s0] =	ssyncadd.tile.s32 @!p0 $0x1;
	_ =	shalt  }
.Lfunc_end2:
_tile_overlayer_lowered:
.L_overlay_start_2:
0x10f: {  	(tag) =	ssettag $0x2  }
0x110: {  	s0 =	rddreg [dreg:$0x0];
	s2 =	stileid.u32  }
0x111: {  	s1 =	rddreg [dreg:$0x1];
	p0 =	sne.s32 s2, $0x0  }
0x112: {  	s3 =	rddreg [dreg:$0x2];
	[bflag:$0x3] =	sbarrier.arrive $0xFFFF;
	s2 =	simm.s32 @!p0 $0x1C05  }
0x113: {  	[timem:s3], [sflag:s2] =	dma.local @!p0 [hbm:s0], s1  }
0x114: {  	s0 =	simm.s32 @!p0 $0x5  }
0x115: {  	_ =	swait.ge @!p0 [sflag:s0], s1  }
0x116: {  	s1 =	ssub.s32 @!p0 $0x0, s1;
	[sflag:s0] =	ssyncset.done @!p0 $0x0  }
0x117: {  	[sflag:s0] =	ssyncadd.s32 @!p0 s1  }
0x118: {  	[bflag:$0x3] =	sbarrier.arrive $0xFFFF  }
0x119: {  	_ =	shalt  }

// kernel: kernel.13.cloned.1.call-start
scs
__scs_entry_jumppad:
0x0: {  	(pc) =	sbr.rel $0x88, $3  }
0x1: {  	(tag) =	ssettag $0x0;
	lr =	simm.s32 $0x1  }
0x2: {  	[smem:$0x3F99] =	sst lr;
	_ =	strace $0xD0000000  }
0x3: {  	_ = 	snop  }
0x4: {  	_ = 	snop  }
0x5: {  	_ = 	snop  }
0x6: {  	_ = 	snop  }
0x7: {  	_ = 	snop  }
__scs_overlays_trampoline_lowered:
0x8: {  	[smem:$0x3FA8] =	sst s0  }
0x9: {  	[smem:$0x3FA9] =	sst s1  }
0xa: {  	[smem:$0x3FAA] =	sst s2  }
0xb: {  	[smem:$0x3FAB] =	sst s3  }
0xc: {  	[smem:$0x3FAC] =	sst s4  }
0xd: {  	[smem:$0x3FAD] =	sst s5  }
0xe: {  	[smem:$0x3FAE] =	sst s6  }
0xf: {  	[smem:$0x3FAF] =	sst s7  }
0x10: {  	[smem:$0x3FB0] =	sst s8  }
0x11: {  	[smem:$0x3FB1] =	sst s9;
	s0 =	simm.s32 @!p0 $0x0  }
0x12: {  	s1 =	sld [smem:$0x3F97];
	s0 =	simm.s32 @p0 $0x1  }
0x13: {  	[smem:$0x3FB2] =	sst s0;
	s0 =	simm.s32 @!p1 $0x0  }
0x14: {  	s2 =	sld [smem:$0x3F96];
	s0 =	simm.s32 @p1 $0x1  }
0x15: {  	[smem:$0x3FB3] =	sst s0;
	s0 =	simm.s32 @!p2 $0x0  }
0x16: {  	s3 =	sld [smem:$0x3FDB];
	s0 =	simm.s32 @p2 $0x1  }
0x17: {  	s4 =	simm.s32 $0x1BF5;
	[smem:$0x3FB5] =	sst s0  }
0x18: {  	s0 =	sld [smem:$0x3F98];
	_ =	swait.ge [sflag:s4], $0x0  }
0x19: {  	s7 =	sld [smem:$0x3F99]  }
0x1a: {  	s8 =	sadd.s32 $0xFFFFE003, lr  }
0x1b: {  	s9 =	sadd.s32 $0xFFFFFEF7, lr;
	s5 =	simm.s32 $0xFFFFFFFF;
	p2 =	slt.u32 s8, $0xFFFFF086  }
0x1c: {  	p1 =	slt.u32 s9, $0xF7A;
	s5 =	simm.s32 @!p2 $0x0  }
0x1d: {  	s5 =	simm.s32 @p1 $0x1;
	p0 =	seq.s32 s7, s2  }
0x1e: {  	s7 =	smul.u32 @!p0 $0xF7A, s2;
	p2 =	seq.s32 @!p0 s5, $0x0  }
0x1f: {  	s9 =	smul.u32 $0xF7A, s1;
	s8 =	simm.s32 @!p0 $0x1BF5;
	p2 =	por !p2, p0  }
0x20: {  	[sflag:s8] =	ssyncset.s32 @!p0 $0xFFFFF086;
	s6 =	sadd.s32 @!p0 s3, s7;
	s7 =	simm.s32 @!p0 $0x108  }
0x21: {  	s3 =	sadd.s32 s3, s9;
	s6 =	sadd.s32 @!p0 $0x88, s6;
	s7 =	simm.s32 @p2 $0x1082  }
0x22: {  	[simem:s7], [sflag:s8] =	dma.local @!p0 [hbm:s6], $0xF7A  }
0x23: {  	s9 =	sor.u32 $0xD0000000, s2;
	s6 =	simm.s32 $0x108;
	_ =	swait.ge @!p0 [sflag:s8], $0x0  }
0x24: {  	s3 =	sadd.s32 $0x88, s3;
	s6 =	simm.s32 @!p1 $0x1082;
	[sflag:s4] =	ssyncset.s32 $0xFFFFF086  }
0x25: {  	[simem:s6], [sflag:s4] =	dma.local [hbm:s3], $0xF7A  }
0x26: {  	[smem:$0x3F99] =	sst s1;
	(tag) =	ssettag s2;
	_ =	strace s9  }
0x27: {  	s1 =	sld [smem:$0x3FA9]  }
0x28: {  	s2 =	sld [smem:$0x3FAA]  }
0x29: {  	s4 =	sld [smem:$0x3FAC]  }
0x2a: {  	p0 =	seq.s32 s5, $0x0;
	s5 =	sld [smem:$0x3FAD]  }
0x2b: {  	s6 =	sld [smem:$0x3FAE]  }
0x2c: {  	s7 =	sld [smem:$0x3FAF]  }
0x2d: {  	s3 =	simm.s32 $0x108;
	s8 =	sld [smem:$0x3FB0]  }
0x2e: {  	s3 =	simm.s32 @!p0 $0x1082;
	s9 =	sld [smem:$0x3FB1]  }
0x2f: {  	lr =	sadd.s32 s0, s3;
	s0 =	sld [smem:$0x3FA8]  }
0x30: {  	s3 =	sld [smem:$0x3FAB]  }
0x31: {  	[smem:$0x3FB4] =	sst s10  }
0x32: {  	s10 =	sld [smem:$0x3FB2];
	_ =	sdelay $0x3  }
0x33: {  	p0 =	seq.s32 s10, $0x1;
	s10 =	sld [smem:$0x3FB4];
	_ =	sdelay $0x3  }
0x34: {  	[smem:$0x3FB4] =	sst s10  }
0x35: {  	s10 =	sld [smem:$0x3FB3];
	_ =	sdelay $0x3  }
0x36: {  	p1 =	seq.s32 s10, $0x1;
	s10 =	sld [smem:$0x3FB4];
	_ =	sdelay $0x3  }
0x37: {  	[smem:$0x3FB4] =	sst s10  }
0x38: {  	s10 =	sld [smem:$0x3FB5]  }
0x39: {  	_ = 	snop;
	(pc) =	sbr.ind lr, $3  }
0x3a: {  	_ = 	snop  }
0x3b: {  	_ = 	snop  }
0x3c: {  	p2 =	seq.s32 s10, $0x1;
	s10 =	sld [smem:$0x3FB4]  }
0x3d: {  	_ =	shalt  }
0x3e: {  	_ =	shalt  }
0x3f: {  	_ =	shalt  }
0x40: {  	_ =	shalt  }
0x41: {  	_ =	shalt  }
0x42: {  	_ =	shalt  }
0x43: {  	_ =	shalt  }
0x44: {  	_ =	shalt  }
0x45: {  	_ =	shalt  }
0x46: {  	_ =	shalt  }
0x47: {  	_ =	shalt  }
0x48: {  	_ =	shalt  }
0x49: {  	_ =	shalt  }
0x4a: {  	_ =	shalt  }
0x4b: {  	_ =	shalt  }
0x4c: {  	_ =	shalt  }
0x4d: {  	_ =	shalt  }
0x4e: {  	_ =	shalt  }
0x4f: {  	_ =	shalt  }
0x50: {  	_ =	shalt  }
0x51: {  	_ =	shalt  }
0x52: {  	_ =	shalt  }
0x53: {  	_ =	shalt  }
0x54: {  	_ =	shalt  }
0x55: {  	_ =	shalt  }
0x56: {  	_ =	shalt  }
0x57: {  	_ =	shalt  }
0x58: {  	_ =	shalt  }
0x59: {  	_ =	shalt  }
0x5a: {  	_ =	shalt  }
0x5b: {  	_ =	shalt  }
0x5c: {  	_ =	shalt  }
0x5d: {  	_ =	shalt  }
0x5e: {  	_ =	shalt  }
0x5f: {  	_ =	shalt  }
0x60: {  	_ =	shalt  }
0x61: {  	_ =	shalt  }
0x62: {  	_ =	shalt  }
0x63: {  	_ =	shalt  }
0x64: {  	_ =	shalt  }
0x65: {  	_ =	shalt  }
0x66: {  	_ =	shalt  }
0x67: {  	_ =	shalt  }
0x68: {  	_ =	shalt  }
0x69: {  	_ =	shalt  }
0x6a: {  	_ =	shalt  }
0x6b: {  	_ =	shalt  }
0x6c: {  	_ =	shalt  }
0x6d: {  	_ =	shalt  }
0x6e: {  	_ =	shalt  }
0x6f: {  	_ =	shalt  }
0x70: {  	_ =	shalt  }
0x71: {  	_ =	shalt  }
0x72: {  	_ =	shalt  }
0x73: {  	_ =	shalt  }
0x74: {  	_ =	shalt  }
0x75: {  	_ =	shalt  }
0x76: {  	_ =	shalt  }
0x77: {  	_ =	shalt  }
0x78: {  	_ =	shalt  }
0x79: {  	_ =	shalt  }
0x7a: {  	_ =	shalt  }
0x7b: {  	_ =	shalt  }
0x7c: {  	_ =	shalt  }
0x7d: {  	_ =	shalt  }
0x7e: {  	_ =	shalt  }
0x7f: {  	_ =	shalt  }
0x80: {  	_ =	shalt  }
0x81: {  	_ =	shalt  }
0x82: {  	_ =	shalt  }
0x83: {  	_ =	shalt  }
0x84: {  	_ =	shalt  }
0x85: {  	_ =	shalt  }
0x86: {  	_ =	shalt  }
0x87: {  	_ =	shalt  }
.Lfunc_end0:
.L_simem_size_0:
called_computation.2_lowered:
.L_overlay_start_0:
0x88: {  	s2 =	sld [smem:$0x3FD9]  }
0x89: {  	s3 =	sld [smem:$0x3FFE];
	_ =	sdelay $0x1  }
0x8a: {  	s1 =	srdreg.scid  }
0x8b: {  	s0 =	sand.u32 $0x1, s1  }
0x8c: {  	s17 =	sshll.u32 s0, $0xA;
	s2 =	sadd.s32 s3, s2  }
0x8d: {  	s2 =	sadd.s32 s2, s17  }
0x8e: {  	[smem:$0x3FC0] =	sst s2  }
0x8f: {  	_ = 	snop  }
0x90: {  	s2 =	sld [smem:$0x3FD0];
	(tm) =	ssettm $0x1  }
0x91: {  	s18 =	sld [smem:$0x3FFB];
	_ =	sdelay $0x3  }
0x92: {  	_ =	strace s18  }
0x93: {  	s3 =	sld [smem:$0x3FFC];
	_ =	sdelay $0x3  }
0x94: {  	_ =	strace s3  }
0x95: {  	s3 =	sld [smem:$0x3FFD];
	_ =	sdelay $0x3  }
0x96: {  	_ =	strace s3  }
0x97: {  	_ =	strace $0x8FFFFFFF  }
0x98: {  	s19 =	sld [smem:$0x3FDB];
	_ =	sdelay $0x1  }
0x99: {  	s4 =	simm.s32 $_scs_section_size  }
0x9a: {  	s5 =	simm.s32 $_size__tile_overlayer_lowered;
	s6 =	simm.s32 $_tile_overlayer_lowered  }
0x9b: {  	s22 =	simm.s32 $0x1BFF;
	s21 =	sshll.u32 s6, $0x1;
	s3 =	sadd.s32 s4, s19  }
0x9c: {  	s7 =	simm.s32 $0x0;
	s20 =	sshll.u32 s5, $0x1;
	s5 =	sadd.s32 s21, s3  }
0x9d: {  	[timem:s7], [sflag:s22] =	dma.local [hbm:s5], s20  }
0x9e: {  	_ =	swait.ge [sflag:s22], s20  }
0x9f: {  	s4 =	ssub.s32 $0x0, s20;
	[sflag:s22] =	ssyncset.done $0x0  }
0xa0: {  	[sflag:s22] =	ssyncadd.s32 s4;
	_ =	sdelay $0x1  }
0xa1: {  	s23 =	simm.s32 $0x1B8B  }
0xa2: {  	_ =	swait.ge [sflag:s23], $0x1  }
0xa3: {  	[sflag:s23] =	ssyncset.done $0x0  }
0xa4: {  	s25 =	simm.s32 $0x1B8E;
	s24 =	sld [smem:$0x3FFE];
	[sflag:s23] =	ssyncadd.s32 $0xFFFFFFFF  }
0xa5: {  	s26 =	simm.s32 $execute0_lowered;
	[smem:$0x3FD2] =	sst s25  }
0xa6: {  	s5 =	sshll.u32 s26, $0x1;
	_ =	strace $0x8000004C;
	[dreg:$0x1] =	wrdreg $0xFFFFFFFF  }
0xa7: {  	s28 =	simm.s32 $_size_execute0_lowered;
	s3 =	sadd.s32 s3, s5;
	[dreg:$0x0] =	wrdreg $0x0  }
0xa8: {  	s5 =	sshll.u32 s28, $0x1;
	[dreg:$0x2] =	wrdreg s3  }
0xa9: {  	[dreg:$0x3] =	wrdreg s5  }
0xaa: {  	[dreg:$0x4] =	wrdreg $0xC0  }
0xab: {  	_ =	task [dreg:s7], $0x5FFFF  }
0xac: {  	[dreg:$0x1] =	wrdreg $0xFFFFFFFF  }
0xad: {  	[dreg:$0x0] =	wrdreg $0x60  }
0xae: {  	[dreg:$0x2] =	wrdreg s2  }
0xaf: {  	[dreg:$0x3] =	wrdreg s24  }
0xb0: {  	[dreg:$0x4] =	wrdreg $0x0  }
0xb1: {  	[dreg:$0x5] =	wrdreg $0x9  }
0xb2: {  	_ =	task.clear_ibuf [dreg:s7], $0x6FFFF;
	_ =	strace $0x9000004C  }
0xb3: {  	s29 =	simm.s32 $0x9;
	_ =	strace $0x8000004E  }
0xb4: {  	_ =	swait.ge [sflag:s29], $0x1  }
0xb5: {  	[sflag:s29] =	ssyncadd.s32 $0xFFFFFFFF  }
0xb6: {  	_ =	strace $0x9000004E  }
0xb7: {  	_ =	sfence  }
0xb8: {  	s30 =	sld [smem:$0x0];
	_ =	sdelay $0x2  }
0xb9: {  	s31 =	sshll.u32 s1, $0xD;
	s1 =	sshrl.u32 s1, $0x2  }
0xba: {  	s3 =	sand.u32 $0x4000, s31;
	s1 =	sadd.s32 s1, s30  }
0xbb: {  	s0 =	sor.u32 s3, s0;
	s1 =	sshll.u32 s1, $0x11  }
0xbc: {  	s0 =	sor.u32 s1, s0  }
0xbd: {  	s0 =	sadd.s32 $0x8F2B, s0  }
0xbe: {  	[sflag:s0] =	ssyncadd.remote.s32 $0x1  }
0xbf: {  	_ =	sfence.sel $0xFFFF  }
0xc0: {  	[dreg:$0x0] =	wrdreg $0xFFFFFFFF;
	(pc) =	sbr.abs _section_cstart, $3  }
0xc1: {  	[dreg:$0x1] =	wrdreg $0xFFFFFFFF  }
0xc2: {  	_ =	task.clear_ibuf [dreg:s7], $0x2FFFF;
	_ =	strace $0x9FFFFFFF  }
0xc3: {  	(tm) =	ssettm $0x7FFFFFFF  }
tec
execute0_lowered:
.L_overlay_start_1:
0x0: {  	(tag) =	ssettag $0x1  }
0x1: {  	s1 =	rddreg [dreg:$0x0]  }
0x2: {  	s0 =	rddreg [dreg:$0x1]  }
0x3: {  	s2 =	rddreg [dreg:$0x2];
	s4 =	simm.s32 $0x0;
	s11 =	stileid.u32  }
0x4: {  	s3 =	srdreg.scid;
	s28 =	simm.s32 $0x3;
	s6 =	smul.u32 $0x14000, s11  }
0x5: {  	s29 =	simm.s32 $0x7D;
	s30 =	simm.s32 $0x14400;
	s12 =	smul.u32 $0x50000, s11  }
0x6: {  	s31 =	simm.s32 $0x14C00;
	s3 =	sand.u32 $0x1, s3;
	s22 =	smul.u32 $0xA, s11  }
0x7: {  	[smem:$0x7FF] =	sst s4;
	s7 =	sadd.s32 $0xC000, s0;
	s5 =	smul.u32 $0x140000, s3  }
0x8: {  	s8 =	sadd.s32 $0x2000, s0;
	_ =	strace $0x8000004D;
	s19 =	smul.u32 $0xA0, s3  }
0x9: {  	s9 =	sshll.u32 s3, $0x4;
	s25 =	ssub.s32 $0x2, s3;
	s3 =	smul.u32 $0x5000, s3  }
0xa: {  	s9 =	sor.u32 s11, s9;
	s10 =	sshrl.u32 s25, $0x1;
	s5 =	sadd.s32 s6, s5  }
0xb: {  	s9 =	smul.u32 $0x500, s9;
	s26 =	ssub.s32 s25, s10;
	s6 =	sshrl.u32 s12, $0x2  }
0xc: {  	s25 =	smul.u32 $0x500, s11;
	s12 =	simm.s32 $0x14600;
	s16 =	smax.u32 s26, $0x1  }
0xd: {  	s10 =	simm.s32 $0x14F00;
	s6 =	sadd.s32 s6, s2;
	[dreg:$0xa] =	wrdreg s16  }
0xe: {  	s5 =	sshrl.u32 s5, $0x3;
	s13 =	sadd.s32 s7, s9;
	[dreg:$0x9] =	wrdreg s6  }
0xf: {  	s26 =	sadd.s32 s3, s8;
	s14 =	sadd.s32 s8, s9;
	[dreg:$0x4] =	wrdreg s13  }
0x10: {  	s3 =	sadd.s32 s3, s7;
	s17 =	sadd.s32 $0x2800, s6;
	[dreg:$0x5] =	wrdreg s14  }
0x11: {  	s0 =	sadd.s32 s5, s0;
	s18 =	sadd.s32 $0x5000, s6;
	[dreg:$0xb] =	wrdreg s17  }
0x12: {  	s9 =	sor.u32 $0x80, s9;
	s20 =	sadd.s32 $0x7800, s6;
	[dreg:$0xc] =	wrdreg s18  }
0x13: {  	s21 =	sadd.s32 $0xA000, s6;
	s23 =	sadd.s32 $0xC800, s6;
	[dreg:$0xd] =	wrdreg s20  }
0x14: {  	s24 =	sadd.s32 $0xF000, s6;
	s6 =	sadd.s32 $0x11800, s6;
	[dreg:$0xe] =	wrdreg s21  }
0x15: {  	s5 =	sadd.s32 s25, s26;
	s3 =	sadd.s32 s25, s3;
	[dreg:$0xf] =	wrdreg s23  }
0x16: {  	s16 =	simm.s32 $0x14700;
	s15 =	sadd.s32 s7, s9;
	[dreg:$0x10] =	wrdreg s24  }
0x17: {  	s9 =	sadd.s32 s8, s9;
	s0 =	sadd.s32 $0x16000, s0;
	[dreg:$0x11] =	wrdreg s6  }
0x18: {  	s20 =	sadd.s32 $0x180, s3;
	s23 =	simm.s32 $0x15000;
	s24 =	simm.s32 $0x5  }
0x19: {  	s3 =	simm.s32 $0x19000;
	s13 =	simm.s32 $0x14D80;
	s14 =	simm.s32 $0x14680  }
0x1a: {  	s17 =	simm.s32 $0x14E80;
	s18 =	simm.s32 $0x14780;
	[dreg:$0x6] =	wrdreg s15  }
.Ltmp0:
0x1b: {  	[dreg:$0x8] =	wrdreg s0;
	s0 =	sadd.s32 s22, s19;
	(pc) =	sbr.rel .LBB2_1-.Ltmp0, $4  }
0x1c: {  	s6 =	simm.s32 $0x14F80;
	[dreg:$0x7] =	wrdreg s9;
	s0 =	sshll.u32 s0, $0x7  }
0x1d: {  	s19 =	sadd.s32 $0x180, s5;
	s5 =	simm.s32 $0x1;
	s0 =	sadd.s32 $0x100, s0  }
0x1e: {  	s15 =	simm.s32 $0x14E00;
	s9 =	simm.s32 $0x0;
	s21 =	sadd.s32 s0, s7  }
0x1f: {  	v0 =	vimm.f32 $0.0e+00;
	s22 =	sadd.s32 s0, s8;
	s7 =	simm.s32 $0x2;
	s0 =	simm.s32 $0x4  }
.LBB2_6:
0x20: {  	_ =	swait.ge [sflag:s7], $0x3E80  }
0x21: {  	[sflag:s7] =	ssyncset.done $0x0  }
0x22: {  	[sflag:s7] =	ssyncadd.s32 $0xFFFFC180  }
0x23: {  	[spmem:s2] =	stream.indirect.scatter.add.f32 [tilespmem:s3], [sflag:$0x5], $0x80, s6, s29, $0xb8;
	[tilespmem:$0x1D000] =	vst v63  }
0x24: {  	_ =	swait.ge [sflag:s24], $0x3E80  }
0x25: {  	[sflag:s24] =	ssyncset.done $0x0  }
0x26: {  	[sflag:s24] =	ssyncadd.s32 $0xFFFFC180  }
0x27: {  	s8 =	stileid.u32;
	[bflag:$0x0] =	sbarrier.arrive $0xFFFF  }
0x28: {  	s8 =	sshll.u32 s8, $0x6;
	s9 =	rddreg [dreg:$0x9]  }
0x29: {  	s8 =	sor.u32 $0x1C05, s8;
	s25 =	rddreg [dreg:$0x8];
	s9 =	sshrl.u32 s9, $0x3  }
0x2a: {  	[hbm:s25], [sflag:s8] =	dma.local [spmem:s9], $0x2800  }
0x2b: {  	_ =	swait.ge [sflag:s24], $0x2800  }
0x2c: {  	s25 =	rddreg [dreg:$0x12]  }
0x2d: {  	s26 =	rddreg [dreg:$0xa];
	s9 =	sadd.s32 $0x1, s25  }
0x2e: {  	p0 =	sne.s32 s9, s26  }
.Ltmp1:
0x2f: {  	_ = 	snop;
	(pc) =	sbr.rel @!p0 .LBB2_7-.Ltmp1, $3  }
0x30: {  	_ =	sdelay $0x1  }
0x31: {  	[sflag:s24] =	ssyncset.done $0x0  }
0x32: {  	[sflag:s24] =	ssyncadd.s32 $0xFFFFD800  }
.LBB2_1:
0x33: {  	[dreg:$0x12] =	wrdreg s9;
	s25 =	simm.s32 $0x70;
	s26 =	simm.s32 $0x3C0  }
.LBB2_2:
0x34: {  	p0 =	sne.s32 s26, $0xF9C0;
	[tilespmem:s25+$0x15000] =	vst v0  }
0x35: {  	[tilespmem:s25+$0x14F90] =	vst v0  }
0x36: {  	[tilespmem:s25+$0x14FA0] =	vst v0  }
.Ltmp2:
0x37: {  	[tilespmem:s25+$0x14FB0] =	vst v0;
	(pc) =	sbr.rel @p0 .LBB2_2-.Ltmp2, $4  }
0x38: {  	[tilespmem:s25+$0x14FC0] =	vst v0  }
0x39: {  	[tilespmem:s25+$0x14FD0] =	vst v0  }
0x3a: {  	[tilespmem:s25+$0x14FE0] =	vst v0  }
0x3b: {  	[tilespmem:s25+$0x14FF0] =	vst v0;
	s25 =	sshra.s32 s26, $0x2;
	s26 =	sadd.s32 $0x200, s26  }
0x3c: {  	[tilespmem:s25+$0x15000] =	vst v0  }
0x3d: {  	[tilespmem:s25+$0x14F90] =	vst v0  }
0x3e: {  	[tilespmem:s25+$0x14FA0] =	vst v0  }
0x3f: {  	[tilespmem:s25+$0x14FB0] =	vst v0  }
0x40: {  	[tilespmem:s25+$0x14FC0] =	vst v0  }
0x41: {  	[tilespmem:s25+$0x14FD0] =	vst v0  }
0x42: {  	[tilespmem:s25+$0x14FE0] =	vst v0  }
0x43: {  	[tilespmem:s25+$0x14FF0] =	vst v0;
	s8 =	rddreg [dreg:$0x9]  }
0x44: {  	[spmem:s8] =	stream.linear.scatter [tilespmem:s23], [sflag:$0x5], $0x2800, $0x38;
	[tilespmem:$0x1D000] =	vst v63  }
0x45: {  	_ =	swait.ge [sflag:s24], $0x2800  }
0x46: {  	[sflag:s24] =	ssyncset.done $0x0  }
0x47: {  	s25 =	rddreg [dreg:$0xb];
	[sflag:s24] =	ssyncadd.s32 $0xFFFFD800  }
0x48: {  	[spmem:s25] =	stream.linear.scatter [tilespmem:s23], [sflag:$0x5], $0x2800, $0x38;
	[tilespmem:$0x1D000] =	vst v63  }
0x49: {  	_ =	swait.ge [sflag:s24], $0x2800  }
0x4a: {  	[sflag:s24] =	ssyncset.done $0x0  }
0x4b: {  	s26 =	rddreg [dreg:$0xc];
	[sflag:s24] =	ssyncadd.s32 $0xFFFFD800  }
0x4c: {  	[spmem:s26] =	stream.linear.scatter [tilespmem:s23], [sflag:$0x5], $0x2800, $0x38;
	[tilespmem:$0x1D000] =	vst v63  }
0x4d: {  	_ =	swait.ge [sflag:s24], $0x2800  }
0x4e: {  	[sflag:s24] =	ssyncset.done $0x0  }
0x4f: {  	s9 =	rddreg [dreg:$0xd];
	[sflag:s24] =	ssyncadd.s32 $0xFFFFD800  }
0x50: {  	[spmem:s9] =	stream.linear.scatter [tilespmem:s23], [sflag:$0x5], $0x2800, $0x38;
	[tilespmem:$0x1D000] =	vst v63  }
0x51: {  	_ =	swait.ge [sflag:s24], $0x2800  }
0x52: {  	[sflag:s24] =	ssyncset.done $0x0  }
0x53: {  	s11 =	rddreg [dreg:$0xe];
	[sflag:s24] =	ssyncadd.s32 $0xFFFFD800  }
0x54: {  	[spmem:s11] =	stream.linear.scatter [tilespmem:s23], [sflag:$0x5], $0x2800, $0x38;
	[tilespmem:$0x1D000] =	vst v63  }
0x55: {  	_ =	swait.ge [sflag:s24], $0x2800  }
0x56: {  	[sflag:s24] =	ssyncset.done $0x0  }
0x57: {  	s25 =	rddreg [dreg:$0xf];
	[sflag:s24] =	ssyncadd.s32 $0xFFFFD800  }
0x58: {  	[spmem:s25] =	stream.linear.scatter [tilespmem:s23], [sflag:$0x5], $0x2800, $0x38;
	[tilespmem:$0x1D000] =	vst v63  }
0x59: {  	_ =	swait.ge [sflag:s24], $0x2800  }
0x5a: {  	[sflag:s24] =	ssyncset.done $0x0  }
0x5b: {  	s26 =	rddreg [dreg:$0x10];
	[sflag:s24] =	ssyncadd.s32 $0xFFFFD800  }
0x5c: {  	[spmem:s26] =	stream.linear.scatter [tilespmem:s23], [sflag:$0x5], $0x2800, $0x38;
	[tilespmem:$0x1D000] =	vst v63  }
0x5d: {  	_ =	swait.ge [sflag:s24], $0x2800  }
0x5e: {  	[sflag:s24] =	ssyncset.done $0x0  }
0x5f: {  	s9 =	rddreg [dreg:$0x11];
	[sflag:s24] =	ssyncadd.s32 $0xFFFFD800  }
0x60: {  	[spmem:s9] =	stream.linear.scatter [tilespmem:s23], [sflag:$0x5], $0x2800, $0x38;
	[tilespmem:$0x1D000] =	vst v63  }
0x61: {  	_ =	swait.ge [sflag:s24], $0x2800  }
0x62: {  	[sflag:s24] =	ssyncset.done $0x0  }
0x63: {  	[sflag:s24] =	ssyncadd.s32 $0xFFFFD800  }
0x64: {  	[bflag:$0x0] =	sbarrier.arrive $0xFFFF  }
0x65: {  	s25 =	simm.s32 $0x0;
	s9 =	simm.s32 $0x14000;
	s11 =	rddreg [dreg:$0x4]  }
0x66: {  	[tilespmem:s9], [sflag:$0x3] =	stream.linear.gather [hbm4b:s11+s25], $0x400, $0x38;
	[tilespmem:$0x1D000] =	vst v63  }
0x67: {  	s26 =	rddreg [dreg:$0x5];
	s11 =	simm.s32 $0x14800  }
0x68: {  	[tilespmem:s11], [sflag:$0x3] =	stream.linear.gather [hbm4b:s26+s25], $0x400, $0x38;
	[tilespmem:$0x1D000] =	vst v63  }
0x69: {  	_ =	swait.ge [sflag:s28], $0x400  }
0x6a: {  	[sflag:s28] =	ssyncset.done $0x0  }
0x6b: {  	[sflag:s28] =	ssyncadd.s32 $0xFFFFFC00  }
0x6c: {  	_ =	swait.ge [sflag:s28], $0x400  }
0x6d: {  	[sflag:s28] =	ssyncset.done $0x0  }
0x6e: {  	[sflag:s28] =	ssyncadd.s32 $0xFFFFFC00  }
0x6f: {  	[tilespmem:s23], [sflag:$0x1] =	stream.indirect.gather [hbm4b:s1+s29], $0x80, s9, s29, $0xb8;
	[tilespmem:$0x1D000] =	vst v63  }
0x70: {  	s9 =	rddreg [dreg:$0x6]  }
0x71: {  	[tilespmem:s30], [sflag:$0x4] =	stream.linear.gather [hbm4b:s9+s25], $0x400, $0x38;
	[tilespmem:$0x1D000] =	vst v63  }
0x72: {  	s11 =	simm.s32 $0x14000;
	s26 =	rddreg [dreg:$0x7]  }
0x73: {  	[tilespmem:s31], [sflag:$0x4] =	stream.linear.gather [hbm4b:s26+s25], $0x400, $0x38;
	[tilespmem:$0x1D000] =	vst v63  }
.LBB2_4:
0x74: {  	s8 =	simm.s32 $0x14080  }
0x75: {  	[tilespmem:s3], [sflag:$0x2] =	stream.indirect.gather [hbm4b:s1+s29], $0x80, s8, s29, $0xb8;
	[tilespmem:$0x1D000] =	vst v63  }
0x76: {  	_ =	swait.ge [sflag:s5], $0x3E80  }
0x77: {  	[sflag:s5] =	ssyncset.done $0x0  }
0x78: {  	s26 =	simm.s32 $0x14800;
	[sflag:s5] =	ssyncadd.s32 $0xFFFFC180  }
0x79: {  	[spmem:s2] =	stream.indirect.scatter.add.f32 [tilespmem:s23], [sflag:$0x5], $0x80, s26, s29, $0xb8;
	[tilespmem:$0x1D000] =	vst v63  }
0x7a: {  	_ =	swait.ge [sflag:s24], $0x3E80  }
0x7b: {  	[sflag:s24] =	ssyncset.done $0x0  }
0x7c: {  	s9 =	simm.s32 $0x14100;
	[sflag:s24] =	ssyncadd.s32 $0xFFFFC180  }
0x7d: {  	[tilespmem:s23], [sflag:$0x1] =	stream.indirect.gather [hbm4b:s1+s29], $0x80, s9, s29, $0xb8;
	[tilespmem:$0x1D000] =	vst v63  }
0x7e: {  	_ =	swait.ge [sflag:s7], $0x3E80  }
0x7f: {  	[sflag:s7] =	ssyncset.done $0x0  }
0x80: {  	s26 =	simm.s32 $0x14880;
	[sflag:s7] =	ssyncadd.s32 $0xFFFFC180  }
0x81: {  	[spmem:s2] =	stream.indirect.scatter.add.f32 [tilespmem:s3], [sflag:$0x5], $0x80, s26, s29, $0xb8;
	[tilespmem:$0x1D000] =	vst v63  }
0x82: {  	_ =	swait.ge [sflag:s24], $0x3E80  }
0x83: {  	[sflag:s24] =	ssyncset.done $0x0  }
0x84: {  	s9 =	simm.s32 $0x14180;
	[sflag:s24] =	ssyncadd.s32 $0xFFFFC180  }
0x85: {  	[tilespmem:s3], [sflag:$0x2] =	stream.indirect.gather [hbm4b:s1+s29], $0x80, s9, s29, $0xb8;
	[tilespmem:$0x1D000] =	vst v63  }
0x86: {  	_ =	swait.ge [sflag:s5], $0x3E80  }
0x87: {  	[sflag:s5] =	ssyncset.done $0x0  }
0x88: {  	s26 =	simm.s32 $0x14900;
	[sflag:s5] =	ssyncadd.s32 $0xFFFFC180  }
0x89: {  	[spmem:s2] =	stream.indirect.scatter.add.f32 [tilespmem:s23], [sflag:$0x5], $0x80, s26, s29, $0xb8;
	[tilespmem:$0x1D000] =	vst v63  }
0x8a: {  	_ =	swait.ge [sflag:s24], $0x3E80  }
0x8b: {  	[sflag:s24] =	ssyncset.done $0x0  }
0x8c: {  	s9 =	simm.s32 $0x14200;
	[sflag:s24] =	ssyncadd.s32 $0xFFFFC180  }
0x8d: {  	[tilespmem:s23], [sflag:$0x1] =	stream.indirect.gather [hbm4b:s1+s29], $0x80, s9, s29, $0xb8;
	[tilespmem:$0x1D000] =	vst v63  }
0x8e: {  	_ =	swait.ge [sflag:s7], $0x3E80  }
0x8f: {  	[sflag:s7] =	ssyncset.done $0x0  }
0x90: {  	s26 =	simm.s32 $0x14980;
	[sflag:s7] =	ssyncadd.s32 $0xFFFFC180  }
0x91: {  	[spmem:s2] =	stream.indirect.scatter.add.f32 [tilespmem:s3], [sflag:$0x5], $0x80, s26, s29, $0xb8;
	[tilespmem:$0x1D000] =	vst v63  }
0x92: {  	_ =	swait.ge [sflag:s24], $0x3E80  }
0x93: {  	[sflag:s24] =	ssyncset.done $0x0  }
0x94: {  	s9 =	simm.s32 $0x14280;
	[sflag:s24] =	ssyncadd.s32 $0xFFFFC180  }
0x95: {  	[tilespmem:s3], [sflag:$0x2] =	stream.indirect.gather [hbm4b:s1+s29], $0x80, s9, s29, $0xb8;
	[tilespmem:$0x1D000] =	vst v63  }
0x96: {  	_ =	swait.ge [sflag:s5], $0x3E80  }
0x97: {  	[sflag:s5] =	ssyncset.done $0x0  }
0x98: {  	s26 =	simm.s32 $0x14A00;
	[sflag:s5] =	ssyncadd.s32 $0xFFFFC180  }
0x99: {  	[spmem:s2] =	stream.indirect.scatter.add.f32 [tilespmem:s23], [sflag:$0x5], $0x80, s26, s29, $0xb8;
	[tilespmem:$0x1D000] =	vst v63  }
0x9a: {  	_ =	swait.ge [sflag:s24], $0x3E80  }
0x9b: {  	[sflag:s24] =	ssyncset.done $0x0  }
0x9c: {  	s9 =	simm.s32 $0x14300;
	[sflag:s24] =	ssyncadd.s32 $0xFFFFC180  }
0x9d: {  	[tilespmem:s23], [sflag:$0x1] =	stream.indirect.gather [hbm4b:s1+s29], $0x80, s9, s29, $0xb8;
	[tilespmem:$0x1D000] =	vst v63  }
0x9e: {  	_ =	swait.ge [sflag:s7], $0x3E80  }
0x9f: {  	[sflag:s7] =	ssyncset.done $0x0  }
0xa0: {  	s26 =	simm.s32 $0x14A80;
	[sflag:s7] =	ssyncadd.s32 $0xFFFFC180  }
0xa1: {  	[spmem:s2] =	stream.indirect.scatter.add.f32 [tilespmem:s3], [sflag:$0x5], $0x80, s26, s29, $0xb8;
	[tilespmem:$0x1D000] =	vst v63  }
0xa2: {  	_ =	swait.ge [sflag:s24], $0x3E80  }
0xa3: {  	[sflag:s24] =	ssyncset.done $0x0  }
0xa4: {  	s9 =	simm.s32 $0x14380;
	[sflag:s24] =	ssyncadd.s32 $0xFFFFC180  }
0xa5: {  	[tilespmem:s3], [sflag:$0x2] =	stream.indirect.gather [hbm4b:s1+s29], $0x80, s9, s29, $0xb8;
	[tilespmem:$0x1D000] =	vst v63  }
0xa6: {  	_ =	swait.ge [sflag:s5], $0x3E80  }
0xa7: {  	[sflag:s5] =	ssyncset.done $0x0  }
0xa8: {  	s26 =	simm.s32 $0x14B00;
	[sflag:s5] =	ssyncadd.s32 $0xFFFFC180  }
0xa9: {  	[spmem:s2] =	stream.indirect.scatter.add.f32 [tilespmem:s23], [sflag:$0x5], $0x80, s26, s29, $0xb8;
	[tilespmem:$0x1D000] =	vst v63  }
0xaa: {  	_ =	swait.ge [sflag:s24], $0x3E80  }
0xab: {  	[sflag:s24] =	ssyncset.done $0x0  }
0xac: {  	[sflag:s24] =	ssyncadd.s32 $0xFFFFC180  }
0xad: {  	_ =	swait.ge [sflag:s0], $0x400  }
0xae: {  	[sflag:s0] =	ssyncset.done $0x0  }
0xaf: {  	[sflag:s0] =	ssyncadd.s32 $0xFFFFFC00  }
0xb0: {  	_ =	swait.ge [sflag:s0], $0x400  }
0xb1: {  	[sflag:s0] =	ssyncset.done $0x0  }
0xb2: {  	[sflag:s0] =	ssyncadd.s32 $0xFFFFFC00  }
0xb3: {  	[tilespmem:s23], [sflag:$0x1] =	stream.indirect.gather [hbm4b:s1+s29], $0x80, s30, s29, $0xb8;
	[tilespmem:$0x1D000] =	vst v63  }
0xb4: {  	_ =	swait.ge [sflag:s7], $0x3E80  }
0xb5: {  	[sflag:s7] =	ssyncset.done $0x0  }
0xb6: {  	s9 =	simm.s32 $0x14B80;
	[sflag:s7] =	ssyncadd.s32 $0xFFFFC180  }
0xb7: {  	[spmem:s2] =	stream.indirect.scatter.add.f32 [tilespmem:s3], [sflag:$0x5], $0x80, s9, s29, $0xb8;
	[tilespmem:$0x1D000] =	vst v63  }
0xb8: {  	p0 =	seq.s32 s25, $0x400;
	_ =	swait.ge [sflag:s24], $0x3E80  }
0xb9: {  	s8 =	simm.s32 @!p0 $0x0;
	[sflag:s24] =	ssyncset.done $0x0  }
0xba: {  	s26 =	sadd.s32 @!p0 s25, s21;
	s9 =	simm.s32 @!p0 $0x14000;
	[sflag:s24] =	ssyncadd.s32 $0xFFFFC180  }
0xbb: {  	[tilespmem:s9], [sflag:$0x3] =	stream.linear.gather @!p0 [hbm4b:s26+s8], $0x400, $0x38;
	[tilespmem:$0x1D000] =	vst v63  }
0xbc: {  	s9 =	sadd.s32 @!p0 s25, s22;
	s26 =	simm.s32 @!p0 $0x14800  }
0xbd: {  	[tilespmem:s26], [sflag:$0x3] =	stream.linear.gather @!p0 [hbm4b:s9+s8], $0x400, $0x38;
	[tilespmem:$0x1D000] =	vst v63  }
0xbe: {  	s26 =	simm.s32 $0x14480  }
0xbf: {  	[tilespmem:s3], [sflag:$0x2] =	stream.indirect.gather [hbm4b:s1+s29], $0x80, s26, s29, $0xb8;
	[tilespmem:$0x1D000] =	vst v63  }
0xc0: {  	_ =	swait.ge [sflag:s5], $0x3E80  }
0xc1: {  	[sflag:s5] =	ssyncset.done $0x0  }
0xc2: {  	[sflag:s5] =	ssyncadd.s32 $0xFFFFC180  }
0xc3: {  	[spmem:s2] =	stream.indirect.scatter.add.f32 [tilespmem:s23], [sflag:$0x5], $0x80, s31, s29, $0xb8;
	[tilespmem:$0x1D000] =	vst v63  }
0xc4: {  	_ =	swait.ge [sflag:s24], $0x3E80  }
0xc5: {  	[sflag:s24] =	ssyncset.done $0x0  }
0xc6: {  	s9 =	simm.s32 $0x14500;
	[sflag:s24] =	ssyncadd.s32 $0xFFFFC180  }
0xc7: {  	[tilespmem:s23], [sflag:$0x1] =	stream.indirect.gather [hbm4b:s1+s29], $0x80, s9, s29, $0xb8;
	[tilespmem:$0x1D000] =	vst v63  }
0xc8: {  	_ =	swait.ge [sflag:s7], $0x3E80  }
0xc9: {  	[sflag:s7] =	ssyncset.done $0x0  }
0xca: {  	s26 =	simm.s32 $0x14C80;
	[sflag:s7] =	ssyncadd.s32 $0xFFFFC180  }
0xcb: {  	[spmem:s2] =	stream.indirect.scatter.add.f32 [tilespmem:s3], [sflag:$0x5], $0x80, s26, s29, $0xb8;
	[tilespmem:$0x1D000] =	vst v63  }
0xcc: {  	_ =	swait.ge [sflag:s24], $0x3E80  }
0xcd: {  	[sflag:s24] =	ssyncset.done $0x0  }
0xce: {  	s9 =	simm.s32 $0x14580;
	[sflag:s24] =	ssyncadd.s32 $0xFFFFC180  }
0xcf: {  	[tilespmem:s3], [sflag:$0x2] =	stream.indirect.gather [hbm4b:s1+s29], $0x80, s9, s29, $0xb8;
	[tilespmem:$0x1D000] =	vst v63  }
0xd0: {  	_ =	swait.ge [sflag:s5], $0x3E80  }
0xd1: {  	[sflag:s5] =	ssyncset.done $0x0  }
0xd2: {  	s26 =	simm.s32 $0x14D00;
	[sflag:s5] =	ssyncadd.s32 $0xFFFFC180  }
0xd3: {  	[spmem:s2] =	stream.indirect.scatter.add.f32 [tilespmem:s23], [sflag:$0x5], $0x80, s26, s29, $0xb8;
	[tilespmem:$0x1D000] =	vst v63  }
0xd4: {  	_ =	swait.ge [sflag:s24], $0x3E80  }
0xd5: {  	[sflag:s24] =	ssyncset.done $0x0  }
0xd6: {  	[sflag:s24] =	ssyncadd.s32 $0xFFFFC180  }
0xd7: {  	[tilespmem:s23], [sflag:$0x1] =	stream.indirect.gather [hbm4b:s1+s29], $0x80, s12, s29, $0xb8;
	[tilespmem:$0x1D000] =	vst v63  }
0xd8: {  	_ =	swait.ge [sflag:s7], $0x3E80  }
0xd9: {  	[sflag:s7] =	ssyncset.done $0x0  }
0xda: {  	[sflag:s7] =	ssyncadd.s32 $0xFFFFC180  }
0xdb: {  	[spmem:s2] =	stream.indirect.scatter.add.f32 [tilespmem:s3], [sflag:$0x5], $0x80, s13, s29, $0xb8;
	[tilespmem:$0x1D000] =	vst v63  }
0xdc: {  	_ =	swait.ge [sflag:s24], $0x3E80  }
0xdd: {  	[sflag:s24] =	ssyncset.done $0x0  }
0xde: {  	[sflag:s24] =	ssyncadd.s32 $0xFFFFC180  }
0xdf: {  	[tilespmem:s3], [sflag:$0x2] =	stream.indirect.gather [hbm4b:s1+s29], $0x80, s14, s29, $0xb8;
	[tilespmem:$0x1D000] =	vst v63  }
0xe0: {  	_ =	swait.ge [sflag:s5], $0x3E80  }
0xe1: {  	[sflag:s5] =	ssyncset.done $0x0  }
0xe2: {  	[sflag:s5] =	ssyncadd.s32 $0xFFFFC180  }
0xe3: {  	[spmem:s2] =	stream.indirect.scatter.add.f32 [tilespmem:s23], [sflag:$0x5], $0x80, s15, s29, $0xb8;
	[tilespmem:$0x1D000] =	vst v63  }
0xe4: {  	_ =	swait.ge [sflag:s24], $0x3E80  }
0xe5: {  	[sflag:s24] =	ssyncset.done $0x0  }
0xe6: {  	[sflag:s24] =	ssyncadd.s32 $0xFFFFC180  }
0xe7: {  	[tilespmem:s23], [sflag:$0x1] =	stream.indirect.gather [hbm4b:s1+s29], $0x80, s16, s29, $0xb8;
	[tilespmem:$0x1D000] =	vst v63  }
0xe8: {  	_ =	swait.ge [sflag:s7], $0x3E80  }
0xe9: {  	[sflag:s7] =	ssyncset.done $0x0  }
0xea: {  	[sflag:s7] =	ssyncadd.s32 $0xFFFFC180  }
0xeb: {  	[spmem:s2] =	stream.indirect.scatter.add.f32 [tilespmem:s3], [sflag:$0x5], $0x80, s17, s29, $0xb8;
	[tilespmem:$0x1D000] =	vst v63  }
0xec: {  	_ =	swait.ge [sflag:s24], $0x3E80  }
0xed: {  	[sflag:s24] =	ssyncset.done $0x0  }
0xee: {  	[sflag:s24] =	ssyncadd.s32 $0xFFFFC180  }
0xef: {  	[tilespmem:s3], [sflag:$0x2] =	stream.indirect.gather [hbm4b:s1+s29], $0x80, s18, s29, $0xb8;
	[tilespmem:$0x1D000] =	vst v63  }
0xf0: {  	_ =	swait.ge [sflag:s5], $0x3E80  }
0xf1: {  	[sflag:s5] =	ssyncset.done $0x0  }
.Ltmp3:
0xf2: {  	[sflag:s5] =	ssyncadd.s32 $0xFFFFC180;
	(pc) =	sbr.rel @p0 .LBB2_6-.Ltmp3, $4  }
0xf3: {  	[spmem:s2] =	stream.indirect.scatter.add.f32 [tilespmem:s23], [sflag:$0x5], $0x80, s10, s29, $0xb8;
	[tilespmem:$0x1D000] =	vst v63  }
0xf4: {  	_ =	swait.ge [sflag:s24], $0x3E80  }
0xf5: {  	[sflag:s24] =	ssyncset.done $0x0  }
0xf6: {  	[sflag:s24] =	ssyncadd.s32 $0xFFFFC180  }
0xf7: {  	_ =	swait.ge [sflag:s28], $0x400  }
0xf8: {  	[sflag:s28] =	ssyncset.done $0x0  }
0xf9: {  	[sflag:s28] =	ssyncadd.s32 $0xFFFFFC00  }
0xfa: {  	_ =	swait.ge [sflag:s28], $0x400  }
0xfb: {  	[sflag:s28] =	ssyncset.done $0x0  }
0xfc: {  	[sflag:s28] =	ssyncadd.s32 $0xFFFFFC00  }
0xfd: {  	[tilespmem:s23], [sflag:$0x1] =	stream.indirect.gather [hbm4b:s1+s29], $0x80, s11, s29, $0xb8;
	[tilespmem:$0x1D000] =	vst v63  }
0xfe: {  	_ =	swait.ge [sflag:s7], $0x3E80  }
0xff: {  	[sflag:s7] =	ssyncset.done $0x0  }
0x100: {  	[sflag:s7] =	ssyncadd.s32 $0xFFFFC180  }
0x101: {  	[spmem:s2] =	stream.indirect.scatter.add.f32 [tilespmem:s3], [sflag:$0x5], $0x80, s6, s29, $0xb8;
	[tilespmem:$0x1D000] =	vst v63  }
0x102: {  	_ =	swait.ge [sflag:s24], $0x3E80  }
.Ltmp4:
0x103: {  	[sflag:s24] =	ssyncset.done $0x0;
	(pc) =	sbr.rel .LBB2_4-.Ltmp4, $4  }
0x104: {  	s8 =	sadd.s32 s25, s20;
	[sflag:s24] =	ssyncadd.s32 $0xFFFFC180  }
0x105: {  	[tilespmem:s30], [sflag:$0x4] =	stream.linear.gather [hbm4b:s8+s4], $0x400, $0x38;
	[tilespmem:$0x1D000] =	vst v63  }
0x106: {  	s26 =	sadd.s32 s25, s19;
	s25 =	sadd.s32 $0x100, s25  }
0x107: {  	[tilespmem:s31], [sflag:$0x4] =	stream.linear.gather [hbm4b:s26+s4], $0x400, $0x38;
	[tilespmem:$0x1D000] =	vst v63  }
.LBB2_7:
0x108: {  	_ =	sfence.sel $0x180000  }
0x109: {  	[bflag:$0x0] =	sbarrier.arrive $0xFFFF  }
0x10a: {  	_ =	strace $0x9000004D  }
0x10b: {  	s0 =	stileid.u32;
	[bflag:$0x2] =	sbarrier.arrive $0xFFFF  }
0x10c: {  	p0 =	sne.s32 s0, $0x0;
	s0 =	rddreg [dreg:$0x3]  }
0x10d: {  	s0 =	sadd.s32 @!p0 $0x100000, s0  }
0x10e: {  	[sflag:s0] =	ssyncadd.tile.s32 @!p0 $0x1;
	_ =	shalt  }
.Lfunc_end2:
_tile_overlayer_lowered:
.L_overlay_start_2:
0x10f: {  	(tag) =	ssettag $0x2  }
0x110: {  	s0 =	rddreg [dreg:$0x0];
	s2 =	stileid.u32  }
0x111: {  	s1 =	rddreg [dreg:$0x1];
	p0 =	sne.s32 s2, $0x0  }
0x112: {  	s3 =	rddreg [dreg:$0x2];
	[bflag:$0x3] =	sbarrier.arrive $0xFFFF;
	s2 =	simm.s32 @!p0 $0x1C05  }
0x113: {  	[timem:s3], [sflag:s2] =	dma.local @!p0 [hbm:s0], s1  }
0x114: {  	s0 =	simm.s32 @!p0 $0x5  }
0x115: {  	_ =	swait.ge @!p0 [sflag:s0], s1  }
0x116: {  	s1 =	ssub.s32 @!p0 $0x0, s1;
	[sflag:s0] =	ssyncset.done @!p0 $0x0  }
0x117: {  	[sflag:s0] =	ssyncadd.s32 @!p0 s1  }
0x118: {  	[bflag:$0x3] =	sbarrier.arrive $0xFFFF  }
0x119: {  	_ =	shalt  }

// kernel: kernel.7.cloned.1.call-start
scs
__scs_entry_jumppad:
0x0: {  	(pc) =	sbr.rel $0x88, $3  }
0x1: {  	(tag) =	ssettag $0x0;
	lr =	simm.s32 $0x1  }
0x2: {  	[smem:$0x3F99] =	sst lr;
	_ =	strace $0xD0000000  }
0x3: {  	_ = 	snop  }
0x4: {  	_ = 	snop  }
0x5: {  	_ = 	snop  }
0x6: {  	_ = 	snop  }
0x7: {  	_ = 	snop  }
__scs_overlays_trampoline_lowered:
0x8: {  	[smem:$0x3FA8] =	sst s0  }
0x9: {  	[smem:$0x3FA9] =	sst s1  }
0xa: {  	[smem:$0x3FAA] =	sst s2  }
0xb: {  	[smem:$0x3FAB] =	sst s3  }
0xc: {  	[smem:$0x3FAC] =	sst s4  }
0xd: {  	[smem:$0x3FAD] =	sst s5  }
0xe: {  	[smem:$0x3FAE] =	sst s6  }
0xf: {  	[smem:$0x3FAF] =	sst s7  }
0x10: {  	[smem:$0x3FB0] =	sst s8  }
0x11: {  	[smem:$0x3FB1] =	sst s9;
	s0 =	simm.s32 @!p0 $0x0  }
0x12: {  	s1 =	sld [smem:$0x3F97];
	s0 =	simm.s32 @p0 $0x1  }
0x13: {  	[smem:$0x3FB2] =	sst s0;
	s0 =	simm.s32 @!p1 $0x0  }
0x14: {  	s2 =	sld [smem:$0x3F96];
	s0 =	simm.s32 @p1 $0x1  }
0x15: {  	[smem:$0x3FB3] =	sst s0;
	s0 =	simm.s32 @!p2 $0x0  }
0x16: {  	s3 =	sld [smem:$0x3FDB];
	s0 =	simm.s32 @p2 $0x1  }
0x17: {  	s4 =	simm.s32 $0x1BF5;
	[smem:$0x3FB5] =	sst s0  }
0x18: {  	s0 =	sld [smem:$0x3F98];
	_ =	swait.ge [sflag:s4], $0x0  }
0x19: {  	s7 =	sld [smem:$0x3F99]  }
0x1a: {  	s8 =	sadd.s32 $0xFFFFE003, lr  }
0x1b: {  	s9 =	sadd.s32 $0xFFFFFEF7, lr;
	s5 =	simm.s32 $0xFFFFFFFF;
	p2 =	slt.u32 s8, $0xFFFFF086  }
0x1c: {  	p1 =	slt.u32 s9, $0xF7A;
	s5 =	simm.s32 @!p2 $0x0  }
0x1d: {  	s5 =	simm.s32 @p1 $0x1;
	p0 =	seq.s32 s7, s2  }
0x1e: {  	s7 =	smul.u32 @!p0 $0xF7A, s2;
	p2 =	seq.s32 @!p0 s5, $0x0  }
0x1f: {  	s9 =	smul.u32 $0xF7A, s1;
	s8 =	simm.s32 @!p0 $0x1BF5;
	p2 =	por !p2, p0  }
0x20: {  	[sflag:s8] =	ssyncset.s32 @!p0 $0xFFFFF086;
	s6 =	sadd.s32 @!p0 s3, s7;
	s7 =	simm.s32 @!p0 $0x108  }
0x21: {  	s3 =	sadd.s32 s3, s9;
	s6 =	sadd.s32 @!p0 $0x88, s6;
	s7 =	simm.s32 @p2 $0x1082  }
0x22: {  	[simem:s7], [sflag:s8] =	dma.local @!p0 [hbm:s6], $0xF7A  }
0x23: {  	s9 =	sor.u32 $0xD0000000, s2;
	s6 =	simm.s32 $0x108;
	_ =	swait.ge @!p0 [sflag:s8], $0x0  }
0x24: {  	s3 =	sadd.s32 $0x88, s3;
	s6 =	simm.s32 @!p1 $0x1082;
	[sflag:s4] =	ssyncset.s32 $0xFFFFF086  }
0x25: {  	[simem:s6], [sflag:s4] =	dma.local [hbm:s3], $0xF7A  }
0x26: {  	[smem:$0x3F99] =	sst s1;
	(tag) =	ssettag s2;
	_ =	strace s9  }
0x27: {  	s1 =	sld [smem:$0x3FA9]  }
0x28: {  	s2 =	sld [smem:$0x3FAA]  }
0x29: {  	s4 =	sld [smem:$0x3FAC]  }
0x2a: {  	p0 =	seq.s32 s5, $0x0;
	s5 =	sld [smem:$0x3FAD]  }
0x2b: {  	s6 =	sld [smem:$0x3FAE]  }
0x2c: {  	s7 =	sld [smem:$0x3FAF]  }
0x2d: {  	s3 =	simm.s32 $0x108;
	s8 =	sld [smem:$0x3FB0]  }
0x2e: {  	s3 =	simm.s32 @!p0 $0x1082;
	s9 =	sld [smem:$0x3FB1]  }
0x2f: {  	lr =	sadd.s32 s0, s3;
	s0 =	sld [smem:$0x3FA8]  }
0x30: {  	s3 =	sld [smem:$0x3FAB]  }
0x31: {  	[smem:$0x3FB4] =	sst s10  }
0x32: {  	s10 =	sld [smem:$0x3FB2];
	_ =	sdelay $0x3  }
0x33: {  	p0 =	seq.s32 s10, $0x1;
	s10 =	sld [smem:$0x3FB4];
	_ =	sdelay $0x3  }
0x34: {  	[smem:$0x3FB4] =	sst s10  }
0x35: {  	s10 =	sld [smem:$0x3FB3];
	_ =	sdelay $0x3  }
0x36: {  	p1 =	seq.s32 s10, $0x1;
	s10 =	sld [smem:$0x3FB4];
	_ =	sdelay $0x3  }
0x37: {  	[smem:$0x3FB4] =	sst s10  }
0x38: {  	s10 =	sld [smem:$0x3FB5]  }
0x39: {  	_ = 	snop;
	(pc) =	sbr.ind lr, $3  }
0x3a: {  	_ = 	snop  }
0x3b: {  	_ = 	snop  }
0x3c: {  	p2 =	seq.s32 s10, $0x1;
	s10 =	sld [smem:$0x3FB4]  }
0x3d: {  	_ =	shalt  }
0x3e: {  	_ =	shalt  }
0x3f: {  	_ =	shalt  }
0x40: {  	_ =	shalt  }
0x41: {  	_ =	shalt  }
0x42: {  	_ =	shalt  }
0x43: {  	_ =	shalt  }
0x44: {  	_ =	shalt  }
0x45: {  	_ =	shalt  }
0x46: {  	_ =	shalt  }
0x47: {  	_ =	shalt  }
0x48: {  	_ =	shalt  }
0x49: {  	_ =	shalt  }
0x4a: {  	_ =	shalt  }
0x4b: {  	_ =	shalt  }
0x4c: {  	_ =	shalt  }
0x4d: {  	_ =	shalt  }
0x4e: {  	_ =	shalt  }
0x4f: {  	_ =	shalt  }
0x50: {  	_ =	shalt  }
0x51: {  	_ =	shalt  }
0x52: {  	_ =	shalt  }
0x53: {  	_ =	shalt  }
0x54: {  	_ =	shalt  }
0x55: {  	_ =	shalt  }
0x56: {  	_ =	shalt  }
0x57: {  	_ =	shalt  }
0x58: {  	_ =	shalt  }
0x59: {  	_ =	shalt  }
0x5a: {  	_ =	shalt  }
0x5b: {  	_ =	shalt  }
0x5c: {  	_ =	shalt  }
0x5d: {  	_ =	shalt  }
0x5e: {  	_ =	shalt  }
0x5f: {  	_ =	shalt  }
0x60: {  	_ =	shalt  }
0x61: {  	_ =	shalt  }
0x62: {  	_ =	shalt  }
0x63: {  	_ =	shalt  }
0x64: {  	_ =	shalt  }
0x65: {  	_ =	shalt  }
0x66: {  	_ =	shalt  }
0x67: {  	_ =	shalt  }
0x68: {  	_ =	shalt  }
0x69: {  	_ =	shalt  }
0x6a: {  	_ =	shalt  }
0x6b: {  	_ =	shalt  }
0x6c: {  	_ =	shalt  }
0x6d: {  	_ =	shalt  }
0x6e: {  	_ =	shalt  }
0x6f: {  	_ =	shalt  }
0x70: {  	_ =	shalt  }
0x71: {  	_ =	shalt  }
0x72: {  	_ =	shalt  }
0x73: {  	_ =	shalt  }
0x74: {  	_ =	shalt  }
0x75: {  	_ =	shalt  }
0x76: {  	_ =	shalt  }
0x77: {  	_ =	shalt  }
0x78: {  	_ =	shalt  }
0x79: {  	_ =	shalt  }
0x7a: {  	_ =	shalt  }
0x7b: {  	_ =	shalt  }
0x7c: {  	_ =	shalt  }
0x7d: {  	_ =	shalt  }
0x7e: {  	_ =	shalt  }
0x7f: {  	_ =	shalt  }
0x80: {  	_ =	shalt  }
0x81: {  	_ =	shalt  }
0x82: {  	_ =	shalt  }
0x83: {  	_ =	shalt  }
0x84: {  	_ =	shalt  }
0x85: {  	_ =	shalt  }
0x86: {  	_ =	shalt  }
0x87: {  	_ =	shalt  }
.Lfunc_end0:
.L_simem_size_0:
called_computation_lowered:
.L_overlay_start_0:
0x88: {  	s2 =	sld [smem:$0x3FD9]  }
0x89: {  	s3 =	sld [smem:$0x3FFE];
	_ =	sdelay $0x1  }
0x8a: {  	s1 =	srdreg.scid  }
0x8b: {  	s0 =	sand.u32 $0x1, s1  }
0x8c: {  	s17 =	sshll.u32 s0, $0xA;
	s2 =	sadd.s32 s3, s2  }
0x8d: {  	s2 =	sadd.s32 s2, s17  }
0x8e: {  	[smem:$0x3FC0] =	sst s2  }
0x8f: {  	_ = 	snop  }
0x90: {  	s18 =	sld [smem:$0x3FD0];
	(tm) =	ssettm $0x1  }
0x91: {  	s19 =	sld [smem:$0x3FFB];
	_ =	sdelay $0x3  }
0x92: {  	_ =	strace s19  }
0x93: {  	s2 =	sld [smem:$0x3FFC];
	_ =	sdelay $0x3  }
0x94: {  	_ =	strace s2  }
0x95: {  	s2 =	sld [smem:$0x3FFD];
	_ =	sdelay $0x3  }
0x96: {  	_ =	strace s2  }
0x97: {  	_ =	strace $0x8FFFFFFF  }
0x98: {  	s20 =	sld [smem:$0x3FDB];
	_ =	sdelay $0x1  }
0x99: {  	s4 =	simm.s32 $_scs_section_size  }
0x9a: {  	s5 =	simm.s32 $_size__tile_overlayer_lowered;
	s6 =	simm.s32 $_tile_overlayer_lowered  }
0x9b: {  	s7 =	simm.s32 $0x1BFF;
	s21 =	sshll.u32 s6, $0x1;
	s4 =	sadd.s32 s4, s20  }
0x9c: {  	s22 =	simm.s32 $0x0;
	s5 =	sshll.u32 s5, $0x1;
	s6 =	sadd.s32 s21, s4  }
0x9d: {  	[timem:s22], [sflag:s7] =	dma.local [hbm:s6], s5  }
0x9e: {  	_ =	swait.ge [sflag:s7], s5  }
0x9f: {  	s5 =	ssub.s32 $0x0, s5;
	[sflag:s7] =	ssyncset.done $0x0  }
0xa0: {  	[sflag:s7] =	ssyncadd.s32 s5;
	_ =	sdelay $0x1  }
0xa1: {  	s23 =	simm.s32 $0x1B8B  }
0xa2: {  	_ =	swait.ge [sflag:s23], $0x1  }
0xa3: {  	[sflag:s23] =	ssyncset.done $0x0  }
0xa4: {  	[sflag:s23] =	ssyncadd.s32 $0xFFFFFFFF  }
0xa5: {  	s5 =	sld [smem:$0x0]  }
0xa6: {  	s6 =	sand.u32 $0xFFFFFFFE, s1  }
0xa7: {  	p0 =	sne.s32 s1, s6  }
0xa8: {  	s6 =	sshll.u32 @p0 s6, $0xE  }
0xa9: {  	s6 =	sadd.s32 @p0 $0x11B8D, s6;
	s7 =	sshll.u32 @p0 s5, $0x11  }
0xaa: {  	s6 =	sor.u32 @p0 s7, s6  }
0xab: {  	[sflag:s6] =	ssyncadd.remote.s32 @p0 $0x1;
	_ =	sdelay $0x1  }
0xac: {  	s6 =	simm.s32 @p0 $0x1B8D  }
0xad: {  	_ =	swait.eq @p0 [sflag:s6], $0x1  }
0xae: {  	[sflag:s6] =	ssyncadd.s32 @p0 $0xFFFFFFFF  }
0xaf: {  	s7 =	sshll.u32 @!p0 s1, $0xE  }
0xb0: {  	s7 =	sor.u32 @!p0 $0x4000, s7;
	s6 =	simm.s32 @!p0 $0x1B8D  }
0xb1: {  	s5 =	sshll.u32 @!p0 s5, $0x11;
	s7 =	sadd.s32 @!p0 $0x11B8D, s7;
	_ =	swait.eq @!p0 [sflag:s6], $0x1  }
0xb2: {  	s5 =	sor.u32 @!p0 s5, s7;
	[sflag:s6] =	ssyncadd.s32 @!p0 $0xFFFFFFFF  }
0xb3: {  	s25 =	simm.s32 $0x1B8E;
	s24 =	sld [smem:$0x3FFE];
	[sflag:s5] =	ssyncadd.remote.s32 @!p0 $0x1  }
0xb4: {  	s26 =	simm.s32 $execute0_lowered;
	[smem:$0x3FD2] =	sst s25  }
0xb5: {  	s6 =	sshll.u32 s26, $0x1;
	_ =	strace $0x80000049;
	[dreg:$0x1] =	wrdreg $0xFFFFFFFF  }
0xb6: {  	s28 =	simm.s32 $_size_execute0_lowered;
	s4 =	sadd.s32 s4, s6;
	[dreg:$0x0] =	wrdreg $0x0  }
0xb7: {  	s6 =	sshll.u32 s28, $0x1;
	[dreg:$0x2] =	wrdreg s4  }
0xb8: {  	[dreg:$0x3] =	wrdreg s6  }
0xb9: {  	[dreg:$0x4] =	wrdreg $0xC0  }
0xba: {  	_ =	task [dreg:s22], $0x5FFFF  }
0xbb: {  	[dreg:$0x1] =	wrdreg $0xFFFFFFFF  }
0xbc: {  	[dreg:$0x0] =	wrdreg $0x60  }
0xbd: {  	[dreg:$0x2] =	wrdreg s24  }
0xbe: {  	[dreg:$0x3] =	wrdreg s18  }
0xbf: {  	[dreg:$0x4] =	wrdreg $0x0  }
0xc0: {  	[dreg:$0x5] =	wrdreg $0x9  }
0xc1: {  	_ =	task.clear_ibuf [dreg:s22], $0x6FFFF;
	_ =	strace $0x90000049  }
0xc2: {  	s29 =	simm.s32 $0x9;
	_ =	strace $0x8000004B  }
0xc3: {  	_ =	swait.ge [sflag:s29], $0x1  }
0xc4: {  	[sflag:s29] =	ssyncadd.s32 $0xFFFFFFFF  }
0xc5: {  	_ =	strace $0x9000004B  }
0xc6: {  	_ =	sfence  }
0xc7: {  	s30 =	sld [smem:$0x0];
	_ =	sdelay $0x2  }
0xc8: {  	s31 =	sshll.u32 s1, $0xD;
	s1 =	sshrl.u32 s1, $0x2  }
0xc9: {  	s4 =	sand.u32 $0x4000, s31;
	s1 =	sadd.s32 s1, s30  }
0xca: {  	s0 =	sor.u32 s4, s0;
	s1 =	sshll.u32 s1, $0x11  }
0xcb: {  	s0 =	sor.u32 s1, s0  }
0xcc: {  	s0 =	sadd.s32 $0x8F2B, s0  }
0xcd: {  	[sflag:s0] =	ssyncadd.remote.s32 $0x1  }
0xce: {  	_ =	sfence.sel $0xFFFF  }
0xcf: {  	[dreg:$0x0] =	wrdreg $0xFFFFFFFF;
	(pc) =	sbr.abs _section_cstart, $3  }
0xd0: {  	[dreg:$0x1] =	wrdreg $0xFFFFFFFF  }
0xd1: {  	_ =	task.clear_ibuf [dreg:s22], $0x2FFFF;
	_ =	strace $0x9FFFFFFF  }
0xd2: {  	(tm) =	ssettm $0x7FFFFFFF  }
0xd3: {  	_ =	shalt  }
tec
execute0_lowered:
.L_overlay_start_1:
0x0: {  	(tag) =	ssettag $0x1  }
0x1: {  	s0 =	rddreg [dreg:$0x0]  }
0x2: {  	s2 =	rddreg [dreg:$0x2]  }
0x3: {  	s4 =	simm.s32 $0x0;
	s1 =	srdreg.scid;
	s12 =	stileid.u32  }
0x4: {  	s13 =	simm.s32 $0x3;
	s16 =	simm.s32 $0x14000;
	s17 =	simm.s32 $0x1  }
0x5: {  	s28 =	simm.s32 $0x2;
	s29 =	simm.s32 $0x14480;
	s5 =	smul.u32 $0x14000, s12  }
0x6: {  	s30 =	simm.s32 $0x14500;
	s31 =	simm.s32 $0x14580;
	s20 =	smul.u32 $0x50000, s12  }
0x7: {  	[smem:$0x7FF] =	sst s4;
	s1 =	sand.u32 $0x1, s1;
	s22 =	smul.u32 $0xA, s12  }
0x8: {  	s7 =	sadd.s32 $0x2000, s0;
	s6 =	sadd.s32 $0x66000, s0;
	s23 =	smul.u32 $0x500, s12  }
0x9: {  	s26 =	sshll.u32 s12, $0x6;
	s3 =	smul.u32 $0x140000, s1;
	_ =	strace $0x8000004A  }
0xa: {  	[dreg:$0x4] =	wrdreg s6;
	s18 =	sshll.u32 s1, $0x4;
	s9 =	smul.u32 $0xA0, s1  }
0xb: {  	s8 =	ssub.s32 $0x2, s1;
	s1 =	smul.u32 $0x5000, s1;
	s19 =	sor.u32 s12, s18  }
0xc: {  	s21 =	sshrl.u32 s8, $0x1;
	s6 =	sshrl.u32 s20, $0x2;
	s12 =	simm.s32 $0x14800  }
0xd: {  	s18 =	simm.s32 $0x14400;
	s20 =	simm.s32 $0x14080;
	s3 =	sadd.s32 s5, s3  }
0xe: {  	s5 =	smul.u32 $0x500, s19;
	s15 =	sadd.s32 s6, s2;
	s3 =	sshrl.u32 s3, $0x3  }
0xf: {  	s24 =	sadd.s32 s1, s7;
	s19 =	simm.s32 $0x7D;
	s0 =	sadd.s32 s3, s0  }
0x10: {  	s3 =	ssub.s32 s8, s21;
	s5 =	sadd.s32 s7, s5;
	s8 =	sadd.s32 s22, s9  }
0x11: {  	s9 =	sshrl.u32 s15, $0x3;
	s21 =	simm.s32 $0x14100;
	[dreg:$0x5] =	wrdreg s5  }
0x12: {  	s22 =	simm.s32 $0x14180;
	s5 =	sadd.s32 $0x80, s5;
	[dreg:$0x9] =	wrdreg s9  }
0x13: {  	s0 =	sadd.s32 $0x66800, s0;
	s25 =	sshll.u32 s8, $0x7;
	[dreg:$0x6] =	wrdreg s5  }
0x14: {  	s3 =	smax.u32 s3, $0x1;
	s8 =	sor.u32 $0x1C03, s26;
	[dreg:$0x7] =	wrdreg s0  }
.Ltmp0:
0x15: {  	s26 =	simm.s32 $0x14380;
	[dreg:$0x8] =	wrdreg s3;
	(pc) =	sbr.rel .LBB2_1-.Ltmp0, $4  }
0x16: {  	s0 =	sadd.s32 s23, s24;
	s1 =	sadd.s32 s7, s25;
	s23 =	simm.s32 $0x14200  }
0x17: {  	s24 =	simm.s32 $0x14280;
	s25 =	simm.s32 $0x14300;
	s3 =	simm.s32 $0x14680  }
0x18: {  	s5 =	simm.s32 $0x14780;
	s7 =	simm.s32 $0x0;
	s10 =	sadd.s32 $0x180, s0  }
0x19: {  	s11 =	sadd.s32 $0x100, s1;
	s0 =	simm.s32 $0x14600;
	s1 =	simm.s32 $0x14700  }
.LBB2_4:
0x1a: {  	[bflag:$0x0] =	sbarrier.arrive $0xFFFF  }
0x1b: {  	s6 =	rddreg [dreg:$0x7]  }
0x1c: {  	s9 =	rddreg [dreg:$0x9]  }
0x1d: {  	[hbm:s6], [sflag:s15] =	dma.local [spmem:s9], $0x2800  }
0x1e: {  	_ =	swait.ge [sflag:s13], $0x2800  }
0x1f: {  	s8 =	smov.u32 s15;
	s7 =	sadd.s32 $0x1, s7;
	s15 =	rddreg [dreg:$0x8]  }
0x20: {  	p0 =	sne.s32 s7, s15  }
.Ltmp1:
0x21: {  	_ = 	snop;
	(pc) =	sbr.rel @!p0 .LBB2_5-.Ltmp1, $3  }
0x22: {  	_ =	sdelay $0x1  }
0x23: {  	[sflag:s13] =	ssyncset.done $0x0  }
0x24: {  	[sflag:s13] =	ssyncadd.s32 $0xFFFFD800  }
.LBB2_1:
0x25: {  	s6 =	rddreg [dreg:$0x4]  }
0x26: {  	[tilespmem:s12], [sflag:$0x3] =	stream.linear.gather [hbm4b:s6+s4], $0x3E80, $0x38;
	[tilespmem:$0x18800] =	vst v63  }
0x27: {  	_ =	swait.ge [sflag:s13], $0x3E80  }
0x28: {  	[sflag:s13] =	ssyncset.done $0x0  }
0x29: {  	[sflag:s13] =	ssyncadd.s32 $0xFFFFC180  }
0x2a: {  	s14 =	rddreg [dreg:$0x1]  }
0x2b: {  	[spmem:s9], [sflag:s8] =	dma.local [hbm:s14], $0x2800  }
0x2c: {  	_ =	swait.ge [sflag:s13], $0x2800  }
0x2d: {  	[sflag:s13] =	ssyncset.done $0x0  }
0x2e: {  	[sflag:s13] =	ssyncadd.s32 $0xFFFFD800  }
0x2f: {  	[bflag:$0x0] =	sbarrier.arrive $0xFFFF  }
0x30: {  	s9 =	rddreg [dreg:$0x5]  }
0x31: {  	[tilespmem:s16], [sflag:$0x1] =	stream.linear.gather [hbm4b:s9+s4], $0x400, $0x38;
	[tilespmem:$0x18800] =	vst v63  }
0x32: {  	_ =	swait.ge [sflag:s17], $0x400  }
0x33: {  	s15 =	smov.u32 s8;
	[sflag:s17] =	ssyncset.done $0x0  }
0x34: {  	s8 =	simm.s32 $0x0;
	s14 =	rddreg [dreg:$0x6];
	[sflag:s17] =	ssyncadd.s32 $0xFFFFFC00  }
0x35: {  	[tilespmem:s18], [sflag:$0x2] =	stream.linear.gather [hbm4b:s14+s4], $0x400, $0x38;
	[tilespmem:$0x18800] =	vst v63  }
.LBB2_2:
0x36: {  	[spmem:s2] =	stream.indirect.scatter.add.f32 [tilespmem:s12], [sflag:$0x3], $0x80, s16, s19, $0xb8;
	[tilespmem:$0x18800] =	vst v63  }
0x37: {  	_ =	swait.ge [sflag:s13], $0x3E80  }
0x38: {  	[sflag:s13] =	ssyncset.done $0x0  }
0x39: {  	[sflag:s13] =	ssyncadd.s32 $0xFFFFC180  }
0x3a: {  	[spmem:s2] =	stream.indirect.scatter.add.f32 [tilespmem:s12], [sflag:$0x3], $0x80, s20, s19, $0xb8;
	[tilespmem:$0x18800] =	vst v63  }
0x3b: {  	_ =	swait.ge [sflag:s13], $0x3E80  }
0x3c: {  	[sflag:s13] =	ssyncset.done $0x0  }
0x3d: {  	[sflag:s13] =	ssyncadd.s32 $0xFFFFC180  }
0x3e: {  	[spmem:s2] =	stream.indirect.scatter.add.f32 [tilespmem:s12], [sflag:$0x3], $0x80, s21, s19, $0xb8;
	[tilespmem:$0x18800] =	vst v63  }
0x3f: {  	_ =	swait.ge [sflag:s13], $0x3E80  }
0x40: {  	[sflag:s13] =	ssyncset.done $0x0  }
0x41: {  	[sflag:s13] =	ssyncadd.s32 $0xFFFFC180  }
0x42: {  	[spmem:s2] =	stream.indirect.scatter.add.f32 [tilespmem:s12], [sflag:$0x3], $0x80, s22, s19, $0xb8;
	[tilespmem:$0x18800] =	vst v63  }
0x43: {  	_ =	swait.ge [sflag:s13], $0x3E80  }
0x44: {  	[sflag:s13] =	ssyncset.done $0x0  }
0x45: {  	[sflag:s13] =	ssyncadd.s32 $0xFFFFC180  }
0x46: {  	[spmem:s2] =	stream.indirect.scatter.add.f32 [tilespmem:s12], [sflag:$0x3], $0x80, s23, s19, $0xb8;
	[tilespmem:$0x18800] =	vst v63  }
0x47: {  	_ =	swait.ge [sflag:s13], $0x3E80  }
0x48: {  	[sflag:s13] =	ssyncset.done $0x0  }
0x49: {  	[sflag:s13] =	ssyncadd.s32 $0xFFFFC180  }
0x4a: {  	[spmem:s2] =	stream.indirect.scatter.add.f32 [tilespmem:s12], [sflag:$0x3], $0x80, s24, s19, $0xb8;
	[tilespmem:$0x18800] =	vst v63  }
0x4b: {  	_ =	swait.ge [sflag:s13], $0x3E80  }
0x4c: {  	[sflag:s13] =	ssyncset.done $0x0  }
0x4d: {  	[sflag:s13] =	ssyncadd.s32 $0xFFFFC180  }
0x4e: {  	[spmem:s2] =	stream.indirect.scatter.add.f32 [tilespmem:s12], [sflag:$0x3], $0x80, s25, s19, $0xb8;
	[tilespmem:$0x18800] =	vst v63  }
0x4f: {  	_ =	swait.ge [sflag:s13], $0x3E80  }
0x50: {  	[sflag:s13] =	ssyncset.done $0x0  }
0x51: {  	[sflag:s13] =	ssyncadd.s32 $0xFFFFC180  }
0x52: {  	[spmem:s2] =	stream.indirect.scatter.add.f32 [tilespmem:s12], [sflag:$0x3], $0x80, s26, s19, $0xb8;
	[tilespmem:$0x18800] =	vst v63  }
0x53: {  	p0 =	seq.s32 s8, $0x400;
	_ =	swait.ge [sflag:s13], $0x3E80  }
0x54: {  	s6 =	sadd.s32 @!p0 s8, s11;
	[sflag:s13] =	ssyncset.done $0x0  }
0x55: {  	s9 =	simm.s32 @!p0 $0x0;
	s14 =	simm.s32 @!p0 $0x14000;
	[sflag:s13] =	ssyncadd.s32 $0xFFFFC180  }
0x56: {  	[tilespmem:s14], [sflag:$0x1] =	stream.linear.gather @!p0 [hbm4b:s6+s9], $0x400, $0x38;
	[tilespmem:$0x18800] =	vst v63  }
0x57: {  	_ =	swait.ge [sflag:s28], $0x400  }
0x58: {  	[sflag:s28] =	ssyncset.done $0x0  }
0x59: {  	[sflag:s28] =	ssyncadd.s32 $0xFFFFFC00  }
0x5a: {  	[spmem:s2] =	stream.indirect.scatter.add.f32 [tilespmem:s12], [sflag:$0x3], $0x80, s18, s19, $0xb8;
	[tilespmem:$0x18800] =	vst v63  }
0x5b: {  	_ =	swait.ge [sflag:s13], $0x3E80  }
0x5c: {  	[sflag:s13] =	ssyncset.done $0x0  }
0x5d: {  	[sflag:s13] =	ssyncadd.s32 $0xFFFFC180  }
0x5e: {  	[spmem:s2] =	stream.indirect.scatter.add.f32 [tilespmem:s12], [sflag:$0x3], $0x80, s29, s19, $0xb8;
	[tilespmem:$0x18800] =	vst v63  }
0x5f: {  	_ =	swait.ge [sflag:s13], $0x3E80  }
0x60: {  	[sflag:s13] =	ssyncset.done $0x0  }
0x61: {  	[sflag:s13] =	ssyncadd.s32 $0xFFFFC180  }
0x62: {  	[spmem:s2] =	stream.indirect.scatter.add.f32 [tilespmem:s12], [sflag:$0x3], $0x80, s30, s19, $0xb8;
	[tilespmem:$0x18800] =	vst v63  }
0x63: {  	_ =	swait.ge [sflag:s13], $0x3E80  }
0x64: {  	[sflag:s13] =	ssyncset.done $0x0  }
0x65: {  	[sflag:s13] =	ssyncadd.s32 $0xFFFFC180  }
0x66: {  	[spmem:s2] =	stream.indirect.scatter.add.f32 [tilespmem:s12], [sflag:$0x3], $0x80, s31, s19, $0xb8;
	[tilespmem:$0x18800] =	vst v63  }
0x67: {  	_ =	swait.ge [sflag:s13], $0x3E80  }
0x68: {  	[sflag:s13] =	ssyncset.done $0x0  }
0x69: {  	[sflag:s13] =	ssyncadd.s32 $0xFFFFC180  }
0x6a: {  	[spmem:s2] =	stream.indirect.scatter.add.f32 [tilespmem:s12], [sflag:$0x3], $0x80, s0, s19, $0xb8;
	[tilespmem:$0x18800] =	vst v63  }
0x6b: {  	_ =	swait.ge [sflag:s13], $0x3E80  }
0x6c: {  	[sflag:s13] =	ssyncset.done $0x0  }
0x6d: {  	[sflag:s13] =	ssyncadd.s32 $0xFFFFC180  }
0x6e: {  	[spmem:s2] =	stream.indirect.scatter.add.f32 [tilespmem:s12], [sflag:$0x3], $0x80, s3, s19, $0xb8;
	[tilespmem:$0x18800] =	vst v63  }
0x6f: {  	_ =	swait.ge [sflag:s13], $0x3E80  }
0x70: {  	[sflag:s13] =	ssyncset.done $0x0  }
0x71: {  	[sflag:s13] =	ssyncadd.s32 $0xFFFFC180  }
0x72: {  	[spmem:s2] =	stream.indirect.scatter.add.f32 [tilespmem:s12], [sflag:$0x3], $0x80, s1, s19, $0xb8;
	[tilespmem:$0x18800] =	vst v63  }
0x73: {  	_ =	swait.ge [sflag:s13], $0x3E80  }
0x74: {  	[sflag:s13] =	ssyncset.done $0x0  }
.Ltmp2:
0x75: {  	[sflag:s13] =	ssyncadd.s32 $0xFFFFC180;
	(pc) =	sbr.rel @p0 .LBB2_4-.Ltmp2, $4  }
0x76: {  	[spmem:s2] =	stream.indirect.scatter.add.f32 [tilespmem:s12], [sflag:$0x3], $0x80, s5, s19, $0xb8;
	[tilespmem:$0x18800] =	vst v63  }
0x77: {  	_ =	swait.ge [sflag:s13], $0x3E80  }
0x78: {  	[sflag:s13] =	ssyncset.done $0x0  }
0x79: {  	[sflag:s13] =	ssyncadd.s32 $0xFFFFC180  }
.Ltmp3:
0x7a: {  	s6 =	sadd.s32 s8, s10;
	(pc) =	sbr.rel .LBB2_2-.Ltmp3, $4  }
0x7b: {  	[tilespmem:s18], [sflag:$0x2] =	stream.linear.gather [hbm4b:s6+s4], $0x400, $0x38;
	[tilespmem:$0x18800] =	vst v63  }
0x7c: {  	_ =	swait.ge [sflag:s17], $0x400  }
0x7d: {  	[sflag:s17] =	ssyncset.done $0x0  }
0x7e: {  	s8 =	sadd.s32 $0x100, s8;
	[sflag:s17] =	ssyncadd.s32 $0xFFFFFC00  }
.LBB2_5:
0x7f: {  	_ =	sfence.sel $0x180000  }
0x80: {  	[bflag:$0x0] =	sbarrier.arrive $0xFFFF  }
0x81: {  	_ =	strace $0x9000004A  }
0x82: {  	s0 =	stileid.u32;
	[bflag:$0x2] =	sbarrier.arrive $0xFFFF  }
0x83: {  	p0 =	sne.s32 s0, $0x0;
	s0 =	rddreg [dreg:$0x3]  }
0x84: {  	s0 =	sadd.s32 @!p0 $0x100000, s0  }
0x85: {  	[sflag:s0] =	ssyncadd.tile.s32 @!p0 $0x1;
	_ =	shalt  }
.Lfunc_end2:
_tile_overlayer_lowered:
.L_overlay_start_2:
0x86: {  	(tag) =	ssettag $0x2  }
0x87: {  	s0 =	rddreg [dreg:$0x0];
	s2 =	stileid.u32  }
0x88: {  	s1 =	rddreg [dreg:$0x1];
	p0 =	sne.s32 s2, $0x0  }
0x89: {  	s3 =	rddreg [dreg:$0x2];
	[bflag:$0x3] =	sbarrier.arrive $0xFFFF;
	s2 =	simm.s32 @!p0 $0x1C03  }
0x8a: {  	[timem:s3], [sflag:s2] =	dma.local @!p0 [hbm:s0], s1  }
0x8b: {  	s0 =	simm.s32 @!p0 $0x3  }
0x8c: {  	_ =	swait.ge @!p0 [sflag:s0], s1  }
0x8d: {  	s1 =	ssub.s32 @!p0 $0x0, s1;
	[sflag:s0] =	ssyncset.done @!p0 $0x0  }
0x8e: {  	[sflag:s0] =	ssyncadd.s32 @!p0 s1  }
0x8f: {  	[bflag:$0x3] =	sbarrier.arrive $0xFFFF  }
0x90: {  	_ =	shalt  }

</sc_bundles>
